<compile_context>
chip_gen: v7x
topology: tpu7x:2x2x1
jax: 0.10.2.dev20260603
libtpu: 0.0.44.dev20260713+nightly
codegen_flags: <defaults>
</compile_context>

<pallas_src>
import functools

import jax
import jax.numpy as jnp
from jax import lax
from jax.experimental import pallas as pl
from jax.experimental.pallas import tpu as pltpu
from jax.experimental.pallas import tpu_sc as plsc

NC = 2
NS = 16
NW = NC * NS
LANES = 16


@functools.partial(jax.jit, static_argnums=(3, 4, 5))
def _sc_embed(inp2, token_table, pos_block, b, l, h):
    rb = b // NW
    half = l // 2
    hc = h // LANES

    mesh = plsc.VectorSubcoreMesh(core_axis_name="c", subcore_axis_name="s")

    def body(inp_hbm, tok_hbm, pos_hbm, out_hbm,
             idx_v, rows0, rows1, outv0, outv1, pos_v,
             sem_g, sem_o):
        wid = lax.axis_index("s") * NC + lax.axis_index("c")
        base = wid * rb
        pltpu.sync_copy(pos_hbm, pos_v)
        pltpu.sync_copy(inp_hbm.at[pl.ds(base, rb)], idx_v)

        rows_v = (rows0, rows1)
        out_v = (outv0, outv1)

        def issue_gather(i, s):
            pltpu.async_copy(tok_hbm.at[idx_v.at[i]], rows_v[s], sem_g)

        def wait_gather(i, s):
            pltpu.make_async_copy(
                tok_hbm.at[idx_v.at[i]], rows_v[s], sem_g).wait()

        def compute(s):
            def tok_body(t, _):
                o = t * h
                for c in range(hc):
                    sl = pl.ds(c * LANES, LANES)
                    out_v[s][pl.ds(o + c * LANES, LANES)] = (
                        rows_v[s][0, t, sl] + pos_v[t, sl])
                return ()
            lax.fori_loop(0, l, tok_body, (), unroll=8)

        def issue_out(i, s):
            pltpu.async_copy(out_v[s], out_hbm.at[base + i], sem_o)

        def wait_out(i, s):
            pltpu.make_async_copy(out_v[s], out_hbm.at[base + i], sem_o).wait()

        issue_gather(0, 0)

        def step(i, s, issue_ahead, drain_out):
            wait_gather(i, s)
            if issue_ahead:
                issue_gather(i + 1, 1 - s)
            if drain_out:
                wait_out(i - 2, s)
            compute(s)
            issue_out(i, s)

        step(0, 0, True, False)
        step(1, 1, True, False)

        def pair_body(j, _):
            i0 = 2 * j + 2
            step(i0, 0, True, True)
            step(i0 + 1, 1, True, True)
            return ()

        lax.fori_loop(0, (rb - 2) // 2 - 1, pair_body, ())

        step(rb - 2, 0, True, True)
        step(rb - 1, 1, False, True)
        wait_out(rb - 2, 0)
        wait_out(rb - 1, 1)

    call = pl.kernel(
        body,
        out_type=jax.ShapeDtypeStruct((b, l * h), jnp.float32),
        mesh=mesh,
        scratch_types=[
            pltpu.VMEM((rb, 1, l), jnp.int32),
            pltpu.VMEM((1, l, h), jnp.float32),
            pltpu.VMEM((1, l, h), jnp.float32),
            pltpu.VMEM((l * h,), jnp.float32),
            pltpu.VMEM((l * h,), jnp.float32),
            pltpu.VMEM((l, h), jnp.float32),
            pltpu.SemaphoreType.DMA,
            pltpu.SemaphoreType.DMA,
        ],
        compiler_params=pltpu.CompilerParams(use_tc_tiling_on_sc=False),
    )
    return call(inp2, token_table, pos_block)


def kernel(input, token_table, pos_table):
    b, l = input.shape
    h = token_table.shape[1]
    inp2 = input.reshape(b, 1, l)
    pos_block = lax.slice(pos_table, (1, 0), (1 + l, h))
    tok3 = token_table.reshape(1, token_table.shape[0], h)
    out = _sc_embed(inp2, tok3, pos_block, b, l, h)
    return out.reshape(b, l, h)

# --- scband reference (transcript-rebuilt; emitter-appended) ---
"""Pipeline reference for scband-positional-embeddings-40046275068660 (READ-ONLY COPY).

The authoritative reference and input builder live on the scoring server;
editing this copy changes nothing except your own understanding.
"""

import jax, jax.numpy as jnp
import numpy as np

VOCAB = 1000000
MAX_LEN = 256
H = 64
B = 4096
L = 200


def _positional_encoding(max_len, h):
    # Faithful to position_encoding_init: enc[pos, i] = pos / 10000**(2*i/h),
    # pos==0 row is zeros, then sin on even cols, cos on odd cols (rows 1:).
    pos = np.arange(max_len, dtype=np.float64)[:, None]
    i = np.arange(h, dtype=np.float64)[None, :]
    enc = pos / np.power(10000.0, 2.0 * i / h)
    enc[0, :] = 0.0
    enc[1:, 0::2] = np.sin(enc[1:, 0::2])
    enc[1:, 1::2] = np.cos(enc[1:, 1::2])
    return jnp.asarray(enc, dtype=jnp.float32)


def setup_inputs(seed: int = 0) -> dict:
    key = jax.random.key(seed)
    k1, k2 = jax.random.split(key)
    input_ids = jax.random.randint(k1, (B, L), 0, VOCAB, dtype=jnp.int64 if jax.config.jax_enable_x64 else jnp.int32).astype(jnp.int32)
    # token embedding table (stands in for the w2v-initialized, frozen table);
    # padding_idx=0 row zeroed like nn.Embedding(padding_idx=0)
    token_table = jax.random.normal(k2, (VOCAB, H), dtype=jnp.float32) * 0.02
    token_table = token_table.at[0].set(0.0)
    pos_table = _positional_encoding(MAX_LEN, H)
    return {"input": input_ids, "token_table": token_table, "pos_table": pos_table}


def reference(input, token_table, pos_table):
    b, l = input.shape
    # positional = [1..seq_len] repeated per batch row (as in the torch forward)
    positional = jnp.tile(jnp.arange(1, l + 1, dtype=input.dtype), (b, 1))
    tok = jnp.take(token_table, input, axis=0)
    pos = jnp.take(pos_table, positional, axis=0)
    return tok + pos

if __name__ == "__main__":
    import jax
    _d = setup_inputs()
    print(jax.jit(kernel)(*tuple(_d.values())))

</pallas_src>

<mosaic_0001>
#map = affine_map<(d0, d1) -> (0, 0, 0)>
#map1 = affine_map<(d0, d1) -> (0, 0)>
module attributes {stable_mosaic.version = 14 : i64} {
  func.func @body(%arg0: i32, %arg1: i32, %arg2: memref<4096x1x200xi32, #tpu.memory_space<hbm>>, %arg3: memref<1x1000000x64xf32, #tpu.memory_space<hbm>>, %arg4: memref<200x64xf32, #tpu.memory_space<hbm>>, %arg5: memref<4096x12800xf32, #tpu.memory_space<hbm>>, %arg6: memref<128x1x200xi32, #tpu.memory_space<vmem>>, %arg7: memref<1x200x64xf32, #tpu.memory_space<vmem>>, %arg8: memref<1x200x64xf32, #tpu.memory_space<vmem>>, %arg9: memref<12800xf32, #tpu.memory_space<vmem>>, %arg10: memref<12800xf32, #tpu.memory_space<vmem>>, %arg11: memref<200x64xf32, #tpu.memory_space<vmem>>, %arg12: memref<!tpu.dma_semaphore, #tpu.memory_space<semaphore_mem>>, %arg13: memref<!tpu.dma_semaphore, #tpu.memory_space<semaphore_mem>>) attributes {dimension_semantics = [#tpu.dimension_semantics<core_parallel>, #tpu.dimension_semantics<subcore_parallel>], iteration_bounds = array<i64: 2, 16>, scalar_prefetch = 0 : i64, scratch_operands = 8 : i64, tpu.core_type = #tpu.core_type<sc_vector_subcore>, window_params = [{transform_indices = #map}, {transform_indices = #map}, {transform_indices = #map1}, {transform_indices = #map1}]} {
    %mul3A = arith.constant 2 : i32
    %mul3A_0 = arith.muli %arg1, %mul3A : i32
    %add3A = arith.addi %mul3A_0, %arg0 : i32
    %mul3A_1 = arith.constant 128 : i32
    %mul3A_2 = arith.muli %add3A, %mul3A_1 : i32
    "tpu.region"() ({
      %run_scoped3A = tpu.sem_alloc : memref<!tpu.dma_semaphore, #tpu.memory_space<semaphore_mem>>
      tpu.enqueue_dma source(%arg4 : memref<200x64xf32, #tpu.memory_space<hbm>>) target(%arg11 : memref<200x64xf32, #tpu.memory_space<vmem>>) target_semaphore(%run_scoped3A : memref<!tpu.dma_semaphore, #tpu.memory_space<semaphore_mem>>)
      tpu.wait_dma2 semaphore(%run_scoped3A : memref<!tpu.dma_semaphore, #tpu.memory_space<semaphore_mem>>) src(%arg4 : memref<200x64xf32, #tpu.memory_space<hbm>>) dst(%arg11 : memref<200x64xf32, #tpu.memory_space<vmem>>)
      tpu.yield
    }) : () -> ()
    "tpu.region"() ({
      %run_scoped3A = tpu.sem_alloc : memref<!tpu.dma_semaphore, #tpu.memory_space<semaphore_mem>>
      %dma_start3A_161 = arith.constant 0 : i32
      %dma_start3A_162 = arith.constant 0 : i32
      %dma_start3A_163 = tpu.memref_slice %arg2[%mul3A_2, %dma_start3A_161, %dma_start3A_162] : memref<4096x1x200xi32, #tpu.memory_space<hbm>> -> memref<128x1x200xi32, #tpu.memory_space<hbm>>
      %dma_start3A_164 = arith.constant 0 : i32
      %dma_start3A_165 = arith.constant 0 : i32
      %dma_start3A_166 = tpu.memref_slice %arg2[%mul3A_2, %dma_start3A_164, %dma_start3A_165] : memref<4096x1x200xi32, #tpu.memory_space<hbm>> -> memref<128x1x200xi32, #tpu.memory_space<hbm>>
      tpu.enqueue_dma source(%dma_start3A_166 : memref<128x1x200xi32, #tpu.memory_space<hbm>>) target(%arg6 : memref<128x1x200xi32, #tpu.memory_space<vmem>>) target_semaphore(%run_scoped3A : memref<!tpu.dma_semaphore, #tpu.memory_space<semaphore_mem>>)
      %dma_wait3A_167 = arith.constant 0 : i32
      %dma_wait3A_168 = arith.constant 0 : i32
      %dma_wait3A_169 = tpu.memref_slice %arg2[%mul3A_2, %dma_wait3A_167, %dma_wait3A_168] : memref<4096x1x200xi32, #tpu.memory_space<hbm>> -> memref<128x1x200xi32, #tpu.memory_space<hbm>>
      %dma_wait3A_170 = arith.constant 0 : i32
      %dma_wait3A_171 = arith.constant 0 : i32
      %dma_wait3A_172 = tpu.memref_slice %arg2[%mul3A_2, %dma_wait3A_170, %dma_wait3A_171] : memref<4096x1x200xi32, #tpu.memory_space<hbm>> -> memref<128x1x200xi32, #tpu.memory_space<hbm>>
      tpu.wait_dma2 semaphore(%run_scoped3A : memref<!tpu.dma_semaphore, #tpu.memory_space<semaphore_mem>>) src(%dma_wait3A_172 : memref<128x1x200xi32, #tpu.memory_space<hbm>>) dst(%arg6 : memref<128x1x200xi32, #tpu.memory_space<vmem>>)
      tpu.yield
    }) : () -> ()
    %dma_start3A = arith.constant 0 : i32
    %dma_start3A_3 = arith.constant 0 : i32
    %dma_start3A_4 = arith.constant 0 : i32
    %dma_start3A_5 = tpu.memref_slice %arg6[%dma_start3A, %dma_start3A_3, %dma_start3A_4] : memref<128x1x200xi32, #tpu.memory_space<vmem>> -> memref<1x1x200xi32, #tpu.memory_space<vmem>>
    %dma_start3A_6 = tpu.memref_squeeze %dma_start3A_5 : memref<1x1x200xi32, #tpu.memory_space<vmem>> -> memref<1x200xi32, #tpu.memory_space<vmem>>
    %dma_start3A_7 = arith.constant 0 : i32
    %dma_start3A_8 = arith.constant 0 : i32
    %dma_start3A_9 = arith.constant 0 : i32
    %dma_start3A_10 = tpu.memref_slice %arg3[%dma_start3A_7, %dma_start3A_8, %dma_start3A_9] : memref<1x1000000x64xf32, #tpu.memory_space<hbm>> -> memref<1x1000000x64xf32, #tpu.memory_space<hbm>>
    tpu.enqueue_indirect_dma source(%dma_start3A_10 : memref<1x1000000x64xf32, #tpu.memory_space<hbm>>) target(%arg7 : memref<1x200x64xf32, #tpu.memory_space<vmem>>) offsets(%dma_start3A_6 : memref<1x200xi32, #tpu.memory_space<vmem>>) semaphore(%arg12 : memref<!tpu.dma_semaphore, #tpu.memory_space<semaphore_mem>>)
    %dma_wait3A = arith.constant 0 : i32
    %dma_wait3A_11 = arith.constant 0 : i32
    %dma_wait3A_12 = arith.constant 0 : i32
    %dma_wait3A_13 = tpu.memref_slice %arg6[%dma_wait3A, %dma_wait3A_11, %dma_wait3A_12] : memref<128x1x200xi32, #tpu.memory_space<vmem>> -> memref<1x1x200xi32, #tpu.memory_space<vmem>>
    %dma_wait3A_14 = tpu.memref_squeeze %dma_wait3A_13 : memref<1x1x200xi32, #tpu.memory_space<vmem>> -> memref<1x200xi32, #tpu.memory_space<vmem>>
    %dma_wait3A_15 = arith.constant 0 : i32
    %dma_wait3A_16 = arith.constant 0 : i32
    %dma_wait3A_17 = arith.constant 0 : i32
    %dma_wait3A_18 = tpu.memref_slice %arg3[%dma_wait3A_15, %dma_wait3A_16, %dma_wait3A_17] : memref<1x1000000x64xf32, #tpu.memory_space<hbm>> -> memref<1x1000000x64xf32, #tpu.memory_space<hbm>>
    tpu.wait_indirect_dma semaphore(%arg12 : memref<!tpu.dma_semaphore, #tpu.memory_space<semaphore_mem>>) src(%dma_wait3A_18 : memref<1x1000000x64xf32, #tpu.memory_space<hbm>>) dst(%arg7 : memref<1x200x64xf32, #tpu.memory_space<vmem>>)
    %dma_start3A_19 = arith.constant 1 : i32
    %dma_start3A_20 = arith.constant 0 : i32
    %dma_start3A_21 = arith.constant 0 : i32
    %dma_start3A_22 = tpu.memref_slice %arg6[%dma_start3A_19, %dma_start3A_20, %dma_start3A_21] : memref<128x1x200xi32, #tpu.memory_space<vmem>> -> memref<1x1x200xi32, #tpu.memory_space<vmem>>
    %dma_start3A_23 = tpu.memref_squeeze %dma_start3A_22 : memref<1x1x200xi32, #tpu.memory_space<vmem>> -> memref<1x200xi32, #tpu.memory_space<vmem>>
    %dma_start3A_24 = arith.constant 0 : i32
    %dma_start3A_25 = arith.constant 0 : i32
    %dma_start3A_26 = arith.constant 0 : i32
    %dma_start3A_27 = tpu.memref_slice %arg3[%dma_start3A_24, %dma_start3A_25, %dma_start3A_26] : memref<1x1000000x64xf32, #tpu.memory_space<hbm>> -> memref<1x1000000x64xf32, #tpu.memory_space<hbm>>
    tpu.enqueue_indirect_dma source(%dma_start3A_27 : memref<1x1000000x64xf32, #tpu.memory_space<hbm>>) target(%arg8 : memref<1x200x64xf32, #tpu.memory_space<vmem>>) offsets(%dma_start3A_23 : memref<1x200xi32, #tpu.memory_space<vmem>>) semaphore(%arg12 : memref<!tpu.dma_semaphore, #tpu.memory_space<semaphore_mem>>)
    %scan3A = arith.constant 0 : i32
    %scan3A_28 = arith.constant 200 : i32
    %scan3A_29 = arith.addi %scan3A, %scan3A_28 : i32
    %scan3A_30 = arith.constant 8 : i32
    scf.for %scan3A_161 = %scan3A to %scan3A_29 step %scan3A_30  : i32 {
      %mul3A_162 = arith.constant 64 : i32
      %mul3A_163 = arith.muli %scan3A_161, %mul3A_162 : i32
      %get3A = arith.constant 0 : i32
      %get3A_164 = arith.index_cast %get3A : i32 to index
      %get3A_165 = arith.index_cast %scan3A_161 : i32 to index
      %get3A_166 = arith.constant 0 : index
      %get3A_167 = tpu.vector_load %arg7[%get3A_164, %get3A_165, %get3A_166] {strides = array<i32>} : memref<1x200x64xf32, #tpu.memory_space<vmem>>, vector<1x1x16xf32>,
      %get3A_168 = vector.shape_cast %get3A_167 : vector<1x1x16xf32> to vector<16xf32>
      %get3A_169 = arith.index_cast %scan3A_161 : i32 to index
      %get3A_170 = arith.constant 0 : index
      %get3A_171 = tpu.vector_load %arg11[%get3A_169, %get3A_170] {strides = array<i32>} : memref<200x64xf32, #tpu.memory_space<vmem>>, vector<1x16xf32>,
      %get3A_172 = vector.shape_cast %get3A_171 : vector<1x16xf32> to vector<16xf32>
      %add3A_173 = arith.addf %get3A_168, %get3A_172 : vector<16xf32>
      %add3A_174 = arith.constant 0 : i32
      %add3A_175 = arith.addi %mul3A_163, %add3A_174 : i32
      %swap3A = arith.index_cast %add3A_175 : i32 to index
      %swap3A_176 = tpu.vector_load %arg9[%swap3A] {strides = array<i32>} : memref<12800xf32, #tpu.memory_space<vmem>>, vector<16xf32>,
      %swap3A_177 = vector.shape_cast %swap3A_176 : vector<16xf32> to vector<16xf32>
      %swap3A_178 = vector.shape_cast %add3A_173 : vector<16xf32> to vector<16xf32>
      tpu.vector_store %arg9[%swap3A], %swap3A_178 {strides = array<i32>} : memref<12800xf32, #tpu.memory_space<vmem>>, vector<16xf32>,
      %get3A_179 = arith.constant 0 : i32
      %get3A_180 = arith.index_cast %get3A_179 : i32 to index
      %get3A_181 = arith.index_cast %scan3A_161 : i32 to index
      %get3A_182 = arith.constant 16 : index
      %get3A_183 = tpu.vector_load %arg7[%get3A_180, %get3A_181, %get3A_182] {strides = array<i32>} : memref<1x200x64xf32, #tpu.memory_space<vmem>>, vector<1x1x16xf32>,
      %get3A_184 = vector.shape_cast %get3A_183 : vector<1x1x16xf32> to vector<16xf32>
      %get3A_185 = arith.index_cast %scan3A_161 : i32 to index
      %get3A_186 = arith.constant 16 : index
      %get3A_187 = tpu.vector_load %arg11[%get3A_185, %get3A_186] {strides = array<i32>} : memref<200x64xf32, #tpu.memory_space<vmem>>, vector<1x16xf32>,
      %get3A_188 = vector.shape_cast %get3A_187 : vector<1x16xf32> to vector<16xf32>
      %add3A_189 = arith.addf %get3A_184, %get3A_188 : vector<16xf32>
      %add3A_190 = arith.constant 16 : i32
      %add3A_191 = arith.addi %mul3A_163, %add3A_190 : i32
      %swap3A_192 = arith.index_cast %add3A_191 : i32 to index
      %swap3A_193 = tpu.vector_load %arg9[%swap3A_192] {strides = array<i32>} : memref<12800xf32, #tpu.memory_space<vmem>>, vector<16xf32>,
      %swap3A_194 = vector.shape_cast %swap3A_193 : vector<16xf32> to vector<16xf32>
      %swap3A_195 = vector.shape_cast %add3A_189 : vector<16xf32> to vector<16xf32>
      tpu.vector_store %arg9[%swap3A_192], %swap3A_195 {strides = array<i32>} : memref<12800xf32, #tpu.memory_space<vmem>>, vector<16xf32>,
      %get3A_196 = arith.constant 0 : i32
      %get3A_197 = arith.index_cast %get3A_196 : i32 to index
      %get3A_198 = arith.index_cast %scan3A_161 : i32 to index
      %get3A_199 = arith.constant 32 : index
      %get3A_200 = tpu.vector_load %arg7[%get3A_197, %get3A_198, %get3A_199] {strides = array<i32>} : memref<1x200x64xf32, #tpu.memory_space<vmem>>, vector<1x1x16xf32>,
      %get3A_201 = vector.shape_cast %get3A_200 : vector<1x1x16xf32> to vector<16xf32>
      %get3A_202 = arith.index_cast %scan3A_161 : i32 to index
      %get3A_203 = arith.constant 32 : index
      %get3A_204 = tpu.vector_load %arg11[%get3A_202, %get3A_203] {strides = array<i32>} : memref<200x64xf32, #tpu.memory_space<vmem>>, vector<1x16xf32>,
      %get3A_205 = vector.shape_cast %get3A_204 : vector<1x16xf32> to vector<16xf32>
      %add3A_206 = arith.addf %get3A_201, %get3A_205 : vector<16xf32>
      %add3A_207 = arith.constant 32 : i32
      %add3A_208 = arith.addi %mul3A_163, %add3A_207 : i32
      %swap3A_209 = arith.index_cast %add3A_208 : i32 to index
      %swap3A_210 = tpu.vector_load %arg9[%swap3A_209] {strides = array<i32>} : memref<12800xf32, #tpu.memory_space<vmem>>, vector<16xf32>,
      %swap3A_211 = vector.shape_cast %swap3A_210 : vector<16xf32> to vector<16xf32>
      %swap3A_212 = vector.shape_cast %add3A_206 : vector<16xf32> to vector<16xf32>
      tpu.vector_store %arg9[%swap3A_209], %swap3A_212 {strides = array<i32>} : memref<12800xf32, #tpu.memory_space<vmem>>, vector<16xf32>,
      %get3A_213 = arith.constant 0 : i32
      %get3A_214 = arith.index_cast %get3A_213 : i32 to index
      %get3A_215 = arith.index_cast %scan3A_161 : i32 to index
      %get3A_216 = arith.constant 48 : index
      %get3A_217 = tpu.vector_load %arg7[%get3A_214, %get3A_215, %get3A_216] {strides = array<i32>} : memref<1x200x64xf32, #tpu.memory_space<vmem>>, vector<1x1x16xf32>,
      %get3A_218 = vector.shape_cast %get3A_217 : vector<1x1x16xf32> to vector<16xf32>
      %get3A_219 = arith.index_cast %scan3A_161 : i32 to index
      %get3A_220 = arith.constant 48 : index
      %get3A_221 = tpu.vector_load %arg11[%get3A_219, %get3A_220] {strides = array<i32>} : memref<200x64xf32, #tpu.memory_space<vmem>>, vector<1x16xf32>,
      %get3A_222 = vector.shape_cast %get3A_221 : vector<1x16xf32> to vector<16xf32>
      %add3A_223 = arith.addf %get3A_218, %get3A_222 : vector<16xf32>
      %add3A_224 = arith.constant 48 : i32
      %add3A_225 = arith.addi %mul3A_163, %add3A_224 : i32
      %swap3A_226 = arith.index_cast %add3A_225 : i32 to index
      %swap3A_227 = tpu.vector_load %arg9[%swap3A_226] {strides = array<i32>} : memref<12800xf32, #tpu.memory_space<vmem>>, vector<16xf32>,
      %swap3A_228 = vector.shape_cast %swap3A_227 : vector<16xf32> to vector<16xf32>
      %swap3A_229 = vector.shape_cast %add3A_223 : vector<16xf32> to vector<16xf32>
      tpu.vector_store %arg9[%swap3A_226], %swap3A_229 {strides = array<i32>} : memref<12800xf32, #tpu.memory_space<vmem>>, vector<16xf32>,
      %scan3A_230 = arith.constant 1 : i32
      %scan3A_231 = arith.addi %scan3A_161, %scan3A_230 : i32
      %mul3A_232 = arith.constant 64 : i32
      %mul3A_233 = arith.muli %scan3A_231, %mul3A_232 : i32
      %get3A_234 = arith.constant 0 : i32
      %get3A_235 = arith.index_cast %get3A_234 : i32 to index
      %get3A_236 = arith.index_cast %scan3A_231 : i32 to index
      %get3A_237 = arith.constant 0 : index
      %get3A_238 = tpu.vector_load %arg7[%get3A_235, %get3A_236, %get3A_237] {strides = array<i32>} : memref<1x200x64xf32, #tpu.memory_space<vmem>>, vector<1x1x16xf32>,
      %get3A_239 = vector.shape_cast %get3A_238 : vector<1x1x16xf32> to vector<16xf32>
      %get3A_240 = arith.index_cast %scan3A_231 : i32 to index
      %get3A_241 = arith.constant 0 : index
      %get3A_242 = tpu.vector_load %arg11[%get3A_240, %get3A_241] {strides = array<i32>} : memref<200x64xf32, #tpu.memory_space<vmem>>, vector<1x16xf32>,
      %get3A_243 = vector.shape_cast %get3A_242 : vector<1x16xf32> to vector<16xf32>
      %add3A_244 = arith.addf %get3A_239, %get3A_243 : vector<16xf32>
      %add3A_245 = arith.constant 0 : i32
      %add3A_246 = arith.addi %mul3A_233, %add3A_245 : i32
      %swap3A_247 = arith.index_cast %add3A_246 : i32 to index
      %swap3A_248 = tpu.vector_load %arg9[%swap3A_247] {strides = array<i32>} : memref<12800xf32, #tpu.memory_space<vmem>>, vector<16xf32>,
      %swap3A_249 = vector.shape_cast %swap3A_248 : vector<16xf32> to vector<16xf32>
      %swap3A_250 = vector.shape_cast %add3A_244 : vector<16xf32> to vector<16xf32>
      tpu.vector_store %arg9[%swap3A_247], %swap3A_250 {strides = array<i32>} : memref<12800xf32, #tpu.memory_space<vmem>>, vector<16xf32>,
      %get3A_251 = arith.constant 0 : i32
      %get3A_252 = arith.index_cast %get3A_251 : i32 to index
      %get3A_253 = arith.index_cast %scan3A_231 : i32 to index
      %get3A_254 = arith.constant 16 : index
      %get3A_255 = tpu.vector_load %arg7[%get3A_252, %get3A_253, %get3A_254] {strides = array<i32>} : memref<1x200x64xf32, #tpu.memory_space<vmem>>, vector<1x1x16xf32>,
      %get3A_256 = vector.shape_cast %get3A_255 : vector<1x1x16xf32> to vector<16xf32>
      %get3A_257 = arith.index_cast %scan3A_231 : i32 to index
      %get3A_258 = arith.constant 16 : index
      %get3A_259 = tpu.vector_load %arg11[%get3A_257, %get3A_258] {strides = array<i32>} : memref<200x64xf32, #tpu.memory_space<vmem>>, vector<1x16xf32>,
      %get3A_260 = vector.shape_cast %get3A_259 : vector<1x16xf32> to vector<16xf32>
      %add3A_261 = arith.addf %get3A_256, %get3A_260 : vector<16xf32>
      %add3A_262 = arith.constant 16 : i32
      %add3A_263 = arith.addi %mul3A_233, %add3A_262 : i32
      %swap3A_264 = arith.index_cast %add3A_263 : i32 to index
      %swap3A_265 = tpu.vector_load %arg9[%swap3A_264] {strides = array<i32>} : memref<12800xf32, #tpu.memory_space<vmem>>, vector<16xf32>,
      %swap3A_266 = vector.shape_cast %swap3A_265 : vector<16xf32> to vector<16xf32>
      %swap3A_267 = vector.shape_cast %add3A_261 : vector<16xf32> to vector<16xf32>
      tpu.vector_store %arg9[%swap3A_264], %swap3A_267 {strides = array<i32>} : memref<12800xf32, #tpu.memory_space<vmem>>, vector<16xf32>,
      %get3A_268 = arith.constant 0 : i32
      %get3A_269 = arith.index_cast %get3A_268 : i32 to index
      %get3A_270 = arith.index_cast %scan3A_231 : i32 to index
      %get3A_271 = arith.constant 32 : index
      %get3A_272 = tpu.vector_load %arg7[%get3A_269, %get3A_270, %get3A_271] {strides = array<i32>} : memref<1x200x64xf32, #tpu.memory_space<vmem>>, vector<1x1x16xf32>,
      %get3A_273 = vector.shape_cast %get3A_272 : vector<1x1x16xf32> to vector<16xf32>
      %get3A_274 = arith.index_cast %scan3A_231 : i32 to index
      %get3A_275 = arith.constant 32 : index
      %get3A_276 = tpu.vector_load %arg11[%get3A_274, %get3A_275] {strides = array<i32>} : memref<200x64xf32, #tpu.memory_space<vmem>>, vector<1x16xf32>,
      %get3A_277 = vector.shape_cast %get3A_276 : vector<1x16xf32> to vector<16xf32>
      %add3A_278 = arith.addf %get3A_273, %get3A_277 : vector<16xf32>
      %add3A_279 = arith.constant 32 : i32
      %add3A_280 = arith.addi %mul3A_233, %add3A_279 : i32
      %swap3A_281 = arith.index_cast %add3A_280 : i32 to index
      %swap3A_282 = tpu.vector_load %arg9[%swap3A_281] {strides = array<i32>} : memref<12800xf32, #tpu.memory_space<vmem>>, vector<16xf32>,
      %swap3A_283 = vector.shape_cast %swap3A_282 : vector<16xf32> to vector<16xf32>
      %swap3A_284 = vector.shape_cast %add3A_278 : vector<16xf32> to vector<16xf32>
      tpu.vector_store %arg9[%swap3A_281], %swap3A_284 {strides = array<i32>} : memref<12800xf32, #tpu.memory_space<vmem>>, vector<16xf32>,
      %get3A_285 = arith.constant 0 : i32
      %get3A_286 = arith.index_cast %get3A_285 : i32 to index
      %get3A_287 = arith.index_cast %scan3A_231 : i32 to index
      %get3A_288 = arith.constant 48 : index
      %get3A_289 = tpu.vector_load %arg7[%get3A_286, %get3A_287, %get3A_288] {strides = array<i32>} : memref<1x200x64xf32, #tpu.memory_space<vmem>>, vector<1x1x16xf32>,
      %get3A_290 = vector.shape_cast %get3A_289 : vector<1x1x16xf32> to vector<16xf32>
      %get3A_291 = arith.index_cast %scan3A_231 : i32 to index
      %get3A_292 = arith.constant 48 : index
      %get3A_293 = tpu.vector_load %arg11[%get3A_291, %get3A_292] {strides = array<i32>} : memref<200x64xf32, #tpu.memory_space<vmem>>, vector<1x16xf32>,
      %get3A_294 = vector.shape_cast %get3A_293 : vector<1x16xf32> to vector<16xf32>
      %add3A_295 = arith.addf %get3A_290, %get3A_294 : vector<16xf32>
      %add3A_296 = arith.constant 48 : i32
      %add3A_297 = arith.addi %mul3A_233, %add3A_296 : i32
      %swap3A_298 = arith.index_cast %add3A_297 : i32 to index
      %swap3A_299 = tpu.vector_load %arg9[%swap3A_298] {strides = array<i32>} : memref<12800xf32, #tpu.memory_space<vmem>>, vector<16xf32>,
      %swap3A_300 = vector.shape_cast %swap3A_299 : vector<16xf32> to vector<16xf32>
      %swap3A_301 = vector.shape_cast %add3A_295 : vector<16xf32> to vector<16xf32>
      tpu.vector_store %arg9[%swap3A_298], %swap3A_301 {strides = array<i32>} : memref<12800xf32, #tpu.memory_space<vmem>>, vector<16xf32>,
      %scan3A_302 = arith.constant 2 : i32
      %scan3A_303 = arith.addi %scan3A_161, %scan3A_302 : i32
      %mul3A_304 = arith.constant 64 : i32
      %mul3A_305 = arith.muli %scan3A_303, %mul3A_304 : i32
      %get3A_306 = arith.constant 0 : i32
      %get3A_307 = arith.index_cast %get3A_306 : i32 to index
      %get3A_308 = arith.index_cast %scan3A_303 : i32 to index
      %get3A_309 = arith.constant 0 : index
      %get3A_310 = tpu.vector_load %arg7[%get3A_307, %get3A_308, %get3A_309] {strides = array<i32>} : memref<1x200x64xf32, #tpu.memory_space<vmem>>, vector<1x1x16xf32>,
      %get3A_311 = vector.shape_cast %get3A_310 : vector<1x1x16xf32> to vector<16xf32>
      %get3A_312 = arith.index_cast %scan3A_303 : i32 to index
      %get3A_313 = arith.constant 0 : index
      %get3A_314 = tpu.vector_load %arg11[%get3A_312, %get3A_313] {strides = array<i32>} : memref<200x64xf32, #tpu.memory_space<vmem>>, vector<1x16xf32>,
      %get3A_315 = vector.shape_cast %get3A_314 : vector<1x16xf32> to vector<16xf32>
      %add3A_316 = arith.addf %get3A_311, %get3A_315 : vector<16xf32>
      %add3A_317 = arith.constant 0 : i32
      %add3A_318 = arith.addi %mul3A_305, %add3A_317 : i32
      %swap3A_319 = arith.index_cast %add3A_318 : i32 to index
      %swap3A_320 = tpu.vector_load %arg9[%swap3A_319] {strides = array<i32>} : memref<12800xf32, #tpu.memory_space<vmem>>, vector<16xf32>,
      %swap3A_321 = vector.shape_cast %swap3A_320 : vector<16xf32> to vector<16xf32>
      %swap3A_322 = vector.shape_cast %add3A_316 : vector<16xf32> to vector<16xf32>
      tpu.vector_store %arg9[%swap3A_319], %swap3A_322 {strides = array<i32>} : memref<12800xf32, #tpu.memory_space<vmem>>, vector<16xf32>,
      %get3A_323 = arith.constant 0 : i32
      %get3A_324 = arith.index_cast %get3A_323 : i32 to index
      %get3A_325 = arith.index_cast %scan3A_303 : i32 to index
      %get3A_326 = arith.constant 16 : index
      %get3A_327 = tpu.vector_load %arg7[%get3A_324, %get3A_325, %get3A_326] {strides = array<i32>} : memref<1x200x64xf32, #tpu.memory_space<vmem>>, vector<1x1x16xf32>,
      %get3A_328 = vector.shape_cast %get3A_327 : vector<1x1x16xf32> to vector<16xf32>
      %get3A_329 = arith.index_cast %scan3A_303 : i32 to index
      %get3A_330 = arith.constant 16 : index
      %get3A_331 = tpu.vector_load %arg11[%get3A_329, %get3A_330] {strides = array<i32>} : memref<200x64xf32, #tpu.memory_space<vmem>>, vector<1x16xf32>,
      %get3A_332 = vector.shape_cast %get3A_331 : vector<1x16xf32> to vector<16xf32>
      %add3A_333 = arith.addf %get3A_328, %get3A_332 : vector<16xf32>
      %add3A_334 = arith.constant 16 : i32
      %add3A_335 = arith.addi %mul3A_305, %add3A_334 : i32
      %swap3A_336 = arith.index_cast %add3A_335 : i32 to index
      %swap3A_337 = tpu.vector_load %arg9[%swap3A_336] {strides = array<i32>} : memref<12800xf32, #tpu.memory_space<vmem>>, vector<16xf32>,
      %swap3A_338 = vector.shape_cast %swap3A_337 : vector<16xf32> to vector<16xf32>
      %swap3A_339 = vector.shape_cast %add3A_333 : vector<16xf32> to vector<16xf32>
      tpu.vector_store %arg9[%swap3A_336], %swap3A_339 {strides = array<i32>} : memref<12800xf32, #tpu.memory_space<vmem>>, vector<16xf32>,
      %get3A_340 = arith.constant 0 : i32
      %get3A_341 = arith.index_cast %get3A_340 : i32 to index
      %get3A_342 = arith.index_cast %scan3A_303 : i32 to index
      %get3A_343 = arith.constant 32 : index
      %get3A_344 = tpu.vector_load %arg7[%get3A_341, %get3A_342, %get3A_343] {strides = array<i32>} : memref<1x200x64xf32, #tpu.memory_space<vmem>>, vector<1x1x16xf32>,
      %get3A_345 = vector.shape_cast %get3A_344 : vector<1x1x16xf32> to vector<16xf32>
      %get3A_346 = arith.index_cast %scan3A_303 : i32 to index
      %get3A_347 = arith.constant 32 : index
      %get3A_348 = tpu.vector_load %arg11[%get3A_346, %get3A_347] {strides = array<i32>} : memref<200x64xf32, #tpu.memory_space<vmem>>, vector<1x16xf32>,
      %get3A_349 = vector.shape_cast %get3A_348 : vector<1x16xf32> to vector<16xf32>
      %add3A_350 = arith.addf %get3A_345, %get3A_349 : vector<16xf32>
      %add3A_351 = arith.constant 32 : i32
      %add3A_352 = arith.addi %mul3A_305, %add3A_351 : i32
      %swap3A_353 = arith.index_cast %add3A_352 : i32 to index
      %swap3A_354 = tpu.vector_load %arg9[%swap3A_353] {strides = array<i32>} : memref<12800xf32, #tpu.memory_space<vmem>>, vector<16xf32>,
      %swap3A_355 = vector.shape_cast %swap3A_354 : vector<16xf32> to vector<16xf32>
      %swap3A_356 = vector.shape_cast %add3A_350 : vector<16xf32> to vector<16xf32>
      tpu.vector_store %arg9[%swap3A_353], %swap3A_356 {strides = array<i32>} : memref<12800xf32, #tpu.memory_space<vmem>>, vector<16xf32>,
      %get3A_357 = arith.constant 0 : i32
      %get3A_358 = arith.index_cast %get3A_357 : i32 to index
      %get3A_359 = arith.index_cast %scan3A_303 : i32 to index
      %get3A_360 = arith.constant 48 : index
      %get3A_361 = tpu.vector_load %arg7[%get3A_358, %get3A_359, %get3A_360] {strides = array<i32>} : memref<1x200x64xf32, #tpu.memory_space<vmem>>, vector<1x1x16xf32>,
      %get3A_362 = vector.shape_cast %get3A_361 : vector<1x1x16xf32> to vector<16xf32>
      %get3A_363 = arith.index_cast %scan3A_303 : i32 to index
      %get3A_364 = arith.constant 48 : index
      %get3A_365 = tpu.vector_load %arg11[%get3A_363, %get3A_364] {strides = array<i32>} : memref<200x64xf32, #tpu.memory_space<vmem>>, vector<1x16xf32>,
      %get3A_366 = vector.shape_cast %get3A_365 : vector<1x16xf32> to vector<16xf32>
      %add3A_367 = arith.addf %get3A_362, %get3A_366 : vector<16xf32>
      %add3A_368 = arith.constant 48 : i32
      %add3A_369 = arith.addi %mul3A_305, %add3A_368 : i32
      %swap3A_370 = arith.index_cast %add3A_369 : i32 to index
      %swap3A_371 = tpu.vector_load %arg9[%swap3A_370] {strides = array<i32>} : memref<12800xf32, #tpu.memory_space<vmem>>, vector<16xf32>,
      %swap3A_372 = vector.shape_cast %swap3A_371 : vector<16xf32> to vector<16xf32>
      %swap3A_373 = vector.shape_cast %add3A_367 : vector<16xf32> to vector<16xf32>
      tpu.vector_store %arg9[%swap3A_370], %swap3A_373 {strides = array<i32>} : memref<12800xf32, #tpu.memory_space<vmem>>, vector<16xf32>,
      %scan3A_374 = arith.constant 3 : i32
      %scan3A_375 = arith.addi %scan3A_161, %scan3A_374 : i32
      %mul3A_376 = arith.constant 64 : i32
      %mul3A_377 = arith.muli %scan3A_375, %mul3A_376 : i32
      %get3A_378 = arith.constant 0 : i32
      %get3A_379 = arith.index_cast %get3A_378 : i32 to index
      %get3A_380 = arith.index_cast %scan3A_375 : i32 to index
      %get3A_381 = arith.constant 0 : index
      %get3A_382 = tpu.vector_load %arg7[%get3A_379, %get3A_380, %get3A_381] {strides = array<i32>} : memref<1x200x64xf32, #tpu.memory_space<vmem>>, vector<1x1x16xf32>,
      %get3A_383 = vector.shape_cast %get3A_382 : vector<1x1x16xf32> to vector<16xf32>
      %get3A_384 = arith.index_cast %scan3A_375 : i32 to index
      %get3A_385 = arith.constant 0 : index
      %get3A_386 = tpu.vector_load %arg11[%get3A_384, %get3A_385] {strides = array<i32>} : memref<200x64xf32, #tpu.memory_space<vmem>>, vector<1x16xf32>,
      %get3A_387 = vector.shape_cast %get3A_386 : vector<1x16xf32> to vector<16xf32>
      %add3A_388 = arith.addf %get3A_383, %get3A_387 : vector<16xf32>
      %add3A_389 = arith.constant 0 : i32
      %add3A_390 = arith.addi %mul3A_377, %add3A_389 : i32
      %swap3A_391 = arith.index_cast %add3A_390 : i32 to index
      %swap3A_392 = tpu.vector_load %arg9[%swap3A_391] {strides = array<i32>} : memref<12800xf32, #tpu.memory_space<vmem>>, vector<16xf32>,
      %swap3A_393 = vector.shape_cast %swap3A_392 : vector<16xf32> to vector<16xf32>
      %swap3A_394 = vector.shape_cast %add3A_388 : vector<16xf32> to vector<16xf32>
      tpu.vector_store %arg9[%swap3A_391], %swap3A_394 {strides = array<i32>} : memref<12800xf32, #tpu.memory_space<vmem>>, vector<16xf32>,
      %get3A_395 = arith.constant 0 : i32
      %get3A_396 = arith.index_cast %get3A_395 : i32 to index
      %get3A_397 = arith.index_cast %scan3A_375 : i32 to index
      %get3A_398 = arith.constant 16 : index
      %get3A_399 = tpu.vector_load %arg7[%get3A_396, %get3A_397, %get3A_398] {strides = array<i32>} : memref<1x200x64xf32, #tpu.memory_space<vmem>>, vector<1x1x16xf32>,
      %get3A_400 = vector.shape_cast %get3A_399 : vector<1x1x16xf32> to vector<16xf32>
      %get3A_401 = arith.index_cast %scan3A_375 : i32 to index
      %get3A_402 = arith.constant 16 : index
      %get3A_403 = tpu.vector_load %arg11[%get3A_401, %get3A_402] {strides = array<i32>} : memref<200x64xf32, #tpu.memory_space<vmem>>, vector<1x16xf32>,
      %get3A_404 = vector.shape_cast %get3A_403 : vector<1x16xf32> to vector<16xf32>
      %add3A_405 = arith.addf %get3A_400, %get3A_404 : vector<16xf32>
      %add3A_406 = arith.constant 16 : i32
      %add3A_407 = arith.addi %mul3A_377, %add3A_406 : i32
      %swap3A_408 = arith.index_cast %add3A_407 : i32 to index
      %swap3A_409 = tpu.vector_load %arg9[%swap3A_408] {strides = array<i32>} : memref<12800xf32, #tpu.memory_space<vmem>>, vector<16xf32>,
      %swap3A_410 = vector.shape_cast %swap3A_409 : vector<16xf32> to vector<16xf32>
      %swap3A_411 = vector.shape_cast %add3A_405 : vector<16xf32> to vector<16xf32>
      tpu.vector_store %arg9[%swap3A_408], %swap3A_411 {strides = array<i32>} : memref<12800xf32, #tpu.memory_space<vmem>>, vector<16xf32>,
      %get3A_412 = arith.constant 0 : i32
      %get3A_413 = arith.index_cast %get3A_412 : i32 to index
      %get3A_414 = arith.index_cast %scan3A_375 : i32 to index
      %get3A_415 = arith.constant 32 : index
      %get3A_416 = tpu.vector_load %arg7[%get3A_413, %get3A_414, %get3A_415] {strides = array<i32>} : memref<1x200x64xf32, #tpu.memory_space<vmem>>, vector<1x1x16xf32>,
      %get3A_417 = vector.shape_cast %get3A_416 : vector<1x1x16xf32> to vector<16xf32>
      %get3A_418 = arith.index_cast %scan3A_375 : i32 to index
      %get3A_419 = arith.constant 32 : index
      %get3A_420 = tpu.vector_load %arg11[%get3A_418, %get3A_419] {strides = array<i32>} : memref<200x64xf32, #tpu.memory_space<vmem>>, vector<1x16xf32>,
      %get3A_421 = vector.shape_cast %get3A_420 : vector<1x16xf32> to vector<16xf32>
      %add3A_422 = arith.addf %get3A_417, %get3A_421 : vector<16xf32>
      %add3A_423 = arith.constant 32 : i32
      %add3A_424 = arith.addi %mul3A_377, %add3A_423 : i32
      %swap3A_425 = arith.index_cast %add3A_424 : i32 to index
      %swap3A_426 = tpu.vector_load %arg9[%swap3A_425] {strides = array<i32>} : memref<12800xf32, #tpu.memory_space<vmem>>, vector<16xf32>,
      %swap3A_427 = vector.shape_cast %swap3A_426 : vector<16xf32> to vector<16xf32>
      %swap3A_428 = vector.shape_cast %add3A_422 : vector<16xf32> to vector<16xf32>
      tpu.vector_store %arg9[%swap3A_425], %swap3A_428 {strides = array<i32>} : memref<12800xf32, #tpu.memory_space<vmem>>, vector<16xf32>,
      %get3A_429 = arith.constant 0 : i32
      %get3A_430 = arith.index_cast %get3A_429 : i32 to index
      %get3A_431 = arith.index_cast %scan3A_375 : i32 to index
      %get3A_432 = arith.constant 48 : index
      %get3A_433 = tpu.vector_load %arg7[%get3A_430, %get3A_431, %get3A_432] {strides = array<i32>} : memref<1x200x64xf32, #tpu.memory_space<vmem>>, vector<1x1x16xf32>,
      %get3A_434 = vector.shape_cast %get3A_433 : vector<1x1x16xf32> to vector<16xf32>
      %get3A_435 = arith.index_cast %scan3A_375 : i32 to index
      %get3A_436 = arith.constant 48 : index
      %get3A_437 = tpu.vector_load %arg11[%get3A_435, %get3A_436] {strides = array<i32>} : memref<200x64xf32, #tpu.memory_space<vmem>>, vector<1x16xf32>,
      %get3A_438 = vector.shape_cast %get3A_437 : vector<1x16xf32> to vector<16xf32>
      %add3A_439 = arith.addf %get3A_434, %get3A_438 : vector<16xf32>
      %add3A_440 = arith.constant 48 : i32
      %add3A_441 = arith.addi %mul3A_377, %add3A_440 : i32
      %swap3A_442 = arith.index_cast %add3A_441 : i32 to index
      %swap3A_443 = tpu.vector_load %arg9[%swap3A_442] {strides = array<i32>} : memref<12800xf32, #tpu.memory_space<vmem>>, vector<16xf32>,
      %swap3A_444 = vector.shape_cast %swap3A_443 : vector<16xf32> to vector<16xf32>
      %swap3A_445 = vector.shape_cast %add3A_439 : vector<16xf32> to vector<16xf32>
      tpu.vector_store %arg9[%swap3A_442], %swap3A_445 {strides = array<i32>} : memref<12800xf32, #tpu.memory_space<vmem>>, vector<16xf32>,
      %scan3A_446 = arith.constant 4 : i32
      %scan3A_447 = arith.addi %scan3A_161, %scan3A_446 : i32
      %mul3A_448 = arith.constant 64 : i32
      %mul3A_449 = arith.muli %scan3A_447, %mul3A_448 : i32
      %get3A_450 = arith.constant 0 : i32
      %get3A_451 = arith.index_cast %get3A_450 : i32 to index
      %get3A_452 = arith.index_cast %scan3A_447 : i32 to index
      %get3A_453 = arith.constant 0 : index
      %get3A_454 = tpu.vector_load %arg7[%get3A_451, %get3A_452, %get3A_453] {strides = array<i32>} : memref<1x200x64xf32, #tpu.memory_space<vmem>>, vector<1x1x16xf32>,
      %get3A_455 = vector.shape_cast %get3A_454 : vector<1x1x16xf32> to vector<16xf32>
      %get3A_456 = arith.index_cast %scan3A_447 : i32 to index
      %get3A_457 = arith.constant 0 : index
      %get3A_458 = tpu.vector_load %arg11[%get3A_456, %get3A_457] {strides = array<i32>} : memref<200x64xf32, #tpu.memory_space<vmem>>, vector<1x16xf32>,
      %get3A_459 = vector.shape_cast %get3A_458 : vector<1x16xf32> to vector<16xf32>
      %add3A_460 = arith.addf %get3A_455, %get3A_459 : vector<16xf32>
      %add3A_461 = arith.constant 0 : i32
      %add3A_462 = arith.addi %mul3A_449, %add3A_461 : i32
      %swap3A_463 = arith.index_cast %add3A_462 : i32 to index
      %swap3A_464 = tpu.vector_load %arg9[%swap3A_463] {strides = array<i32>} : memref<12800xf32, #tpu.memory_space<vmem>>, vector<16xf32>,
      %swap3A_465 = vector.shape_cast %swap3A_464 : vector<16xf32> to vector<16xf32>
      %swap3A_466 = vector.shape_cast %add3A_460 : vector<16xf32> to vector<16xf32>
      tpu.vector_store %arg9[%swap3A_463], %swap3A_466 {strides = array<i32>} : memref<12800xf32, #tpu.memory_space<vmem>>, vector<16xf32>,
      %get3A_467 = arith.constant 0 : i32
      %get3A_468 = arith.index_cast %get3A_467 : i32 to index
      %get3A_469 = arith.index_cast %scan3A_447 : i32 to index
      %get3A_470 = arith.constant 16 : index
      %get3A_471 = tpu.vector_load %arg7[%get3A_468, %get3A_469, %get3A_470] {strides = array<i32>} : memref<1x200x64xf32, #tpu.memory_space<vmem>>, vector<1x1x16xf32>,
      %get3A_472 = vector.shape_cast %get3A_471 : vector<1x1x16xf32> to vector<16xf32>
      %get3A_473 = arith.index_cast %scan3A_447 : i32 to index
      %get3A_474 = arith.constant 16 : index
      %get3A_475 = tpu.vector_load %arg11[%get3A_473, %get3A_474] {strides = array<i32>} : memref<200x64xf32, #tpu.memory_space<vmem>>, vector<1x16xf32>,
      %get3A_476 = vector.shape_cast %get3A_475 : vector<1x16xf32> to vector<16xf32>
      %add3A_477 = arith.addf %get3A_472, %get3A_476 : vector<16xf32>
      %add3A_478 = arith.constant 16 : i32
      %add3A_479 = arith.addi %mul3A_449, %add3A_478 : i32
      %swap3A_480 = arith.index_cast %add3A_479 : i32 to index
      %swap3A_481 = tpu.vector_load %arg9[%swap3A_480] {strides = array<i32>} : memref<12800xf32, #tpu.memory_space<vmem>>, vector<16xf32>,
      %swap3A_482 = vector.shape_cast %swap3A_481 : vector<16xf32> to vector<16xf32>
      %swap3A_483 = vector.shape_cast %add3A_477 : vector<16xf32> to vector<16xf32>
      tpu.vector_store %arg9[%swap3A_480], %swap3A_483 {strides = array<i32>} : memref<12800xf32, #tpu.memory_space<vmem>>, vector<16xf32>,
      %get3A_484 = arith.constant 0 : i32
      %get3A_485 = arith.index_cast %get3A_484 : i32 to index
      %get3A_486 = arith.index_cast %scan3A_447 : i32 to index
      %get3A_487 = arith.constant 32 : index
      %get3A_488 = tpu.vector_load %arg7[%get3A_485, %get3A_486, %get3A_487] {strides = array<i32>} : memref<1x200x64xf32, #tpu.memory_space<vmem>>, vector<1x1x16xf32>,
      %get3A_489 = vector.shape_cast %get3A_488 : vector<1x1x16xf32> to vector<16xf32>
      %get3A_490 = arith.index_cast %scan3A_447 : i32 to index
      %get3A_491 = arith.constant 32 : index
      %get3A_492 = tpu.vector_load %arg11[%get3A_490, %get3A_491] {strides = array<i32>} : memref<200x64xf32, #tpu.memory_space<vmem>>, vector<1x16xf32>,
      %get3A_493 = vector.shape_cast %get3A_492 : vector<1x16xf32> to vector<16xf32>
      %add3A_494 = arith.addf %get3A_489, %get3A_493 : vector<16xf32>
      %add3A_495 = arith.constant 32 : i32
      %add3A_496 = arith.addi %mul3A_449, %add3A_495 : i32
      %swap3A_497 = arith.index_cast %add3A_496 : i32 to index
      %swap3A_498 = tpu.vector_load %arg9[%swap3A_497] {strides = array<i32>} : memref<12800xf32, #tpu.memory_space<vmem>>, vector<16xf32>,
      %swap3A_499 = vector.shape_cast %swap3A_498 : vector<16xf32> to vector<16xf32>
      %swap3A_500 = vector.shape_cast %add3A_494 : vector<16xf32> to vector<16xf32>
      tpu.vector_store %arg9[%swap3A_497], %swap3A_500 {strides = array<i32>} : memref<12800xf32, #tpu.memory_space<vmem>>, vector<16xf32>,
      %get3A_501 = arith.constant 0 : i32
      %get3A_502 = arith.index_cast %get3A_501 : i32 to index
      %get3A_503 = arith.index_cast %scan3A_447 : i32 to index
      %get3A_504 = arith.constant 48 : index
      %get3A_505 = tpu.vector_load %arg7[%get3A_502, %get3A_503, %get3A_504] {strides = array<i32>} : memref<1x200x64xf32, #tpu.memory_space<vmem>>, vector<1x1x16xf32>,
      %get3A_506 = vector.shape_cast %get3A_505 : vector<1x1x16xf32> to vector<16xf32>
      %get3A_507 = arith.index_cast %scan3A_447 : i32 to index
      %get3A_508 = arith.constant 48 : index
      %get3A_509 = tpu.vector_load %arg11[%get3A_507, %get3A_508] {strides = array<i32>} : memref<200x64xf32, #tpu.memory_space<vmem>>, vector<1x16xf32>,
      %get3A_510 = vector.shape_cast %get3A_509 : vector<1x16xf32> to vector<16xf32>
      %add3A_511 = arith.addf %get3A_506, %get3A_510 : vector<16xf32>
      %add3A_512 = arith.constant 48 : i32
      %add3A_513 = arith.addi %mul3A_449, %add3A_512 : i32
      %swap3A_514 = arith.index_cast %add3A_513 : i32 to index
      %swap3A_515 = tpu.vector_load %arg9[%swap3A_514] {strides = array<i32>} : memref<12800xf32, #tpu.memory_space<vmem>>, vector<16xf32>,
      %swap3A_516 = vector.shape_cast %swap3A_515 : vector<16xf32> to vector<16xf32>
      %swap3A_517 = vector.shape_cast %add3A_511 : vector<16xf32> to vector<16xf32>
      tpu.vector_store %arg9[%swap3A_514], %swap3A_517 {strides = array<i32>} : memref<12800xf32, #tpu.memory_space<vmem>>, vector<16xf32>,
      %scan3A_518 = arith.constant 5 : i32
      %scan3A_519 = arith.addi %scan3A_161, %scan3A_518 : i32
      %mul3A_520 = arith.constant 64 : i32
      %mul3A_521 = arith.muli %scan3A_519, %mul3A_520 : i32
      %get3A_522 = arith.constant 0 : i32
      %get3A_523 = arith.index_cast %get3A_522 : i32 to index
      %get3A_524 = arith.index_cast %scan3A_519 : i32 to index
      %get3A_525 = arith.constant 0 : index
      %get3A_526 = tpu.vector_load %arg7[%get3A_523, %get3A_524, %get3A_525] {strides = array<i32>} : memref<1x200x64xf32, #tpu.memory_space<vmem>>, vector<1x1x16xf32>,
      %get3A_527 = vector.shape_cast %get3A_526 : vector<1x1x16xf32> to vector<16xf32>
      %get3A_528 = arith.index_cast %scan3A_519 : i32 to index
      %get3A_529 = arith.constant 0 : index
      %get3A_530 = tpu.vector_load %arg11[%get3A_528, %get3A_529] {strides = array<i32>} : memref<200x64xf32, #tpu.memory_space<vmem>>, vector<1x16xf32>,
      %get3A_531 = vector.shape_cast %get3A_530 : vector<1x16xf32> to vector<16xf32>
      %add3A_532 = arith.addf %get3A_527, %get3A_531 : vector<16xf32>
      %add3A_533 = arith.constant 0 : i32
      %add3A_534 = arith.addi %mul3A_521, %add3A_533 : i32
      %swap3A_535 = arith.index_cast %add3A_534 : i32 to index
      %swap3A_536 = tpu.vector_load %arg9[%swap3A_535] {strides = array<i32>} : memref<12800xf32, #tpu.memory_space<vmem>>, vector<16xf32>,
      %swap3A_537 = vector.shape_cast %swap3A_536 : vector<16xf32> to vector<16xf32>
      %swap3A_538 = vector.shape_cast %add3A_532 : vector<16xf32> to vector<16xf32>
      tpu.vector_store %arg9[%swap3A_535], %swap3A_538 {strides = array<i32>} : memref<12800xf32, #tpu.memory_space<vmem>>, vector<16xf32>,
      %get3A_539 = arith.constant 0 : i32
      %get3A_540 = arith.index_cast %get3A_539 : i32 to index
      %get3A_541 = arith.index_cast %scan3A_519 : i32 to index
      %get3A_542 = arith.constant 16 : index
      %get3A_543 = tpu.vector_load %arg7[%get3A_540, %get3A_541, %get3A_542] {strides = array<i32>} : memref<1x200x64xf32, #tpu.memory_space<vmem>>, vector<1x1x16xf32>,
      %get3A_544 = vector.shape_cast %get3A_543 : vector<1x1x16xf32> to vector<16xf32>
      %get3A_545 = arith.index_cast %scan3A_519 : i32 to index
      %get3A_546 = arith.constant 16 : index
      %get3A_547 = tpu.vector_load %arg11[%get3A_545, %get3A_546] {strides = array<i32>} : memref<200x64xf32, #tpu.memory_space<vmem>>, vector<1x16xf32>,
      %get3A_548 = vector.shape_cast %get3A_547 : vector<1x16xf32> to vector<16xf32>
      %add3A_549 = arith.addf %get3A_544, %get3A_548 : vector<16xf32>
      %add3A_550 = arith.constant 16 : i32
      %add3A_551 = arith.addi %mul3A_521, %add3A_550 : i32
      %swap3A_552 = arith.index_cast %add3A_551 : i32 to index
      %swap3A_553 = tpu.vector_load %arg9[%swap3A_552] {strides = array<i32>} : memref<12800xf32, #tpu.memory_space<vmem>>, vector<16xf32>,
      %swap3A_554 = vector.shape_cast %swap3A_553 : vector<16xf32> to vector<16xf32>
      %swap3A_555 = vector.shape_cast %add3A_549 : vector<16xf32> to vector<16xf32>
      tpu.vector_store %arg9[%swap3A_552], %swap3A_555 {strides = array<i32>} : memref<12800xf32, #tpu.memory_space<vmem>>, vector<16xf32>,
      %get3A_556 = arith.constant 0 : i32
      %get3A_557 = arith.index_cast %get3A_556 : i32 to index
      %get3A_558 = arith.index_cast %scan3A_519 : i32 to index
      %get3A_559 = arith.constant 32 : index
      %get3A_560 = tpu.vector_load %arg7[%get3A_557, %get3A_558, %get3A_559] {strides = array<i32>} : memref<1x200x64xf32, #tpu.memory_space<vmem>>, vector<1x1x16xf32>,
      %get3A_561 = vector.shape_cast %get3A_560 : vector<1x1x16xf32> to vector<16xf32>
      %get3A_562 = arith.index_cast %scan3A_519 : i32 to index
      %get3A_563 = arith.constant 32 : index
      %get3A_564 = tpu.vector_load %arg11[%get3A_562, %get3A_563] {strides = array<i32>} : memref<200x64xf32, #tpu.memory_space<vmem>>, vector<1x16xf32>,
      %get3A_565 = vector.shape_cast %get3A_564 : vector<1x16xf32> to vector<16xf32>
      %add3A_566 = arith.addf %get3A_561, %get3A_565 : vector<16xf32>
      %add3A_567 = arith.constant 32 : i32
      %add3A_568 = arith.addi %mul3A_521, %add3A_567 : i32
      %swap3A_569 = arith.index_cast %add3A_568 : i32 to index
      %swap3A_570 = tpu.vector_load %arg9[%swap3A_569] {strides = array<i32>} : memref<12800xf32, #tpu.memory_space<vmem>>, vector<16xf32>,
      %swap3A_571 = vector.shape_cast %swap3A_570 : vector<16xf32> to vector<16xf32>
      %swap3A_572 = vector.shape_cast %add3A_566 : vector<16xf32> to vector<16xf32>
      tpu.vector_store %arg9[%swap3A_569], %swap3A_572 {strides = array<i32>} : memref<12800xf32, #tpu.memory_space<vmem>>, vector<16xf32>,
      %get3A_573 = arith.constant 0 : i32
      %get3A_574 = arith.index_cast %get3A_573 : i32 to index
      %get3A_575 = arith.index_cast %scan3A_519 : i32 to index
      %get3A_576 = arith.constant 48 : index
      %get3A_577 = tpu.vector_load %arg7[%get3A_574, %get3A_575, %get3A_576] {strides = array<i32>} : memref<1x200x64xf32, #tpu.memory_space<vmem>>, vector<1x1x16xf32>,
      %get3A_578 = vector.shape_cast %get3A_577 : vector<1x1x16xf32> to vector<16xf32>
      %get3A_579 = arith.index_cast %scan3A_519 : i32 to index
      %get3A_580 = arith.constant 48 : index
      %get3A_581 = tpu.vector_load %arg11[%get3A_579, %get3A_580] {strides = array<i32>} : memref<200x64xf32, #tpu.memory_space<vmem>>, vector<1x16xf32>,
      %get3A_582 = vector.shape_cast %get3A_581 : vector<1x16xf32> to vector<16xf32>
      %add3A_583 = arith.addf %get3A_578, %get3A_582 : vector<16xf32>
      %add3A_584 = arith.constant 48 : i32
      %add3A_585 = arith.addi %mul3A_521, %add3A_584 : i32
      %swap3A_586 = arith.index_cast %add3A_585 : i32 to index
      %swap3A_587 = tpu.vector_load %arg9[%swap3A_586] {strides = array<i32>} : memref<12800xf32, #tpu.memory_space<vmem>>, vector<16xf32>,
      %swap3A_588 = vector.shape_cast %swap3A_587 : vector<16xf32> to vector<16xf32>
      %swap3A_589 = vector.shape_cast %add3A_583 : vector<16xf32> to vector<16xf32>
      tpu.vector_store %arg9[%swap3A_586], %swap3A_589 {strides = array<i32>} : memref<12800xf32, #tpu.memory_space<vmem>>, vector<16xf32>,
      %scan3A_590 = arith.constant 6 : i32
      %scan3A_591 = arith.addi %scan3A_161, %scan3A_590 : i32
      %mul3A_592 = arith.constant 64 : i32
      %mul3A_593 = arith.muli %scan3A_591, %mul3A_592 : i32
      %get3A_594 = arith.constant 0 : i32
      %get3A_595 = arith.index_cast %get3A_594 : i32 to index
      %get3A_596 = arith.index_cast %scan3A_591 : i32 to index
      %get3A_597 = arith.constant 0 : index
      %get3A_598 = tpu.vector_load %arg7[%get3A_595, %get3A_596, %get3A_597] {strides = array<i32>} : memref<1x200x64xf32, #tpu.memory_space<vmem>>, vector<1x1x16xf32>,
      %get3A_599 = vector.shape_cast %get3A_598 : vector<1x1x16xf32> to vector<16xf32>
      %get3A_600 = arith.index_cast %scan3A_591 : i32 to index
      %get3A_601 = arith.constant 0 : index
      %get3A_602 = tpu.vector_load %arg11[%get3A_600, %get3A_601] {strides = array<i32>} : memref<200x64xf32, #tpu.memory_space<vmem>>, vector<1x16xf32>,
      %get3A_603 = vector.shape_cast %get3A_602 : vector<1x16xf32> to vector<16xf32>
      %add3A_604 = arith.addf %get3A_599, %get3A_603 : vector<16xf32>
      %add3A_605 = arith.constant 0 : i32
      %add3A_606 = arith.addi %mul3A_593, %add3A_605 : i32
      %swap3A_607 = arith.index_cast %add3A_606 : i32 to index
      %swap3A_608 = tpu.vector_load %arg9[%swap3A_607] {strides = array<i32>} : memref<12800xf32, #tpu.memory_space<vmem>>, vector<16xf32>,
      %swap3A_609 = vector.shape_cast %swap3A_608 : vector<16xf32> to vector<16xf32>
      %swap3A_610 = vector.shape_cast %add3A_604 : vector<16xf32> to vector<16xf32>
      tpu.vector_store %arg9[%swap3A_607], %swap3A_610 {strides = array<i32>} : memref<12800xf32, #tpu.memory_space<vmem>>, vector<16xf32>,
      %get3A_611 = arith.constant 0 : i32
      %get3A_612 = arith.index_cast %get3A_611 : i32 to index
      %get3A_613 = arith.index_cast %scan3A_591 : i32 to index
      %get3A_614 = arith.constant 16 : index
      %get3A_615 = tpu.vector_load %arg7[%get3A_612, %get3A_613, %get3A_614] {strides = array<i32>} : memref<1x200x64xf32, #tpu.memory_space<vmem>>, vector<1x1x16xf32>,
      %get3A_616 = vector.shape_cast %get3A_615 : vector<1x1x16xf32> to vector<16xf32>
      %get3A_617 = arith.index_cast %scan3A_591 : i32 to index
      %get3A_618 = arith.constant 16 : index
      %get3A_619 = tpu.vector_load %arg11[%get3A_617, %get3A_618] {strides = array<i32>} : memref<200x64xf32, #tpu.memory_space<vmem>>, vector<1x16xf32>,
      %get3A_620 = vector.shape_cast %get3A_619 : vector<1x16xf32> to vector<16xf32>
      %add3A_621 = arith.addf %get3A_616, %get3A_620 : vector<16xf32>
      %add3A_622 = arith.constant 16 : i32
      %add3A_623 = arith.addi %mul3A_593, %add3A_622 : i32
      %swap3A_624 = arith.index_cast %add3A_623 : i32 to index
      %swap3A_625 = tpu.vector_load %arg9[%swap3A_624] {strides = array<i32>} : memref<12800xf32, #tpu.memory_space<vmem>>, vector<16xf32>,
      %swap3A_626 = vector.shape_cast %swap3A_625 : vector<16xf32> to vector<16xf32>
      %swap3A_627 = vector.shape_cast %add3A_621 : vector<16xf32> to vector<16xf32>
      tpu.vector_store %arg9[%swap3A_624], %swap3A_627 {strides = array<i32>} : memref<12800xf32, #tpu.memory_space<vmem>>, vector<16xf32>,
      %get3A_628 = arith.constant 0 : i32
      %get3A_629 = arith.index_cast %get3A_628 : i32 to index
      %get3A_630 = arith.index_cast %scan3A_591 : i32 to index
      %get3A_631 = arith.constant 32 : index
      %get3A_632 = tpu.vector_load %arg7[%get3A_629, %get3A_630, %get3A_631] {strides = array<i32>} : memref<1x200x64xf32, #tpu.memory_space<vmem>>, vector<1x1x16xf32>,
      %get3A_633 = vector.shape_cast %get3A_632 : vector<1x1x16xf32> to vector<16xf32>
      %get3A_634 = arith.index_cast %scan3A_591 : i32 to index
      %get3A_635 = arith.constant 32 : index
      %get3A_636 = tpu.vector_load %arg11[%get3A_634, %get3A_635] {strides = array<i32>} : memref<200x64xf32, #tpu.memory_space<vmem>>, vector<1x16xf32>,
      %get3A_637 = vector.shape_cast %get3A_636 : vector<1x16xf32> to vector<16xf32>
      %add3A_638 = arith.addf %get3A_633, %get3A_637 : vector<16xf32>
      %add3A_639 = arith.constant 32 : i32
      %add3A_640 = arith.addi %mul3A_593, %add3A_639 : i32
      %swap3A_641 = arith.index_cast %add3A_640 : i32 to index
      %swap3A_642 = tpu.vector_load %arg9[%swap3A_641] {strides = array<i32>} : memref<12800xf32, #tpu.memory_space<vmem>>, vector<16xf32>,
      %swap3A_643 = vector.shape_cast %swap3A_642 : vector<16xf32> to vector<16xf32>
      %swap3A_644 = vector.shape_cast %add3A_638 : vector<16xf32> to vector<16xf32>
      tpu.vector_store %arg9[%swap3A_641], %swap3A_644 {strides = array<i32>} : memref<12800xf32, #tpu.memory_space<vmem>>, vector<16xf32>,
      %get3A_645 = arith.constant 0 : i32
      %get3A_646 = arith.index_cast %get3A_645 : i32 to index
      %get3A_647 = arith.index_cast %scan3A_591 : i32 to index
      %get3A_648 = arith.constant 48 : index
      %get3A_649 = tpu.vector_load %arg7[%get3A_646, %get3A_647, %get3A_648] {strides = array<i32>} : memref<1x200x64xf32, #tpu.memory_space<vmem>>, vector<1x1x16xf32>,
      %get3A_650 = vector.shape_cast %get3A_649 : vector<1x1x16xf32> to vector<16xf32>
      %get3A_651 = arith.index_cast %scan3A_591 : i32 to index
      %get3A_652 = arith.constant 48 : index
      %get3A_653 = tpu.vector_load %arg11[%get3A_651, %get3A_652] {strides = array<i32>} : memref<200x64xf32, #tpu.memory_space<vmem>>, vector<1x16xf32>,
      %get3A_654 = vector.shape_cast %get3A_653 : vector<1x16xf32> to vector<16xf32>
      %add3A_655 = arith.addf %get3A_650, %get3A_654 : vector<16xf32>
      %add3A_656 = arith.constant 48 : i32
      %add3A_657 = arith.addi %mul3A_593, %add3A_656 : i32
      %swap3A_658 = arith.index_cast %add3A_657 : i32 to index
      %swap3A_659 = tpu.vector_load %arg9[%swap3A_658] {strides = array<i32>} : memref<12800xf32, #tpu.memory_space<vmem>>, vector<16xf32>,
      %swap3A_660 = vector.shape_cast %swap3A_659 : vector<16xf32> to vector<16xf32>
      %swap3A_661 = vector.shape_cast %add3A_655 : vector<16xf32> to vector<16xf32>
      tpu.vector_store %arg9[%swap3A_658], %swap3A_661 {strides = array<i32>} : memref<12800xf32, #tpu.memory_space<vmem>>, vector<16xf32>,
      %scan3A_662 = arith.constant 7 : i32
      %scan3A_663 = arith.addi %scan3A_161, %scan3A_662 : i32
      %mul3A_664 = arith.constant 64 : i32
      %mul3A_665 = arith.muli %scan3A_663, %mul3A_664 : i32
      %get3A_666 = arith.constant 0 : i32
      %get3A_667 = arith.index_cast %get3A_666 : i32 to index
      %get3A_668 = arith.index_cast %scan3A_663 : i32 to index
      %get3A_669 = arith.constant 0 : index
      %get3A_670 = tpu.vector_load %arg7[%get3A_667, %get3A_668, %get3A_669] {strides = array<i32>} : memref<1x200x64xf32, #tpu.memory_space<vmem>>, vector<1x1x16xf32>,
      %get3A_671 = vector.shape_cast %get3A_670 : vector<1x1x16xf32> to vector<16xf32>
      %get3A_672 = arith.index_cast %scan3A_663 : i32 to index
      %get3A_673 = arith.constant 0 : index
      %get3A_674 = tpu.vector_load %arg11[%get3A_672, %get3A_673] {strides = array<i32>} : memref<200x64xf32, #tpu.memory_space<vmem>>, vector<1x16xf32>,
      %get3A_675 = vector.shape_cast %get3A_674 : vector<1x16xf32> to vector<16xf32>
      %add3A_676 = arith.addf %get3A_671, %get3A_675 : vector<16xf32>
      %add3A_677 = arith.constant 0 : i32
      %add3A_678 = arith.addi %mul3A_665, %add3A_677 : i32
      %swap3A_679 = arith.index_cast %add3A_678 : i32 to index
      %swap3A_680 = tpu.vector_load %arg9[%swap3A_679] {strides = array<i32>} : memref<12800xf32, #tpu.memory_space<vmem>>, vector<16xf32>,
      %swap3A_681 = vector.shape_cast %swap3A_680 : vector<16xf32> to vector<16xf32>
      %swap3A_682 = vector.shape_cast %add3A_676 : vector<16xf32> to vector<16xf32>
      tpu.vector_store %arg9[%swap3A_679], %swap3A_682 {strides = array<i32>} : memref<12800xf32, #tpu.memory_space<vmem>>, vector<16xf32>,
      %get3A_683 = arith.constant 0 : i32
      %get3A_684 = arith.index_cast %get3A_683 : i32 to index
      %get3A_685 = arith.index_cast %scan3A_663 : i32 to index
      %get3A_686 = arith.constant 16 : index
      %get3A_687 = tpu.vector_load %arg7[%get3A_684, %get3A_685, %get3A_686] {strides = array<i32>} : memref<1x200x64xf32, #tpu.memory_space<vmem>>, vector<1x1x16xf32>,
      %get3A_688 = vector.shape_cast %get3A_687 : vector<1x1x16xf32> to vector<16xf32>
      %get3A_689 = arith.index_cast %scan3A_663 : i32 to index
      %get3A_690 = arith.constant 16 : index
      %get3A_691 = tpu.vector_load %arg11[%get3A_689, %get3A_690] {strides = array<i32>} : memref<200x64xf32, #tpu.memory_space<vmem>>, vector<1x16xf32>,
      %get3A_692 = vector.shape_cast %get3A_691 : vector<1x16xf32> to vector<16xf32>
      %add3A_693 = arith.addf %get3A_688, %get3A_692 : vector<16xf32>
      %add3A_694 = arith.constant 16 : i32
      %add3A_695 = arith.addi %mul3A_665, %add3A_694 : i32
      %swap3A_696 = arith.index_cast %add3A_695 : i32 to index
      %swap3A_697 = tpu.vector_load %arg9[%swap3A_696] {strides = array<i32>} : memref<12800xf32, #tpu.memory_space<vmem>>, vector<16xf32>,
      %swap3A_698 = vector.shape_cast %swap3A_697 : vector<16xf32> to vector<16xf32>
      %swap3A_699 = vector.shape_cast %add3A_693 : vector<16xf32> to vector<16xf32>
      tpu.vector_store %arg9[%swap3A_696], %swap3A_699 {strides = array<i32>} : memref<12800xf32, #tpu.memory_space<vmem>>, vector<16xf32>,
      %get3A_700 = arith.constant 0 : i32
      %get3A_701 = arith.index_cast %get3A_700 : i32 to index
      %get3A_702 = arith.index_cast %scan3A_663 : i32 to index
      %get3A_703 = arith.constant 32 : index
      %get3A_704 = tpu.vector_load %arg7[%get3A_701, %get3A_702, %get3A_703] {strides = array<i32>} : memref<1x200x64xf32, #tpu.memory_space<vmem>>, vector<1x1x16xf32>,
      %get3A_705 = vector.shape_cast %get3A_704 : vector<1x1x16xf32> to vector<16xf32>
      %get3A_706 = arith.index_cast %scan3A_663 : i32 to index
      %get3A_707 = arith.constant 32 : index
      %get3A_708 = tpu.vector_load %arg11[%get3A_706, %get3A_707] {strides = array<i32>} : memref<200x64xf32, #tpu.memory_space<vmem>>, vector<1x16xf32>,
      %get3A_709 = vector.shape_cast %get3A_708 : vector<1x16xf32> to vector<16xf32>
      %add3A_710 = arith.addf %get3A_705, %get3A_709 : vector<16xf32>
      %add3A_711 = arith.constant 32 : i32
      %add3A_712 = arith.addi %mul3A_665, %add3A_711 : i32
      %swap3A_713 = arith.index_cast %add3A_712 : i32 to index
      %swap3A_714 = tpu.vector_load %arg9[%swap3A_713] {strides = array<i32>} : memref<12800xf32, #tpu.memory_space<vmem>>, vector<16xf32>,
      %swap3A_715 = vector.shape_cast %swap3A_714 : vector<16xf32> to vector<16xf32>
      %swap3A_716 = vector.shape_cast %add3A_710 : vector<16xf32> to vector<16xf32>
      tpu.vector_store %arg9[%swap3A_713], %swap3A_716 {strides = array<i32>} : memref<12800xf32, #tpu.memory_space<vmem>>, vector<16xf32>,
      %get3A_717 = arith.constant 0 : i32
      %get3A_718 = arith.index_cast %get3A_717 : i32 to index
      %get3A_719 = arith.index_cast %scan3A_663 : i32 to index
      %get3A_720 = arith.constant 48 : index
      %get3A_721 = tpu.vector_load %arg7[%get3A_718, %get3A_719, %get3A_720] {strides = array<i32>} : memref<1x200x64xf32, #tpu.memory_space<vmem>>, vector<1x1x16xf32>,
      %get3A_722 = vector.shape_cast %get3A_721 : vector<1x1x16xf32> to vector<16xf32>
      %get3A_723 = arith.index_cast %scan3A_663 : i32 to index
      %get3A_724 = arith.constant 48 : index
      %get3A_725 = tpu.vector_load %arg11[%get3A_723, %get3A_724] {strides = array<i32>} : memref<200x64xf32, #tpu.memory_space<vmem>>, vector<1x16xf32>,
      %get3A_726 = vector.shape_cast %get3A_725 : vector<1x16xf32> to vector<16xf32>
      %add3A_727 = arith.addf %get3A_722, %get3A_726 : vector<16xf32>
      %add3A_728 = arith.constant 48 : i32
      %add3A_729 = arith.addi %mul3A_665, %add3A_728 : i32
      %swap3A_730 = arith.index_cast %add3A_729 : i32 to index
      %swap3A_731 = tpu.vector_load %arg9[%swap3A_730] {strides = array<i32>} : memref<12800xf32, #tpu.memory_space<vmem>>, vector<16xf32>,
      %swap3A_732 = vector.shape_cast %swap3A_731 : vector<16xf32> to vector<16xf32>
      %swap3A_733 = vector.shape_cast %add3A_727 : vector<16xf32> to vector<16xf32>
      tpu.vector_store %arg9[%swap3A_730], %swap3A_733 {strides = array<i32>} : memref<12800xf32, #tpu.memory_space<vmem>>, vector<16xf32>,
    }
    %scan3A_31 = arith.constant 200 : i32
    %add3A_32 = arith.constant 0 : i32
    %add3A_33 = arith.addi %mul3A_2, %add3A_32 : i32
    %dma_start3A_34 = arith.constant 0 : i32
    %dma_start3A_35 = tpu.memref_slice %arg5[%add3A_33, %dma_start3A_34] : memref<4096x12800xf32, #tpu.memory_space<hbm>> -> memref<1x12800xf32, #tpu.memory_space<hbm>>
    %dma_start3A_36 = tpu.memref_squeeze %dma_start3A_35 : memref<1x12800xf32, #tpu.memory_space<hbm>> -> memref<12800xf32, #tpu.memory_space<hbm>>
    %dma_start3A_37 = arith.constant 0 : i32
    %dma_start3A_38 = tpu.memref_slice %arg5[%add3A_33, %dma_start3A_37] : memref<4096x12800xf32, #tpu.memory_space<hbm>> -> memref<1x12800xf32, #tpu.memory_space<hbm>>
    %dma_start3A_39 = tpu.memref_squeeze %dma_start3A_38 : memref<1x12800xf32, #tpu.memory_space<hbm>> -> memref<12800xf32, #tpu.memory_space<hbm>>
    tpu.enqueue_dma source(%arg9 : memref<12800xf32, #tpu.memory_space<vmem>>) target(%dma_start3A_39 : memref<12800xf32, #tpu.memory_space<hbm>>) target_semaphore(%arg13 : memref<!tpu.dma_semaphore, #tpu.memory_space<semaphore_mem>>)
    %dma_wait3A_40 = arith.constant 1 : i32
    %dma_wait3A_41 = arith.constant 0 : i32
    %dma_wait3A_42 = arith.constant 0 : i32
    %dma_wait3A_43 = tpu.memref_slice %arg6[%dma_wait3A_40, %dma_wait3A_41, %dma_wait3A_42] : memref<128x1x200xi32, #tpu.memory_space<vmem>> -> memref<1x1x200xi32, #tpu.memory_space<vmem>>
    %dma_wait3A_44 = tpu.memref_squeeze %dma_wait3A_43 : memref<1x1x200xi32, #tpu.memory_space<vmem>> -> memref<1x200xi32, #tpu.memory_space<vmem>>
    %dma_wait3A_45 = arith.constant 0 : i32
    %dma_wait3A_46 = arith.constant 0 : i32
    %dma_wait3A_47 = arith.constant 0 : i32
    %dma_wait3A_48 = tpu.memref_slice %arg3[%dma_wait3A_45, %dma_wait3A_46, %dma_wait3A_47] : memref<1x1000000x64xf32, #tpu.memory_space<hbm>> -> memref<1x1000000x64xf32, #tpu.memory_space<hbm>>
    tpu.wait_indirect_dma semaphore(%arg12 : memref<!tpu.dma_semaphore, #tpu.memory_space<semaphore_mem>>) src(%dma_wait3A_48 : memref<1x1000000x64xf32, #tpu.memory_space<hbm>>) dst(%arg8 : memref<1x200x64xf32, #tpu.memory_space<vmem>>)
    %dma_start3A_49 = arith.constant 2 : i32
    %dma_start3A_50 = arith.constant 0 : i32
    %dma_start3A_51 = arith.constant 0 : i32
    %dma_start3A_52 = tpu.memref_slice %arg6[%dma_start3A_49, %dma_start3A_50, %dma_start3A_51] : memref<128x1x200xi32, #tpu.memory_space<vmem>> -> memref<1x1x200xi32, #tpu.memory_space<vmem>>
    %dma_start3A_53 = tpu.memref_squeeze %dma_start3A_52 : memref<1x1x200xi32, #tpu.memory_space<vmem>> -> memref<1x200xi32, #tpu.memory_space<vmem>>
    %dma_start3A_54 = arith.constant 0 : i32
    %dma_start3A_55 = arith.constant 0 : i32
    %dma_start3A_56 = arith.constant 0 : i32
    %dma_start3A_57 = tpu.memref_slice %arg3[%dma_start3A_54, %dma_start3A_55, %dma_start3A_56] : memref<1x1000000x64xf32, #tpu.memory_space<hbm>> -> memref<1x1000000x64xf32, #tpu.memory_space<hbm>>
    tpu.enqueue_indirect_dma source(%dma_start3A_57 : memref<1x1000000x64xf32, #tpu.memory_space<hbm>>) target(%arg7 : memref<1x200x64xf32, #tpu.memory_space<vmem>>) offsets(%dma_start3A_53 : memref<1x200xi32, #tpu.memory_space<vmem>>) semaphore(%arg12 : memref<!tpu.dma_semaphore, #tpu.memory_space<semaphore_mem>>)
    %scan3A_58 = arith.constant 0 : i32
    %scan3A_59 = arith.constant 200 : i32
    %scan3A_60 = arith.addi %scan3A_58, %scan3A_59 : i32
    %scan3A_61 = arith.constant 8 : i32
    scf.for %scan3A_161 = %scan3A_58 to %scan3A_60 step %scan3A_61  : i32 {
      %mul3A_162 = arith.constant 64 : i32
      %mul3A_163 = arith.muli %scan3A_161, %mul3A_162 : i32
      %get3A = arith.constant 0 : i32
      %get3A_164 = arith.index_cast %get3A : i32 to index
      %get3A_165 = arith.index_cast %scan3A_161 : i32 to index
      %get3A_166 = arith.constant 0 : index
      %get3A_167 = tpu.vector_load %arg8[%get3A_164, %get3A_165, %get3A_166] {strides = array<i32>} : memref<1x200x64xf32, #tpu.memory_space<vmem>>, vector<1x1x16xf32>,
      %get3A_168 = vector.shape_cast %get3A_167 : vector<1x1x16xf32> to vector<16xf32>
      %get3A_169 = arith.index_cast %scan3A_161 : i32 to index
      %get3A_170 = arith.constant 0 : index
      %get3A_171 = tpu.vector_load %arg11[%get3A_169, %get3A_170] {strides = array<i32>} : memref<200x64xf32, #tpu.memory_space<vmem>>, vector<1x16xf32>,
      %get3A_172 = vector.shape_cast %get3A_171 : vector<1x16xf32> to vector<16xf32>
      %add3A_173 = arith.addf %get3A_168, %get3A_172 : vector<16xf32>
      %add3A_174 = arith.constant 0 : i32
      %add3A_175 = arith.addi %mul3A_163, %add3A_174 : i32
      %swap3A = arith.index_cast %add3A_175 : i32 to index
      %swap3A_176 = tpu.vector_load %arg10[%swap3A] {strides = array<i32>} : memref<12800xf32, #tpu.memory_space<vmem>>, vector<16xf32>,
      %swap3A_177 = vector.shape_cast %swap3A_176 : vector<16xf32> to vector<16xf32>
      %swap3A_178 = vector.shape_cast %add3A_173 : vector<16xf32> to vector<16xf32>
      tpu.vector_store %arg10[%swap3A], %swap3A_178 {strides = array<i32>} : memref<12800xf32, #tpu.memory_space<vmem>>, vector<16xf32>,
      %get3A_179 = arith.constant 0 : i32
      %get3A_180 = arith.index_cast %get3A_179 : i32 to index
      %get3A_181 = arith.index_cast %scan3A_161 : i32 to index
      %get3A_182 = arith.constant 16 : index
      %get3A_183 = tpu.vector_load %arg8[%get3A_180, %get3A_181, %get3A_182] {strides = array<i32>} : memref<1x200x64xf32, #tpu.memory_space<vmem>>, vector<1x1x16xf32>,
      %get3A_184 = vector.shape_cast %get3A_183 : vector<1x1x16xf32> to vector<16xf32>
      %get3A_185 = arith.index_cast %scan3A_161 : i32 to index
      %get3A_186 = arith.constant 16 : index
      %get3A_187 = tpu.vector_load %arg11[%get3A_185, %get3A_186] {strides = array<i32>} : memref<200x64xf32, #tpu.memory_space<vmem>>, vector<1x16xf32>,
      %get3A_188 = vector.shape_cast %get3A_187 : vector<1x16xf32> to vector<16xf32>
      %add3A_189 = arith.addf %get3A_184, %get3A_188 : vector<16xf32>
      %add3A_190 = arith.constant 16 : i32
      %add3A_191 = arith.addi %mul3A_163, %add3A_190 : i32
      %swap3A_192 = arith.index_cast %add3A_191 : i32 to index
      %swap3A_193 = tpu.vector_load %arg10[%swap3A_192] {strides = array<i32>} : memref<12800xf32, #tpu.memory_space<vmem>>, vector<16xf32>,
      %swap3A_194 = vector.shape_cast %swap3A_193 : vector<16xf32> to vector<16xf32>
      %swap3A_195 = vector.shape_cast %add3A_189 : vector<16xf32> to vector<16xf32>
      tpu.vector_store %arg10[%swap3A_192], %swap3A_195 {strides = array<i32>} : memref<12800xf32, #tpu.memory_space<vmem>>, vector<16xf32>,
      %get3A_196 = arith.constant 0 : i32
      %get3A_197 = arith.index_cast %get3A_196 : i32 to index
      %get3A_198 = arith.index_cast %scan3A_161 : i32 to index
      %get3A_199 = arith.constant 32 : index
      %get3A_200 = tpu.vector_load %arg8[%get3A_197, %get3A_198, %get3A_199] {strides = array<i32>} : memref<1x200x64xf32, #tpu.memory_space<vmem>>, vector<1x1x16xf32>,
      %get3A_201 = vector.shape_cast %get3A_200 : vector<1x1x16xf32> to vector<16xf32>
      %get3A_202 = arith.index_cast %scan3A_161 : i32 to index
      %get3A_203 = arith.constant 32 : index
      %get3A_204 = tpu.vector_load %arg11[%get3A_202, %get3A_203] {strides = array<i32>} : memref<200x64xf32, #tpu.memory_space<vmem>>, vector<1x16xf32>,
      %get3A_205 = vector.shape_cast %get3A_204 : vector<1x16xf32> to vector<16xf32>
      %add3A_206 = arith.addf %get3A_201, %get3A_205 : vector<16xf32>
      %add3A_207 = arith.constant 32 : i32
      %add3A_208 = arith.addi %mul3A_163, %add3A_207 : i32
      %swap3A_209 = arith.index_cast %add3A_208 : i32 to index
      %swap3A_210 = tpu.vector_load %arg10[%swap3A_209] {strides = array<i32>} : memref<12800xf32, #tpu.memory_space<vmem>>, vector<16xf32>,
      %swap3A_211 = vector.shape_cast %swap3A_210 : vector<16xf32> to vector<16xf32>
      %swap3A_212 = vector.shape_cast %add3A_206 : vector<16xf32> to vector<16xf32>
      tpu.vector_store %arg10[%swap3A_209], %swap3A_212 {strides = array<i32>} : memref<12800xf32, #tpu.memory_space<vmem>>, vector<16xf32>,
      %get3A_213 = arith.constant 0 : i32
      %get3A_214 = arith.index_cast %get3A_213 : i32 to index
      %get3A_215 = arith.index_cast %scan3A_161 : i32 to index
      %get3A_216 = arith.constant 48 : index
      %get3A_217 = tpu.vector_load %arg8[%get3A_214, %get3A_215, %get3A_216] {strides = array<i32>} : memref<1x200x64xf32, #tpu.memory_space<vmem>>, vector<1x1x16xf32>,
      %get3A_218 = vector.shape_cast %get3A_217 : vector<1x1x16xf32> to vector<16xf32>
      %get3A_219 = arith.index_cast %scan3A_161 : i32 to index
      %get3A_220 = arith.constant 48 : index
      %get3A_221 = tpu.vector_load %arg11[%get3A_219, %get3A_220] {strides = array<i32>} : memref<200x64xf32, #tpu.memory_space<vmem>>, vector<1x16xf32>,
      %get3A_222 = vector.shape_cast %get3A_221 : vector<1x16xf32> to vector<16xf32>
      %add3A_223 = arith.addf %get3A_218, %get3A_222 : vector<16xf32>
      %add3A_224 = arith.constant 48 : i32
      %add3A_225 = arith.addi %mul3A_163, %add3A_224 : i32
      %swap3A_226 = arith.index_cast %add3A_225 : i32 to index
      %swap3A_227 = tpu.vector_load %arg10[%swap3A_226] {strides = array<i32>} : memref<12800xf32, #tpu.memory_space<vmem>>, vector<16xf32>,
      %swap3A_228 = vector.shape_cast %swap3A_227 : vector<16xf32> to vector<16xf32>
      %swap3A_229 = vector.shape_cast %add3A_223 : vector<16xf32> to vector<16xf32>
      tpu.vector_store %arg10[%swap3A_226], %swap3A_229 {strides = array<i32>} : memref<12800xf32, #tpu.memory_space<vmem>>, vector<16xf32>,
      %scan3A_230 = arith.constant 1 : i32
      %scan3A_231 = arith.addi %scan3A_161, %scan3A_230 : i32
      %mul3A_232 = arith.constant 64 : i32
      %mul3A_233 = arith.muli %scan3A_231, %mul3A_232 : i32
      %get3A_234 = arith.constant 0 : i32
      %get3A_235 = arith.index_cast %get3A_234 : i32 to index
      %get3A_236 = arith.index_cast %scan3A_231 : i32 to index
      %get3A_237 = arith.constant 0 : index
      %get3A_238 = tpu.vector_load %arg8[%get3A_235, %get3A_236, %get3A_237] {strides = array<i32>} : memref<1x200x64xf32, #tpu.memory_space<vmem>>, vector<1x1x16xf32>,
      %get3A_239 = vector.shape_cast %get3A_238 : vector<1x1x16xf32> to vector<16xf32>
      %get3A_240 = arith.index_cast %scan3A_231 : i32 to index
      %get3A_241 = arith.constant 0 : index
      %get3A_242 = tpu.vector_load %arg11[%get3A_240, %get3A_241] {strides = array<i32>} : memref<200x64xf32, #tpu.memory_space<vmem>>, vector<1x16xf32>,
      %get3A_243 = vector.shape_cast %get3A_242 : vector<1x16xf32> to vector<16xf32>
      %add3A_244 = arith.addf %get3A_239, %get3A_243 : vector<16xf32>
      %add3A_245 = arith.constant 0 : i32
      %add3A_246 = arith.addi %mul3A_233, %add3A_245 : i32
      %swap3A_247 = arith.index_cast %add3A_246 : i32 to index
      %swap3A_248 = tpu.vector_load %arg10[%swap3A_247] {strides = array<i32>} : memref<12800xf32, #tpu.memory_space<vmem>>, vector<16xf32>,
      %swap3A_249 = vector.shape_cast %swap3A_248 : vector<16xf32> to vector<16xf32>
      %swap3A_250 = vector.shape_cast %add3A_244 : vector<16xf32> to vector<16xf32>
      tpu.vector_store %arg10[%swap3A_247], %swap3A_250 {strides = array<i32>} : memref<12800xf32, #tpu.memory_space<vmem>>, vector<16xf32>,
      %get3A_251 = arith.constant 0 : i32
      %get3A_252 = arith.index_cast %get3A_251 : i32 to index
      %get3A_253 = arith.index_cast %scan3A_231 : i32 to index
      %get3A_254 = arith.constant 16 : index
      %get3A_255 = tpu.vector_load %arg8[%get3A_252, %get3A_253, %get3A_254] {strides = array<i32>} : memref<1x200x64xf32, #tpu.memory_space<vmem>>, vector<1x1x16xf32>,
      %get3A_256 = vector.shape_cast %get3A_255 : vector<1x1x16xf32> to vector<16xf32>
      %get3A_257 = arith.index_cast %scan3A_231 : i32 to index
      %get3A_258 = arith.constant 16 : index
      %get3A_259 = tpu.vector_load %arg11[%get3A_257, %get3A_258] {strides = array<i32>} : memref<200x64xf32, #tpu.memory_space<vmem>>, vector<1x16xf32>,
      %get3A_260 = vector.shape_cast %get3A_259 : vector<1x16xf32> to vector<16xf32>
      %add3A_261 = arith.addf %get3A_256, %get3A_260 : vector<16xf32>
      %add3A_262 = arith.constant 16 : i32
      %add3A_263 = arith.addi %mul3A_233, %add3A_262 : i32
      %swap3A_264 = arith.index_cast %add3A_263 : i32 to index
      %swap3A_265 = tpu.vector_load %arg10[%swap3A_264] {strides = array<i32>} : memref<12800xf32, #tpu.memory_space<vmem>>, vector<16xf32>,
      %swap3A_266 = vector.shape_cast %swap3A_265 : vector<16xf32> to vector<16xf32>
      %swap3A_267 = vector.shape_cast %add3A_261 : vector<16xf32> to vector<16xf32>
      tpu.vector_store %arg10[%swap3A_264], %swap3A_267 {strides = array<i32>} : memref<12800xf32, #tpu.memory_space<vmem>>, vector<16xf32>,
      %get3A_268 = arith.constant 0 : i32
      %get3A_269 = arith.index_cast %get3A_268 : i32 to index
      %get3A_270 = arith.index_cast %scan3A_231 : i32 to index
      %get3A_271 = arith.constant 32 : index
      %get3A_272 = tpu.vector_load %arg8[%get3A_269, %get3A_270, %get3A_271] {strides = array<i32>} : memref<1x200x64xf32, #tpu.memory_space<vmem>>, vector<1x1x16xf32>,
      %get3A_273 = vector.shape_cast %get3A_272 : vector<1x1x16xf32> to vector<16xf32>
      %get3A_274 = arith.index_cast %scan3A_231 : i32 to index
      %get3A_275 = arith.constant 32 : index
      %get3A_276 = tpu.vector_load %arg11[%get3A_274, %get3A_275] {strides = array<i32>} : memref<200x64xf32, #tpu.memory_space<vmem>>, vector<1x16xf32>,
      %get3A_277 = vector.shape_cast %get3A_276 : vector<1x16xf32> to vector<16xf32>
      %add3A_278 = arith.addf %get3A_273, %get3A_277 : vector<16xf32>
      %add3A_279 = arith.constant 32 : i32
      %add3A_280 = arith.addi %mul3A_233, %add3A_279 : i32
      %swap3A_281 = arith.index_cast %add3A_280 : i32 to index
      %swap3A_282 = tpu.vector_load %arg10[%swap3A_281] {strides = array<i32>} : memref<12800xf32, #tpu.memory_space<vmem>>, vector<16xf32>,
      %swap3A_283 = vector.shape_cast %swap3A_282 : vector<16xf32> to vector<16xf32>
      %swap3A_284 = vector.shape_cast %add3A_278 : vector<16xf32> to vector<16xf32>
      tpu.vector_store %arg10[%swap3A_281], %swap3A_284 {strides = array<i32>} : memref<12800xf32, #tpu.memory_space<vmem>>, vector<16xf32>,
      %get3A_285 = arith.constant 0 : i32
      %get3A_286 = arith.index_cast %get3A_285 : i32 to index
      %get3A_287 = arith.index_cast %scan3A_231 : i32 to index
      %get3A_288 = arith.constant 48 : index
      %get3A_289 = tpu.vector_load %arg8[%get3A_286, %get3A_287, %get3A_288] {strides = array<i32>} : memref<1x200x64xf32, #tpu.memory_space<vmem>>, vector<1x1x16xf32>,
      %get3A_290 = vector.shape_cast %get3A_289 : vector<1x1x16xf32> to vector<16xf32>
      %get3A_291 = arith.index_cast %scan3A_231 : i32 to index
      %get3A_292 = arith.constant 48 : index
      %get3A_293 = tpu.vector_load %arg11[%get3A_291, %get3A_292] {strides = array<i32>} : memref<200x64xf32, #tpu.memory_space<vmem>>, vector<1x16xf32>,
      %get3A_294 = vector.shape_cast %get3A_293 : vector<1x16xf32> to vector<16xf32>
      %add3A_295 = arith.addf %get3A_290, %get3A_294 : vector<16xf32>
      %add3A_296 = arith.constant 48 : i32
      %add3A_297 = arith.addi %mul3A_233, %add3A_296 : i32
      %swap3A_298 = arith.index_cast %add3A_297 : i32 to index
      %swap3A_299 = tpu.vector_load %arg10[%swap3A_298] {strides = array<i32>} : memref<12800xf32, #tpu.memory_space<vmem>>, vector<16xf32>,
      %swap3A_300 = vector.shape_cast %swap3A_299 : vector<16xf32> to vector<16xf32>
      %swap3A_301 = vector.shape_cast %add3A_295 : vector<16xf32> to vector<16xf32>
      tpu.vector_store %arg10[%swap3A_298], %swap3A_301 {strides = array<i32>} : memref<12800xf32, #tpu.memory_space<vmem>>, vector<16xf32>,
      %scan3A_302 = arith.constant 2 : i32
      %scan3A_303 = arith.addi %scan3A_161, %scan3A_302 : i32
      %mul3A_304 = arith.constant 64 : i32
      %mul3A_305 = arith.muli %scan3A_303, %mul3A_304 : i32
      %get3A_306 = arith.constant 0 : i32
      %get3A_307 = arith.index_cast %get3A_306 : i32 to index
      %get3A_308 = arith.index_cast %scan3A_303 : i32 to index
      %get3A_309 = arith.constant 0 : index
      %get3A_310 = tpu.vector_load %arg8[%get3A_307, %get3A_308, %get3A_309] {strides = array<i32>} : memref<1x200x64xf32, #tpu.memory_space<vmem>>, vector<1x1x16xf32>,
      %get3A_311 = vector.shape_cast %get3A_310 : vector<1x1x16xf32> to vector<16xf32>
      %get3A_312 = arith.index_cast %scan3A_303 : i32 to index
      %get3A_313 = arith.constant 0 : index
      %get3A_314 = tpu.vector_load %arg11[%get3A_312, %get3A_313] {strides = array<i32>} : memref<200x64xf32, #tpu.memory_space<vmem>>, vector<1x16xf32>,
      %get3A_315 = vector.shape_cast %get3A_314 : vector<1x16xf32> to vector<16xf32>
      %add3A_316 = arith.addf %get3A_311, %get3A_315 : vector<16xf32>
      %add3A_317 = arith.constant 0 : i32
      %add3A_318 = arith.addi %mul3A_305, %add3A_317 : i32
      %swap3A_319 = arith.index_cast %add3A_318 : i32 to index
      %swap3A_320 = tpu.vector_load %arg10[%swap3A_319] {strides = array<i32>} : memref<12800xf32, #tpu.memory_space<vmem>>, vector<16xf32>,
      %swap3A_321 = vector.shape_cast %swap3A_320 : vector<16xf32> to vector<16xf32>
      %swap3A_322 = vector.shape_cast %add3A_316 : vector<16xf32> to vector<16xf32>
      tpu.vector_store %arg10[%swap3A_319], %swap3A_322 {strides = array<i32>} : memref<12800xf32, #tpu.memory_space<vmem>>, vector<16xf32>,
      %get3A_323 = arith.constant 0 : i32
      %get3A_324 = arith.index_cast %get3A_323 : i32 to index
      %get3A_325 = arith.index_cast %scan3A_303 : i32 to index
      %get3A_326 = arith.constant 16 : index
      %get3A_327 = tpu.vector_load %arg8[%get3A_324, %get3A_325, %get3A_326] {strides = array<i32>} : memref<1x200x64xf32, #tpu.memory_space<vmem>>, vector<1x1x16xf32>,
      %get3A_328 = vector.shape_cast %get3A_327 : vector<1x1x16xf32> to vector<16xf32>
      %get3A_329 = arith.index_cast %scan3A_303 : i32 to index
      %get3A_330 = arith.constant 16 : index
      %get3A_331 = tpu.vector_load %arg11[%get3A_329, %get3A_330] {strides = array<i32>} : memref<200x64xf32, #tpu.memory_space<vmem>>, vector<1x16xf32>,
      %get3A_332 = vector.shape_cast %get3A_331 : vector<1x16xf32> to vector<16xf32>
      %add3A_333 = arith.addf %get3A_328, %get3A_332 : vector<16xf32>
      %add3A_334 = arith.constant 16 : i32
      %add3A_335 = arith.addi %mul3A_305, %add3A_334 : i32
      %swap3A_336 = arith.index_cast %add3A_335 : i32 to index
      %swap3A_337 = tpu.vector_load %arg10[%swap3A_336] {strides = array<i32>} : memref<12800xf32, #tpu.memory_space<vmem>>, vector<16xf32>,
      %swap3A_338 = vector.shape_cast %swap3A_337 : vector<16xf32> to vector<16xf32>
      %swap3A_339 = vector.shape_cast %add3A_333 : vector<16xf32> to vector<16xf32>
      tpu.vector_store %arg10[%swap3A_336], %swap3A_339 {strides = array<i32>} : memref<12800xf32, #tpu.memory_space<vmem>>, vector<16xf32>,
      %get3A_340 = arith.constant 0 : i32
      %get3A_341 = arith.index_cast %get3A_340 : i32 to index
      %get3A_342 = arith.index_cast %scan3A_303 : i32 to index
      %get3A_343 = arith.constant 32 : index
      %get3A_344 = tpu.vector_load %arg8[%get3A_341, %get3A_342, %get3A_343] {strides = array<i32>} : memref<1x200x64xf32, #tpu.memory_space<vmem>>, vector<1x1x16xf32>,
      %get3A_345 = vector.shape_cast %get3A_344 : vector<1x1x16xf32> to vector<16xf32>
      %get3A_346 = arith.index_cast %scan3A_303 : i32 to index
      %get3A_347 = arith.constant 32 : index
      %get3A_348 = tpu.vector_load %arg11[%get3A_346, %get3A_347] {strides = array<i32>} : memref<200x64xf32, #tpu.memory_space<vmem>>, vector<1x16xf32>,
      %get3A_349 = vector.shape_cast %get3A_348 : vector<1x16xf32> to vector<16xf32>
      %add3A_350 = arith.addf %get3A_345, %get3A_349 : vector<16xf32>
      %add3A_351 = arith.constant 32 : i32
      %add3A_352 = arith.addi %mul3A_305, %add3A_351 : i32
      %swap3A_353 = arith.index_cast %add3A_352 : i32 to index
      %swap3A_354 = tpu.vector_load %arg10[%swap3A_353] {strides = array<i32>} : memref<12800xf32, #tpu.memory_space<vmem>>, vector<16xf32>,
      %swap3A_355 = vector.shape_cast %swap3A_354 : vector<16xf32> to vector<16xf32>
      %swap3A_356 = vector.shape_cast %add3A_350 : vector<16xf32> to vector<16xf32>
      tpu.vector_store %arg10[%swap3A_353], %swap3A_356 {strides = array<i32>} : memref<12800xf32, #tpu.memory_space<vmem>>, vector<16xf32>,
      %get3A_357 = arith.constant 0 : i32
      %get3A_358 = arith.index_cast %get3A_357 : i32 to index
      %get3A_359 = arith.index_cast %scan3A_303 : i32 to index
      %get3A_360 = arith.constant 48 : index
      %get3A_361 = tpu.vector_load %arg8[%get3A_358, %get3A_359, %get3A_360] {strides = array<i32>} : memref<1x200x64xf32, #tpu.memory_space<vmem>>, vector<1x1x16xf32>,
      %get3A_362 = vector.shape_cast %get3A_361 : vector<1x1x16xf32> to vector<16xf32>
      %get3A_363 = arith.index_cast %scan3A_303 : i32 to index
      %get3A_364 = arith.constant 48 : index
      %get3A_365 = tpu.vector_load %arg11[%get3A_363, %get3A_364] {strides = array<i32>} : memref<200x64xf32, #tpu.memory_space<vmem>>, vector<1x16xf32>,
      %get3A_366 = vector.shape_cast %get3A_365 : vector<1x16xf32> to vector<16xf32>
      %add3A_367 = arith.addf %get3A_362, %get3A_366 : vector<16xf32>
      %add3A_368 = arith.constant 48 : i32
      %add3A_369 = arith.addi %mul3A_305, %add3A_368 : i32
      %swap3A_370 = arith.index_cast %add3A_369 : i32 to index
      %swap3A_371 = tpu.vector_load %arg10[%swap3A_370] {strides = array<i32>} : memref<12800xf32, #tpu.memory_space<vmem>>, vector<16xf32>,
      %swap3A_372 = vector.shape_cast %swap3A_371 : vector<16xf32> to vector<16xf32>
      %swap3A_373 = vector.shape_cast %add3A_367 : vector<16xf32> to vector<16xf32>
      tpu.vector_store %arg10[%swap3A_370], %swap3A_373 {strides = array<i32>} : memref<12800xf32, #tpu.memory_space<vmem>>, vector<16xf32>,
      %scan3A_374 = arith.constant 3 : i32
      %scan3A_375 = arith.addi %scan3A_161, %scan3A_374 : i32
      %mul3A_376 = arith.constant 64 : i32
      %mul3A_377 = arith.muli %scan3A_375, %mul3A_376 : i32
      %get3A_378 = arith.constant 0 : i32
      %get3A_379 = arith.index_cast %get3A_378 : i32 to index
      %get3A_380 = arith.index_cast %scan3A_375 : i32 to index
      %get3A_381 = arith.constant 0 : index
      %get3A_382 = tpu.vector_load %arg8[%get3A_379, %get3A_380, %get3A_381] {strides = array<i32>} : memref<1x200x64xf32, #tpu.memory_space<vmem>>, vector<1x1x16xf32>,
      %get3A_383 = vector.shape_cast %get3A_382 : vector<1x1x16xf32> to vector<16xf32>
      %get3A_384 = arith.index_cast %scan3A_375 : i32 to index
      %get3A_385 = arith.constant 0 : index
      %get3A_386 = tpu.vector_load %arg11[%get3A_384, %get3A_385] {strides = array<i32>} : memref<200x64xf32, #tpu.memory_space<vmem>>, vector<1x16xf32>,
      %get3A_387 = vector.shape_cast %get3A_386 : vector<1x16xf32> to vector<16xf32>
      %add3A_388 = arith.addf %get3A_383, %get3A_387 : vector<16xf32>
      %add3A_389 = arith.constant 0 : i32
      %add3A_390 = arith.addi %mul3A_377, %add3A_389 : i32
      %swap3A_391 = arith.index_cast %add3A_390 : i32 to index
      %swap3A_392 = tpu.vector_load %arg10[%swap3A_391] {strides = array<i32>} : memref<12800xf32, #tpu.memory_space<vmem>>, vector<16xf32>,
      %swap3A_393 = vector.shape_cast %swap3A_392 : vector<16xf32> to vector<16xf32>
      %swap3A_394 = vector.shape_cast %add3A_388 : vector<16xf32> to vector<16xf32>
      tpu.vector_store %arg10[%swap3A_391], %swap3A_394 {strides = array<i32>} : memref<12800xf32, #tpu.memory_space<vmem>>, vector<16xf32>,
      %get3A_395 = arith.constant 0 : i32
      %get3A_396 = arith.index_cast %get3A_395 : i32 to index
      %get3A_397 = arith.index_cast %scan3A_375 : i32 to index
      %get3A_398 = arith.constant 16 : index
      %get3A_399 = tpu.vector_load %arg8[%get3A_396, %get3A_397, %get3A_398] {strides = array<i32>} : memref<1x200x64xf32, #tpu.memory_space<vmem>>, vector<1x1x16xf32>,
      %get3A_400 = vector.shape_cast %get3A_399 : vector<1x1x16xf32> to vector<16xf32>
      %get3A_401 = arith.index_cast %scan3A_375 : i32 to index
      %get3A_402 = arith.constant 16 : index
      %get3A_403 = tpu.vector_load %arg11[%get3A_401, %get3A_402] {strides = array<i32>} : memref<200x64xf32, #tpu.memory_space<vmem>>, vector<1x16xf32>,
      %get3A_404 = vector.shape_cast %get3A_403 : vector<1x16xf32> to vector<16xf32>
      %add3A_405 = arith.addf %get3A_400, %get3A_404 : vector<16xf32>
      %add3A_406 = arith.constant 16 : i32
      %add3A_407 = arith.addi %mul3A_377, %add3A_406 : i32
      %swap3A_408 = arith.index_cast %add3A_407 : i32 to index
      %swap3A_409 = tpu.vector_load %arg10[%swap3A_408] {strides = array<i32>} : memref<12800xf32, #tpu.memory_space<vmem>>, vector<16xf32>,
      %swap3A_410 = vector.shape_cast %swap3A_409 : vector<16xf32> to vector<16xf32>
      %swap3A_411 = vector.shape_cast %add3A_405 : vector<16xf32> to vector<16xf32>
      tpu.vector_store %arg10[%swap3A_408], %swap3A_411 {strides = array<i32>} : memref<12800xf32, #tpu.memory_space<vmem>>, vector<16xf32>,
      %get3A_412 = arith.constant 0 : i32
      %get3A_413 = arith.index_cast %get3A_412 : i32 to index
      %get3A_414 = arith.index_cast %scan3A_375 : i32 to index
      %get3A_415 = arith.constant 32 : index
      %get3A_416 = tpu.vector_load %arg8[%get3A_413, %get3A_414, %get3A_415] {strides = array<i32>} : memref<1x200x64xf32, #tpu.memory_space<vmem>>, vector<1x1x16xf32>,
      %get3A_417 = vector.shape_cast %get3A_416 : vector<1x1x16xf32> to vector<16xf32>
      %get3A_418 = arith.index_cast %scan3A_375 : i32 to index
      %get3A_419 = arith.constant 32 : index
      %get3A_420 = tpu.vector_load %arg11[%get3A_418, %get3A_419] {strides = array<i32>} : memref<200x64xf32, #tpu.memory_space<vmem>>, vector<1x16xf32>,
      %get3A_421 = vector.shape_cast %get3A_420 : vector<1x16xf32> to vector<16xf32>
      %add3A_422 = arith.addf %get3A_417, %get3A_421 : vector<16xf32>
      %add3A_423 = arith.constant 32 : i32
      %add3A_424 = arith.addi %mul3A_377, %add3A_423 : i32
      %swap3A_425 = arith.index_cast %add3A_424 : i32 to index
      %swap3A_426 = tpu.vector_load %arg10[%swap3A_425] {strides = array<i32>} : memref<12800xf32, #tpu.memory_space<vmem>>, vector<16xf32>,
      %swap3A_427 = vector.shape_cast %swap3A_426 : vector<16xf32> to vector<16xf32>
      %swap3A_428 = vector.shape_cast %add3A_422 : vector<16xf32> to vector<16xf32>
      tpu.vector_store %arg10[%swap3A_425], %swap3A_428 {strides = array<i32>} : memref<12800xf32, #tpu.memory_space<vmem>>, vector<16xf32>,
      %get3A_429 = arith.constant 0 : i32
      %get3A_430 = arith.index_cast %get3A_429 : i32 to index
      %get3A_431 = arith.index_cast %scan3A_375 : i32 to index
      %get3A_432 = arith.constant 48 : index
      %get3A_433 = tpu.vector_load %arg8[%get3A_430, %get3A_431, %get3A_432] {strides = array<i32>} : memref<1x200x64xf32, #tpu.memory_space<vmem>>, vector<1x1x16xf32>,
      %get3A_434 = vector.shape_cast %get3A_433 : vector<1x1x16xf32> to vector<16xf32>
      %get3A_435 = arith.index_cast %scan3A_375 : i32 to index
      %get3A_436 = arith.constant 48 : index
      %get3A_437 = tpu.vector_load %arg11[%get3A_435, %get3A_436] {strides = array<i32>} : memref<200x64xf32, #tpu.memory_space<vmem>>, vector<1x16xf32>,
      %get3A_438 = vector.shape_cast %get3A_437 : vector<1x16xf32> to vector<16xf32>
      %add3A_439 = arith.addf %get3A_434, %get3A_438 : vector<16xf32>
      %add3A_440 = arith.constant 48 : i32
      %add3A_441 = arith.addi %mul3A_377, %add3A_440 : i32
      %swap3A_442 = arith.index_cast %add3A_441 : i32 to index
      %swap3A_443 = tpu.vector_load %arg10[%swap3A_442] {strides = array<i32>} : memref<12800xf32, #tpu.memory_space<vmem>>, vector<16xf32>,
      %swap3A_444 = vector.shape_cast %swap3A_443 : vector<16xf32> to vector<16xf32>
      %swap3A_445 = vector.shape_cast %add3A_439 : vector<16xf32> to vector<16xf32>
      tpu.vector_store %arg10[%swap3A_442], %swap3A_445 {strides = array<i32>} : memref<12800xf32, #tpu.memory_space<vmem>>, vector<16xf32>,
      %scan3A_446 = arith.constant 4 : i32
      %scan3A_447 = arith.addi %scan3A_161, %scan3A_446 : i32
      %mul3A_448 = arith.constant 64 : i32
      %mul3A_449 = arith.muli %scan3A_447, %mul3A_448 : i32
      %get3A_450 = arith.constant 0 : i32
      %get3A_451 = arith.index_cast %get3A_450 : i32 to index
      %get3A_452 = arith.index_cast %scan3A_447 : i32 to index
      %get3A_453 = arith.constant 0 : index
      %get3A_454 = tpu.vector_load %arg8[%get3A_451, %get3A_452, %get3A_453] {strides = array<i32>} : memref<1x200x64xf32, #tpu.memory_space<vmem>>, vector<1x1x16xf32>,
      %get3A_455 = vector.shape_cast %get3A_454 : vector<1x1x16xf32> to vector<16xf32>
      %get3A_456 = arith.index_cast %scan3A_447 : i32 to index
      %get3A_457 = arith.constant 0 : index
      %get3A_458 = tpu.vector_load %arg11[%get3A_456, %get3A_457] {strides = array<i32>} : memref<200x64xf32, #tpu.memory_space<vmem>>, vector<1x16xf32>,
      %get3A_459 = vector.shape_cast %get3A_458 : vector<1x16xf32> to vector<16xf32>
      %add3A_460 = arith.addf %get3A_455, %get3A_459 : vector<16xf32>
      %add3A_461 = arith.constant 0 : i32
      %add3A_462 = arith.addi %mul3A_449, %add3A_461 : i32
      %swap3A_463 = arith.index_cast %add3A_462 : i32 to index
      %swap3A_464 = tpu.vector_load %arg10[%swap3A_463] {strides = array<i32>} : memref<12800xf32, #tpu.memory_space<vmem>>, vector<16xf32>,
      %swap3A_465 = vector.shape_cast %swap3A_464 : vector<16xf32> to vector<16xf32>
      %swap3A_466 = vector.shape_cast %add3A_460 : vector<16xf32> to vector<16xf32>
      tpu.vector_store %arg10[%swap3A_463], %swap3A_466 {strides = array<i32>} : memref<12800xf32, #tpu.memory_space<vmem>>, vector<16xf32>,
      %get3A_467 = arith.constant 0 : i32
      %get3A_468 = arith.index_cast %get3A_467 : i32 to index
      %get3A_469 = arith.index_cast %scan3A_447 : i32 to index
      %get3A_470 = arith.constant 16 : index
      %get3A_471 = tpu.vector_load %arg8[%get3A_468, %get3A_469, %get3A_470] {strides = array<i32>} : memref<1x200x64xf32, #tpu.memory_space<vmem>>, vector<1x1x16xf32>,
      %get3A_472 = vector.shape_cast %get3A_471 : vector<1x1x16xf32> to vector<16xf32>
      %get3A_473 = arith.index_cast %scan3A_447 : i32 to index
      %get3A_474 = arith.constant 16 : index
      %get3A_475 = tpu.vector_load %arg11[%get3A_473, %get3A_474] {strides = array<i32>} : memref<200x64xf32, #tpu.memory_space<vmem>>, vector<1x16xf32>,
      %get3A_476 = vector.shape_cast %get3A_475 : vector<1x16xf32> to vector<16xf32>
      %add3A_477 = arith.addf %get3A_472, %get3A_476 : vector<16xf32>
      %add3A_478 = arith.constant 16 : i32
      %add3A_479 = arith.addi %mul3A_449, %add3A_478 : i32
      %swap3A_480 = arith.index_cast %add3A_479 : i32 to index
      %swap3A_481 = tpu.vector_load %arg10[%swap3A_480] {strides = array<i32>} : memref<12800xf32, #tpu.memory_space<vmem>>, vector<16xf32>,
      %swap3A_482 = vector.shape_cast %swap3A_481 : vector<16xf32> to vector<16xf32>
      %swap3A_483 = vector.shape_cast %add3A_477 : vector<16xf32> to vector<16xf32>
      tpu.vector_store %arg10[%swap3A_480], %swap3A_483 {strides = array<i32>} : memref<12800xf32, #tpu.memory_space<vmem>>, vector<16xf32>,
      %get3A_484 = arith.constant 0 : i32
      %get3A_485 = arith.index_cast %get3A_484 : i32 to index
      %get3A_486 = arith.index_cast %scan3A_447 : i32 to index
      %get3A_487 = arith.constant 32 : index
      %get3A_488 = tpu.vector_load %arg8[%get3A_485, %get3A_486, %get3A_487] {strides = array<i32>} : memref<1x200x64xf32, #tpu.memory_space<vmem>>, vector<1x1x16xf32>,
      %get3A_489 = vector.shape_cast %get3A_488 : vector<1x1x16xf32> to vector<16xf32>
      %get3A_490 = arith.index_cast %scan3A_447 : i32 to index
      %get3A_491 = arith.constant 32 : index
      %get3A_492 = tpu.vector_load %arg11[%get3A_490, %get3A_491] {strides = array<i32>} : memref<200x64xf32, #tpu.memory_space<vmem>>, vector<1x16xf32>,
      %get3A_493 = vector.shape_cast %get3A_492 : vector<1x16xf32> to vector<16xf32>
      %add3A_494 = arith.addf %get3A_489, %get3A_493 : vector<16xf32>
      %add3A_495 = arith.constant 32 : i32
      %add3A_496 = arith.addi %mul3A_449, %add3A_495 : i32
      %swap3A_497 = arith.index_cast %add3A_496 : i32 to index
      %swap3A_498 = tpu.vector_load %arg10[%swap3A_497] {strides = array<i32>} : memref<12800xf32, #tpu.memory_space<vmem>>, vector<16xf32>,
      %swap3A_499 = vector.shape_cast %swap3A_498 : vector<16xf32> to vector<16xf32>
      %swap3A_500 = vector.shape_cast %add3A_494 : vector<16xf32> to vector<16xf32>
      tpu.vector_store %arg10[%swap3A_497], %swap3A_500 {strides = array<i32>} : memref<12800xf32, #tpu.memory_space<vmem>>, vector<16xf32>,
      %get3A_501 = arith.constant 0 : i32
      %get3A_502 = arith.index_cast %get3A_501 : i32 to index
      %get3A_503 = arith.index_cast %scan3A_447 : i32 to index
      %get3A_504 = arith.constant 48 : index
      %get3A_505 = tpu.vector_load %arg8[%get3A_502, %get3A_503, %get3A_504] {strides = array<i32>} : memref<1x200x64xf32, #tpu.memory_space<vmem>>, vector<1x1x16xf32>,
      %get3A_506 = vector.shape_cast %get3A_505 : vector<1x1x16xf32> to vector<16xf32>
      %get3A_507 = arith.index_cast %scan3A_447 : i32 to index
      %get3A_508 = arith.constant 48 : index
      %get3A_509 = tpu.vector_load %arg11[%get3A_507, %get3A_508] {strides = array<i32>} : memref<200x64xf32, #tpu.memory_space<vmem>>, vector<1x16xf32>,
      %get3A_510 = vector.shape_cast %get3A_509 : vector<1x16xf32> to vector<16xf32>
      %add3A_511 = arith.addf %get3A_506, %get3A_510 : vector<16xf32>
      %add3A_512 = arith.constant 48 : i32
      %add3A_513 = arith.addi %mul3A_449, %add3A_512 : i32
      %swap3A_514 = arith.index_cast %add3A_513 : i32 to index
      %swap3A_515 = tpu.vector_load %arg10[%swap3A_514] {strides = array<i32>} : memref<12800xf32, #tpu.memory_space<vmem>>, vector<16xf32>,
      %swap3A_516 = vector.shape_cast %swap3A_515 : vector<16xf32> to vector<16xf32>
      %swap3A_517 = vector.shape_cast %add3A_511 : vector<16xf32> to vector<16xf32>
      tpu.vector_store %arg10[%swap3A_514], %swap3A_517 {strides = array<i32>} : memref<12800xf32, #tpu.memory_space<vmem>>, vector<16xf32>,
      %scan3A_518 = arith.constant 5 : i32
      %scan3A_519 = arith.addi %scan3A_161, %scan3A_518 : i32
      %mul3A_520 = arith.constant 64 : i32
      %mul3A_521 = arith.muli %scan3A_519, %mul3A_520 : i32
      %get3A_522 = arith.constant 0 : i32
      %get3A_523 = arith.index_cast %get3A_522 : i32 to index
      %get3A_524 = arith.index_cast %scan3A_519 : i32 to index
      %get3A_525 = arith.constant 0 : index
      %get3A_526 = tpu.vector_load %arg8[%get3A_523, %get3A_524, %get3A_525] {strides = array<i32>} : memref<1x200x64xf32, #tpu.memory_space<vmem>>, vector<1x1x16xf32>,
      %get3A_527 = vector.shape_cast %get3A_526 : vector<1x1x16xf32> to vector<16xf32>
      %get3A_528 = arith.index_cast %scan3A_519 : i32 to index
      %get3A_529 = arith.constant 0 : index
      %get3A_530 = tpu.vector_load %arg11[%get3A_528, %get3A_529] {strides = array<i32>} : memref<200x64xf32, #tpu.memory_space<vmem>>, vector<1x16xf32>,
      %get3A_531 = vector.shape_cast %get3A_530 : vector<1x16xf32> to vector<16xf32>
      %add3A_532 = arith.addf %get3A_527, %get3A_531 : vector<16xf32>
      %add3A_533 = arith.constant 0 : i32
      %add3A_534 = arith.addi %mul3A_521, %add3A_533 : i32
      %swap3A_535 = arith.index_cast %add3A_534 : i32 to index
      %swap3A_536 = tpu.vector_load %arg10[%swap3A_535] {strides = array<i32>} : memref<12800xf32, #tpu.memory_space<vmem>>, vector<16xf32>,
      %swap3A_537 = vector.shape_cast %swap3A_536 : vector<16xf32> to vector<16xf32>
      %swap3A_538 = vector.shape_cast %add3A_532 : vector<16xf32> to vector<16xf32>
      tpu.vector_store %arg10[%swap3A_535], %swap3A_538 {strides = array<i32>} : memref<12800xf32, #tpu.memory_space<vmem>>, vector<16xf32>,
      %get3A_539 = arith.constant 0 : i32
      %get3A_540 = arith.index_cast %get3A_539 : i32 to index
      %get3A_541 = arith.index_cast %scan3A_519 : i32 to index
      %get3A_542 = arith.constant 16 : index
      %get3A_543 = tpu.vector_load %arg8[%get3A_540, %get3A_541, %get3A_542] {strides = array<i32>} : memref<1x200x64xf32, #tpu.memory_space<vmem>>, vector<1x1x16xf32>,
      %get3A_544 = vector.shape_cast %get3A_543 : vector<1x1x16xf32> to vector<16xf32>
      %get3A_545 = arith.index_cast %scan3A_519 : i32 to index
      %get3A_546 = arith.constant 16 : index
      %get3A_547 = tpu.vector_load %arg11[%get3A_545, %get3A_546] {strides = array<i32>} : memref<200x64xf32, #tpu.memory_space<vmem>>, vector<1x16xf32>,
      %get3A_548 = vector.shape_cast %get3A_547 : vector<1x16xf32> to vector<16xf32>
      %add3A_549 = arith.addf %get3A_544, %get3A_548 : vector<16xf32>
      %add3A_550 = arith.constant 16 : i32
      %add3A_551 = arith.addi %mul3A_521, %add3A_550 : i32
      %swap3A_552 = arith.index_cast %add3A_551 : i32 to index
      %swap3A_553 = tpu.vector_load %arg10[%swap3A_552] {strides = array<i32>} : memref<12800xf32, #tpu.memory_space<vmem>>, vector<16xf32>,
      %swap3A_554 = vector.shape_cast %swap3A_553 : vector<16xf32> to vector<16xf32>
      %swap3A_555 = vector.shape_cast %add3A_549 : vector<16xf32> to vector<16xf32>
      tpu.vector_store %arg10[%swap3A_552], %swap3A_555 {strides = array<i32>} : memref<12800xf32, #tpu.memory_space<vmem>>, vector<16xf32>,
      %get3A_556 = arith.constant 0 : i32
      %get3A_557 = arith.index_cast %get3A_556 : i32 to index
      %get3A_558 = arith.index_cast %scan3A_519 : i32 to index
      %get3A_559 = arith.constant 32 : index
      %get3A_560 = tpu.vector_load %arg8[%get3A_557, %get3A_558, %get3A_559] {strides = array<i32>} : memref<1x200x64xf32, #tpu.memory_space<vmem>>, vector<1x1x16xf32>,
      %get3A_561 = vector.shape_cast %get3A_560 : vector<1x1x16xf32> to vector<16xf32>
      %get3A_562 = arith.index_cast %scan3A_519 : i32 to index
      %get3A_563 = arith.constant 32 : index
      %get3A_564 = tpu.vector_load %arg11[%get3A_562, %get3A_563] {strides = array<i32>} : memref<200x64xf32, #tpu.memory_space<vmem>>, vector<1x16xf32>,
      %get3A_565 = vector.shape_cast %get3A_564 : vector<1x16xf32> to vector<16xf32>
      %add3A_566 = arith.addf %get3A_561, %get3A_565 : vector<16xf32>
      %add3A_567 = arith.constant 32 : i32
      %add3A_568 = arith.addi %mul3A_521, %add3A_567 : i32
      %swap3A_569 = arith.index_cast %add3A_568 : i32 to index
      %swap3A_570 = tpu.vector_load %arg10[%swap3A_569] {strides = array<i32>} : memref<12800xf32, #tpu.memory_space<vmem>>, vector<16xf32>,
      %swap3A_571 = vector.shape_cast %swap3A_570 : vector<16xf32> to vector<16xf32>
      %swap3A_572 = vector.shape_cast %add3A_566 : vector<16xf32> to vector<16xf32>
      tpu.vector_store %arg10[%swap3A_569], %swap3A_572 {strides = array<i32>} : memref<12800xf32, #tpu.memory_space<vmem>>, vector<16xf32>,
      %get3A_573 = arith.constant 0 : i32
      %get3A_574 = arith.index_cast %get3A_573 : i32 to index
      %get3A_575 = arith.index_cast %scan3A_519 : i32 to index
      %get3A_576 = arith.constant 48 : index
      %get3A_577 = tpu.vector_load %arg8[%get3A_574, %get3A_575, %get3A_576] {strides = array<i32>} : memref<1x200x64xf32, #tpu.memory_space<vmem>>, vector<1x1x16xf32>,
      %get3A_578 = vector.shape_cast %get3A_577 : vector<1x1x16xf32> to vector<16xf32>
      %get3A_579 = arith.index_cast %scan3A_519 : i32 to index
      %get3A_580 = arith.constant 48 : index
      %get3A_581 = tpu.vector_load %arg11[%get3A_579, %get3A_580] {strides = array<i32>} : memref<200x64xf32, #tpu.memory_space<vmem>>, vector<1x16xf32>,
      %get3A_582 = vector.shape_cast %get3A_581 : vector<1x16xf32> to vector<16xf32>
      %add3A_583 = arith.addf %get3A_578, %get3A_582 : vector<16xf32>
      %add3A_584 = arith.constant 48 : i32
      %add3A_585 = arith.addi %mul3A_521, %add3A_584 : i32
      %swap3A_586 = arith.index_cast %add3A_585 : i32 to index
      %swap3A_587 = tpu.vector_load %arg10[%swap3A_586] {strides = array<i32>} : memref<12800xf32, #tpu.memory_space<vmem>>, vector<16xf32>,
      %swap3A_588 = vector.shape_cast %swap3A_587 : vector<16xf32> to vector<16xf32>
      %swap3A_589 = vector.shape_cast %add3A_583 : vector<16xf32> to vector<16xf32>
      tpu.vector_store %arg10[%swap3A_586], %swap3A_589 {strides = array<i32>} : memref<12800xf32, #tpu.memory_space<vmem>>, vector<16xf32>,
      %scan3A_590 = arith.constant 6 : i32
      %scan3A_591 = arith.addi %scan3A_161, %scan3A_590 : i32
      %mul3A_592 = arith.constant 64 : i32
      %mul3A_593 = arith.muli %scan3A_591, %mul3A_592 : i32
      %get3A_594 = arith.constant 0 : i32
      %get3A_595 = arith.index_cast %get3A_594 : i32 to index
      %get3A_596 = arith.index_cast %scan3A_591 : i32 to index
      %get3A_597 = arith.constant 0 : index
      %get3A_598 = tpu.vector_load %arg8[%get3A_595, %get3A_596, %get3A_597] {strides = array<i32>} : memref<1x200x64xf32, #tpu.memory_space<vmem>>, vector<1x1x16xf32>,
      %get3A_599 = vector.shape_cast %get3A_598 : vector<1x1x16xf32> to vector<16xf32>
      %get3A_600 = arith.index_cast %scan3A_591 : i32 to index
      %get3A_601 = arith.constant 0 : index
      %get3A_602 = tpu.vector_load %arg11[%get3A_600, %get3A_601] {strides = array<i32>} : memref<200x64xf32, #tpu.memory_space<vmem>>, vector<1x16xf32>,
      %get3A_603 = vector.shape_cast %get3A_602 : vector<1x16xf32> to vector<16xf32>
      %add3A_604 = arith.addf %get3A_599, %get3A_603 : vector<16xf32>
      %add3A_605 = arith.constant 0 : i32
      %add3A_606 = arith.addi %mul3A_593, %add3A_605 : i32
      %swap3A_607 = arith.index_cast %add3A_606 : i32 to index
      %swap3A_608 = tpu.vector_load %arg10[%swap3A_607] {strides = array<i32>} : memref<12800xf32, #tpu.memory_space<vmem>>, vector<16xf32>,
      %swap3A_609 = vector.shape_cast %swap3A_608 : vector<16xf32> to vector<16xf32>
      %swap3A_610 = vector.shape_cast %add3A_604 : vector<16xf32> to vector<16xf32>
      tpu.vector_store %arg10[%swap3A_607], %swap3A_610 {strides = array<i32>} : memref<12800xf32, #tpu.memory_space<vmem>>, vector<16xf32>,
      %get3A_611 = arith.constant 0 : i32
      %get3A_612 = arith.index_cast %get3A_611 : i32 to index
      %get3A_613 = arith.index_cast %scan3A_591 : i32 to index
      %get3A_614 = arith.constant 16 : index
      %get3A_615 = tpu.vector_load %arg8[%get3A_612, %get3A_613, %get3A_614] {strides = array<i32>} : memref<1x200x64xf32, #tpu.memory_space<vmem>>, vector<1x1x16xf32>,
      %get3A_616 = vector.shape_cast %get3A_615 : vector<1x1x16xf32> to vector<16xf32>
      %get3A_617 = arith.index_cast %scan3A_591 : i32 to index
      %get3A_618 = arith.constant 16 : index
      %get3A_619 = tpu.vector_load %arg11[%get3A_617, %get3A_618] {strides = array<i32>} : memref<200x64xf32, #tpu.memory_space<vmem>>, vector<1x16xf32>,
      %get3A_620 = vector.shape_cast %get3A_619 : vector<1x16xf32> to vector<16xf32>
      %add3A_621 = arith.addf %get3A_616, %get3A_620 : vector<16xf32>
      %add3A_622 = arith.constant 16 : i32
      %add3A_623 = arith.addi %mul3A_593, %add3A_622 : i32
      %swap3A_624 = arith.index_cast %add3A_623 : i32 to index
      %swap3A_625 = tpu.vector_load %arg10[%swap3A_624] {strides = array<i32>} : memref<12800xf32, #tpu.memory_space<vmem>>, vector<16xf32>,
      %swap3A_626 = vector.shape_cast %swap3A_625 : vector<16xf32> to vector<16xf32>
      %swap3A_627 = vector.shape_cast %add3A_621 : vector<16xf32> to vector<16xf32>
      tpu.vector_store %arg10[%swap3A_624], %swap3A_627 {strides = array<i32>} : memref<12800xf32, #tpu.memory_space<vmem>>, vector<16xf32>,
      %get3A_628 = arith.constant 0 : i32
      %get3A_629 = arith.index_cast %get3A_628 : i32 to index
      %get3A_630 = arith.index_cast %scan3A_591 : i32 to index
      %get3A_631 = arith.constant 32 : index
      %get3A_632 = tpu.vector_load %arg8[%get3A_629, %get3A_630, %get3A_631] {strides = array<i32>} : memref<1x200x64xf32, #tpu.memory_space<vmem>>, vector<1x1x16xf32>,
      %get3A_633 = vector.shape_cast %get3A_632 : vector<1x1x16xf32> to vector<16xf32>
      %get3A_634 = arith.index_cast %scan3A_591 : i32 to index
      %get3A_635 = arith.constant 32 : index
      %get3A_636 = tpu.vector_load %arg11[%get3A_634, %get3A_635] {strides = array<i32>} : memref<200x64xf32, #tpu.memory_space<vmem>>, vector<1x16xf32>,
      %get3A_637 = vector.shape_cast %get3A_636 : vector<1x16xf32> to vector<16xf32>
      %add3A_638 = arith.addf %get3A_633, %get3A_637 : vector<16xf32>
      %add3A_639 = arith.constant 32 : i32
      %add3A_640 = arith.addi %mul3A_593, %add3A_639 : i32
      %swap3A_641 = arith.index_cast %add3A_640 : i32 to index
      %swap3A_642 = tpu.vector_load %arg10[%swap3A_641] {strides = array<i32>} : memref<12800xf32, #tpu.memory_space<vmem>>, vector<16xf32>,
      %swap3A_643 = vector.shape_cast %swap3A_642 : vector<16xf32> to vector<16xf32>
      %swap3A_644 = vector.shape_cast %add3A_638 : vector<16xf32> to vector<16xf32>
      tpu.vector_store %arg10[%swap3A_641], %swap3A_644 {strides = array<i32>} : memref<12800xf32, #tpu.memory_space<vmem>>, vector<16xf32>,
      %get3A_645 = arith.constant 0 : i32
      %get3A_646 = arith.index_cast %get3A_645 : i32 to index
      %get3A_647 = arith.index_cast %scan3A_591 : i32 to index
      %get3A_648 = arith.constant 48 : index
      %get3A_649 = tpu.vector_load %arg8[%get3A_646, %get3A_647, %get3A_648] {strides = array<i32>} : memref<1x200x64xf32, #tpu.memory_space<vmem>>, vector<1x1x16xf32>,
      %get3A_650 = vector.shape_cast %get3A_649 : vector<1x1x16xf32> to vector<16xf32>
      %get3A_651 = arith.index_cast %scan3A_591 : i32 to index
      %get3A_652 = arith.constant 48 : index
      %get3A_653 = tpu.vector_load %arg11[%get3A_651, %get3A_652] {strides = array<i32>} : memref<200x64xf32, #tpu.memory_space<vmem>>, vector<1x16xf32>,
      %get3A_654 = vector.shape_cast %get3A_653 : vector<1x16xf32> to vector<16xf32>
      %add3A_655 = arith.addf %get3A_650, %get3A_654 : vector<16xf32>
      %add3A_656 = arith.constant 48 : i32
      %add3A_657 = arith.addi %mul3A_593, %add3A_656 : i32
      %swap3A_658 = arith.index_cast %add3A_657 : i32 to index
      %swap3A_659 = tpu.vector_load %arg10[%swap3A_658] {strides = array<i32>} : memref<12800xf32, #tpu.memory_space<vmem>>, vector<16xf32>,
      %swap3A_660 = vector.shape_cast %swap3A_659 : vector<16xf32> to vector<16xf32>
      %swap3A_661 = vector.shape_cast %add3A_655 : vector<16xf32> to vector<16xf32>
      tpu.vector_store %arg10[%swap3A_658], %swap3A_661 {strides = array<i32>} : memref<12800xf32, #tpu.memory_space<vmem>>, vector<16xf32>,
      %scan3A_662 = arith.constant 7 : i32
      %scan3A_663 = arith.addi %scan3A_161, %scan3A_662 : i32
      %mul3A_664 = arith.constant 64 : i32
      %mul3A_665 = arith.muli %scan3A_663, %mul3A_664 : i32
      %get3A_666 = arith.constant 0 : i32
      %get3A_667 = arith.index_cast %get3A_666 : i32 to index
      %get3A_668 = arith.index_cast %scan3A_663 : i32 to index
      %get3A_669 = arith.constant 0 : index
      %get3A_670 = tpu.vector_load %arg8[%get3A_667, %get3A_668, %get3A_669] {strides = array<i32>} : memref<1x200x64xf32, #tpu.memory_space<vmem>>, vector<1x1x16xf32>,
      %get3A_671 = vector.shape_cast %get3A_670 : vector<1x1x16xf32> to vector<16xf32>
      %get3A_672 = arith.index_cast %scan3A_663 : i32 to index
      %get3A_673 = arith.constant 0 : index
      %get3A_674 = tpu.vector_load %arg11[%get3A_672, %get3A_673] {strides = array<i32>} : memref<200x64xf32, #tpu.memory_space<vmem>>, vector<1x16xf32>,
      %get3A_675 = vector.shape_cast %get3A_674 : vector<1x16xf32> to vector<16xf32>
      %add3A_676 = arith.addf %get3A_671, %get3A_675 : vector<16xf32>
      %add3A_677 = arith.constant 0 : i32
      %add3A_678 = arith.addi %mul3A_665, %add3A_677 : i32
      %swap3A_679 = arith.index_cast %add3A_678 : i32 to index
      %swap3A_680 = tpu.vector_load %arg10[%swap3A_679] {strides = array<i32>} : memref<12800xf32, #tpu.memory_space<vmem>>, vector<16xf32>,
      %swap3A_681 = vector.shape_cast %swap3A_680 : vector<16xf32> to vector<16xf32>
      %swap3A_682 = vector.shape_cast %add3A_676 : vector<16xf32> to vector<16xf32>
      tpu.vector_store %arg10[%swap3A_679], %swap3A_682 {strides = array<i32>} : memref<12800xf32, #tpu.memory_space<vmem>>, vector<16xf32>,
      %get3A_683 = arith.constant 0 : i32
      %get3A_684 = arith.index_cast %get3A_683 : i32 to index
      %get3A_685 = arith.index_cast %scan3A_663 : i32 to index
      %get3A_686 = arith.constant 16 : index
      %get3A_687 = tpu.vector_load %arg8[%get3A_684, %get3A_685, %get3A_686] {strides = array<i32>} : memref<1x200x64xf32, #tpu.memory_space<vmem>>, vector<1x1x16xf32>,
      %get3A_688 = vector.shape_cast %get3A_687 : vector<1x1x16xf32> to vector<16xf32>
      %get3A_689 = arith.index_cast %scan3A_663 : i32 to index
      %get3A_690 = arith.constant 16 : index
      %get3A_691 = tpu.vector_load %arg11[%get3A_689, %get3A_690] {strides = array<i32>} : memref<200x64xf32, #tpu.memory_space<vmem>>, vector<1x16xf32>,
      %get3A_692 = vector.shape_cast %get3A_691 : vector<1x16xf32> to vector<16xf32>
      %add3A_693 = arith.addf %get3A_688, %get3A_692 : vector<16xf32>
      %add3A_694 = arith.constant 16 : i32
      %add3A_695 = arith.addi %mul3A_665, %add3A_694 : i32
      %swap3A_696 = arith.index_cast %add3A_695 : i32 to index
      %swap3A_697 = tpu.vector_load %arg10[%swap3A_696] {strides = array<i32>} : memref<12800xf32, #tpu.memory_space<vmem>>, vector<16xf32>,
      %swap3A_698 = vector.shape_cast %swap3A_697 : vector<16xf32> to vector<16xf32>
      %swap3A_699 = vector.shape_cast %add3A_693 : vector<16xf32> to vector<16xf32>
      tpu.vector_store %arg10[%swap3A_696], %swap3A_699 {strides = array<i32>} : memref<12800xf32, #tpu.memory_space<vmem>>, vector<16xf32>,
      %get3A_700 = arith.constant 0 : i32
      %get3A_701 = arith.index_cast %get3A_700 : i32 to index
      %get3A_702 = arith.index_cast %scan3A_663 : i32 to index
      %get3A_703 = arith.constant 32 : index
      %get3A_704 = tpu.vector_load %arg8[%get3A_701, %get3A_702, %get3A_703] {strides = array<i32>} : memref<1x200x64xf32, #tpu.memory_space<vmem>>, vector<1x1x16xf32>,
      %get3A_705 = vector.shape_cast %get3A_704 : vector<1x1x16xf32> to vector<16xf32>
      %get3A_706 = arith.index_cast %scan3A_663 : i32 to index
      %get3A_707 = arith.constant 32 : index
      %get3A_708 = tpu.vector_load %arg11[%get3A_706, %get3A_707] {strides = array<i32>} : memref<200x64xf32, #tpu.memory_space<vmem>>, vector<1x16xf32>,
      %get3A_709 = vector.shape_cast %get3A_708 : vector<1x16xf32> to vector<16xf32>
      %add3A_710 = arith.addf %get3A_705, %get3A_709 : vector<16xf32>
      %add3A_711 = arith.constant 32 : i32
      %add3A_712 = arith.addi %mul3A_665, %add3A_711 : i32
      %swap3A_713 = arith.index_cast %add3A_712 : i32 to index
      %swap3A_714 = tpu.vector_load %arg10[%swap3A_713] {strides = array<i32>} : memref<12800xf32, #tpu.memory_space<vmem>>, vector<16xf32>,
      %swap3A_715 = vector.shape_cast %swap3A_714 : vector<16xf32> to vector<16xf32>
      %swap3A_716 = vector.shape_cast %add3A_710 : vector<16xf32> to vector<16xf32>
      tpu.vector_store %arg10[%swap3A_713], %swap3A_716 {strides = array<i32>} : memref<12800xf32, #tpu.memory_space<vmem>>, vector<16xf32>,
      %get3A_717 = arith.constant 0 : i32
      %get3A_718 = arith.index_cast %get3A_717 : i32 to index
      %get3A_719 = arith.index_cast %scan3A_663 : i32 to index
      %get3A_720 = arith.constant 48 : index
      %get3A_721 = tpu.vector_load %arg8[%get3A_718, %get3A_719, %get3A_720] {strides = array<i32>} : memref<1x200x64xf32, #tpu.memory_space<vmem>>, vector<1x1x16xf32>,
      %get3A_722 = vector.shape_cast %get3A_721 : vector<1x1x16xf32> to vector<16xf32>
      %get3A_723 = arith.index_cast %scan3A_663 : i32 to index
      %get3A_724 = arith.constant 48 : index
      %get3A_725 = tpu.vector_load %arg11[%get3A_723, %get3A_724] {strides = array<i32>} : memref<200x64xf32, #tpu.memory_space<vmem>>, vector<1x16xf32>,
      %get3A_726 = vector.shape_cast %get3A_725 : vector<1x16xf32> to vector<16xf32>
      %add3A_727 = arith.addf %get3A_722, %get3A_726 : vector<16xf32>
      %add3A_728 = arith.constant 48 : i32
      %add3A_729 = arith.addi %mul3A_665, %add3A_728 : i32
      %swap3A_730 = arith.index_cast %add3A_729 : i32 to index
      %swap3A_731 = tpu.vector_load %arg10[%swap3A_730] {strides = array<i32>} : memref<12800xf32, #tpu.memory_space<vmem>>, vector<16xf32>,
      %swap3A_732 = vector.shape_cast %swap3A_731 : vector<16xf32> to vector<16xf32>
      %swap3A_733 = vector.shape_cast %add3A_727 : vector<16xf32> to vector<16xf32>
      tpu.vector_store %arg10[%swap3A_730], %swap3A_733 {strides = array<i32>} : memref<12800xf32, #tpu.memory_space<vmem>>, vector<16xf32>,
    }
    %scan3A_62 = arith.constant 200 : i32
    %add3A_63 = arith.constant 1 : i32
    %add3A_64 = arith.addi %mul3A_2, %add3A_63 : i32
    %dma_start3A_65 = arith.constant 0 : i32
    %dma_start3A_66 = tpu.memref_slice %arg5[%add3A_64, %dma_start3A_65] : memref<4096x12800xf32, #tpu.memory_space<hbm>> -> memref<1x12800xf32, #tpu.memory_space<hbm>>
    %dma_start3A_67 = tpu.memref_squeeze %dma_start3A_66 : memref<1x12800xf32, #tpu.memory_space<hbm>> -> memref<12800xf32, #tpu.memory_space<hbm>>
    %dma_start3A_68 = arith.constant 0 : i32
    %dma_start3A_69 = tpu.memref_slice %arg5[%add3A_64, %dma_start3A_68] : memref<4096x12800xf32, #tpu.memory_space<hbm>> -> memref<1x12800xf32, #tpu.memory_space<hbm>>
    %dma_start3A_70 = tpu.memref_squeeze %dma_start3A_69 : memref<1x12800xf32, #tpu.memory_space<hbm>> -> memref<12800xf32, #tpu.memory_space<hbm>>
    tpu.enqueue_dma source(%arg10 : memref<12800xf32, #tpu.memory_space<vmem>>) target(%dma_start3A_70 : memref<12800xf32, #tpu.memory_space<hbm>>) target_semaphore(%arg13 : memref<!tpu.dma_semaphore, #tpu.memory_space<semaphore_mem>>)
    %scan3A_71 = arith.constant 0 : i32
    %scan3A_72 = arith.constant 62 : i32
    %scan3A_73 = arith.addi %scan3A_71, %scan3A_72 : i32
    %scan3A_74 = arith.constant 1 : i32
    scf.for %scan3A_161 = %scan3A_71 to %scan3A_73 step %scan3A_74  : i32 {
      %mul3A_162 = arith.constant 2 : i32
      %mul3A_163 = arith.muli %mul3A_162, %scan3A_161 : i32
      %add3A_164 = arith.constant 2 : i32
      %add3A_165 = arith.addi %mul3A_163, %add3A_164 : i32
      %dma_wait3A_166 = arith.constant 0 : i32
      %dma_wait3A_167 = arith.constant 0 : i32
      %dma_wait3A_168 = tpu.memref_slice %arg6[%add3A_165, %dma_wait3A_166, %dma_wait3A_167] : memref<128x1x200xi32, #tpu.memory_space<vmem>> -> memref<1x1x200xi32, #tpu.memory_space<vmem>>
      %dma_wait3A_169 = tpu.memref_squeeze %dma_wait3A_168 : memref<1x1x200xi32, #tpu.memory_space<vmem>> -> memref<1x200xi32, #tpu.memory_space<vmem>>
      %dma_wait3A_170 = arith.constant 0 : i32
      %dma_wait3A_171 = arith.constant 0 : i32
      %dma_wait3A_172 = arith.constant 0 : i32
      %dma_wait3A_173 = tpu.memref_slice %arg3[%dma_wait3A_170, %dma_wait3A_171, %dma_wait3A_172] : memref<1x1000000x64xf32, #tpu.memory_space<hbm>> -> memref<1x1000000x64xf32, #tpu.memory_space<hbm>>
      tpu.wait_indirect_dma semaphore(%arg12 : memref<!tpu.dma_semaphore, #tpu.memory_space<semaphore_mem>>) src(%dma_wait3A_173 : memref<1x1000000x64xf32, #tpu.memory_space<hbm>>) dst(%arg7 : memref<1x200x64xf32, #tpu.memory_space<vmem>>)
      %add3A_174 = arith.constant 1 : i32
      %add3A_175 = arith.addi %add3A_165, %add3A_174 : i32
      %dma_start3A_176 = arith.constant 0 : i32
      %dma_start3A_177 = arith.constant 0 : i32
      %dma_start3A_178 = tpu.memref_slice %arg6[%add3A_175, %dma_start3A_176, %dma_start3A_177] : memref<128x1x200xi32, #tpu.memory_space<vmem>> -> memref<1x1x200xi32, #tpu.memory_space<vmem>>
      %dma_start3A_179 = tpu.memref_squeeze %dma_start3A_178 : memref<1x1x200xi32, #tpu.memory_space<vmem>> -> memref<1x200xi32, #tpu.memory_space<vmem>>
      %dma_start3A_180 = arith.constant 0 : i32
      %dma_start3A_181 = arith.constant 0 : i32
      %dma_start3A_182 = arith.constant 0 : i32
      %dma_start3A_183 = tpu.memref_slice %arg3[%dma_start3A_180, %dma_start3A_181, %dma_start3A_182] : memref<1x1000000x64xf32, #tpu.memory_space<hbm>> -> memref<1x1000000x64xf32, #tpu.memory_space<hbm>>
      tpu.enqueue_indirect_dma source(%dma_start3A_183 : memref<1x1000000x64xf32, #tpu.memory_space<hbm>>) target(%arg8 : memref<1x200x64xf32, #tpu.memory_space<vmem>>) offsets(%dma_start3A_179 : memref<1x200xi32, #tpu.memory_space<vmem>>) semaphore(%arg12 : memref<!tpu.dma_semaphore, #tpu.memory_space<semaphore_mem>>)
      %sub3A = arith.constant 2 : i32
      %sub3A_184 = arith.subi %add3A_165, %sub3A : i32
      %add3A_185 = arith.addi %mul3A_2, %sub3A_184 : i32
      %dma_wait3A_186 = arith.constant 0 : i32
      %dma_wait3A_187 = tpu.memref_slice %arg5[%add3A_185, %dma_wait3A_186] : memref<4096x12800xf32, #tpu.memory_space<hbm>> -> memref<1x12800xf32, #tpu.memory_space<hbm>>
      %dma_wait3A_188 = tpu.memref_squeeze %dma_wait3A_187 : memref<1x12800xf32, #tpu.memory_space<hbm>> -> memref<12800xf32, #tpu.memory_space<hbm>>
      %dma_wait3A_189 = arith.constant 0 : i32
      %dma_wait3A_190 = tpu.memref_slice %arg5[%add3A_185, %dma_wait3A_189] : memref<4096x12800xf32, #tpu.memory_space<hbm>> -> memref<1x12800xf32, #tpu.memory_space<hbm>>
      %dma_wait3A_191 = tpu.memref_squeeze %dma_wait3A_190 : memref<1x12800xf32, #tpu.memory_space<hbm>> -> memref<12800xf32, #tpu.memory_space<hbm>>
      tpu.wait_dma2 semaphore(%arg13 : memref<!tpu.dma_semaphore, #tpu.memory_space<semaphore_mem>>) src(%arg9 : memref<12800xf32, #tpu.memory_space<vmem>>) dst(%dma_wait3A_191 : memref<12800xf32, #tpu.memory_space<hbm>>)
      %scan3A_192 = arith.constant 0 : i32
      %scan3A_193 = arith.constant 200 : i32
      %scan3A_194 = arith.addi %scan3A_192, %scan3A_193 : i32
      %scan3A_195 = arith.constant 8 : i32
      scf.for %scan3A_245 = %scan3A_192 to %scan3A_194 step %scan3A_195  : i32 {
        %mul3A_246 = arith.constant 64 : i32
        %mul3A_247 = arith.muli %scan3A_245, %mul3A_246 : i32
        %get3A = arith.constant 0 : i32
        %get3A_248 = arith.index_cast %get3A : i32 to index
        %get3A_249 = arith.index_cast %scan3A_245 : i32 to index
        %get3A_250 = arith.constant 0 : index
        %get3A_251 = tpu.vector_load %arg7[%get3A_248, %get3A_249, %get3A_250] {strides = array<i32>} : memref<1x200x64xf32, #tpu.memory_space<vmem>>, vector<1x1x16xf32>,
        %get3A_252 = vector.shape_cast %get3A_251 : vector<1x1x16xf32> to vector<16xf32>
        %get3A_253 = arith.index_cast %scan3A_245 : i32 to index
        %get3A_254 = arith.constant 0 : index
        %get3A_255 = tpu.vector_load %arg11[%get3A_253, %get3A_254] {strides = array<i32>} : memref<200x64xf32, #tpu.memory_space<vmem>>, vector<1x16xf32>,
        %get3A_256 = vector.shape_cast %get3A_255 : vector<1x16xf32> to vector<16xf32>
        %add3A_257 = arith.addf %get3A_252, %get3A_256 : vector<16xf32>
        %add3A_258 = arith.constant 0 : i32
        %add3A_259 = arith.addi %mul3A_247, %add3A_258 : i32
        %swap3A = arith.index_cast %add3A_259 : i32 to index
        %swap3A_260 = tpu.vector_load %arg9[%swap3A] {strides = array<i32>} : memref<12800xf32, #tpu.memory_space<vmem>>, vector<16xf32>,
        %swap3A_261 = vector.shape_cast %swap3A_260 : vector<16xf32> to vector<16xf32>
        %swap3A_262 = vector.shape_cast %add3A_257 : vector<16xf32> to vector<16xf32>
        tpu.vector_store %arg9[%swap3A], %swap3A_262 {strides = array<i32>} : memref<12800xf32, #tpu.memory_space<vmem>>, vector<16xf32>,
        %get3A_263 = arith.constant 0 : i32
        %get3A_264 = arith.index_cast %get3A_263 : i32 to index
        %get3A_265 = arith.index_cast %scan3A_245 : i32 to index
        %get3A_266 = arith.constant 16 : index
        %get3A_267 = tpu.vector_load %arg7[%get3A_264, %get3A_265, %get3A_266] {strides = array<i32>} : memref<1x200x64xf32, #tpu.memory_space<vmem>>, vector<1x1x16xf32>,
        %get3A_268 = vector.shape_cast %get3A_267 : vector<1x1x16xf32> to vector<16xf32>
        %get3A_269 = arith.index_cast %scan3A_245 : i32 to index
        %get3A_270 = arith.constant 16 : index
        %get3A_271 = tpu.vector_load %arg11[%get3A_269, %get3A_270] {strides = array<i32>} : memref<200x64xf32, #tpu.memory_space<vmem>>, vector<1x16xf32>,
        %get3A_272 = vector.shape_cast %get3A_271 : vector<1x16xf32> to vector<16xf32>
        %add3A_273 = arith.addf %get3A_268, %get3A_272 : vector<16xf32>
        %add3A_274 = arith.constant 16 : i32
        %add3A_275 = arith.addi %mul3A_247, %add3A_274 : i32
        %swap3A_276 = arith.index_cast %add3A_275 : i32 to index
        %swap3A_277 = tpu.vector_load %arg9[%swap3A_276] {strides = array<i32>} : memref<12800xf32, #tpu.memory_space<vmem>>, vector<16xf32>,
        %swap3A_278 = vector.shape_cast %swap3A_277 : vector<16xf32> to vector<16xf32>
        %swap3A_279 = vector.shape_cast %add3A_273 : vector<16xf32> to vector<16xf32>
        tpu.vector_store %arg9[%swap3A_276], %swap3A_279 {strides = array<i32>} : memref<12800xf32, #tpu.memory_space<vmem>>, vector<16xf32>,
        %get3A_280 = arith.constant 0 : i32
        %get3A_281 = arith.index_cast %get3A_280 : i32 to index
        %get3A_282 = arith.index_cast %scan3A_245 : i32 to index
        %get3A_283 = arith.constant 32 : index
        %get3A_284 = tpu.vector_load %arg7[%get3A_281, %get3A_282, %get3A_283] {strides = array<i32>} : memref<1x200x64xf32, #tpu.memory_space<vmem>>, vector<1x1x16xf32>,
        %get3A_285 = vector.shape_cast %get3A_284 : vector<1x1x16xf32> to vector<16xf32>
        %get3A_286 = arith.index_cast %scan3A_245 : i32 to index
        %get3A_287 = arith.constant 32 : index
        %get3A_288 = tpu.vector_load %arg11[%get3A_286, %get3A_287] {strides = array<i32>} : memref<200x64xf32, #tpu.memory_space<vmem>>, vector<1x16xf32>,
        %get3A_289 = vector.shape_cast %get3A_288 : vector<1x16xf32> to vector<16xf32>
        %add3A_290 = arith.addf %get3A_285, %get3A_289 : vector<16xf32>
        %add3A_291 = arith.constant 32 : i32
        %add3A_292 = arith.addi %mul3A_247, %add3A_291 : i32
        %swap3A_293 = arith.index_cast %add3A_292 : i32 to index
        %swap3A_294 = tpu.vector_load %arg9[%swap3A_293] {strides = array<i32>} : memref<12800xf32, #tpu.memory_space<vmem>>, vector<16xf32>,
        %swap3A_295 = vector.shape_cast %swap3A_294 : vector<16xf32> to vector<16xf32>
        %swap3A_296 = vector.shape_cast %add3A_290 : vector<16xf32> to vector<16xf32>
        tpu.vector_store %arg9[%swap3A_293], %swap3A_296 {strides = array<i32>} : memref<12800xf32, #tpu.memory_space<vmem>>, vector<16xf32>,
        %get3A_297 = arith.constant 0 : i32
        %get3A_298 = arith.index_cast %get3A_297 : i32 to index
        %get3A_299 = arith.index_cast %scan3A_245 : i32 to index
        %get3A_300 = arith.constant 48 : index
        %get3A_301 = tpu.vector_load %arg7[%get3A_298, %get3A_299, %get3A_300] {strides = array<i32>} : memref<1x200x64xf32, #tpu.memory_space<vmem>>, vector<1x1x16xf32>,
        %get3A_302 = vector.shape_cast %get3A_301 : vector<1x1x16xf32> to vector<16xf32>
        %get3A_303 = arith.index_cast %scan3A_245 : i32 to index
        %get3A_304 = arith.constant 48 : index
        %get3A_305 = tpu.vector_load %arg11[%get3A_303, %get3A_304] {strides = array<i32>} : memref<200x64xf32, #tpu.memory_space<vmem>>, vector<1x16xf32>,
        %get3A_306 = vector.shape_cast %get3A_305 : vector<1x16xf32> to vector<16xf32>
        %add3A_307 = arith.addf %get3A_302, %get3A_306 : vector<16xf32>
        %add3A_308 = arith.constant 48 : i32
        %add3A_309 = arith.addi %mul3A_247, %add3A_308 : i32
        %swap3A_310 = arith.index_cast %add3A_309 : i32 to index
        %swap3A_311 = tpu.vector_load %arg9[%swap3A_310] {strides = array<i32>} : memref<12800xf32, #tpu.memory_space<vmem>>, vector<16xf32>,
        %swap3A_312 = vector.shape_cast %swap3A_311 : vector<16xf32> to vector<16xf32>
        %swap3A_313 = vector.shape_cast %add3A_307 : vector<16xf32> to vector<16xf32>
        tpu.vector_store %arg9[%swap3A_310], %swap3A_313 {strides = array<i32>} : memref<12800xf32, #tpu.memory_space<vmem>>, vector<16xf32>,
        %scan3A_314 = arith.constant 1 : i32
        %scan3A_315 = arith.addi %scan3A_245, %scan3A_314 : i32
        %mul3A_316 = arith.constant 64 : i32
        %mul3A_317 = arith.muli %scan3A_315, %mul3A_316 : i32
        %get3A_318 = arith.constant 0 : i32
        %get3A_319 = arith.index_cast %get3A_318 : i32 to index
        %get3A_320 = arith.index_cast %scan3A_315 : i32 to index
        %get3A_321 = arith.constant 0 : index
        %get3A_322 = tpu.vector_load %arg7[%get3A_319, %get3A_320, %get3A_321] {strides = array<i32>} : memref<1x200x64xf32, #tpu.memory_space<vmem>>, vector<1x1x16xf32>,
        %get3A_323 = vector.shape_cast %get3A_322 : vector<1x1x16xf32> to vector<16xf32>
        %get3A_324 = arith.index_cast %scan3A_315 : i32 to index
        %get3A_325 = arith.constant 0 : index
        %get3A_326 = tpu.vector_load %arg11[%get3A_324, %get3A_325] {strides = array<i32>} : memref<200x64xf32, #tpu.memory_space<vmem>>, vector<1x16xf32>,
        %get3A_327 = vector.shape_cast %get3A_326 : vector<1x16xf32> to vector<16xf32>
        %add3A_328 = arith.addf %get3A_323, %get3A_327 : vector<16xf32>
        %add3A_329 = arith.constant 0 : i32
        %add3A_330 = arith.addi %mul3A_317, %add3A_329 : i32
        %swap3A_331 = arith.index_cast %add3A_330 : i32 to index
        %swap3A_332 = tpu.vector_load %arg9[%swap3A_331] {strides = array<i32>} : memref<12800xf32, #tpu.memory_space<vmem>>, vector<16xf32>,
        %swap3A_333 = vector.shape_cast %swap3A_332 : vector<16xf32> to vector<16xf32>
        %swap3A_334 = vector.shape_cast %add3A_328 : vector<16xf32> to vector<16xf32>
        tpu.vector_store %arg9[%swap3A_331], %swap3A_334 {strides = array<i32>} : memref<12800xf32, #tpu.memory_space<vmem>>, vector<16xf32>,
        %get3A_335 = arith.constant 0 : i32
        %get3A_336 = arith.index_cast %get3A_335 : i32 to index
        %get3A_337 = arith.index_cast %scan3A_315 : i32 to index
        %get3A_338 = arith.constant 16 : index
        %get3A_339 = tpu.vector_load %arg7[%get3A_336, %get3A_337, %get3A_338] {strides = array<i32>} : memref<1x200x64xf32, #tpu.memory_space<vmem>>, vector<1x1x16xf32>,
        %get3A_340 = vector.shape_cast %get3A_339 : vector<1x1x16xf32> to vector<16xf32>
        %get3A_341 = arith.index_cast %scan3A_315 : i32 to index
        %get3A_342 = arith.constant 16 : index
        %get3A_343 = tpu.vector_load %arg11[%get3A_341, %get3A_342] {strides = array<i32>} : memref<200x64xf32, #tpu.memory_space<vmem>>, vector<1x16xf32>,
        %get3A_344 = vector.shape_cast %get3A_343 : vector<1x16xf32> to vector<16xf32>
        %add3A_345 = arith.addf %get3A_340, %get3A_344 : vector<16xf32>
        %add3A_346 = arith.constant 16 : i32
        %add3A_347 = arith.addi %mul3A_317, %add3A_346 : i32
        %swap3A_348 = arith.index_cast %add3A_347 : i32 to index
        %swap3A_349 = tpu.vector_load %arg9[%swap3A_348] {strides = array<i32>} : memref<12800xf32, #tpu.memory_space<vmem>>, vector<16xf32>,
        %swap3A_350 = vector.shape_cast %swap3A_349 : vector<16xf32> to vector<16xf32>
        %swap3A_351 = vector.shape_cast %add3A_345 : vector<16xf32> to vector<16xf32>
        tpu.vector_store %arg9[%swap3A_348], %swap3A_351 {strides = array<i32>} : memref<12800xf32, #tpu.memory_space<vmem>>, vector<16xf32>,
        %get3A_352 = arith.constant 0 : i32
        %get3A_353 = arith.index_cast %get3A_352 : i32 to index
        %get3A_354 = arith.index_cast %scan3A_315 : i32 to index
        %get3A_355 = arith.constant 32 : index
        %get3A_356 = tpu.vector_load %arg7[%get3A_353, %get3A_354, %get3A_355] {strides = array<i32>} : memref<1x200x64xf32, #tpu.memory_space<vmem>>, vector<1x1x16xf32>,
        %get3A_357 = vector.shape_cast %get3A_356 : vector<1x1x16xf32> to vector<16xf32>
        %get3A_358 = arith.index_cast %scan3A_315 : i32 to index
        %get3A_359 = arith.constant 32 : index
        %get3A_360 = tpu.vector_load %arg11[%get3A_358, %get3A_359] {strides = array<i32>} : memref<200x64xf32, #tpu.memory_space<vmem>>, vector<1x16xf32>,
        %get3A_361 = vector.shape_cast %get3A_360 : vector<1x16xf32> to vector<16xf32>
        %add3A_362 = arith.addf %get3A_357, %get3A_361 : vector<16xf32>
        %add3A_363 = arith.constant 32 : i32
        %add3A_364 = arith.addi %mul3A_317, %add3A_363 : i32
        %swap3A_365 = arith.index_cast %add3A_364 : i32 to index
        %swap3A_366 = tpu.vector_load %arg9[%swap3A_365] {strides = array<i32>} : memref<12800xf32, #tpu.memory_space<vmem>>, vector<16xf32>,
        %swap3A_367 = vector.shape_cast %swap3A_366 : vector<16xf32> to vector<16xf32>
        %swap3A_368 = vector.shape_cast %add3A_362 : vector<16xf32> to vector<16xf32>
        tpu.vector_store %arg9[%swap3A_365], %swap3A_368 {strides = array<i32>} : memref<12800xf32, #tpu.memory_space<vmem>>, vector<16xf32>,
        %get3A_369 = arith.constant 0 : i32
        %get3A_370 = arith.index_cast %get3A_369 : i32 to index
        %get3A_371 = arith.index_cast %scan3A_315 : i32 to index
        %get3A_372 = arith.constant 48 : index
        %get3A_373 = tpu.vector_load %arg7[%get3A_370, %get3A_371, %get3A_372] {strides = array<i32>} : memref<1x200x64xf32, #tpu.memory_space<vmem>>, vector<1x1x16xf32>,
        %get3A_374 = vector.shape_cast %get3A_373 : vector<1x1x16xf32> to vector<16xf32>
        %get3A_375 = arith.index_cast %scan3A_315 : i32 to index
        %get3A_376 = arith.constant 48 : index
        %get3A_377 = tpu.vector_load %arg11[%get3A_375, %get3A_376] {strides = array<i32>} : memref<200x64xf32, #tpu.memory_space<vmem>>, vector<1x16xf32>,
        %get3A_378 = vector.shape_cast %get3A_377 : vector<1x16xf32> to vector<16xf32>
        %add3A_379 = arith.addf %get3A_374, %get3A_378 : vector<16xf32>
        %add3A_380 = arith.constant 48 : i32
        %add3A_381 = arith.addi %mul3A_317, %add3A_380 : i32
        %swap3A_382 = arith.index_cast %add3A_381 : i32 to index
        %swap3A_383 = tpu.vector_load %arg9[%swap3A_382] {strides = array<i32>} : memref<12800xf32, #tpu.memory_space<vmem>>, vector<16xf32>,
        %swap3A_384 = vector.shape_cast %swap3A_383 : vector<16xf32> to vector<16xf32>
        %swap3A_385 = vector.shape_cast %add3A_379 : vector<16xf32> to vector<16xf32>
        tpu.vector_store %arg9[%swap3A_382], %swap3A_385 {strides = array<i32>} : memref<12800xf32, #tpu.memory_space<vmem>>, vector<16xf32>,
        %scan3A_386 = arith.constant 2 : i32
        %scan3A_387 = arith.addi %scan3A_245, %scan3A_386 : i32
        %mul3A_388 = arith.constant 64 : i32
        %mul3A_389 = arith.muli %scan3A_387, %mul3A_388 : i32
        %get3A_390 = arith.constant 0 : i32
        %get3A_391 = arith.index_cast %get3A_390 : i32 to index
        %get3A_392 = arith.index_cast %scan3A_387 : i32 to index
        %get3A_393 = arith.constant 0 : index
        %get3A_394 = tpu.vector_load %arg7[%get3A_391, %get3A_392, %get3A_393] {strides = array<i32>} : memref<1x200x64xf32, #tpu.memory_space<vmem>>, vector<1x1x16xf32>,
        %get3A_395 = vector.shape_cast %get3A_394 : vector<1x1x16xf32> to vector<16xf32>
        %get3A_396 = arith.index_cast %scan3A_387 : i32 to index
        %get3A_397 = arith.constant 0 : index
        %get3A_398 = tpu.vector_load %arg11[%get3A_396, %get3A_397] {strides = array<i32>} : memref<200x64xf32, #tpu.memory_space<vmem>>, vector<1x16xf32>,
        %get3A_399 = vector.shape_cast %get3A_398 : vector<1x16xf32> to vector<16xf32>
        %add3A_400 = arith.addf %get3A_395, %get3A_399 : vector<16xf32>
        %add3A_401 = arith.constant 0 : i32
        %add3A_402 = arith.addi %mul3A_389, %add3A_401 : i32
        %swap3A_403 = arith.index_cast %add3A_402 : i32 to index
        %swap3A_404 = tpu.vector_load %arg9[%swap3A_403] {strides = array<i32>} : memref<12800xf32, #tpu.memory_space<vmem>>, vector<16xf32>,
        %swap3A_405 = vector.shape_cast %swap3A_404 : vector<16xf32> to vector<16xf32>
        %swap3A_406 = vector.shape_cast %add3A_400 : vector<16xf32> to vector<16xf32>
        tpu.vector_store %arg9[%swap3A_403], %swap3A_406 {strides = array<i32>} : memref<12800xf32, #tpu.memory_space<vmem>>, vector<16xf32>,
        %get3A_407 = arith.constant 0 : i32
        %get3A_408 = arith.index_cast %get3A_407 : i32 to index
        %get3A_409 = arith.index_cast %scan3A_387 : i32 to index
        %get3A_410 = arith.constant 16 : index
        %get3A_411 = tpu.vector_load %arg7[%get3A_408, %get3A_409, %get3A_410] {strides = array<i32>} : memref<1x200x64xf32, #tpu.memory_space<vmem>>, vector<1x1x16xf32>,
        %get3A_412 = vector.shape_cast %get3A_411 : vector<1x1x16xf32> to vector<16xf32>
        %get3A_413 = arith.index_cast %scan3A_387 : i32 to index
        %get3A_414 = arith.constant 16 : index
        %get3A_415 = tpu.vector_load %arg11[%get3A_413, %get3A_414] {strides = array<i32>} : memref<200x64xf32, #tpu.memory_space<vmem>>, vector<1x16xf32>,
        %get3A_416 = vector.shape_cast %get3A_415 : vector<1x16xf32> to vector<16xf32>
        %add3A_417 = arith.addf %get3A_412, %get3A_416 : vector<16xf32>
        %add3A_418 = arith.constant 16 : i32
        %add3A_419 = arith.addi %mul3A_389, %add3A_418 : i32
        %swap3A_420 = arith.index_cast %add3A_419 : i32 to index
        %swap3A_421 = tpu.vector_load %arg9[%swap3A_420] {strides = array<i32>} : memref<12800xf32, #tpu.memory_space<vmem>>, vector<16xf32>,
        %swap3A_422 = vector.shape_cast %swap3A_421 : vector<16xf32> to vector<16xf32>
        %swap3A_423 = vector.shape_cast %add3A_417 : vector<16xf32> to vector<16xf32>
        tpu.vector_store %arg9[%swap3A_420], %swap3A_423 {strides = array<i32>} : memref<12800xf32, #tpu.memory_space<vmem>>, vector<16xf32>,
        %get3A_424 = arith.constant 0 : i32
        %get3A_425 = arith.index_cast %get3A_424 : i32 to index
        %get3A_426 = arith.index_cast %scan3A_387 : i32 to index
        %get3A_427 = arith.constant 32 : index
        %get3A_428 = tpu.vector_load %arg7[%get3A_425, %get3A_426, %get3A_427] {strides = array<i32>} : memref<1x200x64xf32, #tpu.memory_space<vmem>>, vector<1x1x16xf32>,
        %get3A_429 = vector.shape_cast %get3A_428 : vector<1x1x16xf32> to vector<16xf32>
        %get3A_430 = arith.index_cast %scan3A_387 : i32 to index
        %get3A_431 = arith.constant 32 : index
        %get3A_432 = tpu.vector_load %arg11[%get3A_430, %get3A_431] {strides = array<i32>} : memref<200x64xf32, #tpu.memory_space<vmem>>, vector<1x16xf32>,
        %get3A_433 = vector.shape_cast %get3A_432 : vector<1x16xf32> to vector<16xf32>
        %add3A_434 = arith.addf %get3A_429, %get3A_433 : vector<16xf32>
        %add3A_435 = arith.constant 32 : i32
        %add3A_436 = arith.addi %mul3A_389, %add3A_435 : i32
        %swap3A_437 = arith.index_cast %add3A_436 : i32 to index
        %swap3A_438 = tpu.vector_load %arg9[%swap3A_437] {strides = array<i32>} : memref<12800xf32, #tpu.memory_space<vmem>>, vector<16xf32>,
        %swap3A_439 = vector.shape_cast %swap3A_438 : vector<16xf32> to vector<16xf32>
        %swap3A_440 = vector.shape_cast %add3A_434 : vector<16xf32> to vector<16xf32>
        tpu.vector_store %arg9[%swap3A_437], %swap3A_440 {strides = array<i32>} : memref<12800xf32, #tpu.memory_space<vmem>>, vector<16xf32>,
        %get3A_441 = arith.constant 0 : i32
        %get3A_442 = arith.index_cast %get3A_441 : i32 to index
        %get3A_443 = arith.index_cast %scan3A_387 : i32 to index
        %get3A_444 = arith.constant 48 : index
        %get3A_445 = tpu.vector_load %arg7[%get3A_442, %get3A_443, %get3A_444] {strides = array<i32>} : memref<1x200x64xf32, #tpu.memory_space<vmem>>, vector<1x1x16xf32>,
        %get3A_446 = vector.shape_cast %get3A_445 : vector<1x1x16xf32> to vector<16xf32>
        %get3A_447 = arith.index_cast %scan3A_387 : i32 to index
        %get3A_448 = arith.constant 48 : index
        %get3A_449 = tpu.vector_load %arg11[%get3A_447, %get3A_448] {strides = array<i32>} : memref<200x64xf32, #tpu.memory_space<vmem>>, vector<1x16xf32>,
        %get3A_450 = vector.shape_cast %get3A_449 : vector<1x16xf32> to vector<16xf32>
        %add3A_451 = arith.addf %get3A_446, %get3A_450 : vector<16xf32>
        %add3A_452 = arith.constant 48 : i32
        %add3A_453 = arith.addi %mul3A_389, %add3A_452 : i32
        %swap3A_454 = arith.index_cast %add3A_453 : i32 to index
        %swap3A_455 = tpu.vector_load %arg9[%swap3A_454] {strides = array<i32>} : memref<12800xf32, #tpu.memory_space<vmem>>, vector<16xf32>,
        %swap3A_456 = vector.shape_cast %swap3A_455 : vector<16xf32> to vector<16xf32>
        %swap3A_457 = vector.shape_cast %add3A_451 : vector<16xf32> to vector<16xf32>
        tpu.vector_store %arg9[%swap3A_454], %swap3A_457 {strides = array<i32>} : memref<12800xf32, #tpu.memory_space<vmem>>, vector<16xf32>,
        %scan3A_458 = arith.constant 3 : i32
        %scan3A_459 = arith.addi %scan3A_245, %scan3A_458 : i32
        %mul3A_460 = arith.constant 64 : i32
        %mul3A_461 = arith.muli %scan3A_459, %mul3A_460 : i32
        %get3A_462 = arith.constant 0 : i32
        %get3A_463 = arith.index_cast %get3A_462 : i32 to index
        %get3A_464 = arith.index_cast %scan3A_459 : i32 to index
        %get3A_465 = arith.constant 0 : index
        %get3A_466 = tpu.vector_load %arg7[%get3A_463, %get3A_464, %get3A_465] {strides = array<i32>} : memref<1x200x64xf32, #tpu.memory_space<vmem>>, vector<1x1x16xf32>,
        %get3A_467 = vector.shape_cast %get3A_466 : vector<1x1x16xf32> to vector<16xf32>
        %get3A_468 = arith.index_cast %scan3A_459 : i32 to index
        %get3A_469 = arith.constant 0 : index
        %get3A_470 = tpu.vector_load %arg11[%get3A_468, %get3A_469] {strides = array<i32>} : memref<200x64xf32, #tpu.memory_space<vmem>>, vector<1x16xf32>,
        %get3A_471 = vector.shape_cast %get3A_470 : vector<1x16xf32> to vector<16xf32>
        %add3A_472 = arith.addf %get3A_467, %get3A_471 : vector<16xf32>
        %add3A_473 = arith.constant 0 : i32
        %add3A_474 = arith.addi %mul3A_461, %add3A_473 : i32
        %swap3A_475 = arith.index_cast %add3A_474 : i32 to index
        %swap3A_476 = tpu.vector_load %arg9[%swap3A_475] {strides = array<i32>} : memref<12800xf32, #tpu.memory_space<vmem>>, vector<16xf32>,
        %swap3A_477 = vector.shape_cast %swap3A_476 : vector<16xf32> to vector<16xf32>
        %swap3A_478 = vector.shape_cast %add3A_472 : vector<16xf32> to vector<16xf32>
        tpu.vector_store %arg9[%swap3A_475], %swap3A_478 {strides = array<i32>} : memref<12800xf32, #tpu.memory_space<vmem>>, vector<16xf32>,
        %get3A_479 = arith.constant 0 : i32
        %get3A_480 = arith.index_cast %get3A_479 : i32 to index
        %get3A_481 = arith.index_cast %scan3A_459 : i32 to index
        %get3A_482 = arith.constant 16 : index
        %get3A_483 = tpu.vector_load %arg7[%get3A_480, %get3A_481, %get3A_482] {strides = array<i32>} : memref<1x200x64xf32, #tpu.memory_space<vmem>>, vector<1x1x16xf32>,
        %get3A_484 = vector.shape_cast %get3A_483 : vector<1x1x16xf32> to vector<16xf32>
        %get3A_485 = arith.index_cast %scan3A_459 : i32 to index
        %get3A_486 = arith.constant 16 : index
        %get3A_487 = tpu.vector_load %arg11[%get3A_485, %get3A_486] {strides = array<i32>} : memref<200x64xf32, #tpu.memory_space<vmem>>, vector<1x16xf32>,
        %get3A_488 = vector.shape_cast %get3A_487 : vector<1x16xf32> to vector<16xf32>
        %add3A_489 = arith.addf %get3A_484, %get3A_488 : vector<16xf32>
        %add3A_490 = arith.constant 16 : i32
        %add3A_491 = arith.addi %mul3A_461, %add3A_490 : i32
        %swap3A_492 = arith.index_cast %add3A_491 : i32 to index
        %swap3A_493 = tpu.vector_load %arg9[%swap3A_492] {strides = array<i32>} : memref<12800xf32, #tpu.memory_space<vmem>>, vector<16xf32>,
        %swap3A_494 = vector.shape_cast %swap3A_493 : vector<16xf32> to vector<16xf32>
        %swap3A_495 = vector.shape_cast %add3A_489 : vector<16xf32> to vector<16xf32>
        tpu.vector_store %arg9[%swap3A_492], %swap3A_495 {strides = array<i32>} : memref<12800xf32, #tpu.memory_space<vmem>>, vector<16xf32>,
        %get3A_496 = arith.constant 0 : i32
        %get3A_497 = arith.index_cast %get3A_496 : i32 to index
        %get3A_498 = arith.index_cast %scan3A_459 : i32 to index
        %get3A_499 = arith.constant 32 : index
        %get3A_500 = tpu.vector_load %arg7[%get3A_497, %get3A_498, %get3A_499] {strides = array<i32>} : memref<1x200x64xf32, #tpu.memory_space<vmem>>, vector<1x1x16xf32>,
        %get3A_501 = vector.shape_cast %get3A_500 : vector<1x1x16xf32> to vector<16xf32>
        %get3A_502 = arith.index_cast %scan3A_459 : i32 to index
        %get3A_503 = arith.constant 32 : index
        %get3A_504 = tpu.vector_load %arg11[%get3A_502, %get3A_503] {strides = array<i32>} : memref<200x64xf32, #tpu.memory_space<vmem>>, vector<1x16xf32>,
        %get3A_505 = vector.shape_cast %get3A_504 : vector<1x16xf32> to vector<16xf32>
        %add3A_506 = arith.addf %get3A_501, %get3A_505 : vector<16xf32>
        %add3A_507 = arith.constant 32 : i32
        %add3A_508 = arith.addi %mul3A_461, %add3A_507 : i32
        %swap3A_509 = arith.index_cast %add3A_508 : i32 to index
        %swap3A_510 = tpu.vector_load %arg9[%swap3A_509] {strides = array<i32>} : memref<12800xf32, #tpu.memory_space<vmem>>, vector<16xf32>,
        %swap3A_511 = vector.shape_cast %swap3A_510 : vector<16xf32> to vector<16xf32>
        %swap3A_512 = vector.shape_cast %add3A_506 : vector<16xf32> to vector<16xf32>
        tpu.vector_store %arg9[%swap3A_509], %swap3A_512 {strides = array<i32>} : memref<12800xf32, #tpu.memory_space<vmem>>, vector<16xf32>,
        %get3A_513 = arith.constant 0 : i32
        %get3A_514 = arith.index_cast %get3A_513 : i32 to index
        %get3A_515 = arith.index_cast %scan3A_459 : i32 to index
        %get3A_516 = arith.constant 48 : index
        %get3A_517 = tpu.vector_load %arg7[%get3A_514, %get3A_515, %get3A_516] {strides = array<i32>} : memref<1x200x64xf32, #tpu.memory_space<vmem>>, vector<1x1x16xf32>,
        %get3A_518 = vector.shape_cast %get3A_517 : vector<1x1x16xf32> to vector<16xf32>
        %get3A_519 = arith.index_cast %scan3A_459 : i32 to index
        %get3A_520 = arith.constant 48 : index
        %get3A_521 = tpu.vector_load %arg11[%get3A_519, %get3A_520] {strides = array<i32>} : memref<200x64xf32, #tpu.memory_space<vmem>>, vector<1x16xf32>,
        %get3A_522 = vector.shape_cast %get3A_521 : vector<1x16xf32> to vector<16xf32>
        %add3A_523 = arith.addf %get3A_518, %get3A_522 : vector<16xf32>
        %add3A_524 = arith.constant 48 : i32
        %add3A_525 = arith.addi %mul3A_461, %add3A_524 : i32
        %swap3A_526 = arith.index_cast %add3A_525 : i32 to index
        %swap3A_527 = tpu.vector_load %arg9[%swap3A_526] {strides = array<i32>} : memref<12800xf32, #tpu.memory_space<vmem>>, vector<16xf32>,
        %swap3A_528 = vector.shape_cast %swap3A_527 : vector<16xf32> to vector<16xf32>
        %swap3A_529 = vector.shape_cast %add3A_523 : vector<16xf32> to vector<16xf32>
        tpu.vector_store %arg9[%swap3A_526], %swap3A_529 {strides = array<i32>} : memref<12800xf32, #tpu.memory_space<vmem>>, vector<16xf32>,
        %scan3A_530 = arith.constant 4 : i32
        %scan3A_531 = arith.addi %scan3A_245, %scan3A_530 : i32
        %mul3A_532 = arith.constant 64 : i32
        %mul3A_533 = arith.muli %scan3A_531, %mul3A_532 : i32
        %get3A_534 = arith.constant 0 : i32
        %get3A_535 = arith.index_cast %get3A_534 : i32 to index
        %get3A_536 = arith.index_cast %scan3A_531 : i32 to index
        %get3A_537 = arith.constant 0 : index
        %get3A_538 = tpu.vector_load %arg7[%get3A_535, %get3A_536, %get3A_537] {strides = array<i32>} : memref<1x200x64xf32, #tpu.memory_space<vmem>>, vector<1x1x16xf32>,
        %get3A_539 = vector.shape_cast %get3A_538 : vector<1x1x16xf32> to vector<16xf32>
        %get3A_540 = arith.index_cast %scan3A_531 : i32 to index
        %get3A_541 = arith.constant 0 : index
        %get3A_542 = tpu.vector_load %arg11[%get3A_540, %get3A_541] {strides = array<i32>} : memref<200x64xf32, #tpu.memory_space<vmem>>, vector<1x16xf32>,
        %get3A_543 = vector.shape_cast %get3A_542 : vector<1x16xf32> to vector<16xf32>
        %add3A_544 = arith.addf %get3A_539, %get3A_543 : vector<16xf32>
        %add3A_545 = arith.constant 0 : i32
        %add3A_546 = arith.addi %mul3A_533, %add3A_545 : i32
        %swap3A_547 = arith.index_cast %add3A_546 : i32 to index
        %swap3A_548 = tpu.vector_load %arg9[%swap3A_547] {strides = array<i32>} : memref<12800xf32, #tpu.memory_space<vmem>>, vector<16xf32>,
        %swap3A_549 = vector.shape_cast %swap3A_548 : vector<16xf32> to vector<16xf32>
        %swap3A_550 = vector.shape_cast %add3A_544 : vector<16xf32> to vector<16xf32>
        tpu.vector_store %arg9[%swap3A_547], %swap3A_550 {strides = array<i32>} : memref<12800xf32, #tpu.memory_space<vmem>>, vector<16xf32>,
        %get3A_551 = arith.constant 0 : i32
        %get3A_552 = arith.index_cast %get3A_551 : i32 to index
        %get3A_553 = arith.index_cast %scan3A_531 : i32 to index
        %get3A_554 = arith.constant 16 : index
        %get3A_555 = tpu.vector_load %arg7[%get3A_552, %get3A_553, %get3A_554] {strides = array<i32>} : memref<1x200x64xf32, #tpu.memory_space<vmem>>, vector<1x1x16xf32>,
        %get3A_556 = vector.shape_cast %get3A_555 : vector<1x1x16xf32> to vector<16xf32>
        %get3A_557 = arith.index_cast %scan3A_531 : i32 to index
        %get3A_558 = arith.constant 16 : index
        %get3A_559 = tpu.vector_load %arg11[%get3A_557, %get3A_558] {strides = array<i32>} : memref<200x64xf32, #tpu.memory_space<vmem>>, vector<1x16xf32>,
        %get3A_560 = vector.shape_cast %get3A_559 : vector<1x16xf32> to vector<16xf32>
        %add3A_561 = arith.addf %get3A_556, %get3A_560 : vector<16xf32>
        %add3A_562 = arith.constant 16 : i32
        %add3A_563 = arith.addi %mul3A_533, %add3A_562 : i32
        %swap3A_564 = arith.index_cast %add3A_563 : i32 to index
        %swap3A_565 = tpu.vector_load %arg9[%swap3A_564] {strides = array<i32>} : memref<12800xf32, #tpu.memory_space<vmem>>, vector<16xf32>,
        %swap3A_566 = vector.shape_cast %swap3A_565 : vector<16xf32> to vector<16xf32>
        %swap3A_567 = vector.shape_cast %add3A_561 : vector<16xf32> to vector<16xf32>
        tpu.vector_store %arg9[%swap3A_564], %swap3A_567 {strides = array<i32>} : memref<12800xf32, #tpu.memory_space<vmem>>, vector<16xf32>,
        %get3A_568 = arith.constant 0 : i32
        %get3A_569 = arith.index_cast %get3A_568 : i32 to index
        %get3A_570 = arith.index_cast %scan3A_531 : i32 to index
        %get3A_571 = arith.constant 32 : index
        %get3A_572 = tpu.vector_load %arg7[%get3A_569, %get3A_570, %get3A_571] {strides = array<i32>} : memref<1x200x64xf32, #tpu.memory_space<vmem>>, vector<1x1x16xf32>,
        %get3A_573 = vector.shape_cast %get3A_572 : vector<1x1x16xf32> to vector<16xf32>
        %get3A_574 = arith.index_cast %scan3A_531 : i32 to index
        %get3A_575 = arith.constant 32 : index
        %get3A_576 = tpu.vector_load %arg11[%get3A_574, %get3A_575] {strides = array<i32>} : memref<200x64xf32, #tpu.memory_space<vmem>>, vector<1x16xf32>,
        %get3A_577 = vector.shape_cast %get3A_576 : vector<1x16xf32> to vector<16xf32>
        %add3A_578 = arith.addf %get3A_573, %get3A_577 : vector<16xf32>
        %add3A_579 = arith.constant 32 : i32
        %add3A_580 = arith.addi %mul3A_533, %add3A_579 : i32
        %swap3A_581 = arith.index_cast %add3A_580 : i32 to index
        %swap3A_582 = tpu.vector_load %arg9[%swap3A_581] {strides = array<i32>} : memref<12800xf32, #tpu.memory_space<vmem>>, vector<16xf32>,
        %swap3A_583 = vector.shape_cast %swap3A_582 : vector<16xf32> to vector<16xf32>
        %swap3A_584 = vector.shape_cast %add3A_578 : vector<16xf32> to vector<16xf32>
        tpu.vector_store %arg9[%swap3A_581], %swap3A_584 {strides = array<i32>} : memref<12800xf32, #tpu.memory_space<vmem>>, vector<16xf32>,
        %get3A_585 = arith.constant 0 : i32
        %get3A_586 = arith.index_cast %get3A_585 : i32 to index
        %get3A_587 = arith.index_cast %scan3A_531 : i32 to index
        %get3A_588 = arith.constant 48 : index
        %get3A_589 = tpu.vector_load %arg7[%get3A_586, %get3A_587, %get3A_588] {strides = array<i32>} : memref<1x200x64xf32, #tpu.memory_space<vmem>>, vector<1x1x16xf32>,
        %get3A_590 = vector.shape_cast %get3A_589 : vector<1x1x16xf32> to vector<16xf32>
        %get3A_591 = arith.index_cast %scan3A_531 : i32 to index
        %get3A_592 = arith.constant 48 : index
        %get3A_593 = tpu.vector_load %arg11[%get3A_591, %get3A_592] {strides = array<i32>} : memref<200x64xf32, #tpu.memory_space<vmem>>, vector<1x16xf32>,
        %get3A_594 = vector.shape_cast %get3A_593 : vector<1x16xf32> to vector<16xf32>
        %add3A_595 = arith.addf %get3A_590, %get3A_594 : vector<16xf32>
        %add3A_596 = arith.constant 48 : i32
        %add3A_597 = arith.addi %mul3A_533, %add3A_596 : i32
        %swap3A_598 = arith.index_cast %add3A_597 : i32 to index
        %swap3A_599 = tpu.vector_load %arg9[%swap3A_598] {strides = array<i32>} : memref<12800xf32, #tpu.memory_space<vmem>>, vector<16xf32>,
        %swap3A_600 = vector.shape_cast %swap3A_599 : vector<16xf32> to vector<16xf32>
        %swap3A_601 = vector.shape_cast %add3A_595 : vector<16xf32> to vector<16xf32>
        tpu.vector_store %arg9[%swap3A_598], %swap3A_601 {strides = array<i32>} : memref<12800xf32, #tpu.memory_space<vmem>>, vector<16xf32>,
        %scan3A_602 = arith.constant 5 : i32
        %scan3A_603 = arith.addi %scan3A_245, %scan3A_602 : i32
        %mul3A_604 = arith.constant 64 : i32
        %mul3A_605 = arith.muli %scan3A_603, %mul3A_604 : i32
        %get3A_606 = arith.constant 0 : i32
        %get3A_607 = arith.index_cast %get3A_606 : i32 to index
        %get3A_608 = arith.index_cast %scan3A_603 : i32 to index
        %get3A_609 = arith.constant 0 : index
        %get3A_610 = tpu.vector_load %arg7[%get3A_607, %get3A_608, %get3A_609] {strides = array<i32>} : memref<1x200x64xf32, #tpu.memory_space<vmem>>, vector<1x1x16xf32>,
        %get3A_611 = vector.shape_cast %get3A_610 : vector<1x1x16xf32> to vector<16xf32>
        %get3A_612 = arith.index_cast %scan3A_603 : i32 to index
        %get3A_613 = arith.constant 0 : index
        %get3A_614 = tpu.vector_load %arg11[%get3A_612, %get3A_613] {strides = array<i32>} : memref<200x64xf32, #tpu.memory_space<vmem>>, vector<1x16xf32>,
        %get3A_615 = vector.shape_cast %get3A_614 : vector<1x16xf32> to vector<16xf32>
        %add3A_616 = arith.addf %get3A_611, %get3A_615 : vector<16xf32>
        %add3A_617 = arith.constant 0 : i32
        %add3A_618 = arith.addi %mul3A_605, %add3A_617 : i32
        %swap3A_619 = arith.index_cast %add3A_618 : i32 to index
        %swap3A_620 = tpu.vector_load %arg9[%swap3A_619] {strides = array<i32>} : memref<12800xf32, #tpu.memory_space<vmem>>, vector<16xf32>,
        %swap3A_621 = vector.shape_cast %swap3A_620 : vector<16xf32> to vector<16xf32>
        %swap3A_622 = vector.shape_cast %add3A_616 : vector<16xf32> to vector<16xf32>
        tpu.vector_store %arg9[%swap3A_619], %swap3A_622 {strides = array<i32>} : memref<12800xf32, #tpu.memory_space<vmem>>, vector<16xf32>,
        %get3A_623 = arith.constant 0 : i32
        %get3A_624 = arith.index_cast %get3A_623 : i32 to index
        %get3A_625 = arith.index_cast %scan3A_603 : i32 to index
        %get3A_626 = arith.constant 16 : index
        %get3A_627 = tpu.vector_load %arg7[%get3A_624, %get3A_625, %get3A_626] {strides = array<i32>} : memref<1x200x64xf32, #tpu.memory_space<vmem>>, vector<1x1x16xf32>,
        %get3A_628 = vector.shape_cast %get3A_627 : vector<1x1x16xf32> to vector<16xf32>
        %get3A_629 = arith.index_cast %scan3A_603 : i32 to index
        %get3A_630 = arith.constant 16 : index
        %get3A_631 = tpu.vector_load %arg11[%get3A_629, %get3A_630] {strides = array<i32>} : memref<200x64xf32, #tpu.memory_space<vmem>>, vector<1x16xf32>,
        %get3A_632 = vector.shape_cast %get3A_631 : vector<1x16xf32> to vector<16xf32>
        %add3A_633 = arith.addf %get3A_628, %get3A_632 : vector<16xf32>
        %add3A_634 = arith.constant 16 : i32
        %add3A_635 = arith.addi %mul3A_605, %add3A_634 : i32
        %swap3A_636 = arith.index_cast %add3A_635 : i32 to index
        %swap3A_637 = tpu.vector_load %arg9[%swap3A_636] {strides = array<i32>} : memref<12800xf32, #tpu.memory_space<vmem>>, vector<16xf32>,
        %swap3A_638 = vector.shape_cast %swap3A_637 : vector<16xf32> to vector<16xf32>
        %swap3A_639 = vector.shape_cast %add3A_633 : vector<16xf32> to vector<16xf32>
        tpu.vector_store %arg9[%swap3A_636], %swap3A_639 {strides = array<i32>} : memref<12800xf32, #tpu.memory_space<vmem>>, vector<16xf32>,
        %get3A_640 = arith.constant 0 : i32
        %get3A_641 = arith.index_cast %get3A_640 : i32 to index
        %get3A_642 = arith.index_cast %scan3A_603 : i32 to index
        %get3A_643 = arith.constant 32 : index
        %get3A_644 = tpu.vector_load %arg7[%get3A_641, %get3A_642, %get3A_643] {strides = array<i32>} : memref<1x200x64xf32, #tpu.memory_space<vmem>>, vector<1x1x16xf32>,
        %get3A_645 = vector.shape_cast %get3A_644 : vector<1x1x16xf32> to vector<16xf32>
        %get3A_646 = arith.index_cast %scan3A_603 : i32 to index
        %get3A_647 = arith.constant 32 : index
        %get3A_648 = tpu.vector_load %arg11[%get3A_646, %get3A_647] {strides = array<i32>} : memref<200x64xf32, #tpu.memory_space<vmem>>, vector<1x16xf32>,
        %get3A_649 = vector.shape_cast %get3A_648 : vector<1x16xf32> to vector<16xf32>
        %add3A_650 = arith.addf %get3A_645, %get3A_649 : vector<16xf32>
        %add3A_651 = arith.constant 32 : i32
        %add3A_652 = arith.addi %mul3A_605, %add3A_651 : i32
        %swap3A_653 = arith.index_cast %add3A_652 : i32 to index
        %swap3A_654 = tpu.vector_load %arg9[%swap3A_653] {strides = array<i32>} : memref<12800xf32, #tpu.memory_space<vmem>>, vector<16xf32>,
        %swap3A_655 = vector.shape_cast %swap3A_654 : vector<16xf32> to vector<16xf32>
        %swap3A_656 = vector.shape_cast %add3A_650 : vector<16xf32> to vector<16xf32>
        tpu.vector_store %arg9[%swap3A_653], %swap3A_656 {strides = array<i32>} : memref<12800xf32, #tpu.memory_space<vmem>>, vector<16xf32>,
        %get3A_657 = arith.constant 0 : i32
        %get3A_658 = arith.index_cast %get3A_657 : i32 to index
        %get3A_659 = arith.index_cast %scan3A_603 : i32 to index
        %get3A_660 = arith.constant 48 : index
        %get3A_661 = tpu.vector_load %arg7[%get3A_658, %get3A_659, %get3A_660] {strides = array<i32>} : memref<1x200x64xf32, #tpu.memory_space<vmem>>, vector<1x1x16xf32>,
        %get3A_662 = vector.shape_cast %get3A_661 : vector<1x1x16xf32> to vector<16xf32>
        %get3A_663 = arith.index_cast %scan3A_603 : i32 to index
        %get3A_664 = arith.constant 48 : index
        %get3A_665 = tpu.vector_load %arg11[%get3A_663, %get3A_664] {strides = array<i32>} : memref<200x64xf32, #tpu.memory_space<vmem>>, vector<1x16xf32>,
        %get3A_666 = vector.shape_cast %get3A_665 : vector<1x16xf32> to vector<16xf32>
        %add3A_667 = arith.addf %get3A_662, %get3A_666 : vector<16xf32>
        %add3A_668 = arith.constant 48 : i32
        %add3A_669 = arith.addi %mul3A_605, %add3A_668 : i32
        %swap3A_670 = arith.index_cast %add3A_669 : i32 to index
        %swap3A_671 = tpu.vector_load %arg9[%swap3A_670] {strides = array<i32>} : memref<12800xf32, #tpu.memory_space<vmem>>, vector<16xf32>,
        %swap3A_672 = vector.shape_cast %swap3A_671 : vector<16xf32> to vector<16xf32>
        %swap3A_673 = vector.shape_cast %add3A_667 : vector<16xf32> to vector<16xf32>
        tpu.vector_store %arg9[%swap3A_670], %swap3A_673 {strides = array<i32>} : memref<12800xf32, #tpu.memory_space<vmem>>, vector<16xf32>,
        %scan3A_674 = arith.constant 6 : i32
        %scan3A_675 = arith.addi %scan3A_245, %scan3A_674 : i32
        %mul3A_676 = arith.constant 64 : i32
        %mul3A_677 = arith.muli %scan3A_675, %mul3A_676 : i32
        %get3A_678 = arith.constant 0 : i32
        %get3A_679 = arith.index_cast %get3A_678 : i32 to index
        %get3A_680 = arith.index_cast %scan3A_675 : i32 to index
        %get3A_681 = arith.constant 0 : index
        %get3A_682 = tpu.vector_load %arg7[%get3A_679, %get3A_680, %get3A_681] {strides = array<i32>} : memref<1x200x64xf32, #tpu.memory_space<vmem>>, vector<1x1x16xf32>,
        %get3A_683 = vector.shape_cast %get3A_682 : vector<1x1x16xf32> to vector<16xf32>
        %get3A_684 = arith.index_cast %scan3A_675 : i32 to index
        %get3A_685 = arith.constant 0 : index
        %get3A_686 = tpu.vector_load %arg11[%get3A_684, %get3A_685] {strides = array<i32>} : memref<200x64xf32, #tpu.memory_space<vmem>>, vector<1x16xf32>,
        %get3A_687 = vector.shape_cast %get3A_686 : vector<1x16xf32> to vector<16xf32>
        %add3A_688 = arith.addf %get3A_683, %get3A_687 : vector<16xf32>
        %add3A_689 = arith.constant 0 : i32
        %add3A_690 = arith.addi %mul3A_677, %add3A_689 : i32
        %swap3A_691 = arith.index_cast %add3A_690 : i32 to index
        %swap3A_692 = tpu.vector_load %arg9[%swap3A_691] {strides = array<i32>} : memref<12800xf32, #tpu.memory_space<vmem>>, vector<16xf32>,
        %swap3A_693 = vector.shape_cast %swap3A_692 : vector<16xf32> to vector<16xf32>
        %swap3A_694 = vector.shape_cast %add3A_688 : vector<16xf32> to vector<16xf32>
        tpu.vector_store %arg9[%swap3A_691], %swap3A_694 {strides = array<i32>} : memref<12800xf32, #tpu.memory_space<vmem>>, vector<16xf32>,
        %get3A_695 = arith.constant 0 : i32
        %get3A_696 = arith.index_cast %get3A_695 : i32 to index
        %get3A_697 = arith.index_cast %scan3A_675 : i32 to index
        %get3A_698 = arith.constant 16 : index
        %get3A_699 = tpu.vector_load %arg7[%get3A_696, %get3A_697, %get3A_698] {strides = array<i32>} : memref<1x200x64xf32, #tpu.memory_space<vmem>>, vector<1x1x16xf32>,
        %get3A_700 = vector.shape_cast %get3A_699 : vector<1x1x16xf32> to vector<16xf32>
        %get3A_701 = arith.index_cast %scan3A_675 : i32 to index
        %get3A_702 = arith.constant 16 : index
        %get3A_703 = tpu.vector_load %arg11[%get3A_701, %get3A_702] {strides = array<i32>} : memref<200x64xf32, #tpu.memory_space<vmem>>, vector<1x16xf32>,
        %get3A_704 = vector.shape_cast %get3A_703 : vector<1x16xf32> to vector<16xf32>
        %add3A_705 = arith.addf %get3A_700, %get3A_704 : vector<16xf32>
        %add3A_706 = arith.constant 16 : i32
        %add3A_707 = arith.addi %mul3A_677, %add3A_706 : i32
        %swap3A_708 = arith.index_cast %add3A_707 : i32 to index
        %swap3A_709 = tpu.vector_load %arg9[%swap3A_708] {strides = array<i32>} : memref<12800xf32, #tpu.memory_space<vmem>>, vector<16xf32>,
        %swap3A_710 = vector.shape_cast %swap3A_709 : vector<16xf32> to vector<16xf32>
        %swap3A_711 = vector.shape_cast %add3A_705 : vector<16xf32> to vector<16xf32>
        tpu.vector_store %arg9[%swap3A_708], %swap3A_711 {strides = array<i32>} : memref<12800xf32, #tpu.memory_space<vmem>>, vector<16xf32>,
        %get3A_712 = arith.constant 0 : i32
        %get3A_713 = arith.index_cast %get3A_712 : i32 to index
        %get3A_714 = arith.index_cast %scan3A_675 : i32 to index
        %get3A_715 = arith.constant 32 : index
        %get3A_716 = tpu.vector_load %arg7[%get3A_713, %get3A_714, %get3A_715] {strides = array<i32>} : memref<1x200x64xf32, #tpu.memory_space<vmem>>, vector<1x1x16xf32>,
        %get3A_717 = vector.shape_cast %get3A_716 : vector<1x1x16xf32> to vector<16xf32>
        %get3A_718 = arith.index_cast %scan3A_675 : i32 to index
        %get3A_719 = arith.constant 32 : index
        %get3A_720 = tpu.vector_load %arg11[%get3A_718, %get3A_719] {strides = array<i32>} : memref<200x64xf32, #tpu.memory_space<vmem>>, vector<1x16xf32>,
        %get3A_721 = vector.shape_cast %get3A_720 : vector<1x16xf32> to vector<16xf32>
        %add3A_722 = arith.addf %get3A_717, %get3A_721 : vector<16xf32>
        %add3A_723 = arith.constant 32 : i32
        %add3A_724 = arith.addi %mul3A_677, %add3A_723 : i32
        %swap3A_725 = arith.index_cast %add3A_724 : i32 to index
        %swap3A_726 = tpu.vector_load %arg9[%swap3A_725] {strides = array<i32>} : memref<12800xf32, #tpu.memory_space<vmem>>, vector<16xf32>,
        %swap3A_727 = vector.shape_cast %swap3A_726 : vector<16xf32> to vector<16xf32>
        %swap3A_728 = vector.shape_cast %add3A_722 : vector<16xf32> to vector<16xf32>
        tpu.vector_store %arg9[%swap3A_725], %swap3A_728 {strides = array<i32>} : memref<12800xf32, #tpu.memory_space<vmem>>, vector<16xf32>,
        %get3A_729 = arith.constant 0 : i32
        %get3A_730 = arith.index_cast %get3A_729 : i32 to index
        %get3A_731 = arith.index_cast %scan3A_675 : i32 to index
        %get3A_732 = arith.constant 48 : index
        %get3A_733 = tpu.vector_load %arg7[%get3A_730, %get3A_731, %get3A_732] {strides = array<i32>} : memref<1x200x64xf32, #tpu.memory_space<vmem>>, vector<1x1x16xf32>,
        %get3A_734 = vector.shape_cast %get3A_733 : vector<1x1x16xf32> to vector<16xf32>
        %get3A_735 = arith.index_cast %scan3A_675 : i32 to index
        %get3A_736 = arith.constant 48 : index
        %get3A_737 = tpu.vector_load %arg11[%get3A_735, %get3A_736] {strides = array<i32>} : memref<200x64xf32, #tpu.memory_space<vmem>>, vector<1x16xf32>,
        %get3A_738 = vector.shape_cast %get3A_737 : vector<1x16xf32> to vector<16xf32>
        %add3A_739 = arith.addf %get3A_734, %get3A_738 : vector<16xf32>
        %add3A_740 = arith.constant 48 : i32
        %add3A_741 = arith.addi %mul3A_677, %add3A_740 : i32
        %swap3A_742 = arith.index_cast %add3A_741 : i32 to index
        %swap3A_743 = tpu.vector_load %arg9[%swap3A_742] {strides = array<i32>} : memref<12800xf32, #tpu.memory_space<vmem>>, vector<16xf32>,
        %swap3A_744 = vector.shape_cast %swap3A_743 : vector<16xf32> to vector<16xf32>
        %swap3A_745 = vector.shape_cast %add3A_739 : vector<16xf32> to vector<16xf32>
        tpu.vector_store %arg9[%swap3A_742], %swap3A_745 {strides = array<i32>} : memref<12800xf32, #tpu.memory_space<vmem>>, vector<16xf32>,
        %scan3A_746 = arith.constant 7 : i32
        %scan3A_747 = arith.addi %scan3A_245, %scan3A_746 : i32
        %mul3A_748 = arith.constant 64 : i32
        %mul3A_749 = arith.muli %scan3A_747, %mul3A_748 : i32
        %get3A_750 = arith.constant 0 : i32
        %get3A_751 = arith.index_cast %get3A_750 : i32 to index
        %get3A_752 = arith.index_cast %scan3A_747 : i32 to index
        %get3A_753 = arith.constant 0 : index
        %get3A_754 = tpu.vector_load %arg7[%get3A_751, %get3A_752, %get3A_753] {strides = array<i32>} : memref<1x200x64xf32, #tpu.memory_space<vmem>>, vector<1x1x16xf32>,
        %get3A_755 = vector.shape_cast %get3A_754 : vector<1x1x16xf32> to vector<16xf32>
        %get3A_756 = arith.index_cast %scan3A_747 : i32 to index
        %get3A_757 = arith.constant 0 : index
        %get3A_758 = tpu.vector_load %arg11[%get3A_756, %get3A_757] {strides = array<i32>} : memref<200x64xf32, #tpu.memory_space<vmem>>, vector<1x16xf32>,
        %get3A_759 = vector.shape_cast %get3A_758 : vector<1x16xf32> to vector<16xf32>
        %add3A_760 = arith.addf %get3A_755, %get3A_759 : vector<16xf32>
        %add3A_761 = arith.constant 0 : i32
        %add3A_762 = arith.addi %mul3A_749, %add3A_761 : i32
        %swap3A_763 = arith.index_cast %add3A_762 : i32 to index
        %swap3A_764 = tpu.vector_load %arg9[%swap3A_763] {strides = array<i32>} : memref<12800xf32, #tpu.memory_space<vmem>>, vector<16xf32>,
        %swap3A_765 = vector.shape_cast %swap3A_764 : vector<16xf32> to vector<16xf32>
        %swap3A_766 = vector.shape_cast %add3A_760 : vector<16xf32> to vector<16xf32>
        tpu.vector_store %arg9[%swap3A_763], %swap3A_766 {strides = array<i32>} : memref<12800xf32, #tpu.memory_space<vmem>>, vector<16xf32>,
        %get3A_767 = arith.constant 0 : i32
        %get3A_768 = arith.index_cast %get3A_767 : i32 to index
        %get3A_769 = arith.index_cast %scan3A_747 : i32 to index
        %get3A_770 = arith.constant 16 : index
        %get3A_771 = tpu.vector_load %arg7[%get3A_768, %get3A_769, %get3A_770] {strides = array<i32>} : memref<1x200x64xf32, #tpu.memory_space<vmem>>, vector<1x1x16xf32>,
        %get3A_772 = vector.shape_cast %get3A_771 : vector<1x1x16xf32> to vector<16xf32>
        %get3A_773 = arith.index_cast %scan3A_747 : i32 to index
        %get3A_774 = arith.constant 16 : index
        %get3A_775 = tpu.vector_load %arg11[%get3A_773, %get3A_774] {strides = array<i32>} : memref<200x64xf32, #tpu.memory_space<vmem>>, vector<1x16xf32>,
        %get3A_776 = vector.shape_cast %get3A_775 : vector<1x16xf32> to vector<16xf32>
        %add3A_777 = arith.addf %get3A_772, %get3A_776 : vector<16xf32>
        %add3A_778 = arith.constant 16 : i32
        %add3A_779 = arith.addi %mul3A_749, %add3A_778 : i32
        %swap3A_780 = arith.index_cast %add3A_779 : i32 to index
        %swap3A_781 = tpu.vector_load %arg9[%swap3A_780] {strides = array<i32>} : memref<12800xf32, #tpu.memory_space<vmem>>, vector<16xf32>,
        %swap3A_782 = vector.shape_cast %swap3A_781 : vector<16xf32> to vector<16xf32>
        %swap3A_783 = vector.shape_cast %add3A_777 : vector<16xf32> to vector<16xf32>
        tpu.vector_store %arg9[%swap3A_780], %swap3A_783 {strides = array<i32>} : memref<12800xf32, #tpu.memory_space<vmem>>, vector<16xf32>,
        %get3A_784 = arith.constant 0 : i32
        %get3A_785 = arith.index_cast %get3A_784 : i32 to index
        %get3A_786 = arith.index_cast %scan3A_747 : i32 to index
        %get3A_787 = arith.constant 32 : index
        %get3A_788 = tpu.vector_load %arg7[%get3A_785, %get3A_786, %get3A_787] {strides = array<i32>} : memref<1x200x64xf32, #tpu.memory_space<vmem>>, vector<1x1x16xf32>,
        %get3A_789 = vector.shape_cast %get3A_788 : vector<1x1x16xf32> to vector<16xf32>
        %get3A_790 = arith.index_cast %scan3A_747 : i32 to index
        %get3A_791 = arith.constant 32 : index
        %get3A_792 = tpu.vector_load %arg11[%get3A_790, %get3A_791] {strides = array<i32>} : memref<200x64xf32, #tpu.memory_space<vmem>>, vector<1x16xf32>,
        %get3A_793 = vector.shape_cast %get3A_792 : vector<1x16xf32> to vector<16xf32>
        %add3A_794 = arith.addf %get3A_789, %get3A_793 : vector<16xf32>
        %add3A_795 = arith.constant 32 : i32
        %add3A_796 = arith.addi %mul3A_749, %add3A_795 : i32
        %swap3A_797 = arith.index_cast %add3A_796 : i32 to index
        %swap3A_798 = tpu.vector_load %arg9[%swap3A_797] {strides = array<i32>} : memref<12800xf32, #tpu.memory_space<vmem>>, vector<16xf32>,
        %swap3A_799 = vector.shape_cast %swap3A_798 : vector<16xf32> to vector<16xf32>
        %swap3A_800 = vector.shape_cast %add3A_794 : vector<16xf32> to vector<16xf32>
        tpu.vector_store %arg9[%swap3A_797], %swap3A_800 {strides = array<i32>} : memref<12800xf32, #tpu.memory_space<vmem>>, vector<16xf32>,
        %get3A_801 = arith.constant 0 : i32
        %get3A_802 = arith.index_cast %get3A_801 : i32 to index
        %get3A_803 = arith.index_cast %scan3A_747 : i32 to index
        %get3A_804 = arith.constant 48 : index
        %get3A_805 = tpu.vector_load %arg7[%get3A_802, %get3A_803, %get3A_804] {strides = array<i32>} : memref<1x200x64xf32, #tpu.memory_space<vmem>>, vector<1x1x16xf32>,
        %get3A_806 = vector.shape_cast %get3A_805 : vector<1x1x16xf32> to vector<16xf32>
        %get3A_807 = arith.index_cast %scan3A_747 : i32 to index
        %get3A_808 = arith.constant 48 : index
        %get3A_809 = tpu.vector_load %arg11[%get3A_807, %get3A_808] {strides = array<i32>} : memref<200x64xf32, #tpu.memory_space<vmem>>, vector<1x16xf32>,
        %get3A_810 = vector.shape_cast %get3A_809 : vector<1x16xf32> to vector<16xf32>
        %add3A_811 = arith.addf %get3A_806, %get3A_810 : vector<16xf32>
        %add3A_812 = arith.constant 48 : i32
        %add3A_813 = arith.addi %mul3A_749, %add3A_812 : i32
        %swap3A_814 = arith.index_cast %add3A_813 : i32 to index
        %swap3A_815 = tpu.vector_load %arg9[%swap3A_814] {strides = array<i32>} : memref<12800xf32, #tpu.memory_space<vmem>>, vector<16xf32>,
        %swap3A_816 = vector.shape_cast %swap3A_815 : vector<16xf32> to vector<16xf32>
        %swap3A_817 = vector.shape_cast %add3A_811 : vector<16xf32> to vector<16xf32>
        tpu.vector_store %arg9[%swap3A_814], %swap3A_817 {strides = array<i32>} : memref<12800xf32, #tpu.memory_space<vmem>>, vector<16xf32>,
      }
      %scan3A_196 = arith.constant 200 : i32
      %add3A_197 = arith.addi %mul3A_2, %add3A_165 : i32
      %dma_start3A_198 = arith.constant 0 : i32
      %dma_start3A_199 = tpu.memref_slice %arg5[%add3A_197, %dma_start3A_198] : memref<4096x12800xf32, #tpu.memory_space<hbm>> -> memref<1x12800xf32, #tpu.memory_space<hbm>>
      %dma_start3A_200 = tpu.memref_squeeze %dma_start3A_199 : memref<1x12800xf32, #tpu.memory_space<hbm>> -> memref<12800xf32, #tpu.memory_space<hbm>>
      %dma_start3A_201 = arith.constant 0 : i32
      %dma_start3A_202 = tpu.memref_slice %arg5[%add3A_197, %dma_start3A_201] : memref<4096x12800xf32, #tpu.memory_space<hbm>> -> memref<1x12800xf32, #tpu.memory_space<hbm>>
      %dma_start3A_203 = tpu.memref_squeeze %dma_start3A_202 : memref<1x12800xf32, #tpu.memory_space<hbm>> -> memref<12800xf32, #tpu.memory_space<hbm>>
      tpu.enqueue_dma source(%arg9 : memref<12800xf32, #tpu.memory_space<vmem>>) target(%dma_start3A_203 : memref<12800xf32, #tpu.memory_space<hbm>>) target_semaphore(%arg13 : memref<!tpu.dma_semaphore, #tpu.memory_space<semaphore_mem>>)
      %add3A_204 = arith.constant 1 : i32
      %add3A_205 = arith.addi %add3A_165, %add3A_204 : i32
      %dma_wait3A_206 = arith.constant 0 : i32
      %dma_wait3A_207 = arith.constant 0 : i32
      %dma_wait3A_208 = tpu.memref_slice %arg6[%add3A_205, %dma_wait3A_206, %dma_wait3A_207] : memref<128x1x200xi32, #tpu.memory_space<vmem>> -> memref<1x1x200xi32, #tpu.memory_space<vmem>>
      %dma_wait3A_209 = tpu.memref_squeeze %dma_wait3A_208 : memref<1x1x200xi32, #tpu.memory_space<vmem>> -> memref<1x200xi32, #tpu.memory_space<vmem>>
      %dma_wait3A_210 = arith.constant 0 : i32
      %dma_wait3A_211 = arith.constant 0 : i32
      %dma_wait3A_212 = arith.constant 0 : i32
      %dma_wait3A_213 = tpu.memref_slice %arg3[%dma_wait3A_210, %dma_wait3A_211, %dma_wait3A_212] : memref<1x1000000x64xf32, #tpu.memory_space<hbm>> -> memref<1x1000000x64xf32, #tpu.memory_space<hbm>>
      tpu.wait_indirect_dma semaphore(%arg12 : memref<!tpu.dma_semaphore, #tpu.memory_space<semaphore_mem>>) src(%dma_wait3A_213 : memref<1x1000000x64xf32, #tpu.memory_space<hbm>>) dst(%arg8 : memref<1x200x64xf32, #tpu.memory_space<vmem>>)
      %add3A_214 = arith.constant 1 : i32
      %add3A_215 = arith.addi %add3A_205, %add3A_214 : i32
      %dma_start3A_216 = arith.constant 0 : i32
      %dma_start3A_217 = arith.constant 0 : i32
      %dma_start3A_218 = tpu.memref_slice %arg6[%add3A_215, %dma_start3A_216, %dma_start3A_217] : memref<128x1x200xi32, #tpu.memory_space<vmem>> -> memref<1x1x200xi32, #tpu.memory_space<vmem>>
      %dma_start3A_219 = tpu.memref_squeeze %dma_start3A_218 : memref<1x1x200xi32, #tpu.memory_space<vmem>> -> memref<1x200xi32, #tpu.memory_space<vmem>>
      %dma_start3A_220 = arith.constant 0 : i32
      %dma_start3A_221 = arith.constant 0 : i32
      %dma_start3A_222 = arith.constant 0 : i32
      %dma_start3A_223 = tpu.memref_slice %arg3[%dma_start3A_220, %dma_start3A_221, %dma_start3A_222] : memref<1x1000000x64xf32, #tpu.memory_space<hbm>> -> memref<1x1000000x64xf32, #tpu.memory_space<hbm>>
      tpu.enqueue_indirect_dma source(%dma_start3A_223 : memref<1x1000000x64xf32, #tpu.memory_space<hbm>>) target(%arg7 : memref<1x200x64xf32, #tpu.memory_space<vmem>>) offsets(%dma_start3A_219 : memref<1x200xi32, #tpu.memory_space<vmem>>) semaphore(%arg12 : memref<!tpu.dma_semaphore, #tpu.memory_space<semaphore_mem>>)
      %sub3A_224 = arith.constant 2 : i32
      %sub3A_225 = arith.subi %add3A_205, %sub3A_224 : i32
      %add3A_226 = arith.addi %mul3A_2, %sub3A_225 : i32
      %dma_wait3A_227 = arith.constant 0 : i32
      %dma_wait3A_228 = tpu.memref_slice %arg5[%add3A_226, %dma_wait3A_227] : memref<4096x12800xf32, #tpu.memory_space<hbm>> -> memref<1x12800xf32, #tpu.memory_space<hbm>>
      %dma_wait3A_229 = tpu.memref_squeeze %dma_wait3A_228 : memref<1x12800xf32, #tpu.memory_space<hbm>> -> memref<12800xf32, #tpu.memory_space<hbm>>
      %dma_wait3A_230 = arith.constant 0 : i32
      %dma_wait3A_231 = tpu.memref_slice %arg5[%add3A_226, %dma_wait3A_230] : memref<4096x12800xf32, #tpu.memory_space<hbm>> -> memref<1x12800xf32, #tpu.memory_space<hbm>>
      %dma_wait3A_232 = tpu.memref_squeeze %dma_wait3A_231 : memref<1x12800xf32, #tpu.memory_space<hbm>> -> memref<12800xf32, #tpu.memory_space<hbm>>
      tpu.wait_dma2 semaphore(%arg13 : memref<!tpu.dma_semaphore, #tpu.memory_space<semaphore_mem>>) src(%arg10 : memref<12800xf32, #tpu.memory_space<vmem>>) dst(%dma_wait3A_232 : memref<12800xf32, #tpu.memory_space<hbm>>)
      %scan3A_233 = arith.constant 0 : i32
      %scan3A_234 = arith.constant 200 : i32
      %scan3A_235 = arith.addi %scan3A_233, %scan3A_234 : i32
      %scan3A_236 = arith.constant 8 : i32
      scf.for %scan3A_245 = %scan3A_233 to %scan3A_235 step %scan3A_236  : i32 {
        %mul3A_246 = arith.constant 64 : i32
        %mul3A_247 = arith.muli %scan3A_245, %mul3A_246 : i32
        %get3A = arith.constant 0 : i32
        %get3A_248 = arith.index_cast %get3A : i32 to index
        %get3A_249 = arith.index_cast %scan3A_245 : i32 to index
        %get3A_250 = arith.constant 0 : index
        %get3A_251 = tpu.vector_load %arg8[%get3A_248, %get3A_249, %get3A_250] {strides = array<i32>} : memref<1x200x64xf32, #tpu.memory_space<vmem>>, vector<1x1x16xf32>,
        %get3A_252 = vector.shape_cast %get3A_251 : vector<1x1x16xf32> to vector<16xf32>
        %get3A_253 = arith.index_cast %scan3A_245 : i32 to index
        %get3A_254 = arith.constant 0 : index
        %get3A_255 = tpu.vector_load %arg11[%get3A_253, %get3A_254] {strides = array<i32>} : memref<200x64xf32, #tpu.memory_space<vmem>>, vector<1x16xf32>,
        %get3A_256 = vector.shape_cast %get3A_255 : vector<1x16xf32> to vector<16xf32>
        %add3A_257 = arith.addf %get3A_252, %get3A_256 : vector<16xf32>
        %add3A_258 = arith.constant 0 : i32
        %add3A_259 = arith.addi %mul3A_247, %add3A_258 : i32
        %swap3A = arith.index_cast %add3A_259 : i32 to index
        %swap3A_260 = tpu.vector_load %arg10[%swap3A] {strides = array<i32>} : memref<12800xf32, #tpu.memory_space<vmem>>, vector<16xf32>,
        %swap3A_261 = vector.shape_cast %swap3A_260 : vector<16xf32> to vector<16xf32>
        %swap3A_262 = vector.shape_cast %add3A_257 : vector<16xf32> to vector<16xf32>
        tpu.vector_store %arg10[%swap3A], %swap3A_262 {strides = array<i32>} : memref<12800xf32, #tpu.memory_space<vmem>>, vector<16xf32>,
        %get3A_263 = arith.constant 0 : i32
        %get3A_264 = arith.index_cast %get3A_263 : i32 to index
        %get3A_265 = arith.index_cast %scan3A_245 : i32 to index
        %get3A_266 = arith.constant 16 : index
        %get3A_267 = tpu.vector_load %arg8[%get3A_264, %get3A_265, %get3A_266] {strides = array<i32>} : memref<1x200x64xf32, #tpu.memory_space<vmem>>, vector<1x1x16xf32>,
        %get3A_268 = vector.shape_cast %get3A_267 : vector<1x1x16xf32> to vector<16xf32>
        %get3A_269 = arith.index_cast %scan3A_245 : i32 to index
        %get3A_270 = arith.constant 16 : index
        %get3A_271 = tpu.vector_load %arg11[%get3A_269, %get3A_270] {strides = array<i32>} : memref<200x64xf32, #tpu.memory_space<vmem>>, vector<1x16xf32>,
        %get3A_272 = vector.shape_cast %get3A_271 : vector<1x16xf32> to vector<16xf32>
        %add3A_273 = arith.addf %get3A_268, %get3A_272 : vector<16xf32>
        %add3A_274 = arith.constant 16 : i32
        %add3A_275 = arith.addi %mul3A_247, %add3A_274 : i32
        %swap3A_276 = arith.index_cast %add3A_275 : i32 to index
        %swap3A_277 = tpu.vector_load %arg10[%swap3A_276] {strides = array<i32>} : memref<12800xf32, #tpu.memory_space<vmem>>, vector<16xf32>,
        %swap3A_278 = vector.shape_cast %swap3A_277 : vector<16xf32> to vector<16xf32>
        %swap3A_279 = vector.shape_cast %add3A_273 : vector<16xf32> to vector<16xf32>
        tpu.vector_store %arg10[%swap3A_276], %swap3A_279 {strides = array<i32>} : memref<12800xf32, #tpu.memory_space<vmem>>, vector<16xf32>,
        %get3A_280 = arith.constant 0 : i32
        %get3A_281 = arith.index_cast %get3A_280 : i32 to index
        %get3A_282 = arith.index_cast %scan3A_245 : i32 to index
        %get3A_283 = arith.constant 32 : index
        %get3A_284 = tpu.vector_load %arg8[%get3A_281, %get3A_282, %get3A_283] {strides = array<i32>} : memref<1x200x64xf32, #tpu.memory_space<vmem>>, vector<1x1x16xf32>,
        %get3A_285 = vector.shape_cast %get3A_284 : vector<1x1x16xf32> to vector<16xf32>
        %get3A_286 = arith.index_cast %scan3A_245 : i32 to index
        %get3A_287 = arith.constant 32 : index
        %get3A_288 = tpu.vector_load %arg11[%get3A_286, %get3A_287] {strides = array<i32>} : memref<200x64xf32, #tpu.memory_space<vmem>>, vector<1x16xf32>,
        %get3A_289 = vector.shape_cast %get3A_288 : vector<1x16xf32> to vector<16xf32>
        %add3A_290 = arith.addf %get3A_285, %get3A_289 : vector<16xf32>
        %add3A_291 = arith.constant 32 : i32
        %add3A_292 = arith.addi %mul3A_247, %add3A_291 : i32
        %swap3A_293 = arith.index_cast %add3A_292 : i32 to index
        %swap3A_294 = tpu.vector_load %arg10[%swap3A_293] {strides = array<i32>} : memref<12800xf32, #tpu.memory_space<vmem>>, vector<16xf32>,
        %swap3A_295 = vector.shape_cast %swap3A_294 : vector<16xf32> to vector<16xf32>
        %swap3A_296 = vector.shape_cast %add3A_290 : vector<16xf32> to vector<16xf32>
        tpu.vector_store %arg10[%swap3A_293], %swap3A_296 {strides = array<i32>} : memref<12800xf32, #tpu.memory_space<vmem>>, vector<16xf32>,
        %get3A_297 = arith.constant 0 : i32
        %get3A_298 = arith.index_cast %get3A_297 : i32 to index
        %get3A_299 = arith.index_cast %scan3A_245 : i32 to index
        %get3A_300 = arith.constant 48 : index
        %get3A_301 = tpu.vector_load %arg8[%get3A_298, %get3A_299, %get3A_300] {strides = array<i32>} : memref<1x200x64xf32, #tpu.memory_space<vmem>>, vector<1x1x16xf32>,
        %get3A_302 = vector.shape_cast %get3A_301 : vector<1x1x16xf32> to vector<16xf32>
        %get3A_303 = arith.index_cast %scan3A_245 : i32 to index
        %get3A_304 = arith.constant 48 : index
        %get3A_305 = tpu.vector_load %arg11[%get3A_303, %get3A_304] {strides = array<i32>} : memref<200x64xf32, #tpu.memory_space<vmem>>, vector<1x16xf32>,
        %get3A_306 = vector.shape_cast %get3A_305 : vector<1x16xf32> to vector<16xf32>
        %add3A_307 = arith.addf %get3A_302, %get3A_306 : vector<16xf32>
        %add3A_308 = arith.constant 48 : i32
        %add3A_309 = arith.addi %mul3A_247, %add3A_308 : i32
        %swap3A_310 = arith.index_cast %add3A_309 : i32 to index
        %swap3A_311 = tpu.vector_load %arg10[%swap3A_310] {strides = array<i32>} : memref<12800xf32, #tpu.memory_space<vmem>>, vector<16xf32>,
        %swap3A_312 = vector.shape_cast %swap3A_311 : vector<16xf32> to vector<16xf32>
        %swap3A_313 = vector.shape_cast %add3A_307 : vector<16xf32> to vector<16xf32>
        tpu.vector_store %arg10[%swap3A_310], %swap3A_313 {strides = array<i32>} : memref<12800xf32, #tpu.memory_space<vmem>>, vector<16xf32>,
        %scan3A_314 = arith.constant 1 : i32
        %scan3A_315 = arith.addi %scan3A_245, %scan3A_314 : i32
        %mul3A_316 = arith.constant 64 : i32
        %mul3A_317 = arith.muli %scan3A_315, %mul3A_316 : i32
        %get3A_318 = arith.constant 0 : i32
        %get3A_319 = arith.index_cast %get3A_318 : i32 to index
        %get3A_320 = arith.index_cast %scan3A_315 : i32 to index
        %get3A_321 = arith.constant 0 : index
        %get3A_322 = tpu.vector_load %arg8[%get3A_319, %get3A_320, %get3A_321] {strides = array<i32>} : memref<1x200x64xf32, #tpu.memory_space<vmem>>, vector<1x1x16xf32>,
        %get3A_323 = vector.shape_cast %get3A_322 : vector<1x1x16xf32> to vector<16xf32>
        %get3A_324 = arith.index_cast %scan3A_315 : i32 to index
        %get3A_325 = arith.constant 0 : index
        %get3A_326 = tpu.vector_load %arg11[%get3A_324, %get3A_325] {strides = array<i32>} : memref<200x64xf32, #tpu.memory_space<vmem>>, vector<1x16xf32>,
        %get3A_327 = vector.shape_cast %get3A_326 : vector<1x16xf32> to vector<16xf32>
        %add3A_328 = arith.addf %get3A_323, %get3A_327 : vector<16xf32>
        %add3A_329 = arith.constant 0 : i32
        %add3A_330 = arith.addi %mul3A_317, %add3A_329 : i32
        %swap3A_331 = arith.index_cast %add3A_330 : i32 to index
        %swap3A_332 = tpu.vector_load %arg10[%swap3A_331] {strides = array<i32>} : memref<12800xf32, #tpu.memory_space<vmem>>, vector<16xf32>,
        %swap3A_333 = vector.shape_cast %swap3A_332 : vector<16xf32> to vector<16xf32>
        %swap3A_334 = vector.shape_cast %add3A_328 : vector<16xf32> to vector<16xf32>
        tpu.vector_store %arg10[%swap3A_331], %swap3A_334 {strides = array<i32>} : memref<12800xf32, #tpu.memory_space<vmem>>, vector<16xf32>,
        %get3A_335 = arith.constant 0 : i32
        %get3A_336 = arith.index_cast %get3A_335 : i32 to index
        %get3A_337 = arith.index_cast %scan3A_315 : i32 to index
        %get3A_338 = arith.constant 16 : index
        %get3A_339 = tpu.vector_load %arg8[%get3A_336, %get3A_337, %get3A_338] {strides = array<i32>} : memref<1x200x64xf32, #tpu.memory_space<vmem>>, vector<1x1x16xf32>,
        %get3A_340 = vector.shape_cast %get3A_339 : vector<1x1x16xf32> to vector<16xf32>
        %get3A_341 = arith.index_cast %scan3A_315 : i32 to index
        %get3A_342 = arith.constant 16 : index
        %get3A_343 = tpu.vector_load %arg11[%get3A_341, %get3A_342] {strides = array<i32>} : memref<200x64xf32, #tpu.memory_space<vmem>>, vector<1x16xf32>,
        %get3A_344 = vector.shape_cast %get3A_343 : vector<1x16xf32> to vector<16xf32>
        %add3A_345 = arith.addf %get3A_340, %get3A_344 : vector<16xf32>
        %add3A_346 = arith.constant 16 : i32
        %add3A_347 = arith.addi %mul3A_317, %add3A_346 : i32
        %swap3A_348 = arith.index_cast %add3A_347 : i32 to index
        %swap3A_349 = tpu.vector_load %arg10[%swap3A_348] {strides = array<i32>} : memref<12800xf32, #tpu.memory_space<vmem>>, vector<16xf32>,
        %swap3A_350 = vector.shape_cast %swap3A_349 : vector<16xf32> to vector<16xf32>
        %swap3A_351 = vector.shape_cast %add3A_345 : vector<16xf32> to vector<16xf32>
        tpu.vector_store %arg10[%swap3A_348], %swap3A_351 {strides = array<i32>} : memref<12800xf32, #tpu.memory_space<vmem>>, vector<16xf32>,
        %get3A_352 = arith.constant 0 : i32
        %get3A_353 = arith.index_cast %get3A_352 : i32 to index
        %get3A_354 = arith.index_cast %scan3A_315 : i32 to index
        %get3A_355 = arith.constant 32 : index
        %get3A_356 = tpu.vector_load %arg8[%get3A_353, %get3A_354, %get3A_355] {strides = array<i32>} : memref<1x200x64xf32, #tpu.memory_space<vmem>>, vector<1x1x16xf32>,
        %get3A_357 = vector.shape_cast %get3A_356 : vector<1x1x16xf32> to vector<16xf32>
        %get3A_358 = arith.index_cast %scan3A_315 : i32 to index
        %get3A_359 = arith.constant 32 : index
        %get3A_360 = tpu.vector_load %arg11[%get3A_358, %get3A_359] {strides = array<i32>} : memref<200x64xf32, #tpu.memory_space<vmem>>, vector<1x16xf32>,
        %get3A_361 = vector.shape_cast %get3A_360 : vector<1x16xf32> to vector<16xf32>
        %add3A_362 = arith.addf %get3A_357, %get3A_361 : vector<16xf32>
        %add3A_363 = arith.constant 32 : i32
        %add3A_364 = arith.addi %mul3A_317, %add3A_363 : i32
        %swap3A_365 = arith.index_cast %add3A_364 : i32 to index
        %swap3A_366 = tpu.vector_load %arg10[%swap3A_365] {strides = array<i32>} : memref<12800xf32, #tpu.memory_space<vmem>>, vector<16xf32>,
        %swap3A_367 = vector.shape_cast %swap3A_366 : vector<16xf32> to vector<16xf32>
        %swap3A_368 = vector.shape_cast %add3A_362 : vector<16xf32> to vector<16xf32>
        tpu.vector_store %arg10[%swap3A_365], %swap3A_368 {strides = array<i32>} : memref<12800xf32, #tpu.memory_space<vmem>>, vector<16xf32>,
        %get3A_369 = arith.constant 0 : i32
        %get3A_370 = arith.index_cast %get3A_369 : i32 to index
        %get3A_371 = arith.index_cast %scan3A_315 : i32 to index
        %get3A_372 = arith.constant 48 : index
        %get3A_373 = tpu.vector_load %arg8[%get3A_370, %get3A_371, %get3A_372] {strides = array<i32>} : memref<1x200x64xf32, #tpu.memory_space<vmem>>, vector<1x1x16xf32>,
        %get3A_374 = vector.shape_cast %get3A_373 : vector<1x1x16xf32> to vector<16xf32>
        %get3A_375 = arith.index_cast %scan3A_315 : i32 to index
        %get3A_376 = arith.constant 48 : index
        %get3A_377 = tpu.vector_load %arg11[%get3A_375, %get3A_376] {strides = array<i32>} : memref<200x64xf32, #tpu.memory_space<vmem>>, vector<1x16xf32>,
        %get3A_378 = vector.shape_cast %get3A_377 : vector<1x16xf32> to vector<16xf32>
        %add3A_379 = arith.addf %get3A_374, %get3A_378 : vector<16xf32>
        %add3A_380 = arith.constant 48 : i32
        %add3A_381 = arith.addi %mul3A_317, %add3A_380 : i32
        %swap3A_382 = arith.index_cast %add3A_381 : i32 to index
        %swap3A_383 = tpu.vector_load %arg10[%swap3A_382] {strides = array<i32>} : memref<12800xf32, #tpu.memory_space<vmem>>, vector<16xf32>,
        %swap3A_384 = vector.shape_cast %swap3A_383 : vector<16xf32> to vector<16xf32>
        %swap3A_385 = vector.shape_cast %add3A_379 : vector<16xf32> to vector<16xf32>
        tpu.vector_store %arg10[%swap3A_382], %swap3A_385 {strides = array<i32>} : memref<12800xf32, #tpu.memory_space<vmem>>, vector<16xf32>,
        %scan3A_386 = arith.constant 2 : i32
        %scan3A_387 = arith.addi %scan3A_245, %scan3A_386 : i32
        %mul3A_388 = arith.constant 64 : i32
        %mul3A_389 = arith.muli %scan3A_387, %mul3A_388 : i32
        %get3A_390 = arith.constant 0 : i32
        %get3A_391 = arith.index_cast %get3A_390 : i32 to index
        %get3A_392 = arith.index_cast %scan3A_387 : i32 to index
        %get3A_393 = arith.constant 0 : index
        %get3A_394 = tpu.vector_load %arg8[%get3A_391, %get3A_392, %get3A_393] {strides = array<i32>} : memref<1x200x64xf32, #tpu.memory_space<vmem>>, vector<1x1x16xf32>,
        %get3A_395 = vector.shape_cast %get3A_394 : vector<1x1x16xf32> to vector<16xf32>
        %get3A_396 = arith.index_cast %scan3A_387 : i32 to index
        %get3A_397 = arith.constant 0 : index
        %get3A_398 = tpu.vector_load %arg11[%get3A_396, %get3A_397] {strides = array<i32>} : memref<200x64xf32, #tpu.memory_space<vmem>>, vector<1x16xf32>,
        %get3A_399 = vector.shape_cast %get3A_398 : vector<1x16xf32> to vector<16xf32>
        %add3A_400 = arith.addf %get3A_395, %get3A_399 : vector<16xf32>
        %add3A_401 = arith.constant 0 : i32
        %add3A_402 = arith.addi %mul3A_389, %add3A_401 : i32
        %swap3A_403 = arith.index_cast %add3A_402 : i32 to index
        %swap3A_404 = tpu.vector_load %arg10[%swap3A_403] {strides = array<i32>} : memref<12800xf32, #tpu.memory_space<vmem>>, vector<16xf32>,
        %swap3A_405 = vector.shape_cast %swap3A_404 : vector<16xf32> to vector<16xf32>
        %swap3A_406 = vector.shape_cast %add3A_400 : vector<16xf32> to vector<16xf32>
        tpu.vector_store %arg10[%swap3A_403], %swap3A_406 {strides = array<i32>} : memref<12800xf32, #tpu.memory_space<vmem>>, vector<16xf32>,
        %get3A_407 = arith.constant 0 : i32
        %get3A_408 = arith.index_cast %get3A_407 : i32 to index
        %get3A_409 = arith.index_cast %scan3A_387 : i32 to index
        %get3A_410 = arith.constant 16 : index
        %get3A_411 = tpu.vector_load %arg8[%get3A_408, %get3A_409, %get3A_410] {strides = array<i32>} : memref<1x200x64xf32, #tpu.memory_space<vmem>>, vector<1x1x16xf32>,
        %get3A_412 = vector.shape_cast %get3A_411 : vector<1x1x16xf32> to vector<16xf32>
        %get3A_413 = arith.index_cast %scan3A_387 : i32 to index
        %get3A_414 = arith.constant 16 : index
        %get3A_415 = tpu.vector_load %arg11[%get3A_413, %get3A_414] {strides = array<i32>} : memref<200x64xf32, #tpu.memory_space<vmem>>, vector<1x16xf32>,
        %get3A_416 = vector.shape_cast %get3A_415 : vector<1x16xf32> to vector<16xf32>
        %add3A_417 = arith.addf %get3A_412, %get3A_416 : vector<16xf32>
        %add3A_418 = arith.constant 16 : i32
        %add3A_419 = arith.addi %mul3A_389, %add3A_418 : i32
        %swap3A_420 = arith.index_cast %add3A_419 : i32 to index
        %swap3A_421 = tpu.vector_load %arg10[%swap3A_420] {strides = array<i32>} : memref<12800xf32, #tpu.memory_space<vmem>>, vector<16xf32>,
        %swap3A_422 = vector.shape_cast %swap3A_421 : vector<16xf32> to vector<16xf32>
        %swap3A_423 = vector.shape_cast %add3A_417 : vector<16xf32> to vector<16xf32>
        tpu.vector_store %arg10[%swap3A_420], %swap3A_423 {strides = array<i32>} : memref<12800xf32, #tpu.memory_space<vmem>>, vector<16xf32>,
        %get3A_424 = arith.constant 0 : i32
        %get3A_425 = arith.index_cast %get3A_424 : i32 to index
        %get3A_426 = arith.index_cast %scan3A_387 : i32 to index
        %get3A_427 = arith.constant 32 : index
        %get3A_428 = tpu.vector_load %arg8[%get3A_425, %get3A_426, %get3A_427] {strides = array<i32>} : memref<1x200x64xf32, #tpu.memory_space<vmem>>, vector<1x1x16xf32>,
        %get3A_429 = vector.shape_cast %get3A_428 : vector<1x1x16xf32> to vector<16xf32>
        %get3A_430 = arith.index_cast %scan3A_387 : i32 to index
        %get3A_431 = arith.constant 32 : index
        %get3A_432 = tpu.vector_load %arg11[%get3A_430, %get3A_431] {strides = array<i32>} : memref<200x64xf32, #tpu.memory_space<vmem>>, vector<1x16xf32>,
        %get3A_433 = vector.shape_cast %get3A_432 : vector<1x16xf32> to vector<16xf32>
        %add3A_434 = arith.addf %get3A_429, %get3A_433 : vector<16xf32>
        %add3A_435 = arith.constant 32 : i32
        %add3A_436 = arith.addi %mul3A_389, %add3A_435 : i32
        %swap3A_437 = arith.index_cast %add3A_436 : i32 to index
        %swap3A_438 = tpu.vector_load %arg10[%swap3A_437] {strides = array<i32>} : memref<12800xf32, #tpu.memory_space<vmem>>, vector<16xf32>,
        %swap3A_439 = vector.shape_cast %swap3A_438 : vector<16xf32> to vector<16xf32>
        %swap3A_440 = vector.shape_cast %add3A_434 : vector<16xf32> to vector<16xf32>
        tpu.vector_store %arg10[%swap3A_437], %swap3A_440 {strides = array<i32>} : memref<12800xf32, #tpu.memory_space<vmem>>, vector<16xf32>,
        %get3A_441 = arith.constant 0 : i32
        %get3A_442 = arith.index_cast %get3A_441 : i32 to index
        %get3A_443 = arith.index_cast %scan3A_387 : i32 to index
        %get3A_444 = arith.constant 48 : index
        %get3A_445 = tpu.vector_load %arg8[%get3A_442, %get3A_443, %get3A_444] {strides = array<i32>} : memref<1x200x64xf32, #tpu.memory_space<vmem>>, vector<1x1x16xf32>,
        %get3A_446 = vector.shape_cast %get3A_445 : vector<1x1x16xf32> to vector<16xf32>
        %get3A_447 = arith.index_cast %scan3A_387 : i32 to index
        %get3A_448 = arith.constant 48 : index
        %get3A_449 = tpu.vector_load %arg11[%get3A_447, %get3A_448] {strides = array<i32>} : memref<200x64xf32, #tpu.memory_space<vmem>>, vector<1x16xf32>,
        %get3A_450 = vector.shape_cast %get3A_449 : vector<1x16xf32> to vector<16xf32>
        %add3A_451 = arith.addf %get3A_446, %get3A_450 : vector<16xf32>
        %add3A_452 = arith.constant 48 : i32
        %add3A_453 = arith.addi %mul3A_389, %add3A_452 : i32
        %swap3A_454 = arith.index_cast %add3A_453 : i32 to index
        %swap3A_455 = tpu.vector_load %arg10[%swap3A_454] {strides = array<i32>} : memref<12800xf32, #tpu.memory_space<vmem>>, vector<16xf32>,
        %swap3A_456 = vector.shape_cast %swap3A_455 : vector<16xf32> to vector<16xf32>
        %swap3A_457 = vector.shape_cast %add3A_451 : vector<16xf32> to vector<16xf32>
        tpu.vector_store %arg10[%swap3A_454], %swap3A_457 {strides = array<i32>} : memref<12800xf32, #tpu.memory_space<vmem>>, vector<16xf32>,
        %scan3A_458 = arith.constant 3 : i32
        %scan3A_459 = arith.addi %scan3A_245, %scan3A_458 : i32
        %mul3A_460 = arith.constant 64 : i32
        %mul3A_461 = arith.muli %scan3A_459, %mul3A_460 : i32
        %get3A_462 = arith.constant 0 : i32
        %get3A_463 = arith.index_cast %get3A_462 : i32 to index
        %get3A_464 = arith.index_cast %scan3A_459 : i32 to index
        %get3A_465 = arith.constant 0 : index
        %get3A_466 = tpu.vector_load %arg8[%get3A_463, %get3A_464, %get3A_465] {strides = array<i32>} : memref<1x200x64xf32, #tpu.memory_space<vmem>>, vector<1x1x16xf32>,
        %get3A_467 = vector.shape_cast %get3A_466 : vector<1x1x16xf32> to vector<16xf32>
        %get3A_468 = arith.index_cast %scan3A_459 : i32 to index
        %get3A_469 = arith.constant 0 : index
        %get3A_470 = tpu.vector_load %arg11[%get3A_468, %get3A_469] {strides = array<i32>} : memref<200x64xf32, #tpu.memory_space<vmem>>, vector<1x16xf32>,
        %get3A_471 = vector.shape_cast %get3A_470 : vector<1x16xf32> to vector<16xf32>
        %add3A_472 = arith.addf %get3A_467, %get3A_471 : vector<16xf32>
        %add3A_473 = arith.constant 0 : i32
        %add3A_474 = arith.addi %mul3A_461, %add3A_473 : i32
        %swap3A_475 = arith.index_cast %add3A_474 : i32 to index
        %swap3A_476 = tpu.vector_load %arg10[%swap3A_475] {strides = array<i32>} : memref<12800xf32, #tpu.memory_space<vmem>>, vector<16xf32>,
        %swap3A_477 = vector.shape_cast %swap3A_476 : vector<16xf32> to vector<16xf32>
        %swap3A_478 = vector.shape_cast %add3A_472 : vector<16xf32> to vector<16xf32>
        tpu.vector_store %arg10[%swap3A_475], %swap3A_478 {strides = array<i32>} : memref<12800xf32, #tpu.memory_space<vmem>>, vector<16xf32>,
        %get3A_479 = arith.constant 0 : i32
        %get3A_480 = arith.index_cast %get3A_479 : i32 to index
        %get3A_481 = arith.index_cast %scan3A_459 : i32 to index
        %get3A_482 = arith.constant 16 : index
        %get3A_483 = tpu.vector_load %arg8[%get3A_480, %get3A_481, %get3A_482] {strides = array<i32>} : memref<1x200x64xf32, #tpu.memory_space<vmem>>, vector<1x1x16xf32>,
        %get3A_484 = vector.shape_cast %get3A_483 : vector<1x1x16xf32> to vector<16xf32>
        %get3A_485 = arith.index_cast %scan3A_459 : i32 to index
        %get3A_486 = arith.constant 16 : index
        %get3A_487 = tpu.vector_load %arg11[%get3A_485, %get3A_486] {strides = array<i32>} : memref<200x64xf32, #tpu.memory_space<vmem>>, vector<1x16xf32>,
        %get3A_488 = vector.shape_cast %get3A_487 : vector<1x16xf32> to vector<16xf32>
        %add3A_489 = arith.addf %get3A_484, %get3A_488 : vector<16xf32>
        %add3A_490 = arith.constant 16 : i32
        %add3A_491 = arith.addi %mul3A_461, %add3A_490 : i32
        %swap3A_492 = arith.index_cast %add3A_491 : i32 to index
        %swap3A_493 = tpu.vector_load %arg10[%swap3A_492] {strides = array<i32>} : memref<12800xf32, #tpu.memory_space<vmem>>, vector<16xf32>,
        %swap3A_494 = vector.shape_cast %swap3A_493 : vector<16xf32> to vector<16xf32>
        %swap3A_495 = vector.shape_cast %add3A_489 : vector<16xf32> to vector<16xf32>
        tpu.vector_store %arg10[%swap3A_492], %swap3A_495 {strides = array<i32>} : memref<12800xf32, #tpu.memory_space<vmem>>, vector<16xf32>,
        %get3A_496 = arith.constant 0 : i32
        %get3A_497 = arith.index_cast %get3A_496 : i32 to index
        %get3A_498 = arith.index_cast %scan3A_459 : i32 to index
        %get3A_499 = arith.constant 32 : index
        %get3A_500 = tpu.vector_load %arg8[%get3A_497, %get3A_498, %get3A_499] {strides = array<i32>} : memref<1x200x64xf32, #tpu.memory_space<vmem>>, vector<1x1x16xf32>,
        %get3A_501 = vector.shape_cast %get3A_500 : vector<1x1x16xf32> to vector<16xf32>
        %get3A_502 = arith.index_cast %scan3A_459 : i32 to index
        %get3A_503 = arith.constant 32 : index
        %get3A_504 = tpu.vector_load %arg11[%get3A_502, %get3A_503] {strides = array<i32>} : memref<200x64xf32, #tpu.memory_space<vmem>>, vector<1x16xf32>,
        %get3A_505 = vector.shape_cast %get3A_504 : vector<1x16xf32> to vector<16xf32>
        %add3A_506 = arith.addf %get3A_501, %get3A_505 : vector<16xf32>
        %add3A_507 = arith.constant 32 : i32
        %add3A_508 = arith.addi %mul3A_461, %add3A_507 : i32
        %swap3A_509 = arith.index_cast %add3A_508 : i32 to index
        %swap3A_510 = tpu.vector_load %arg10[%swap3A_509] {strides = array<i32>} : memref<12800xf32, #tpu.memory_space<vmem>>, vector<16xf32>,
        %swap3A_511 = vector.shape_cast %swap3A_510 : vector<16xf32> to vector<16xf32>
        %swap3A_512 = vector.shape_cast %add3A_506 : vector<16xf32> to vector<16xf32>
        tpu.vector_store %arg10[%swap3A_509], %swap3A_512 {strides = array<i32>} : memref<12800xf32, #tpu.memory_space<vmem>>, vector<16xf32>,
        %get3A_513 = arith.constant 0 : i32
        %get3A_514 = arith.index_cast %get3A_513 : i32 to index
        %get3A_515 = arith.index_cast %scan3A_459 : i32 to index
        %get3A_516 = arith.constant 48 : index
        %get3A_517 = tpu.vector_load %arg8[%get3A_514, %get3A_515, %get3A_516] {strides = array<i32>} : memref<1x200x64xf32, #tpu.memory_space<vmem>>, vector<1x1x16xf32>,
        %get3A_518 = vector.shape_cast %get3A_517 : vector<1x1x16xf32> to vector<16xf32>
        %get3A_519 = arith.index_cast %scan3A_459 : i32 to index
        %get3A_520 = arith.constant 48 : index
        %get3A_521 = tpu.vector_load %arg11[%get3A_519, %get3A_520] {strides = array<i32>} : memref<200x64xf32, #tpu.memory_space<vmem>>, vector<1x16xf32>,
        %get3A_522 = vector.shape_cast %get3A_521 : vector<1x16xf32> to vector<16xf32>
        %add3A_523 = arith.addf %get3A_518, %get3A_522 : vector<16xf32>
        %add3A_524 = arith.constant 48 : i32
        %add3A_525 = arith.addi %mul3A_461, %add3A_524 : i32
        %swap3A_526 = arith.index_cast %add3A_525 : i32 to index
        %swap3A_527 = tpu.vector_load %arg10[%swap3A_526] {strides = array<i32>} : memref<12800xf32, #tpu.memory_space<vmem>>, vector<16xf32>,
        %swap3A_528 = vector.shape_cast %swap3A_527 : vector<16xf32> to vector<16xf32>
        %swap3A_529 = vector.shape_cast %add3A_523 : vector<16xf32> to vector<16xf32>
        tpu.vector_store %arg10[%swap3A_526], %swap3A_529 {strides = array<i32>} : memref<12800xf32, #tpu.memory_space<vmem>>, vector<16xf32>,
        %scan3A_530 = arith.constant 4 : i32
        %scan3A_531 = arith.addi %scan3A_245, %scan3A_530 : i32
        %mul3A_532 = arith.constant 64 : i32
        %mul3A_533 = arith.muli %scan3A_531, %mul3A_532 : i32
        %get3A_534 = arith.constant 0 : i32
        %get3A_535 = arith.index_cast %get3A_534 : i32 to index
        %get3A_536 = arith.index_cast %scan3A_531 : i32 to index
        %get3A_537 = arith.constant 0 : index
        %get3A_538 = tpu.vector_load %arg8[%get3A_535, %get3A_536, %get3A_537] {strides = array<i32>} : memref<1x200x64xf32, #tpu.memory_space<vmem>>, vector<1x1x16xf32>,
        %get3A_539 = vector.shape_cast %get3A_538 : vector<1x1x16xf32> to vector<16xf32>
        %get3A_540 = arith.index_cast %scan3A_531 : i32 to index
        %get3A_541 = arith.constant 0 : index
        %get3A_542 = tpu.vector_load %arg11[%get3A_540, %get3A_541] {strides = array<i32>} : memref<200x64xf32, #tpu.memory_space<vmem>>, vector<1x16xf32>,
        %get3A_543 = vector.shape_cast %get3A_542 : vector<1x16xf32> to vector<16xf32>
        %add3A_544 = arith.addf %get3A_539, %get3A_543 : vector<16xf32>
        %add3A_545 = arith.constant 0 : i32
        %add3A_546 = arith.addi %mul3A_533, %add3A_545 : i32
        %swap3A_547 = arith.index_cast %add3A_546 : i32 to index
        %swap3A_548 = tpu.vector_load %arg10[%swap3A_547] {strides = array<i32>} : memref<12800xf32, #tpu.memory_space<vmem>>, vector<16xf32>,
        %swap3A_549 = vector.shape_cast %swap3A_548 : vector<16xf32> to vector<16xf32>
        %swap3A_550 = vector.shape_cast %add3A_544 : vector<16xf32> to vector<16xf32>
        tpu.vector_store %arg10[%swap3A_547], %swap3A_550 {strides = array<i32>} : memref<12800xf32, #tpu.memory_space<vmem>>, vector<16xf32>,
        %get3A_551 = arith.constant 0 : i32
        %get3A_552 = arith.index_cast %get3A_551 : i32 to index
        %get3A_553 = arith.index_cast %scan3A_531 : i32 to index
        %get3A_554 = arith.constant 16 : index
        %get3A_555 = tpu.vector_load %arg8[%get3A_552, %get3A_553, %get3A_554] {strides = array<i32>} : memref<1x200x64xf32, #tpu.memory_space<vmem>>, vector<1x1x16xf32>,
        %get3A_556 = vector.shape_cast %get3A_555 : vector<1x1x16xf32> to vector<16xf32>
        %get3A_557 = arith.index_cast %scan3A_531 : i32 to index
        %get3A_558 = arith.constant 16 : index
        %get3A_559 = tpu.vector_load %arg11[%get3A_557, %get3A_558] {strides = array<i32>} : memref<200x64xf32, #tpu.memory_space<vmem>>, vector<1x16xf32>,
        %get3A_560 = vector.shape_cast %get3A_559 : vector<1x16xf32> to vector<16xf32>
        %add3A_561 = arith.addf %get3A_556, %get3A_560 : vector<16xf32>
        %add3A_562 = arith.constant 16 : i32
        %add3A_563 = arith.addi %mul3A_533, %add3A_562 : i32
        %swap3A_564 = arith.index_cast %add3A_563 : i32 to index
        %swap3A_565 = tpu.vector_load %arg10[%swap3A_564] {strides = array<i32>} : memref<12800xf32, #tpu.memory_space<vmem>>, vector<16xf32>,
        %swap3A_566 = vector.shape_cast %swap3A_565 : vector<16xf32> to vector<16xf32>
        %swap3A_567 = vector.shape_cast %add3A_561 : vector<16xf32> to vector<16xf32>
        tpu.vector_store %arg10[%swap3A_564], %swap3A_567 {strides = array<i32>} : memref<12800xf32, #tpu.memory_space<vmem>>, vector<16xf32>,
        %get3A_568 = arith.constant 0 : i32
        %get3A_569 = arith.index_cast %get3A_568 : i32 to index
        %get3A_570 = arith.index_cast %scan3A_531 : i32 to index
        %get3A_571 = arith.constant 32 : index
        %get3A_572 = tpu.vector_load %arg8[%get3A_569, %get3A_570, %get3A_571] {strides = array<i32>} : memref<1x200x64xf32, #tpu.memory_space<vmem>>, vector<1x1x16xf32>,
        %get3A_573 = vector.shape_cast %get3A_572 : vector<1x1x16xf32> to vector<16xf32>
        %get3A_574 = arith.index_cast %scan3A_531 : i32 to index
        %get3A_575 = arith.constant 32 : index
        %get3A_576 = tpu.vector_load %arg11[%get3A_574, %get3A_575] {strides = array<i32>} : memref<200x64xf32, #tpu.memory_space<vmem>>, vector<1x16xf32>,
        %get3A_577 = vector.shape_cast %get3A_576 : vector<1x16xf32> to vector<16xf32>
        %add3A_578 = arith.addf %get3A_573, %get3A_577 : vector<16xf32>
        %add3A_579 = arith.constant 32 : i32
        %add3A_580 = arith.addi %mul3A_533, %add3A_579 : i32
        %swap3A_581 = arith.index_cast %add3A_580 : i32 to index
        %swap3A_582 = tpu.vector_load %arg10[%swap3A_581] {strides = array<i32>} : memref<12800xf32, #tpu.memory_space<vmem>>, vector<16xf32>,
        %swap3A_583 = vector.shape_cast %swap3A_582 : vector<16xf32> to vector<16xf32>
        %swap3A_584 = vector.shape_cast %add3A_578 : vector<16xf32> to vector<16xf32>
        tpu.vector_store %arg10[%swap3A_581], %swap3A_584 {strides = array<i32>} : memref<12800xf32, #tpu.memory_space<vmem>>, vector<16xf32>,
        %get3A_585 = arith.constant 0 : i32
        %get3A_586 = arith.index_cast %get3A_585 : i32 to index
        %get3A_587 = arith.index_cast %scan3A_531 : i32 to index
        %get3A_588 = arith.constant 48 : index
        %get3A_589 = tpu.vector_load %arg8[%get3A_586, %get3A_587, %get3A_588] {strides = array<i32>} : memref<1x200x64xf32, #tpu.memory_space<vmem>>, vector<1x1x16xf32>,
        %get3A_590 = vector.shape_cast %get3A_589 : vector<1x1x16xf32> to vector<16xf32>
        %get3A_591 = arith.index_cast %scan3A_531 : i32 to index
        %get3A_592 = arith.constant 48 : index
        %get3A_593 = tpu.vector_load %arg11[%get3A_591, %get3A_592] {strides = array<i32>} : memref<200x64xf32, #tpu.memory_space<vmem>>, vector<1x16xf32>,
        %get3A_594 = vector.shape_cast %get3A_593 : vector<1x16xf32> to vector<16xf32>
        %add3A_595 = arith.addf %get3A_590, %get3A_594 : vector<16xf32>
        %add3A_596 = arith.constant 48 : i32
        %add3A_597 = arith.addi %mul3A_533, %add3A_596 : i32
        %swap3A_598 = arith.index_cast %add3A_597 : i32 to index
        %swap3A_599 = tpu.vector_load %arg10[%swap3A_598] {strides = array<i32>} : memref<12800xf32, #tpu.memory_space<vmem>>, vector<16xf32>,
        %swap3A_600 = vector.shape_cast %swap3A_599 : vector<16xf32> to vector<16xf32>
        %swap3A_601 = vector.shape_cast %add3A_595 : vector<16xf32> to vector<16xf32>
        tpu.vector_store %arg10[%swap3A_598], %swap3A_601 {strides = array<i32>} : memref<12800xf32, #tpu.memory_space<vmem>>, vector<16xf32>,
        %scan3A_602 = arith.constant 5 : i32
        %scan3A_603 = arith.addi %scan3A_245, %scan3A_602 : i32
        %mul3A_604 = arith.constant 64 : i32
        %mul3A_605 = arith.muli %scan3A_603, %mul3A_604 : i32
        %get3A_606 = arith.constant 0 : i32
        %get3A_607 = arith.index_cast %get3A_606 : i32 to index
        %get3A_608 = arith.index_cast %scan3A_603 : i32 to index
        %get3A_609 = arith.constant 0 : index
        %get3A_610 = tpu.vector_load %arg8[%get3A_607, %get3A_608, %get3A_609] {strides = array<i32>} : memref<1x200x64xf32, #tpu.memory_space<vmem>>, vector<1x1x16xf32>,
        %get3A_611 = vector.shape_cast %get3A_610 : vector<1x1x16xf32> to vector<16xf32>
        %get3A_612 = arith.index_cast %scan3A_603 : i32 to index
        %get3A_613 = arith.constant 0 : index
        %get3A_614 = tpu.vector_load %arg11[%get3A_612, %get3A_613] {strides = array<i32>} : memref<200x64xf32, #tpu.memory_space<vmem>>, vector<1x16xf32>,
        %get3A_615 = vector.shape_cast %get3A_614 : vector<1x16xf32> to vector<16xf32>
        %add3A_616 = arith.addf %get3A_611, %get3A_615 : vector<16xf32>
        %add3A_617 = arith.constant 0 : i32
        %add3A_618 = arith.addi %mul3A_605, %add3A_617 : i32
        %swap3A_619 = arith.index_cast %add3A_618 : i32 to index
        %swap3A_620 = tpu.vector_load %arg10[%swap3A_619] {strides = array<i32>} : memref<12800xf32, #tpu.memory_space<vmem>>, vector<16xf32>,
        %swap3A_621 = vector.shape_cast %swap3A_620 : vector<16xf32> to vector<16xf32>
        %swap3A_622 = vector.shape_cast %add3A_616 : vector<16xf32> to vector<16xf32>
        tpu.vector_store %arg10[%swap3A_619], %swap3A_622 {strides = array<i32>} : memref<12800xf32, #tpu.memory_space<vmem>>, vector<16xf32>,
        %get3A_623 = arith.constant 0 : i32
        %get3A_624 = arith.index_cast %get3A_623 : i32 to index
        %get3A_625 = arith.index_cast %scan3A_603 : i32 to index
        %get3A_626 = arith.constant 16 : index
        %get3A_627 = tpu.vector_load %arg8[%get3A_624, %get3A_625, %get3A_626] {strides = array<i32>} : memref<1x200x64xf32, #tpu.memory_space<vmem>>, vector<1x1x16xf32>,
        %get3A_628 = vector.shape_cast %get3A_627 : vector<1x1x16xf32> to vector<16xf32>
        %get3A_629 = arith.index_cast %scan3A_603 : i32 to index
        %get3A_630 = arith.constant 16 : index
        %get3A_631 = tpu.vector_load %arg11[%get3A_629, %get3A_630] {strides = array<i32>} : memref<200x64xf32, #tpu.memory_space<vmem>>, vector<1x16xf32>,
        %get3A_632 = vector.shape_cast %get3A_631 : vector<1x16xf32> to vector<16xf32>
        %add3A_633 = arith.addf %get3A_628, %get3A_632 : vector<16xf32>
        %add3A_634 = arith.constant 16 : i32
        %add3A_635 = arith.addi %mul3A_605, %add3A_634 : i32
        %swap3A_636 = arith.index_cast %add3A_635 : i32 to index
        %swap3A_637 = tpu.vector_load %arg10[%swap3A_636] {strides = array<i32>} : memref<12800xf32, #tpu.memory_space<vmem>>, vector<16xf32>,
        %swap3A_638 = vector.shape_cast %swap3A_637 : vector<16xf32> to vector<16xf32>
        %swap3A_639 = vector.shape_cast %add3A_633 : vector<16xf32> to vector<16xf32>
        tpu.vector_store %arg10[%swap3A_636], %swap3A_639 {strides = array<i32>} : memref<12800xf32, #tpu.memory_space<vmem>>, vector<16xf32>,
        %get3A_640 = arith.constant 0 : i32
        %get3A_641 = arith.index_cast %get3A_640 : i32 to index
        %get3A_642 = arith.index_cast %scan3A_603 : i32 to index
        %get3A_643 = arith.constant 32 : index
        %get3A_644 = tpu.vector_load %arg8[%get3A_641, %get3A_642, %get3A_643] {strides = array<i32>} : memref<1x200x64xf32, #tpu.memory_space<vmem>>, vector<1x1x16xf32>,
        %get3A_645 = vector.shape_cast %get3A_644 : vector<1x1x16xf32> to vector<16xf32>
        %get3A_646 = arith.index_cast %scan3A_603 : i32 to index
        %get3A_647 = arith.constant 32 : index
        %get3A_648 = tpu.vector_load %arg11[%get3A_646, %get3A_647] {strides = array<i32>} : memref<200x64xf32, #tpu.memory_space<vmem>>, vector<1x16xf32>,
        %get3A_649 = vector.shape_cast %get3A_648 : vector<1x16xf32> to vector<16xf32>
        %add3A_650 = arith.addf %get3A_645, %get3A_649 : vector<16xf32>
        %add3A_651 = arith.constant 32 : i32
        %add3A_652 = arith.addi %mul3A_605, %add3A_651 : i32
        %swap3A_653 = arith.index_cast %add3A_652 : i32 to index
        %swap3A_654 = tpu.vector_load %arg10[%swap3A_653] {strides = array<i32>} : memref<12800xf32, #tpu.memory_space<vmem>>, vector<16xf32>,
        %swap3A_655 = vector.shape_cast %swap3A_654 : vector<16xf32> to vector<16xf32>
        %swap3A_656 = vector.shape_cast %add3A_650 : vector<16xf32> to vector<16xf32>
        tpu.vector_store %arg10[%swap3A_653], %swap3A_656 {strides = array<i32>} : memref<12800xf32, #tpu.memory_space<vmem>>, vector<16xf32>,
        %get3A_657 = arith.constant 0 : i32
        %get3A_658 = arith.index_cast %get3A_657 : i32 to index
        %get3A_659 = arith.index_cast %scan3A_603 : i32 to index
        %get3A_660 = arith.constant 48 : index
        %get3A_661 = tpu.vector_load %arg8[%get3A_658, %get3A_659, %get3A_660] {strides = array<i32>} : memref<1x200x64xf32, #tpu.memory_space<vmem>>, vector<1x1x16xf32>,
        %get3A_662 = vector.shape_cast %get3A_661 : vector<1x1x16xf32> to vector<16xf32>
        %get3A_663 = arith.index_cast %scan3A_603 : i32 to index
        %get3A_664 = arith.constant 48 : index
        %get3A_665 = tpu.vector_load %arg11[%get3A_663, %get3A_664] {strides = array<i32>} : memref<200x64xf32, #tpu.memory_space<vmem>>, vector<1x16xf32>,
        %get3A_666 = vector.shape_cast %get3A_665 : vector<1x16xf32> to vector<16xf32>
        %add3A_667 = arith.addf %get3A_662, %get3A_666 : vector<16xf32>
        %add3A_668 = arith.constant 48 : i32
        %add3A_669 = arith.addi %mul3A_605, %add3A_668 : i32
        %swap3A_670 = arith.index_cast %add3A_669 : i32 to index
        %swap3A_671 = tpu.vector_load %arg10[%swap3A_670] {strides = array<i32>} : memref<12800xf32, #tpu.memory_space<vmem>>, vector<16xf32>,
        %swap3A_672 = vector.shape_cast %swap3A_671 : vector<16xf32> to vector<16xf32>
        %swap3A_673 = vector.shape_cast %add3A_667 : vector<16xf32> to vector<16xf32>
        tpu.vector_store %arg10[%swap3A_670], %swap3A_673 {strides = array<i32>} : memref<12800xf32, #tpu.memory_space<vmem>>, vector<16xf32>,
        %scan3A_674 = arith.constant 6 : i32
        %scan3A_675 = arith.addi %scan3A_245, %scan3A_674 : i32
        %mul3A_676 = arith.constant 64 : i32
        %mul3A_677 = arith.muli %scan3A_675, %mul3A_676 : i32
        %get3A_678 = arith.constant 0 : i32
        %get3A_679 = arith.index_cast %get3A_678 : i32 to index
        %get3A_680 = arith.index_cast %scan3A_675 : i32 to index
        %get3A_681 = arith.constant 0 : index
        %get3A_682 = tpu.vector_load %arg8[%get3A_679, %get3A_680, %get3A_681] {strides = array<i32>} : memref<1x200x64xf32, #tpu.memory_space<vmem>>, vector<1x1x16xf32>,
        %get3A_683 = vector.shape_cast %get3A_682 : vector<1x1x16xf32> to vector<16xf32>
        %get3A_684 = arith.index_cast %scan3A_675 : i32 to index
        %get3A_685 = arith.constant 0 : index
        %get3A_686 = tpu.vector_load %arg11[%get3A_684, %get3A_685] {strides = array<i32>} : memref<200x64xf32, #tpu.memory_space<vmem>>, vector<1x16xf32>,
        %get3A_687 = vector.shape_cast %get3A_686 : vector<1x16xf32> to vector<16xf32>
        %add3A_688 = arith.addf %get3A_683, %get3A_687 : vector<16xf32>
        %add3A_689 = arith.constant 0 : i32
        %add3A_690 = arith.addi %mul3A_677, %add3A_689 : i32
        %swap3A_691 = arith.index_cast %add3A_690 : i32 to index
        %swap3A_692 = tpu.vector_load %arg10[%swap3A_691] {strides = array<i32>} : memref<12800xf32, #tpu.memory_space<vmem>>, vector<16xf32>,
        %swap3A_693 = vector.shape_cast %swap3A_692 : vector<16xf32> to vector<16xf32>
        %swap3A_694 = vector.shape_cast %add3A_688 : vector<16xf32> to vector<16xf32>
        tpu.vector_store %arg10[%swap3A_691], %swap3A_694 {strides = array<i32>} : memref<12800xf32, #tpu.memory_space<vmem>>, vector<16xf32>,
        %get3A_695 = arith.constant 0 : i32
        %get3A_696 = arith.index_cast %get3A_695 : i32 to index
        %get3A_697 = arith.index_cast %scan3A_675 : i32 to index
        %get3A_698 = arith.constant 16 : index
        %get3A_699 = tpu.vector_load %arg8[%get3A_696, %get3A_697, %get3A_698] {strides = array<i32>} : memref<1x200x64xf32, #tpu.memory_space<vmem>>, vector<1x1x16xf32>,
        %get3A_700 = vector.shape_cast %get3A_699 : vector<1x1x16xf32> to vector<16xf32>
        %get3A_701 = arith.index_cast %scan3A_675 : i32 to index
        %get3A_702 = arith.constant 16 : index
        %get3A_703 = tpu.vector_load %arg11[%get3A_701, %get3A_702] {strides = array<i32>} : memref<200x64xf32, #tpu.memory_space<vmem>>, vector<1x16xf32>,
        %get3A_704 = vector.shape_cast %get3A_703 : vector<1x16xf32> to vector<16xf32>
        %add3A_705 = arith.addf %get3A_700, %get3A_704 : vector<16xf32>
        %add3A_706 = arith.constant 16 : i32
        %add3A_707 = arith.addi %mul3A_677, %add3A_706 : i32
        %swap3A_708 = arith.index_cast %add3A_707 : i32 to index
        %swap3A_709 = tpu.vector_load %arg10[%swap3A_708] {strides = array<i32>} : memref<12800xf32, #tpu.memory_space<vmem>>, vector<16xf32>,
        %swap3A_710 = vector.shape_cast %swap3A_709 : vector<16xf32> to vector<16xf32>
        %swap3A_711 = vector.shape_cast %add3A_705 : vector<16xf32> to vector<16xf32>
        tpu.vector_store %arg10[%swap3A_708], %swap3A_711 {strides = array<i32>} : memref<12800xf32, #tpu.memory_space<vmem>>, vector<16xf32>,
        %get3A_712 = arith.constant 0 : i32
        %get3A_713 = arith.index_cast %get3A_712 : i32 to index
        %get3A_714 = arith.index_cast %scan3A_675 : i32 to index
        %get3A_715 = arith.constant 32 : index
        %get3A_716 = tpu.vector_load %arg8[%get3A_713, %get3A_714, %get3A_715] {strides = array<i32>} : memref<1x200x64xf32, #tpu.memory_space<vmem>>, vector<1x1x16xf32>,
        %get3A_717 = vector.shape_cast %get3A_716 : vector<1x1x16xf32> to vector<16xf32>
        %get3A_718 = arith.index_cast %scan3A_675 : i32 to index
        %get3A_719 = arith.constant 32 : index
        %get3A_720 = tpu.vector_load %arg11[%get3A_718, %get3A_719] {strides = array<i32>} : memref<200x64xf32, #tpu.memory_space<vmem>>, vector<1x16xf32>,
        %get3A_721 = vector.shape_cast %get3A_720 : vector<1x16xf32> to vector<16xf32>
        %add3A_722 = arith.addf %get3A_717, %get3A_721 : vector<16xf32>
        %add3A_723 = arith.constant 32 : i32
        %add3A_724 = arith.addi %mul3A_677, %add3A_723 : i32
        %swap3A_725 = arith.index_cast %add3A_724 : i32 to index
        %swap3A_726 = tpu.vector_load %arg10[%swap3A_725] {strides = array<i32>} : memref<12800xf32, #tpu.memory_space<vmem>>, vector<16xf32>,
        %swap3A_727 = vector.shape_cast %swap3A_726 : vector<16xf32> to vector<16xf32>
        %swap3A_728 = vector.shape_cast %add3A_722 : vector<16xf32> to vector<16xf32>
        tpu.vector_store %arg10[%swap3A_725], %swap3A_728 {strides = array<i32>} : memref<12800xf32, #tpu.memory_space<vmem>>, vector<16xf32>,
        %get3A_729 = arith.constant 0 : i32
        %get3A_730 = arith.index_cast %get3A_729 : i32 to index
        %get3A_731 = arith.index_cast %scan3A_675 : i32 to index
        %get3A_732 = arith.constant 48 : index
        %get3A_733 = tpu.vector_load %arg8[%get3A_730, %get3A_731, %get3A_732] {strides = array<i32>} : memref<1x200x64xf32, #tpu.memory_space<vmem>>, vector<1x1x16xf32>,
        %get3A_734 = vector.shape_cast %get3A_733 : vector<1x1x16xf32> to vector<16xf32>
        %get3A_735 = arith.index_cast %scan3A_675 : i32 to index
        %get3A_736 = arith.constant 48 : index
        %get3A_737 = tpu.vector_load %arg11[%get3A_735, %get3A_736] {strides = array<i32>} : memref<200x64xf32, #tpu.memory_space<vmem>>, vector<1x16xf32>,
        %get3A_738 = vector.shape_cast %get3A_737 : vector<1x16xf32> to vector<16xf32>
        %add3A_739 = arith.addf %get3A_734, %get3A_738 : vector<16xf32>
        %add3A_740 = arith.constant 48 : i32
        %add3A_741 = arith.addi %mul3A_677, %add3A_740 : i32
        %swap3A_742 = arith.index_cast %add3A_741 : i32 to index
        %swap3A_743 = tpu.vector_load %arg10[%swap3A_742] {strides = array<i32>} : memref<12800xf32, #tpu.memory_space<vmem>>, vector<16xf32>,
        %swap3A_744 = vector.shape_cast %swap3A_743 : vector<16xf32> to vector<16xf32>
        %swap3A_745 = vector.shape_cast %add3A_739 : vector<16xf32> to vector<16xf32>
        tpu.vector_store %arg10[%swap3A_742], %swap3A_745 {strides = array<i32>} : memref<12800xf32, #tpu.memory_space<vmem>>, vector<16xf32>,
        %scan3A_746 = arith.constant 7 : i32
        %scan3A_747 = arith.addi %scan3A_245, %scan3A_746 : i32
        %mul3A_748 = arith.constant 64 : i32
        %mul3A_749 = arith.muli %scan3A_747, %mul3A_748 : i32
        %get3A_750 = arith.constant 0 : i32
        %get3A_751 = arith.index_cast %get3A_750 : i32 to index
        %get3A_752 = arith.index_cast %scan3A_747 : i32 to index
        %get3A_753 = arith.constant 0 : index
        %get3A_754 = tpu.vector_load %arg8[%get3A_751, %get3A_752, %get3A_753] {strides = array<i32>} : memref<1x200x64xf32, #tpu.memory_space<vmem>>, vector<1x1x16xf32>,
        %get3A_755 = vector.shape_cast %get3A_754 : vector<1x1x16xf32> to vector<16xf32>
        %get3A_756 = arith.index_cast %scan3A_747 : i32 to index
        %get3A_757 = arith.constant 0 : index
        %get3A_758 = tpu.vector_load %arg11[%get3A_756, %get3A_757] {strides = array<i32>} : memref<200x64xf32, #tpu.memory_space<vmem>>, vector<1x16xf32>,
        %get3A_759 = vector.shape_cast %get3A_758 : vector<1x16xf32> to vector<16xf32>
        %add3A_760 = arith.addf %get3A_755, %get3A_759 : vector<16xf32>
        %add3A_761 = arith.constant 0 : i32
        %add3A_762 = arith.addi %mul3A_749, %add3A_761 : i32
        %swap3A_763 = arith.index_cast %add3A_762 : i32 to index
        %swap3A_764 = tpu.vector_load %arg10[%swap3A_763] {strides = array<i32>} : memref<12800xf32, #tpu.memory_space<vmem>>, vector<16xf32>,
        %swap3A_765 = vector.shape_cast %swap3A_764 : vector<16xf32> to vector<16xf32>
        %swap3A_766 = vector.shape_cast %add3A_760 : vector<16xf32> to vector<16xf32>
        tpu.vector_store %arg10[%swap3A_763], %swap3A_766 {strides = array<i32>} : memref<12800xf32, #tpu.memory_space<vmem>>, vector<16xf32>,
        %get3A_767 = arith.constant 0 : i32
        %get3A_768 = arith.index_cast %get3A_767 : i32 to index
        %get3A_769 = arith.index_cast %scan3A_747 : i32 to index
        %get3A_770 = arith.constant 16 : index
        %get3A_771 = tpu.vector_load %arg8[%get3A_768, %get3A_769, %get3A_770] {strides = array<i32>} : memref<1x200x64xf32, #tpu.memory_space<vmem>>, vector<1x1x16xf32>,
        %get3A_772 = vector.shape_cast %get3A_771 : vector<1x1x16xf32> to vector<16xf32>
        %get3A_773 = arith.index_cast %scan3A_747 : i32 to index
        %get3A_774 = arith.constant 16 : index
        %get3A_775 = tpu.vector_load %arg11[%get3A_773, %get3A_774] {strides = array<i32>} : memref<200x64xf32, #tpu.memory_space<vmem>>, vector<1x16xf32>,
        %get3A_776 = vector.shape_cast %get3A_775 : vector<1x16xf32> to vector<16xf32>
        %add3A_777 = arith.addf %get3A_772, %get3A_776 : vector<16xf32>
        %add3A_778 = arith.constant 16 : i32
        %add3A_779 = arith.addi %mul3A_749, %add3A_778 : i32
        %swap3A_780 = arith.index_cast %add3A_779 : i32 to index
        %swap3A_781 = tpu.vector_load %arg10[%swap3A_780] {strides = array<i32>} : memref<12800xf32, #tpu.memory_space<vmem>>, vector<16xf32>,
        %swap3A_782 = vector.shape_cast %swap3A_781 : vector<16xf32> to vector<16xf32>
        %swap3A_783 = vector.shape_cast %add3A_777 : vector<16xf32> to vector<16xf32>
        tpu.vector_store %arg10[%swap3A_780], %swap3A_783 {strides = array<i32>} : memref<12800xf32, #tpu.memory_space<vmem>>, vector<16xf32>,
        %get3A_784 = arith.constant 0 : i32
        %get3A_785 = arith.index_cast %get3A_784 : i32 to index
        %get3A_786 = arith.index_cast %scan3A_747 : i32 to index
        %get3A_787 = arith.constant 32 : index
        %get3A_788 = tpu.vector_load %arg8[%get3A_785, %get3A_786, %get3A_787] {strides = array<i32>} : memref<1x200x64xf32, #tpu.memory_space<vmem>>, vector<1x1x16xf32>,
        %get3A_789 = vector.shape_cast %get3A_788 : vector<1x1x16xf32> to vector<16xf32>
        %get3A_790 = arith.index_cast %scan3A_747 : i32 to index
        %get3A_791 = arith.constant 32 : index
        %get3A_792 = tpu.vector_load %arg11[%get3A_790, %get3A_791] {strides = array<i32>} : memref<200x64xf32, #tpu.memory_space<vmem>>, vector<1x16xf32>,
        %get3A_793 = vector.shape_cast %get3A_792 : vector<1x16xf32> to vector<16xf32>
        %add3A_794 = arith.addf %get3A_789, %get3A_793 : vector<16xf32>
        %add3A_795 = arith.constant 32 : i32
        %add3A_796 = arith.addi %mul3A_749, %add3A_795 : i32
        %swap3A_797 = arith.index_cast %add3A_796 : i32 to index
        %swap3A_798 = tpu.vector_load %arg10[%swap3A_797] {strides = array<i32>} : memref<12800xf32, #tpu.memory_space<vmem>>, vector<16xf32>,
        %swap3A_799 = vector.shape_cast %swap3A_798 : vector<16xf32> to vector<16xf32>
        %swap3A_800 = vector.shape_cast %add3A_794 : vector<16xf32> to vector<16xf32>
        tpu.vector_store %arg10[%swap3A_797], %swap3A_800 {strides = array<i32>} : memref<12800xf32, #tpu.memory_space<vmem>>, vector<16xf32>,
        %get3A_801 = arith.constant 0 : i32
        %get3A_802 = arith.index_cast %get3A_801 : i32 to index
        %get3A_803 = arith.index_cast %scan3A_747 : i32 to index
        %get3A_804 = arith.constant 48 : index
        %get3A_805 = tpu.vector_load %arg8[%get3A_802, %get3A_803, %get3A_804] {strides = array<i32>} : memref<1x200x64xf32, #tpu.memory_space<vmem>>, vector<1x1x16xf32>,
        %get3A_806 = vector.shape_cast %get3A_805 : vector<1x1x16xf32> to vector<16xf32>
        %get3A_807 = arith.index_cast %scan3A_747 : i32 to index
        %get3A_808 = arith.constant 48 : index
        %get3A_809 = tpu.vector_load %arg11[%get3A_807, %get3A_808] {strides = array<i32>} : memref<200x64xf32, #tpu.memory_space<vmem>>, vector<1x16xf32>,
        %get3A_810 = vector.shape_cast %get3A_809 : vector<1x16xf32> to vector<16xf32>
        %add3A_811 = arith.addf %get3A_806, %get3A_810 : vector<16xf32>
        %add3A_812 = arith.constant 48 : i32
        %add3A_813 = arith.addi %mul3A_749, %add3A_812 : i32
        %swap3A_814 = arith.index_cast %add3A_813 : i32 to index
        %swap3A_815 = tpu.vector_load %arg10[%swap3A_814] {strides = array<i32>} : memref<12800xf32, #tpu.memory_space<vmem>>, vector<16xf32>,
        %swap3A_816 = vector.shape_cast %swap3A_815 : vector<16xf32> to vector<16xf32>
        %swap3A_817 = vector.shape_cast %add3A_811 : vector<16xf32> to vector<16xf32>
        tpu.vector_store %arg10[%swap3A_814], %swap3A_817 {strides = array<i32>} : memref<12800xf32, #tpu.memory_space<vmem>>, vector<16xf32>,
      }
      %scan3A_237 = arith.constant 200 : i32
      %add3A_238 = arith.addi %mul3A_2, %add3A_205 : i32
      %dma_start3A_239 = arith.constant 0 : i32
      %dma_start3A_240 = tpu.memref_slice %arg5[%add3A_238, %dma_start3A_239] : memref<4096x12800xf32, #tpu.memory_space<hbm>> -> memref<1x12800xf32, #tpu.memory_space<hbm>>
      %dma_start3A_241 = tpu.memref_squeeze %dma_start3A_240 : memref<1x12800xf32, #tpu.memory_space<hbm>> -> memref<12800xf32, #tpu.memory_space<hbm>>
      %dma_start3A_242 = arith.constant 0 : i32
      %dma_start3A_243 = tpu.memref_slice %arg5[%add3A_238, %dma_start3A_242] : memref<4096x12800xf32, #tpu.memory_space<hbm>> -> memref<1x12800xf32, #tpu.memory_space<hbm>>
      %dma_start3A_244 = tpu.memref_squeeze %dma_start3A_243 : memref<1x12800xf32, #tpu.memory_space<hbm>> -> memref<12800xf32, #tpu.memory_space<hbm>>
      tpu.enqueue_dma source(%arg10 : memref<12800xf32, #tpu.memory_space<vmem>>) target(%dma_start3A_244 : memref<12800xf32, #tpu.memory_space<hbm>>) target_semaphore(%arg13 : memref<!tpu.dma_semaphore, #tpu.memory_space<semaphore_mem>>)
    }
    %scan3A_75 = arith.constant 62 : i32
    %dma_wait3A_76 = arith.constant 126 : i32
    %dma_wait3A_77 = arith.constant 0 : i32
    %dma_wait3A_78 = arith.constant 0 : i32
    %dma_wait3A_79 = tpu.memref_slice %arg6[%dma_wait3A_76, %dma_wait3A_77, %dma_wait3A_78] : memref<128x1x200xi32, #tpu.memory_space<vmem>> -> memref<1x1x200xi32, #tpu.memory_space<vmem>>
    %dma_wait3A_80 = tpu.memref_squeeze %dma_wait3A_79 : memref<1x1x200xi32, #tpu.memory_space<vmem>> -> memref<1x200xi32, #tpu.memory_space<vmem>>
    %dma_wait3A_81 = arith.constant 0 : i32
    %dma_wait3A_82 = arith.constant 0 : i32
    %dma_wait3A_83 = arith.constant 0 : i32
    %dma_wait3A_84 = tpu.memref_slice %arg3[%dma_wait3A_81, %dma_wait3A_82, %dma_wait3A_83] : memref<1x1000000x64xf32, #tpu.memory_space<hbm>> -> memref<1x1000000x64xf32, #tpu.memory_space<hbm>>
    tpu.wait_indirect_dma semaphore(%arg12 : memref<!tpu.dma_semaphore, #tpu.memory_space<semaphore_mem>>) src(%dma_wait3A_84 : memref<1x1000000x64xf32, #tpu.memory_space<hbm>>) dst(%arg7 : memref<1x200x64xf32, #tpu.memory_space<vmem>>)
    %dma_start3A_85 = arith.constant 127 : i32
    %dma_start3A_86 = arith.constant 0 : i32
    %dma_start3A_87 = arith.constant 0 : i32
    %dma_start3A_88 = tpu.memref_slice %arg6[%dma_start3A_85, %dma_start3A_86, %dma_start3A_87] : memref<128x1x200xi32, #tpu.memory_space<vmem>> -> memref<1x1x200xi32, #tpu.memory_space<vmem>>
    %dma_start3A_89 = tpu.memref_squeeze %dma_start3A_88 : memref<1x1x200xi32, #tpu.memory_space<vmem>> -> memref<1x200xi32, #tpu.memory_space<vmem>>
    %dma_start3A_90 = arith.constant 0 : i32
    %dma_start3A_91 = arith.constant 0 : i32
    %dma_start3A_92 = arith.constant 0 : i32
    %dma_start3A_93 = tpu.memref_slice %arg3[%dma_start3A_90, %dma_start3A_91, %dma_start3A_92] : memref<1x1000000x64xf32, #tpu.memory_space<hbm>> -> memref<1x1000000x64xf32, #tpu.memory_space<hbm>>
    tpu.enqueue_indirect_dma source(%dma_start3A_93 : memref<1x1000000x64xf32, #tpu.memory_space<hbm>>) target(%arg8 : memref<1x200x64xf32, #tpu.memory_space<vmem>>) offsets(%dma_start3A_89 : memref<1x200xi32, #tpu.memory_space<vmem>>) semaphore(%arg12 : memref<!tpu.dma_semaphore, #tpu.memory_space<semaphore_mem>>)
    %add3A_94 = arith.constant 124 : i32
    %add3A_95 = arith.addi %mul3A_2, %add3A_94 : i32
    %dma_wait3A_96 = arith.constant 0 : i32
    %dma_wait3A_97 = tpu.memref_slice %arg5[%add3A_95, %dma_wait3A_96] : memref<4096x12800xf32, #tpu.memory_space<hbm>> -> memref<1x12800xf32, #tpu.memory_space<hbm>>
    %dma_wait3A_98 = tpu.memref_squeeze %dma_wait3A_97 : memref<1x12800xf32, #tpu.memory_space<hbm>> -> memref<12800xf32, #tpu.memory_space<hbm>>
    %dma_wait3A_99 = arith.constant 0 : i32
    %dma_wait3A_100 = tpu.memref_slice %arg5[%add3A_95, %dma_wait3A_99] : memref<4096x12800xf32, #tpu.memory_space<hbm>> -> memref<1x12800xf32, #tpu.memory_space<hbm>>
    %dma_wait3A_101 = tpu.memref_squeeze %dma_wait3A_100 : memref<1x12800xf32, #tpu.memory_space<hbm>> -> memref<12800xf32, #tpu.memory_space<hbm>>
    tpu.wait_dma2 semaphore(%arg13 : memref<!tpu.dma_semaphore, #tpu.memory_space<semaphore_mem>>) src(%arg9 : memref<12800xf32, #tpu.memory_space<vmem>>) dst(%dma_wait3A_101 : memref<12800xf32, #tpu.memory_space<hbm>>)
    %scan3A_102 = arith.constant 0 : i32
    %scan3A_103 = arith.constant 200 : i32
    %scan3A_104 = arith.addi %scan3A_102, %scan3A_103 : i32
    %scan3A_105 = arith.constant 8 : i32
    scf.for %scan3A_161 = %scan3A_102 to %scan3A_104 step %scan3A_105  : i32 {
      %mul3A_162 = arith.constant 64 : i32
      %mul3A_163 = arith.muli %scan3A_161, %mul3A_162 : i32
      %get3A = arith.constant 0 : i32
      %get3A_164 = arith.index_cast %get3A : i32 to index
      %get3A_165 = arith.index_cast %scan3A_161 : i32 to index
      %get3A_166 = arith.constant 0 : index
      %get3A_167 = tpu.vector_load %arg7[%get3A_164, %get3A_165, %get3A_166] {strides = array<i32>} : memref<1x200x64xf32, #tpu.memory_space<vmem>>, vector<1x1x16xf32>,
      %get3A_168 = vector.shape_cast %get3A_167 : vector<1x1x16xf32> to vector<16xf32>
      %get3A_169 = arith.index_cast %scan3A_161 : i32 to index
      %get3A_170 = arith.constant 0 : index
      %get3A_171 = tpu.vector_load %arg11[%get3A_169, %get3A_170] {strides = array<i32>} : memref<200x64xf32, #tpu.memory_space<vmem>>, vector<1x16xf32>,
      %get3A_172 = vector.shape_cast %get3A_171 : vector<1x16xf32> to vector<16xf32>
      %add3A_173 = arith.addf %get3A_168, %get3A_172 : vector<16xf32>
      %add3A_174 = arith.constant 0 : i32
      %add3A_175 = arith.addi %mul3A_163, %add3A_174 : i32
      %swap3A = arith.index_cast %add3A_175 : i32 to index
      %swap3A_176 = tpu.vector_load %arg9[%swap3A] {strides = array<i32>} : memref<12800xf32, #tpu.memory_space<vmem>>, vector<16xf32>,
      %swap3A_177 = vector.shape_cast %swap3A_176 : vector<16xf32> to vector<16xf32>
      %swap3A_178 = vector.shape_cast %add3A_173 : vector<16xf32> to vector<16xf32>
      tpu.vector_store %arg9[%swap3A], %swap3A_178 {strides = array<i32>} : memref<12800xf32, #tpu.memory_space<vmem>>, vector<16xf32>,
      %get3A_179 = arith.constant 0 : i32
      %get3A_180 = arith.index_cast %get3A_179 : i32 to index
      %get3A_181 = arith.index_cast %scan3A_161 : i32 to index
      %get3A_182 = arith.constant 16 : index
      %get3A_183 = tpu.vector_load %arg7[%get3A_180, %get3A_181, %get3A_182] {strides = array<i32>} : memref<1x200x64xf32, #tpu.memory_space<vmem>>, vector<1x1x16xf32>,
      %get3A_184 = vector.shape_cast %get3A_183 : vector<1x1x16xf32> to vector<16xf32>
      %get3A_185 = arith.index_cast %scan3A_161 : i32 to index
      %get3A_186 = arith.constant 16 : index
      %get3A_187 = tpu.vector_load %arg11[%get3A_185, %get3A_186] {strides = array<i32>} : memref<200x64xf32, #tpu.memory_space<vmem>>, vector<1x16xf32>,
      %get3A_188 = vector.shape_cast %get3A_187 : vector<1x16xf32> to vector<16xf32>
      %add3A_189 = arith.addf %get3A_184, %get3A_188 : vector<16xf32>
      %add3A_190 = arith.constant 16 : i32
      %add3A_191 = arith.addi %mul3A_163, %add3A_190 : i32
      %swap3A_192 = arith.index_cast %add3A_191 : i32 to index
      %swap3A_193 = tpu.vector_load %arg9[%swap3A_192] {strides = array<i32>} : memref<12800xf32, #tpu.memory_space<vmem>>, vector<16xf32>,
      %swap3A_194 = vector.shape_cast %swap3A_193 : vector<16xf32> to vector<16xf32>
      %swap3A_195 = vector.shape_cast %add3A_189 : vector<16xf32> to vector<16xf32>
      tpu.vector_store %arg9[%swap3A_192], %swap3A_195 {strides = array<i32>} : memref<12800xf32, #tpu.memory_space<vmem>>, vector<16xf32>,
      %get3A_196 = arith.constant 0 : i32
      %get3A_197 = arith.index_cast %get3A_196 : i32 to index
      %get3A_198 = arith.index_cast %scan3A_161 : i32 to index
      %get3A_199 = arith.constant 32 : index
      %get3A_200 = tpu.vector_load %arg7[%get3A_197, %get3A_198, %get3A_199] {strides = array<i32>} : memref<1x200x64xf32, #tpu.memory_space<vmem>>, vector<1x1x16xf32>,
      %get3A_201 = vector.shape_cast %get3A_200 : vector<1x1x16xf32> to vector<16xf32>
      %get3A_202 = arith.index_cast %scan3A_161 : i32 to index
      %get3A_203 = arith.constant 32 : index
      %get3A_204 = tpu.vector_load %arg11[%get3A_202, %get3A_203] {strides = array<i32>} : memref<200x64xf32, #tpu.memory_space<vmem>>, vector<1x16xf32>,
      %get3A_205 = vector.shape_cast %get3A_204 : vector<1x16xf32> to vector<16xf32>
      %add3A_206 = arith.addf %get3A_201, %get3A_205 : vector<16xf32>
      %add3A_207 = arith.constant 32 : i32
      %add3A_208 = arith.addi %mul3A_163, %add3A_207 : i32
      %swap3A_209 = arith.index_cast %add3A_208 : i32 to index
      %swap3A_210 = tpu.vector_load %arg9[%swap3A_209] {strides = array<i32>} : memref<12800xf32, #tpu.memory_space<vmem>>, vector<16xf32>,
      %swap3A_211 = vector.shape_cast %swap3A_210 : vector<16xf32> to vector<16xf32>
      %swap3A_212 = vector.shape_cast %add3A_206 : vector<16xf32> to vector<16xf32>
      tpu.vector_store %arg9[%swap3A_209], %swap3A_212 {strides = array<i32>} : memref<12800xf32, #tpu.memory_space<vmem>>, vector<16xf32>,
      %get3A_213 = arith.constant 0 : i32
      %get3A_214 = arith.index_cast %get3A_213 : i32 to index
      %get3A_215 = arith.index_cast %scan3A_161 : i32 to index
      %get3A_216 = arith.constant 48 : index
      %get3A_217 = tpu.vector_load %arg7[%get3A_214, %get3A_215, %get3A_216] {strides = array<i32>} : memref<1x200x64xf32, #tpu.memory_space<vmem>>, vector<1x1x16xf32>,
      %get3A_218 = vector.shape_cast %get3A_217 : vector<1x1x16xf32> to vector<16xf32>
      %get3A_219 = arith.index_cast %scan3A_161 : i32 to index
      %get3A_220 = arith.constant 48 : index
      %get3A_221 = tpu.vector_load %arg11[%get3A_219, %get3A_220] {strides = array<i32>} : memref<200x64xf32, #tpu.memory_space<vmem>>, vector<1x16xf32>,
      %get3A_222 = vector.shape_cast %get3A_221 : vector<1x16xf32> to vector<16xf32>
      %add3A_223 = arith.addf %get3A_218, %get3A_222 : vector<16xf32>
      %add3A_224 = arith.constant 48 : i32
      %add3A_225 = arith.addi %mul3A_163, %add3A_224 : i32
      %swap3A_226 = arith.index_cast %add3A_225 : i32 to index
      %swap3A_227 = tpu.vector_load %arg9[%swap3A_226] {strides = array<i32>} : memref<12800xf32, #tpu.memory_space<vmem>>, vector<16xf32>,
      %swap3A_228 = vector.shape_cast %swap3A_227 : vector<16xf32> to vector<16xf32>
      %swap3A_229 = vector.shape_cast %add3A_223 : vector<16xf32> to vector<16xf32>
      tpu.vector_store %arg9[%swap3A_226], %swap3A_229 {strides = array<i32>} : memref<12800xf32, #tpu.memory_space<vmem>>, vector<16xf32>,
      %scan3A_230 = arith.constant 1 : i32
      %scan3A_231 = arith.addi %scan3A_161, %scan3A_230 : i32
      %mul3A_232 = arith.constant 64 : i32
      %mul3A_233 = arith.muli %scan3A_231, %mul3A_232 : i32
      %get3A_234 = arith.constant 0 : i32
      %get3A_235 = arith.index_cast %get3A_234 : i32 to index
      %get3A_236 = arith.index_cast %scan3A_231 : i32 to index
      %get3A_237 = arith.constant 0 : index
      %get3A_238 = tpu.vector_load %arg7[%get3A_235, %get3A_236, %get3A_237] {strides = array<i32>} : memref<1x200x64xf32, #tpu.memory_space<vmem>>, vector<1x1x16xf32>,
      %get3A_239 = vector.shape_cast %get3A_238 : vector<1x1x16xf32> to vector<16xf32>
      %get3A_240 = arith.index_cast %scan3A_231 : i32 to index
      %get3A_241 = arith.constant 0 : index
      %get3A_242 = tpu.vector_load %arg11[%get3A_240, %get3A_241] {strides = array<i32>} : memref<200x64xf32, #tpu.memory_space<vmem>>, vector<1x16xf32>,
      %get3A_243 = vector.shape_cast %get3A_242 : vector<1x16xf32> to vector<16xf32>
      %add3A_244 = arith.addf %get3A_239, %get3A_243 : vector<16xf32>
      %add3A_245 = arith.constant 0 : i32
      %add3A_246 = arith.addi %mul3A_233, %add3A_245 : i32
      %swap3A_247 = arith.index_cast %add3A_246 : i32 to index
      %swap3A_248 = tpu.vector_load %arg9[%swap3A_247] {strides = array<i32>} : memref<12800xf32, #tpu.memory_space<vmem>>, vector<16xf32>,
      %swap3A_249 = vector.shape_cast %swap3A_248 : vector<16xf32> to vector<16xf32>
      %swap3A_250 = vector.shape_cast %add3A_244 : vector<16xf32> to vector<16xf32>
      tpu.vector_store %arg9[%swap3A_247], %swap3A_250 {strides = array<i32>} : memref<12800xf32, #tpu.memory_space<vmem>>, vector<16xf32>,
      %get3A_251 = arith.constant 0 : i32
      %get3A_252 = arith.index_cast %get3A_251 : i32 to index
      %get3A_253 = arith.index_cast %scan3A_231 : i32 to index
      %get3A_254 = arith.constant 16 : index
      %get3A_255 = tpu.vector_load %arg7[%get3A_252, %get3A_253, %get3A_254] {strides = array<i32>} : memref<1x200x64xf32, #tpu.memory_space<vmem>>, vector<1x1x16xf32>,
      %get3A_256 = vector.shape_cast %get3A_255 : vector<1x1x16xf32> to vector<16xf32>
      %get3A_257 = arith.index_cast %scan3A_231 : i32 to index
      %get3A_258 = arith.constant 16 : index
      %get3A_259 = tpu.vector_load %arg11[%get3A_257, %get3A_258] {strides = array<i32>} : memref<200x64xf32, #tpu.memory_space<vmem>>, vector<1x16xf32>,
      %get3A_260 = vector.shape_cast %get3A_259 : vector<1x16xf32> to vector<16xf32>
      %add3A_261 = arith.addf %get3A_256, %get3A_260 : vector<16xf32>
      %add3A_262 = arith.constant 16 : i32
      %add3A_263 = arith.addi %mul3A_233, %add3A_262 : i32
      %swap3A_264 = arith.index_cast %add3A_263 : i32 to index
      %swap3A_265 = tpu.vector_load %arg9[%swap3A_264] {strides = array<i32>} : memref<12800xf32, #tpu.memory_space<vmem>>, vector<16xf32>,
      %swap3A_266 = vector.shape_cast %swap3A_265 : vector<16xf32> to vector<16xf32>
      %swap3A_267 = vector.shape_cast %add3A_261 : vector<16xf32> to vector<16xf32>
      tpu.vector_store %arg9[%swap3A_264], %swap3A_267 {strides = array<i32>} : memref<12800xf32, #tpu.memory_space<vmem>>, vector<16xf32>,
      %get3A_268 = arith.constant 0 : i32
      %get3A_269 = arith.index_cast %get3A_268 : i32 to index
      %get3A_270 = arith.index_cast %scan3A_231 : i32 to index
      %get3A_271 = arith.constant 32 : index
      %get3A_272 = tpu.vector_load %arg7[%get3A_269, %get3A_270, %get3A_271] {strides = array<i32>} : memref<1x200x64xf32, #tpu.memory_space<vmem>>, vector<1x1x16xf32>,
      %get3A_273 = vector.shape_cast %get3A_272 : vector<1x1x16xf32> to vector<16xf32>
      %get3A_274 = arith.index_cast %scan3A_231 : i32 to index
      %get3A_275 = arith.constant 32 : index
      %get3A_276 = tpu.vector_load %arg11[%get3A_274, %get3A_275] {strides = array<i32>} : memref<200x64xf32, #tpu.memory_space<vmem>>, vector<1x16xf32>,
      %get3A_277 = vector.shape_cast %get3A_276 : vector<1x16xf32> to vector<16xf32>
      %add3A_278 = arith.addf %get3A_273, %get3A_277 : vector<16xf32>
      %add3A_279 = arith.constant 32 : i32
      %add3A_280 = arith.addi %mul3A_233, %add3A_279 : i32
      %swap3A_281 = arith.index_cast %add3A_280 : i32 to index
      %swap3A_282 = tpu.vector_load %arg9[%swap3A_281] {strides = array<i32>} : memref<12800xf32, #tpu.memory_space<vmem>>, vector<16xf32>,
      %swap3A_283 = vector.shape_cast %swap3A_282 : vector<16xf32> to vector<16xf32>
      %swap3A_284 = vector.shape_cast %add3A_278 : vector<16xf32> to vector<16xf32>
      tpu.vector_store %arg9[%swap3A_281], %swap3A_284 {strides = array<i32>} : memref<12800xf32, #tpu.memory_space<vmem>>, vector<16xf32>,
      %get3A_285 = arith.constant 0 : i32
      %get3A_286 = arith.index_cast %get3A_285 : i32 to index
      %get3A_287 = arith.index_cast %scan3A_231 : i32 to index
      %get3A_288 = arith.constant 48 : index
      %get3A_289 = tpu.vector_load %arg7[%get3A_286, %get3A_287, %get3A_288] {strides = array<i32>} : memref<1x200x64xf32, #tpu.memory_space<vmem>>, vector<1x1x16xf32>,
      %get3A_290 = vector.shape_cast %get3A_289 : vector<1x1x16xf32> to vector<16xf32>
      %get3A_291 = arith.index_cast %scan3A_231 : i32 to index
      %get3A_292 = arith.constant 48 : index
      %get3A_293 = tpu.vector_load %arg11[%get3A_291, %get3A_292] {strides = array<i32>} : memref<200x64xf32, #tpu.memory_space<vmem>>, vector<1x16xf32>,
      %get3A_294 = vector.shape_cast %get3A_293 : vector<1x16xf32> to vector<16xf32>
      %add3A_295 = arith.addf %get3A_290, %get3A_294 : vector<16xf32>
      %add3A_296 = arith.constant 48 : i32
      %add3A_297 = arith.addi %mul3A_233, %add3A_296 : i32
      %swap3A_298 = arith.index_cast %add3A_297 : i32 to index
      %swap3A_299 = tpu.vector_load %arg9[%swap3A_298] {strides = array<i32>} : memref<12800xf32, #tpu.memory_space<vmem>>, vector<16xf32>,
      %swap3A_300 = vector.shape_cast %swap3A_299 : vector<16xf32> to vector<16xf32>
      %swap3A_301 = vector.shape_cast %add3A_295 : vector<16xf32> to vector<16xf32>
      tpu.vector_store %arg9[%swap3A_298], %swap3A_301 {strides = array<i32>} : memref<12800xf32, #tpu.memory_space<vmem>>, vector<16xf32>,
      %scan3A_302 = arith.constant 2 : i32
      %scan3A_303 = arith.addi %scan3A_161, %scan3A_302 : i32
      %mul3A_304 = arith.constant 64 : i32
      %mul3A_305 = arith.muli %scan3A_303, %mul3A_304 : i32
      %get3A_306 = arith.constant 0 : i32
      %get3A_307 = arith.index_cast %get3A_306 : i32 to index
      %get3A_308 = arith.index_cast %scan3A_303 : i32 to index
      %get3A_309 = arith.constant 0 : index
      %get3A_310 = tpu.vector_load %arg7[%get3A_307, %get3A_308, %get3A_309] {strides = array<i32>} : memref<1x200x64xf32, #tpu.memory_space<vmem>>, vector<1x1x16xf32>,
      %get3A_311 = vector.shape_cast %get3A_310 : vector<1x1x16xf32> to vector<16xf32>
      %get3A_312 = arith.index_cast %scan3A_303 : i32 to index
      %get3A_313 = arith.constant 0 : index
      %get3A_314 = tpu.vector_load %arg11[%get3A_312, %get3A_313] {strides = array<i32>} : memref<200x64xf32, #tpu.memory_space<vmem>>, vector<1x16xf32>,
      %get3A_315 = vector.shape_cast %get3A_314 : vector<1x16xf32> to vector<16xf32>
      %add3A_316 = arith.addf %get3A_311, %get3A_315 : vector<16xf32>
      %add3A_317 = arith.constant 0 : i32
      %add3A_318 = arith.addi %mul3A_305, %add3A_317 : i32
      %swap3A_319 = arith.index_cast %add3A_318 : i32 to index
      %swap3A_320 = tpu.vector_load %arg9[%swap3A_319] {strides = array<i32>} : memref<12800xf32, #tpu.memory_space<vmem>>, vector<16xf32>,
      %swap3A_321 = vector.shape_cast %swap3A_320 : vector<16xf32> to vector<16xf32>
      %swap3A_322 = vector.shape_cast %add3A_316 : vector<16xf32> to vector<16xf32>
      tpu.vector_store %arg9[%swap3A_319], %swap3A_322 {strides = array<i32>} : memref<12800xf32, #tpu.memory_space<vmem>>, vector<16xf32>,
      %get3A_323 = arith.constant 0 : i32
      %get3A_324 = arith.index_cast %get3A_323 : i32 to index
      %get3A_325 = arith.index_cast %scan3A_303 : i32 to index
      %get3A_326 = arith.constant 16 : index
      %get3A_327 = tpu.vector_load %arg7[%get3A_324, %get3A_325, %get3A_326] {strides = array<i32>} : memref<1x200x64xf32, #tpu.memory_space<vmem>>, vector<1x1x16xf32>,
      %get3A_328 = vector.shape_cast %get3A_327 : vector<1x1x16xf32> to vector<16xf32>
      %get3A_329 = arith.index_cast %scan3A_303 : i32 to index
      %get3A_330 = arith.constant 16 : index
      %get3A_331 = tpu.vector_load %arg11[%get3A_329, %get3A_330] {strides = array<i32>} : memref<200x64xf32, #tpu.memory_space<vmem>>, vector<1x16xf32>,
      %get3A_332 = vector.shape_cast %get3A_331 : vector<1x16xf32> to vector<16xf32>
      %add3A_333 = arith.addf %get3A_328, %get3A_332 : vector<16xf32>
      %add3A_334 = arith.constant 16 : i32
      %add3A_335 = arith.addi %mul3A_305, %add3A_334 : i32
      %swap3A_336 = arith.index_cast %add3A_335 : i32 to index
      %swap3A_337 = tpu.vector_load %arg9[%swap3A_336] {strides = array<i32>} : memref<12800xf32, #tpu.memory_space<vmem>>, vector<16xf32>,
      %swap3A_338 = vector.shape_cast %swap3A_337 : vector<16xf32> to vector<16xf32>
      %swap3A_339 = vector.shape_cast %add3A_333 : vector<16xf32> to vector<16xf32>
      tpu.vector_store %arg9[%swap3A_336], %swap3A_339 {strides = array<i32>} : memref<12800xf32, #tpu.memory_space<vmem>>, vector<16xf32>,
      %get3A_340 = arith.constant 0 : i32
      %get3A_341 = arith.index_cast %get3A_340 : i32 to index
      %get3A_342 = arith.index_cast %scan3A_303 : i32 to index
      %get3A_343 = arith.constant 32 : index
      %get3A_344 = tpu.vector_load %arg7[%get3A_341, %get3A_342, %get3A_343] {strides = array<i32>} : memref<1x200x64xf32, #tpu.memory_space<vmem>>, vector<1x1x16xf32>,
      %get3A_345 = vector.shape_cast %get3A_344 : vector<1x1x16xf32> to vector<16xf32>
      %get3A_346 = arith.index_cast %scan3A_303 : i32 to index
      %get3A_347 = arith.constant 32 : index
      %get3A_348 = tpu.vector_load %arg11[%get3A_346, %get3A_347] {strides = array<i32>} : memref<200x64xf32, #tpu.memory_space<vmem>>, vector<1x16xf32>,
      %get3A_349 = vector.shape_cast %get3A_348 : vector<1x16xf32> to vector<16xf32>
      %add3A_350 = arith.addf %get3A_345, %get3A_349 : vector<16xf32>
      %add3A_351 = arith.constant 32 : i32
      %add3A_352 = arith.addi %mul3A_305, %add3A_351 : i32
      %swap3A_353 = arith.index_cast %add3A_352 : i32 to index
      %swap3A_354 = tpu.vector_load %arg9[%swap3A_353] {strides = array<i32>} : memref<12800xf32, #tpu.memory_space<vmem>>, vector<16xf32>,
      %swap3A_355 = vector.shape_cast %swap3A_354 : vector<16xf32> to vector<16xf32>
      %swap3A_356 = vector.shape_cast %add3A_350 : vector<16xf32> to vector<16xf32>
      tpu.vector_store %arg9[%swap3A_353], %swap3A_356 {strides = array<i32>} : memref<12800xf32, #tpu.memory_space<vmem>>, vector<16xf32>,
      %get3A_357 = arith.constant 0 : i32
      %get3A_358 = arith.index_cast %get3A_357 : i32 to index
      %get3A_359 = arith.index_cast %scan3A_303 : i32 to index
      %get3A_360 = arith.constant 48 : index
      %get3A_361 = tpu.vector_load %arg7[%get3A_358, %get3A_359, %get3A_360] {strides = array<i32>} : memref<1x200x64xf32, #tpu.memory_space<vmem>>, vector<1x1x16xf32>,
      %get3A_362 = vector.shape_cast %get3A_361 : vector<1x1x16xf32> to vector<16xf32>
      %get3A_363 = arith.index_cast %scan3A_303 : i32 to index
      %get3A_364 = arith.constant 48 : index
      %get3A_365 = tpu.vector_load %arg11[%get3A_363, %get3A_364] {strides = array<i32>} : memref<200x64xf32, #tpu.memory_space<vmem>>, vector<1x16xf32>,
      %get3A_366 = vector.shape_cast %get3A_365 : vector<1x16xf32> to vector<16xf32>
      %add3A_367 = arith.addf %get3A_362, %get3A_366 : vector<16xf32>
      %add3A_368 = arith.constant 48 : i32
      %add3A_369 = arith.addi %mul3A_305, %add3A_368 : i32
      %swap3A_370 = arith.index_cast %add3A_369 : i32 to index
      %swap3A_371 = tpu.vector_load %arg9[%swap3A_370] {strides = array<i32>} : memref<12800xf32, #tpu.memory_space<vmem>>, vector<16xf32>,
      %swap3A_372 = vector.shape_cast %swap3A_371 : vector<16xf32> to vector<16xf32>
      %swap3A_373 = vector.shape_cast %add3A_367 : vector<16xf32> to vector<16xf32>
      tpu.vector_store %arg9[%swap3A_370], %swap3A_373 {strides = array<i32>} : memref<12800xf32, #tpu.memory_space<vmem>>, vector<16xf32>,
      %scan3A_374 = arith.constant 3 : i32
      %scan3A_375 = arith.addi %scan3A_161, %scan3A_374 : i32
      %mul3A_376 = arith.constant 64 : i32
      %mul3A_377 = arith.muli %scan3A_375, %mul3A_376 : i32
      %get3A_378 = arith.constant 0 : i32
      %get3A_379 = arith.index_cast %get3A_378 : i32 to index
      %get3A_380 = arith.index_cast %scan3A_375 : i32 to index
      %get3A_381 = arith.constant 0 : index
      %get3A_382 = tpu.vector_load %arg7[%get3A_379, %get3A_380, %get3A_381] {strides = array<i32>} : memref<1x200x64xf32, #tpu.memory_space<vmem>>, vector<1x1x16xf32>,
      %get3A_383 = vector.shape_cast %get3A_382 : vector<1x1x16xf32> to vector<16xf32>
      %get3A_384 = arith.index_cast %scan3A_375 : i32 to index
      %get3A_385 = arith.constant 0 : index
      %get3A_386 = tpu.vector_load %arg11[%get3A_384, %get3A_385] {strides = array<i32>} : memref<200x64xf32, #tpu.memory_space<vmem>>, vector<1x16xf32>,
      %get3A_387 = vector.shape_cast %get3A_386 : vector<1x16xf32> to vector<16xf32>
      %add3A_388 = arith.addf %get3A_383, %get3A_387 : vector<16xf32>
      %add3A_389 = arith.constant 0 : i32
      %add3A_390 = arith.addi %mul3A_377, %add3A_389 : i32
      %swap3A_391 = arith.index_cast %add3A_390 : i32 to index
      %swap3A_392 = tpu.vector_load %arg9[%swap3A_391] {strides = array<i32>} : memref<12800xf32, #tpu.memory_space<vmem>>, vector<16xf32>,
      %swap3A_393 = vector.shape_cast %swap3A_392 : vector<16xf32> to vector<16xf32>
      %swap3A_394 = vector.shape_cast %add3A_388 : vector<16xf32> to vector<16xf32>
      tpu.vector_store %arg9[%swap3A_391], %swap3A_394 {strides = array<i32>} : memref<12800xf32, #tpu.memory_space<vmem>>, vector<16xf32>,
      %get3A_395 = arith.constant 0 : i32
      %get3A_396 = arith.index_cast %get3A_395 : i32 to index
      %get3A_397 = arith.index_cast %scan3A_375 : i32 to index
      %get3A_398 = arith.constant 16 : index
      %get3A_399 = tpu.vector_load %arg7[%get3A_396, %get3A_397, %get3A_398] {strides = array<i32>} : memref<1x200x64xf32, #tpu.memory_space<vmem>>, vector<1x1x16xf32>,
      %get3A_400 = vector.shape_cast %get3A_399 : vector<1x1x16xf32> to vector<16xf32>
      %get3A_401 = arith.index_cast %scan3A_375 : i32 to index
      %get3A_402 = arith.constant 16 : index
      %get3A_403 = tpu.vector_load %arg11[%get3A_401, %get3A_402] {strides = array<i32>} : memref<200x64xf32, #tpu.memory_space<vmem>>, vector<1x16xf32>,
      %get3A_404 = vector.shape_cast %get3A_403 : vector<1x16xf32> to vector<16xf32>
      %add3A_405 = arith.addf %get3A_400, %get3A_404 : vector<16xf32>
      %add3A_406 = arith.constant 16 : i32
      %add3A_407 = arith.addi %mul3A_377, %add3A_406 : i32
      %swap3A_408 = arith.index_cast %add3A_407 : i32 to index
      %swap3A_409 = tpu.vector_load %arg9[%swap3A_408] {strides = array<i32>} : memref<12800xf32, #tpu.memory_space<vmem>>, vector<16xf32>,
      %swap3A_410 = vector.shape_cast %swap3A_409 : vector<16xf32> to vector<16xf32>
      %swap3A_411 = vector.shape_cast %add3A_405 : vector<16xf32> to vector<16xf32>
      tpu.vector_store %arg9[%swap3A_408], %swap3A_411 {strides = array<i32>} : memref<12800xf32, #tpu.memory_space<vmem>>, vector<16xf32>,
      %get3A_412 = arith.constant 0 : i32
      %get3A_413 = arith.index_cast %get3A_412 : i32 to index
      %get3A_414 = arith.index_cast %scan3A_375 : i32 to index
      %get3A_415 = arith.constant 32 : index
      %get3A_416 = tpu.vector_load %arg7[%get3A_413, %get3A_414, %get3A_415] {strides = array<i32>} : memref<1x200x64xf32, #tpu.memory_space<vmem>>, vector<1x1x16xf32>,
      %get3A_417 = vector.shape_cast %get3A_416 : vector<1x1x16xf32> to vector<16xf32>
      %get3A_418 = arith.index_cast %scan3A_375 : i32 to index
      %get3A_419 = arith.constant 32 : index
      %get3A_420 = tpu.vector_load %arg11[%get3A_418, %get3A_419] {strides = array<i32>} : memref<200x64xf32, #tpu.memory_space<vmem>>, vector<1x16xf32>,
      %get3A_421 = vector.shape_cast %get3A_420 : vector<1x16xf32> to vector<16xf32>
      %add3A_422 = arith.addf %get3A_417, %get3A_421 : vector<16xf32>
      %add3A_423 = arith.constant 32 : i32
      %add3A_424 = arith.addi %mul3A_377, %add3A_423 : i32
      %swap3A_425 = arith.index_cast %add3A_424 : i32 to index
      %swap3A_426 = tpu.vector_load %arg9[%swap3A_425] {strides = array<i32>} : memref<12800xf32, #tpu.memory_space<vmem>>, vector<16xf32>,
      %swap3A_427 = vector.shape_cast %swap3A_426 : vector<16xf32> to vector<16xf32>
      %swap3A_428 = vector.shape_cast %add3A_422 : vector<16xf32> to vector<16xf32>
      tpu.vector_store %arg9[%swap3A_425], %swap3A_428 {strides = array<i32>} : memref<12800xf32, #tpu.memory_space<vmem>>, vector<16xf32>,
      %get3A_429 = arith.constant 0 : i32
      %get3A_430 = arith.index_cast %get3A_429 : i32 to index
      %get3A_431 = arith.index_cast %scan3A_375 : i32 to index
      %get3A_432 = arith.constant 48 : index
      %get3A_433 = tpu.vector_load %arg7[%get3A_430, %get3A_431, %get3A_432] {strides = array<i32>} : memref<1x200x64xf32, #tpu.memory_space<vmem>>, vector<1x1x16xf32>,
      %get3A_434 = vector.shape_cast %get3A_433 : vector<1x1x16xf32> to vector<16xf32>
      %get3A_435 = arith.index_cast %scan3A_375 : i32 to index
      %get3A_436 = arith.constant 48 : index
      %get3A_437 = tpu.vector_load %arg11[%get3A_435, %get3A_436] {strides = array<i32>} : memref<200x64xf32, #tpu.memory_space<vmem>>, vector<1x16xf32>,
      %get3A_438 = vector.shape_cast %get3A_437 : vector<1x16xf32> to vector<16xf32>
      %add3A_439 = arith.addf %get3A_434, %get3A_438 : vector<16xf32>
      %add3A_440 = arith.constant 48 : i32
      %add3A_441 = arith.addi %mul3A_377, %add3A_440 : i32
      %swap3A_442 = arith.index_cast %add3A_441 : i32 to index
      %swap3A_443 = tpu.vector_load %arg9[%swap3A_442] {strides = array<i32>} : memref<12800xf32, #tpu.memory_space<vmem>>, vector<16xf32>,
      %swap3A_444 = vector.shape_cast %swap3A_443 : vector<16xf32> to vector<16xf32>
      %swap3A_445 = vector.shape_cast %add3A_439 : vector<16xf32> to vector<16xf32>
      tpu.vector_store %arg9[%swap3A_442], %swap3A_445 {strides = array<i32>} : memref<12800xf32, #tpu.memory_space<vmem>>, vector<16xf32>,
      %scan3A_446 = arith.constant 4 : i32
      %scan3A_447 = arith.addi %scan3A_161, %scan3A_446 : i32
      %mul3A_448 = arith.constant 64 : i32
      %mul3A_449 = arith.muli %scan3A_447, %mul3A_448 : i32
      %get3A_450 = arith.constant 0 : i32
      %get3A_451 = arith.index_cast %get3A_450 : i32 to index
      %get3A_452 = arith.index_cast %scan3A_447 : i32 to index
      %get3A_453 = arith.constant 0 : index
      %get3A_454 = tpu.vector_load %arg7[%get3A_451, %get3A_452, %get3A_453] {strides = array<i32>} : memref<1x200x64xf32, #tpu.memory_space<vmem>>, vector<1x1x16xf32>,
      %get3A_455 = vector.shape_cast %get3A_454 : vector<1x1x16xf32> to vector<16xf32>
      %get3A_456 = arith.index_cast %scan3A_447 : i32 to index
      %get3A_457 = arith.constant 0 : index
      %get3A_458 = tpu.vector_load %arg11[%get3A_456, %get3A_457] {strides = array<i32>} : memref<200x64xf32, #tpu.memory_space<vmem>>, vector<1x16xf32>,
      %get3A_459 = vector.shape_cast %get3A_458 : vector<1x16xf32> to vector<16xf32>
      %add3A_460 = arith.addf %get3A_455, %get3A_459 : vector<16xf32>
      %add3A_461 = arith.constant 0 : i32
      %add3A_462 = arith.addi %mul3A_449, %add3A_461 : i32
      %swap3A_463 = arith.index_cast %add3A_462 : i32 to index
      %swap3A_464 = tpu.vector_load %arg9[%swap3A_463] {strides = array<i32>} : memref<12800xf32, #tpu.memory_space<vmem>>, vector<16xf32>,
      %swap3A_465 = vector.shape_cast %swap3A_464 : vector<16xf32> to vector<16xf32>
      %swap3A_466 = vector.shape_cast %add3A_460 : vector<16xf32> to vector<16xf32>
      tpu.vector_store %arg9[%swap3A_463], %swap3A_466 {strides = array<i32>} : memref<12800xf32, #tpu.memory_space<vmem>>, vector<16xf32>,
      %get3A_467 = arith.constant 0 : i32
      %get3A_468 = arith.index_cast %get3A_467 : i32 to index
      %get3A_469 = arith.index_cast %scan3A_447 : i32 to index
      %get3A_470 = arith.constant 16 : index
      %get3A_471 = tpu.vector_load %arg7[%get3A_468, %get3A_469, %get3A_470] {strides = array<i32>} : memref<1x200x64xf32, #tpu.memory_space<vmem>>, vector<1x1x16xf32>,
      %get3A_472 = vector.shape_cast %get3A_471 : vector<1x1x16xf32> to vector<16xf32>
      %get3A_473 = arith.index_cast %scan3A_447 : i32 to index
      %get3A_474 = arith.constant 16 : index
      %get3A_475 = tpu.vector_load %arg11[%get3A_473, %get3A_474] {strides = array<i32>} : memref<200x64xf32, #tpu.memory_space<vmem>>, vector<1x16xf32>,
      %get3A_476 = vector.shape_cast %get3A_475 : vector<1x16xf32> to vector<16xf32>
      %add3A_477 = arith.addf %get3A_472, %get3A_476 : vector<16xf32>
      %add3A_478 = arith.constant 16 : i32
      %add3A_479 = arith.addi %mul3A_449, %add3A_478 : i32
      %swap3A_480 = arith.index_cast %add3A_479 : i32 to index
      %swap3A_481 = tpu.vector_load %arg9[%swap3A_480] {strides = array<i32>} : memref<12800xf32, #tpu.memory_space<vmem>>, vector<16xf32>,
      %swap3A_482 = vector.shape_cast %swap3A_481 : vector<16xf32> to vector<16xf32>
      %swap3A_483 = vector.shape_cast %add3A_477 : vector<16xf32> to vector<16xf32>
      tpu.vector_store %arg9[%swap3A_480], %swap3A_483 {strides = array<i32>} : memref<12800xf32, #tpu.memory_space<vmem>>, vector<16xf32>,
      %get3A_484 = arith.constant 0 : i32
      %get3A_485 = arith.index_cast %get3A_484 : i32 to index
      %get3A_486 = arith.index_cast %scan3A_447 : i32 to index
      %get3A_487 = arith.constant 32 : index
      %get3A_488 = tpu.vector_load %arg7[%get3A_485, %get3A_486, %get3A_487] {strides = array<i32>} : memref<1x200x64xf32, #tpu.memory_space<vmem>>, vector<1x1x16xf32>,
      %get3A_489 = vector.shape_cast %get3A_488 : vector<1x1x16xf32> to vector<16xf32>
      %get3A_490 = arith.index_cast %scan3A_447 : i32 to index
      %get3A_491 = arith.constant 32 : index
      %get3A_492 = tpu.vector_load %arg11[%get3A_490, %get3A_491] {strides = array<i32>} : memref<200x64xf32, #tpu.memory_space<vmem>>, vector<1x16xf32>,
      %get3A_493 = vector.shape_cast %get3A_492 : vector<1x16xf32> to vector<16xf32>
      %add3A_494 = arith.addf %get3A_489, %get3A_493 : vector<16xf32>
      %add3A_495 = arith.constant 32 : i32
      %add3A_496 = arith.addi %mul3A_449, %add3A_495 : i32
      %swap3A_497 = arith.index_cast %add3A_496 : i32 to index
      %swap3A_498 = tpu.vector_load %arg9[%swap3A_497] {strides = array<i32>} : memref<12800xf32, #tpu.memory_space<vmem>>, vector<16xf32>,
      %swap3A_499 = vector.shape_cast %swap3A_498 : vector<16xf32> to vector<16xf32>
      %swap3A_500 = vector.shape_cast %add3A_494 : vector<16xf32> to vector<16xf32>
      tpu.vector_store %arg9[%swap3A_497], %swap3A_500 {strides = array<i32>} : memref<12800xf32, #tpu.memory_space<vmem>>, vector<16xf32>,
      %get3A_501 = arith.constant 0 : i32
      %get3A_502 = arith.index_cast %get3A_501 : i32 to index
      %get3A_503 = arith.index_cast %scan3A_447 : i32 to index
      %get3A_504 = arith.constant 48 : index
      %get3A_505 = tpu.vector_load %arg7[%get3A_502, %get3A_503, %get3A_504] {strides = array<i32>} : memref<1x200x64xf32, #tpu.memory_space<vmem>>, vector<1x1x16xf32>,
      %get3A_506 = vector.shape_cast %get3A_505 : vector<1x1x16xf32> to vector<16xf32>
      %get3A_507 = arith.index_cast %scan3A_447 : i32 to index
      %get3A_508 = arith.constant 48 : index
      %get3A_509 = tpu.vector_load %arg11[%get3A_507, %get3A_508] {strides = array<i32>} : memref<200x64xf32, #tpu.memory_space<vmem>>, vector<1x16xf32>,
      %get3A_510 = vector.shape_cast %get3A_509 : vector<1x16xf32> to vector<16xf32>
      %add3A_511 = arith.addf %get3A_506, %get3A_510 : vector<16xf32>
      %add3A_512 = arith.constant 48 : i32
      %add3A_513 = arith.addi %mul3A_449, %add3A_512 : i32
      %swap3A_514 = arith.index_cast %add3A_513 : i32 to index
      %swap3A_515 = tpu.vector_load %arg9[%swap3A_514] {strides = array<i32>} : memref<12800xf32, #tpu.memory_space<vmem>>, vector<16xf32>,
      %swap3A_516 = vector.shape_cast %swap3A_515 : vector<16xf32> to vector<16xf32>
      %swap3A_517 = vector.shape_cast %add3A_511 : vector<16xf32> to vector<16xf32>
      tpu.vector_store %arg9[%swap3A_514], %swap3A_517 {strides = array<i32>} : memref<12800xf32, #tpu.memory_space<vmem>>, vector<16xf32>,
      %scan3A_518 = arith.constant 5 : i32
      %scan3A_519 = arith.addi %scan3A_161, %scan3A_518 : i32
      %mul3A_520 = arith.constant 64 : i32
      %mul3A_521 = arith.muli %scan3A_519, %mul3A_520 : i32
      %get3A_522 = arith.constant 0 : i32
      %get3A_523 = arith.index_cast %get3A_522 : i32 to index
      %get3A_524 = arith.index_cast %scan3A_519 : i32 to index
      %get3A_525 = arith.constant 0 : index
      %get3A_526 = tpu.vector_load %arg7[%get3A_523, %get3A_524, %get3A_525] {strides = array<i32>} : memref<1x200x64xf32, #tpu.memory_space<vmem>>, vector<1x1x16xf32>,
      %get3A_527 = vector.shape_cast %get3A_526 : vector<1x1x16xf32> to vector<16xf32>
      %get3A_528 = arith.index_cast %scan3A_519 : i32 to index
      %get3A_529 = arith.constant 0 : index
      %get3A_530 = tpu.vector_load %arg11[%get3A_528, %get3A_529] {strides = array<i32>} : memref<200x64xf32, #tpu.memory_space<vmem>>, vector<1x16xf32>,
      %get3A_531 = vector.shape_cast %get3A_530 : vector<1x16xf32> to vector<16xf32>
      %add3A_532 = arith.addf %get3A_527, %get3A_531 : vector<16xf32>
      %add3A_533 = arith.constant 0 : i32
      %add3A_534 = arith.addi %mul3A_521, %add3A_533 : i32
      %swap3A_535 = arith.index_cast %add3A_534 : i32 to index
      %swap3A_536 = tpu.vector_load %arg9[%swap3A_535] {strides = array<i32>} : memref<12800xf32, #tpu.memory_space<vmem>>, vector<16xf32>,
      %swap3A_537 = vector.shape_cast %swap3A_536 : vector<16xf32> to vector<16xf32>
      %swap3A_538 = vector.shape_cast %add3A_532 : vector<16xf32> to vector<16xf32>
      tpu.vector_store %arg9[%swap3A_535], %swap3A_538 {strides = array<i32>} : memref<12800xf32, #tpu.memory_space<vmem>>, vector<16xf32>,
      %get3A_539 = arith.constant 0 : i32
      %get3A_540 = arith.index_cast %get3A_539 : i32 to index
      %get3A_541 = arith.index_cast %scan3A_519 : i32 to index
      %get3A_542 = arith.constant 16 : index
      %get3A_543 = tpu.vector_load %arg7[%get3A_540, %get3A_541, %get3A_542] {strides = array<i32>} : memref<1x200x64xf32, #tpu.memory_space<vmem>>, vector<1x1x16xf32>,
      %get3A_544 = vector.shape_cast %get3A_543 : vector<1x1x16xf32> to vector<16xf32>
      %get3A_545 = arith.index_cast %scan3A_519 : i32 to index
      %get3A_546 = arith.constant 16 : index
      %get3A_547 = tpu.vector_load %arg11[%get3A_545, %get3A_546] {strides = array<i32>} : memref<200x64xf32, #tpu.memory_space<vmem>>, vector<1x16xf32>,
      %get3A_548 = vector.shape_cast %get3A_547 : vector<1x16xf32> to vector<16xf32>
      %add3A_549 = arith.addf %get3A_544, %get3A_548 : vector<16xf32>
      %add3A_550 = arith.constant 16 : i32
      %add3A_551 = arith.addi %mul3A_521, %add3A_550 : i32
      %swap3A_552 = arith.index_cast %add3A_551 : i32 to index
      %swap3A_553 = tpu.vector_load %arg9[%swap3A_552] {strides = array<i32>} : memref<12800xf32, #tpu.memory_space<vmem>>, vector<16xf32>,
      %swap3A_554 = vector.shape_cast %swap3A_553 : vector<16xf32> to vector<16xf32>
      %swap3A_555 = vector.shape_cast %add3A_549 : vector<16xf32> to vector<16xf32>
      tpu.vector_store %arg9[%swap3A_552], %swap3A_555 {strides = array<i32>} : memref<12800xf32, #tpu.memory_space<vmem>>, vector<16xf32>,
      %get3A_556 = arith.constant 0 : i32
      %get3A_557 = arith.index_cast %get3A_556 : i32 to index
      %get3A_558 = arith.index_cast %scan3A_519 : i32 to index
      %get3A_559 = arith.constant 32 : index
      %get3A_560 = tpu.vector_load %arg7[%get3A_557, %get3A_558, %get3A_559] {strides = array<i32>} : memref<1x200x64xf32, #tpu.memory_space<vmem>>, vector<1x1x16xf32>,
      %get3A_561 = vector.shape_cast %get3A_560 : vector<1x1x16xf32> to vector<16xf32>
      %get3A_562 = arith.index_cast %scan3A_519 : i32 to index
      %get3A_563 = arith.constant 32 : index
      %get3A_564 = tpu.vector_load %arg11[%get3A_562, %get3A_563] {strides = array<i32>} : memref<200x64xf32, #tpu.memory_space<vmem>>, vector<1x16xf32>,
      %get3A_565 = vector.shape_cast %get3A_564 : vector<1x16xf32> to vector<16xf32>
      %add3A_566 = arith.addf %get3A_561, %get3A_565 : vector<16xf32>
      %add3A_567 = arith.constant 32 : i32
      %add3A_568 = arith.addi %mul3A_521, %add3A_567 : i32
      %swap3A_569 = arith.index_cast %add3A_568 : i32 to index
      %swap3A_570 = tpu.vector_load %arg9[%swap3A_569] {strides = array<i32>} : memref<12800xf32, #tpu.memory_space<vmem>>, vector<16xf32>,
      %swap3A_571 = vector.shape_cast %swap3A_570 : vector<16xf32> to vector<16xf32>
      %swap3A_572 = vector.shape_cast %add3A_566 : vector<16xf32> to vector<16xf32>
      tpu.vector_store %arg9[%swap3A_569], %swap3A_572 {strides = array<i32>} : memref<12800xf32, #tpu.memory_space<vmem>>, vector<16xf32>,
      %get3A_573 = arith.constant 0 : i32
      %get3A_574 = arith.index_cast %get3A_573 : i32 to index
      %get3A_575 = arith.index_cast %scan3A_519 : i32 to index
      %get3A_576 = arith.constant 48 : index
      %get3A_577 = tpu.vector_load %arg7[%get3A_574, %get3A_575, %get3A_576] {strides = array<i32>} : memref<1x200x64xf32, #tpu.memory_space<vmem>>, vector<1x1x16xf32>,
      %get3A_578 = vector.shape_cast %get3A_577 : vector<1x1x16xf32> to vector<16xf32>
      %get3A_579 = arith.index_cast %scan3A_519 : i32 to index
      %get3A_580 = arith.constant 48 : index
      %get3A_581 = tpu.vector_load %arg11[%get3A_579, %get3A_580] {strides = array<i32>} : memref<200x64xf32, #tpu.memory_space<vmem>>, vector<1x16xf32>,
      %get3A_582 = vector.shape_cast %get3A_581 : vector<1x16xf32> to vector<16xf32>
      %add3A_583 = arith.addf %get3A_578, %get3A_582 : vector<16xf32>
      %add3A_584 = arith.constant 48 : i32
      %add3A_585 = arith.addi %mul3A_521, %add3A_584 : i32
      %swap3A_586 = arith.index_cast %add3A_585 : i32 to index
      %swap3A_587 = tpu.vector_load %arg9[%swap3A_586] {strides = array<i32>} : memref<12800xf32, #tpu.memory_space<vmem>>, vector<16xf32>,
      %swap3A_588 = vector.shape_cast %swap3A_587 : vector<16xf32> to vector<16xf32>
      %swap3A_589 = vector.shape_cast %add3A_583 : vector<16xf32> to vector<16xf32>
      tpu.vector_store %arg9[%swap3A_586], %swap3A_589 {strides = array<i32>} : memref<12800xf32, #tpu.memory_space<vmem>>, vector<16xf32>,
      %scan3A_590 = arith.constant 6 : i32
      %scan3A_591 = arith.addi %scan3A_161, %scan3A_590 : i32
      %mul3A_592 = arith.constant 64 : i32
      %mul3A_593 = arith.muli %scan3A_591, %mul3A_592 : i32
      %get3A_594 = arith.constant 0 : i32
      %get3A_595 = arith.index_cast %get3A_594 : i32 to index
      %get3A_596 = arith.index_cast %scan3A_591 : i32 to index
      %get3A_597 = arith.constant 0 : index
      %get3A_598 = tpu.vector_load %arg7[%get3A_595, %get3A_596, %get3A_597] {strides = array<i32>} : memref<1x200x64xf32, #tpu.memory_space<vmem>>, vector<1x1x16xf32>,
      %get3A_599 = vector.shape_cast %get3A_598 : vector<1x1x16xf32> to vector<16xf32>
      %get3A_600 = arith.index_cast %scan3A_591 : i32 to index
      %get3A_601 = arith.constant 0 : index
      %get3A_602 = tpu.vector_load %arg11[%get3A_600, %get3A_601] {strides = array<i32>} : memref<200x64xf32, #tpu.memory_space<vmem>>, vector<1x16xf32>,
      %get3A_603 = vector.shape_cast %get3A_602 : vector<1x16xf32> to vector<16xf32>
      %add3A_604 = arith.addf %get3A_599, %get3A_603 : vector<16xf32>
      %add3A_605 = arith.constant 0 : i32
      %add3A_606 = arith.addi %mul3A_593, %add3A_605 : i32
      %swap3A_607 = arith.index_cast %add3A_606 : i32 to index
      %swap3A_608 = tpu.vector_load %arg9[%swap3A_607] {strides = array<i32>} : memref<12800xf32, #tpu.memory_space<vmem>>, vector<16xf32>,
      %swap3A_609 = vector.shape_cast %swap3A_608 : vector<16xf32> to vector<16xf32>
      %swap3A_610 = vector.shape_cast %add3A_604 : vector<16xf32> to vector<16xf32>
      tpu.vector_store %arg9[%swap3A_607], %swap3A_610 {strides = array<i32>} : memref<12800xf32, #tpu.memory_space<vmem>>, vector<16xf32>,
      %get3A_611 = arith.constant 0 : i32
      %get3A_612 = arith.index_cast %get3A_611 : i32 to index
      %get3A_613 = arith.index_cast %scan3A_591 : i32 to index
      %get3A_614 = arith.constant 16 : index
      %get3A_615 = tpu.vector_load %arg7[%get3A_612, %get3A_613, %get3A_614] {strides = array<i32>} : memref<1x200x64xf32, #tpu.memory_space<vmem>>, vector<1x1x16xf32>,
      %get3A_616 = vector.shape_cast %get3A_615 : vector<1x1x16xf32> to vector<16xf32>
      %get3A_617 = arith.index_cast %scan3A_591 : i32 to index
      %get3A_618 = arith.constant 16 : index
      %get3A_619 = tpu.vector_load %arg11[%get3A_617, %get3A_618] {strides = array<i32>} : memref<200x64xf32, #tpu.memory_space<vmem>>, vector<1x16xf32>,
      %get3A_620 = vector.shape_cast %get3A_619 : vector<1x16xf32> to vector<16xf32>
      %add3A_621 = arith.addf %get3A_616, %get3A_620 : vector<16xf32>
      %add3A_622 = arith.constant 16 : i32
      %add3A_623 = arith.addi %mul3A_593, %add3A_622 : i32
      %swap3A_624 = arith.index_cast %add3A_623 : i32 to index
      %swap3A_625 = tpu.vector_load %arg9[%swap3A_624] {strides = array<i32>} : memref<12800xf32, #tpu.memory_space<vmem>>, vector<16xf32>,
      %swap3A_626 = vector.shape_cast %swap3A_625 : vector<16xf32> to vector<16xf32>
      %swap3A_627 = vector.shape_cast %add3A_621 : vector<16xf32> to vector<16xf32>
      tpu.vector_store %arg9[%swap3A_624], %swap3A_627 {strides = array<i32>} : memref<12800xf32, #tpu.memory_space<vmem>>, vector<16xf32>,
      %get3A_628 = arith.constant 0 : i32
      %get3A_629 = arith.index_cast %get3A_628 : i32 to index
      %get3A_630 = arith.index_cast %scan3A_591 : i32 to index
      %get3A_631 = arith.constant 32 : index
      %get3A_632 = tpu.vector_load %arg7[%get3A_629, %get3A_630, %get3A_631] {strides = array<i32>} : memref<1x200x64xf32, #tpu.memory_space<vmem>>, vector<1x1x16xf32>,
      %get3A_633 = vector.shape_cast %get3A_632 : vector<1x1x16xf32> to vector<16xf32>
      %get3A_634 = arith.index_cast %scan3A_591 : i32 to index
      %get3A_635 = arith.constant 32 : index
      %get3A_636 = tpu.vector_load %arg11[%get3A_634, %get3A_635] {strides = array<i32>} : memref<200x64xf32, #tpu.memory_space<vmem>>, vector<1x16xf32>,
      %get3A_637 = vector.shape_cast %get3A_636 : vector<1x16xf32> to vector<16xf32>
      %add3A_638 = arith.addf %get3A_633, %get3A_637 : vector<16xf32>
      %add3A_639 = arith.constant 32 : i32
      %add3A_640 = arith.addi %mul3A_593, %add3A_639 : i32
      %swap3A_641 = arith.index_cast %add3A_640 : i32 to index
      %swap3A_642 = tpu.vector_load %arg9[%swap3A_641] {strides = array<i32>} : memref<12800xf32, #tpu.memory_space<vmem>>, vector<16xf32>,
      %swap3A_643 = vector.shape_cast %swap3A_642 : vector<16xf32> to vector<16xf32>
      %swap3A_644 = vector.shape_cast %add3A_638 : vector<16xf32> to vector<16xf32>
      tpu.vector_store %arg9[%swap3A_641], %swap3A_644 {strides = array<i32>} : memref<12800xf32, #tpu.memory_space<vmem>>, vector<16xf32>,
      %get3A_645 = arith.constant 0 : i32
      %get3A_646 = arith.index_cast %get3A_645 : i32 to index
      %get3A_647 = arith.index_cast %scan3A_591 : i32 to index
      %get3A_648 = arith.constant 48 : index
      %get3A_649 = tpu.vector_load %arg7[%get3A_646, %get3A_647, %get3A_648] {strides = array<i32>} : memref<1x200x64xf32, #tpu.memory_space<vmem>>, vector<1x1x16xf32>,
      %get3A_650 = vector.shape_cast %get3A_649 : vector<1x1x16xf32> to vector<16xf32>
      %get3A_651 = arith.index_cast %scan3A_591 : i32 to index
      %get3A_652 = arith.constant 48 : index
      %get3A_653 = tpu.vector_load %arg11[%get3A_651, %get3A_652] {strides = array<i32>} : memref<200x64xf32, #tpu.memory_space<vmem>>, vector<1x16xf32>,
      %get3A_654 = vector.shape_cast %get3A_653 : vector<1x16xf32> to vector<16xf32>
      %add3A_655 = arith.addf %get3A_650, %get3A_654 : vector<16xf32>
      %add3A_656 = arith.constant 48 : i32
      %add3A_657 = arith.addi %mul3A_593, %add3A_656 : i32
      %swap3A_658 = arith.index_cast %add3A_657 : i32 to index
      %swap3A_659 = tpu.vector_load %arg9[%swap3A_658] {strides = array<i32>} : memref<12800xf32, #tpu.memory_space<vmem>>, vector<16xf32>,
      %swap3A_660 = vector.shape_cast %swap3A_659 : vector<16xf32> to vector<16xf32>
      %swap3A_661 = vector.shape_cast %add3A_655 : vector<16xf32> to vector<16xf32>
      tpu.vector_store %arg9[%swap3A_658], %swap3A_661 {strides = array<i32>} : memref<12800xf32, #tpu.memory_space<vmem>>, vector<16xf32>,
      %scan3A_662 = arith.constant 7 : i32
      %scan3A_663 = arith.addi %scan3A_161, %scan3A_662 : i32
      %mul3A_664 = arith.constant 64 : i32
      %mul3A_665 = arith.muli %scan3A_663, %mul3A_664 : i32
      %get3A_666 = arith.constant 0 : i32
      %get3A_667 = arith.index_cast %get3A_666 : i32 to index
      %get3A_668 = arith.index_cast %scan3A_663 : i32 to index
      %get3A_669 = arith.constant 0 : index
      %get3A_670 = tpu.vector_load %arg7[%get3A_667, %get3A_668, %get3A_669] {strides = array<i32>} : memref<1x200x64xf32, #tpu.memory_space<vmem>>, vector<1x1x16xf32>,
      %get3A_671 = vector.shape_cast %get3A_670 : vector<1x1x16xf32> to vector<16xf32>
      %get3A_672 = arith.index_cast %scan3A_663 : i32 to index
      %get3A_673 = arith.constant 0 : index
      %get3A_674 = tpu.vector_load %arg11[%get3A_672, %get3A_673] {strides = array<i32>} : memref<200x64xf32, #tpu.memory_space<vmem>>, vector<1x16xf32>,
      %get3A_675 = vector.shape_cast %get3A_674 : vector<1x16xf32> to vector<16xf32>
      %add3A_676 = arith.addf %get3A_671, %get3A_675 : vector<16xf32>
      %add3A_677 = arith.constant 0 : i32
      %add3A_678 = arith.addi %mul3A_665, %add3A_677 : i32
      %swap3A_679 = arith.index_cast %add3A_678 : i32 to index
      %swap3A_680 = tpu.vector_load %arg9[%swap3A_679] {strides = array<i32>} : memref<12800xf32, #tpu.memory_space<vmem>>, vector<16xf32>,
      %swap3A_681 = vector.shape_cast %swap3A_680 : vector<16xf32> to vector<16xf32>
      %swap3A_682 = vector.shape_cast %add3A_676 : vector<16xf32> to vector<16xf32>
      tpu.vector_store %arg9[%swap3A_679], %swap3A_682 {strides = array<i32>} : memref<12800xf32, #tpu.memory_space<vmem>>, vector<16xf32>,
      %get3A_683 = arith.constant 0 : i32
      %get3A_684 = arith.index_cast %get3A_683 : i32 to index
      %get3A_685 = arith.index_cast %scan3A_663 : i32 to index
      %get3A_686 = arith.constant 16 : index
      %get3A_687 = tpu.vector_load %arg7[%get3A_684, %get3A_685, %get3A_686] {strides = array<i32>} : memref<1x200x64xf32, #tpu.memory_space<vmem>>, vector<1x1x16xf32>,
      %get3A_688 = vector.shape_cast %get3A_687 : vector<1x1x16xf32> to vector<16xf32>
      %get3A_689 = arith.index_cast %scan3A_663 : i32 to index
      %get3A_690 = arith.constant 16 : index
      %get3A_691 = tpu.vector_load %arg11[%get3A_689, %get3A_690] {strides = array<i32>} : memref<200x64xf32, #tpu.memory_space<vmem>>, vector<1x16xf32>,
      %get3A_692 = vector.shape_cast %get3A_691 : vector<1x16xf32> to vector<16xf32>
      %add3A_693 = arith.addf %get3A_688, %get3A_692 : vector<16xf32>
      %add3A_694 = arith.constant 16 : i32
      %add3A_695 = arith.addi %mul3A_665, %add3A_694 : i32
      %swap3A_696 = arith.index_cast %add3A_695 : i32 to index
      %swap3A_697 = tpu.vector_load %arg9[%swap3A_696] {strides = array<i32>} : memref<12800xf32, #tpu.memory_space<vmem>>, vector<16xf32>,
      %swap3A_698 = vector.shape_cast %swap3A_697 : vector<16xf32> to vector<16xf32>
      %swap3A_699 = vector.shape_cast %add3A_693 : vector<16xf32> to vector<16xf32>
      tpu.vector_store %arg9[%swap3A_696], %swap3A_699 {strides = array<i32>} : memref<12800xf32, #tpu.memory_space<vmem>>, vector<16xf32>,
      %get3A_700 = arith.constant 0 : i32
      %get3A_701 = arith.index_cast %get3A_700 : i32 to index
      %get3A_702 = arith.index_cast %scan3A_663 : i32 to index
      %get3A_703 = arith.constant 32 : index
      %get3A_704 = tpu.vector_load %arg7[%get3A_701, %get3A_702, %get3A_703] {strides = array<i32>} : memref<1x200x64xf32, #tpu.memory_space<vmem>>, vector<1x1x16xf32>,
      %get3A_705 = vector.shape_cast %get3A_704 : vector<1x1x16xf32> to vector<16xf32>
      %get3A_706 = arith.index_cast %scan3A_663 : i32 to index
      %get3A_707 = arith.constant 32 : index
      %get3A_708 = tpu.vector_load %arg11[%get3A_706, %get3A_707] {strides = array<i32>} : memref<200x64xf32, #tpu.memory_space<vmem>>, vector<1x16xf32>,
      %get3A_709 = vector.shape_cast %get3A_708 : vector<1x16xf32> to vector<16xf32>
      %add3A_710 = arith.addf %get3A_705, %get3A_709 : vector<16xf32>
      %add3A_711 = arith.constant 32 : i32
      %add3A_712 = arith.addi %mul3A_665, %add3A_711 : i32
      %swap3A_713 = arith.index_cast %add3A_712 : i32 to index
      %swap3A_714 = tpu.vector_load %arg9[%swap3A_713] {strides = array<i32>} : memref<12800xf32, #tpu.memory_space<vmem>>, vector<16xf32>,
      %swap3A_715 = vector.shape_cast %swap3A_714 : vector<16xf32> to vector<16xf32>
      %swap3A_716 = vector.shape_cast %add3A_710 : vector<16xf32> to vector<16xf32>
      tpu.vector_store %arg9[%swap3A_713], %swap3A_716 {strides = array<i32>} : memref<12800xf32, #tpu.memory_space<vmem>>, vector<16xf32>,
      %get3A_717 = arith.constant 0 : i32
      %get3A_718 = arith.index_cast %get3A_717 : i32 to index
      %get3A_719 = arith.index_cast %scan3A_663 : i32 to index
      %get3A_720 = arith.constant 48 : index
      %get3A_721 = tpu.vector_load %arg7[%get3A_718, %get3A_719, %get3A_720] {strides = array<i32>} : memref<1x200x64xf32, #tpu.memory_space<vmem>>, vector<1x1x16xf32>,
      %get3A_722 = vector.shape_cast %get3A_721 : vector<1x1x16xf32> to vector<16xf32>
      %get3A_723 = arith.index_cast %scan3A_663 : i32 to index
      %get3A_724 = arith.constant 48 : index
      %get3A_725 = tpu.vector_load %arg11[%get3A_723, %get3A_724] {strides = array<i32>} : memref<200x64xf32, #tpu.memory_space<vmem>>, vector<1x16xf32>,
      %get3A_726 = vector.shape_cast %get3A_725 : vector<1x16xf32> to vector<16xf32>
      %add3A_727 = arith.addf %get3A_722, %get3A_726 : vector<16xf32>
      %add3A_728 = arith.constant 48 : i32
      %add3A_729 = arith.addi %mul3A_665, %add3A_728 : i32
      %swap3A_730 = arith.index_cast %add3A_729 : i32 to index
      %swap3A_731 = tpu.vector_load %arg9[%swap3A_730] {strides = array<i32>} : memref<12800xf32, #tpu.memory_space<vmem>>, vector<16xf32>,
      %swap3A_732 = vector.shape_cast %swap3A_731 : vector<16xf32> to vector<16xf32>
      %swap3A_733 = vector.shape_cast %add3A_727 : vector<16xf32> to vector<16xf32>
      tpu.vector_store %arg9[%swap3A_730], %swap3A_733 {strides = array<i32>} : memref<12800xf32, #tpu.memory_space<vmem>>, vector<16xf32>,
    }
    %scan3A_106 = arith.constant 200 : i32
    %add3A_107 = arith.constant 126 : i32
    %add3A_108 = arith.addi %mul3A_2, %add3A_107 : i32
    %dma_start3A_109 = arith.constant 0 : i32
    %dma_start3A_110 = tpu.memref_slice %arg5[%add3A_108, %dma_start3A_109] : memref<4096x12800xf32, #tpu.memory_space<hbm>> -> memref<1x12800xf32, #tpu.memory_space<hbm>>
    %dma_start3A_111 = tpu.memref_squeeze %dma_start3A_110 : memref<1x12800xf32, #tpu.memory_space<hbm>> -> memref<12800xf32, #tpu.memory_space<hbm>>
    %dma_start3A_112 = arith.constant 0 : i32
    %dma_start3A_113 = tpu.memref_slice %arg5[%add3A_108, %dma_start3A_112] : memref<4096x12800xf32, #tpu.memory_space<hbm>> -> memref<1x12800xf32, #tpu.memory_space<hbm>>
    %dma_start3A_114 = tpu.memref_squeeze %dma_start3A_113 : memref<1x12800xf32, #tpu.memory_space<hbm>> -> memref<12800xf32, #tpu.memory_space<hbm>>
    tpu.enqueue_dma source(%arg9 : memref<12800xf32, #tpu.memory_space<vmem>>) target(%dma_start3A_114 : memref<12800xf32, #tpu.memory_space<hbm>>) target_semaphore(%arg13 : memref<!tpu.dma_semaphore, #tpu.memory_space<semaphore_mem>>)
    %dma_wait3A_115 = arith.constant 127 : i32
    %dma_wait3A_116 = arith.constant 0 : i32
    %dma_wait3A_117 = arith.constant 0 : i32
    %dma_wait3A_118 = tpu.memref_slice %arg6[%dma_wait3A_115, %dma_wait3A_116, %dma_wait3A_117] : memref<128x1x200xi32, #tpu.memory_space<vmem>> -> memref<1x1x200xi32, #tpu.memory_space<vmem>>
    %dma_wait3A_119 = tpu.memref_squeeze %dma_wait3A_118 : memref<1x1x200xi32, #tpu.memory_space<vmem>> -> memref<1x200xi32, #tpu.memory_space<vmem>>
    %dma_wait3A_120 = arith.constant 0 : i32
    %dma_wait3A_121 = arith.constant 0 : i32
    %dma_wait3A_122 = arith.constant 0 : i32
    %dma_wait3A_123 = tpu.memref_slice %arg3[%dma_wait3A_120, %dma_wait3A_121, %dma_wait3A_122] : memref<1x1000000x64xf32, #tpu.memory_space<hbm>> -> memref<1x1000000x64xf32, #tpu.memory_space<hbm>>
    tpu.wait_indirect_dma semaphore(%arg12 : memref<!tpu.dma_semaphore, #tpu.memory_space<semaphore_mem>>) src(%dma_wait3A_123 : memref<1x1000000x64xf32, #tpu.memory_space<hbm>>) dst(%arg8 : memref<1x200x64xf32, #tpu.memory_space<vmem>>)
    %add3A_124 = arith.constant 125 : i32
    %add3A_125 = arith.addi %mul3A_2, %add3A_124 : i32
    %dma_wait3A_126 = arith.constant 0 : i32
    %dma_wait3A_127 = tpu.memref_slice %arg5[%add3A_125, %dma_wait3A_126] : memref<4096x12800xf32, #tpu.memory_space<hbm>> -> memref<1x12800xf32, #tpu.memory_space<hbm>>
    %dma_wait3A_128 = tpu.memref_squeeze %dma_wait3A_127 : memref<1x12800xf32, #tpu.memory_space<hbm>> -> memref<12800xf32, #tpu.memory_space<hbm>>
    %dma_wait3A_129 = arith.constant 0 : i32
    %dma_wait3A_130 = tpu.memref_slice %arg5[%add3A_125, %dma_wait3A_129] : memref<4096x12800xf32, #tpu.memory_space<hbm>> -> memref<1x12800xf32, #tpu.memory_space<hbm>>
    %dma_wait3A_131 = tpu.memref_squeeze %dma_wait3A_130 : memref<1x12800xf32, #tpu.memory_space<hbm>> -> memref<12800xf32, #tpu.memory_space<hbm>>
    tpu.wait_dma2 semaphore(%arg13 : memref<!tpu.dma_semaphore, #tpu.memory_space<semaphore_mem>>) src(%arg10 : memref<12800xf32, #tpu.memory_space<vmem>>) dst(%dma_wait3A_131 : memref<12800xf32, #tpu.memory_space<hbm>>)
    %scan3A_132 = arith.constant 0 : i32
    %scan3A_133 = arith.constant 200 : i32
    %scan3A_134 = arith.addi %scan3A_132, %scan3A_133 : i32
    %scan3A_135 = arith.constant 8 : i32
    scf.for %scan3A_161 = %scan3A_132 to %scan3A_134 step %scan3A_135  : i32 {
      %mul3A_162 = arith.constant 64 : i32
      %mul3A_163 = arith.muli %scan3A_161, %mul3A_162 : i32
      %get3A = arith.constant 0 : i32
      %get3A_164 = arith.index_cast %get3A : i32 to index
      %get3A_165 = arith.index_cast %scan3A_161 : i32 to index
      %get3A_166 = arith.constant 0 : index
      %get3A_167 = tpu.vector_load %arg8[%get3A_164, %get3A_165, %get3A_166] {strides = array<i32>} : memref<1x200x64xf32, #tpu.memory_space<vmem>>, vector<1x1x16xf32>,
      %get3A_168 = vector.shape_cast %get3A_167 : vector<1x1x16xf32> to vector<16xf32>
      %get3A_169 = arith.index_cast %scan3A_161 : i32 to index
      %get3A_170 = arith.constant 0 : index
      %get3A_171 = tpu.vector_load %arg11[%get3A_169, %get3A_170] {strides = array<i32>} : memref<200x64xf32, #tpu.memory_space<vmem>>, vector<1x16xf32>,
      %get3A_172 = vector.shape_cast %get3A_171 : vector<1x16xf32> to vector<16xf32>
      %add3A_173 = arith.addf %get3A_168, %get3A_172 : vector<16xf32>
      %add3A_174 = arith.constant 0 : i32
      %add3A_175 = arith.addi %mul3A_163, %add3A_174 : i32
      %swap3A = arith.index_cast %add3A_175 : i32 to index
      %swap3A_176 = tpu.vector_load %arg10[%swap3A] {strides = array<i32>} : memref<12800xf32, #tpu.memory_space<vmem>>, vector<16xf32>,
      %swap3A_177 = vector.shape_cast %swap3A_176 : vector<16xf32> to vector<16xf32>
      %swap3A_178 = vector.shape_cast %add3A_173 : vector<16xf32> to vector<16xf32>
      tpu.vector_store %arg10[%swap3A], %swap3A_178 {strides = array<i32>} : memref<12800xf32, #tpu.memory_space<vmem>>, vector<16xf32>,
      %get3A_179 = arith.constant 0 : i32
      %get3A_180 = arith.index_cast %get3A_179 : i32 to index
      %get3A_181 = arith.index_cast %scan3A_161 : i32 to index
      %get3A_182 = arith.constant 16 : index
      %get3A_183 = tpu.vector_load %arg8[%get3A_180, %get3A_181, %get3A_182] {strides = array<i32>} : memref<1x200x64xf32, #tpu.memory_space<vmem>>, vector<1x1x16xf32>,
      %get3A_184 = vector.shape_cast %get3A_183 : vector<1x1x16xf32> to vector<16xf32>
      %get3A_185 = arith.index_cast %scan3A_161 : i32 to index
      %get3A_186 = arith.constant 16 : index
      %get3A_187 = tpu.vector_load %arg11[%get3A_185, %get3A_186] {strides = array<i32>} : memref<200x64xf32, #tpu.memory_space<vmem>>, vector<1x16xf32>,
      %get3A_188 = vector.shape_cast %get3A_187 : vector<1x16xf32> to vector<16xf32>
      %add3A_189 = arith.addf %get3A_184, %get3A_188 : vector<16xf32>
      %add3A_190 = arith.constant 16 : i32
      %add3A_191 = arith.addi %mul3A_163, %add3A_190 : i32
      %swap3A_192 = arith.index_cast %add3A_191 : i32 to index
      %swap3A_193 = tpu.vector_load %arg10[%swap3A_192] {strides = array<i32>} : memref<12800xf32, #tpu.memory_space<vmem>>, vector<16xf32>,
      %swap3A_194 = vector.shape_cast %swap3A_193 : vector<16xf32> to vector<16xf32>
      %swap3A_195 = vector.shape_cast %add3A_189 : vector<16xf32> to vector<16xf32>
      tpu.vector_store %arg10[%swap3A_192], %swap3A_195 {strides = array<i32>} : memref<12800xf32, #tpu.memory_space<vmem>>, vector<16xf32>,
      %get3A_196 = arith.constant 0 : i32
      %get3A_197 = arith.index_cast %get3A_196 : i32 to index
      %get3A_198 = arith.index_cast %scan3A_161 : i32 to index
      %get3A_199 = arith.constant 32 : index
      %get3A_200 = tpu.vector_load %arg8[%get3A_197, %get3A_198, %get3A_199] {strides = array<i32>} : memref<1x200x64xf32, #tpu.memory_space<vmem>>, vector<1x1x16xf32>,
      %get3A_201 = vector.shape_cast %get3A_200 : vector<1x1x16xf32> to vector<16xf32>
      %get3A_202 = arith.index_cast %scan3A_161 : i32 to index
      %get3A_203 = arith.constant 32 : index
      %get3A_204 = tpu.vector_load %arg11[%get3A_202, %get3A_203] {strides = array<i32>} : memref<200x64xf32, #tpu.memory_space<vmem>>, vector<1x16xf32>,
      %get3A_205 = vector.shape_cast %get3A_204 : vector<1x16xf32> to vector<16xf32>
      %add3A_206 = arith.addf %get3A_201, %get3A_205 : vector<16xf32>
      %add3A_207 = arith.constant 32 : i32
      %add3A_208 = arith.addi %mul3A_163, %add3A_207 : i32
      %swap3A_209 = arith.index_cast %add3A_208 : i32 to index
      %swap3A_210 = tpu.vector_load %arg10[%swap3A_209] {strides = array<i32>} : memref<12800xf32, #tpu.memory_space<vmem>>, vector<16xf32>,
      %swap3A_211 = vector.shape_cast %swap3A_210 : vector<16xf32> to vector<16xf32>
      %swap3A_212 = vector.shape_cast %add3A_206 : vector<16xf32> to vector<16xf32>
      tpu.vector_store %arg10[%swap3A_209], %swap3A_212 {strides = array<i32>} : memref<12800xf32, #tpu.memory_space<vmem>>, vector<16xf32>,
      %get3A_213 = arith.constant 0 : i32
      %get3A_214 = arith.index_cast %get3A_213 : i32 to index
      %get3A_215 = arith.index_cast %scan3A_161 : i32 to index
      %get3A_216 = arith.constant 48 : index
      %get3A_217 = tpu.vector_load %arg8[%get3A_214, %get3A_215, %get3A_216] {strides = array<i32>} : memref<1x200x64xf32, #tpu.memory_space<vmem>>, vector<1x1x16xf32>,
      %get3A_218 = vector.shape_cast %get3A_217 : vector<1x1x16xf32> to vector<16xf32>
      %get3A_219 = arith.index_cast %scan3A_161 : i32 to index
      %get3A_220 = arith.constant 48 : index
      %get3A_221 = tpu.vector_load %arg11[%get3A_219, %get3A_220] {strides = array<i32>} : memref<200x64xf32, #tpu.memory_space<vmem>>, vector<1x16xf32>,
      %get3A_222 = vector.shape_cast %get3A_221 : vector<1x16xf32> to vector<16xf32>
      %add3A_223 = arith.addf %get3A_218, %get3A_222 : vector<16xf32>
      %add3A_224 = arith.constant 48 : i32
      %add3A_225 = arith.addi %mul3A_163, %add3A_224 : i32
      %swap3A_226 = arith.index_cast %add3A_225 : i32 to index
      %swap3A_227 = tpu.vector_load %arg10[%swap3A_226] {strides = array<i32>} : memref<12800xf32, #tpu.memory_space<vmem>>, vector<16xf32>,
      %swap3A_228 = vector.shape_cast %swap3A_227 : vector<16xf32> to vector<16xf32>
      %swap3A_229 = vector.shape_cast %add3A_223 : vector<16xf32> to vector<16xf32>
      tpu.vector_store %arg10[%swap3A_226], %swap3A_229 {strides = array<i32>} : memref<12800xf32, #tpu.memory_space<vmem>>, vector<16xf32>,
      %scan3A_230 = arith.constant 1 : i32
      %scan3A_231 = arith.addi %scan3A_161, %scan3A_230 : i32
      %mul3A_232 = arith.constant 64 : i32
      %mul3A_233 = arith.muli %scan3A_231, %mul3A_232 : i32
      %get3A_234 = arith.constant 0 : i32
      %get3A_235 = arith.index_cast %get3A_234 : i32 to index
      %get3A_236 = arith.index_cast %scan3A_231 : i32 to index
      %get3A_237 = arith.constant 0 : index
      %get3A_238 = tpu.vector_load %arg8[%get3A_235, %get3A_236, %get3A_237] {strides = array<i32>} : memref<1x200x64xf32, #tpu.memory_space<vmem>>, vector<1x1x16xf32>,
      %get3A_239 = vector.shape_cast %get3A_238 : vector<1x1x16xf32> to vector<16xf32>
      %get3A_240 = arith.index_cast %scan3A_231 : i32 to index
      %get3A_241 = arith.constant 0 : index
      %get3A_242 = tpu.vector_load %arg11[%get3A_240, %get3A_241] {strides = array<i32>} : memref<200x64xf32, #tpu.memory_space<vmem>>, vector<1x16xf32>,
      %get3A_243 = vector.shape_cast %get3A_242 : vector<1x16xf32> to vector<16xf32>
      %add3A_244 = arith.addf %get3A_239, %get3A_243 : vector<16xf32>
      %add3A_245 = arith.constant 0 : i32
      %add3A_246 = arith.addi %mul3A_233, %add3A_245 : i32
      %swap3A_247 = arith.index_cast %add3A_246 : i32 to index
      %swap3A_248 = tpu.vector_load %arg10[%swap3A_247] {strides = array<i32>} : memref<12800xf32, #tpu.memory_space<vmem>>, vector<16xf32>,
      %swap3A_249 = vector.shape_cast %swap3A_248 : vector<16xf32> to vector<16xf32>
      %swap3A_250 = vector.shape_cast %add3A_244 : vector<16xf32> to vector<16xf32>
      tpu.vector_store %arg10[%swap3A_247], %swap3A_250 {strides = array<i32>} : memref<12800xf32, #tpu.memory_space<vmem>>, vector<16xf32>,
      %get3A_251 = arith.constant 0 : i32
      %get3A_252 = arith.index_cast %get3A_251 : i32 to index
      %get3A_253 = arith.index_cast %scan3A_231 : i32 to index
      %get3A_254 = arith.constant 16 : index
      %get3A_255 = tpu.vector_load %arg8[%get3A_252, %get3A_253, %get3A_254] {strides = array<i32>} : memref<1x200x64xf32, #tpu.memory_space<vmem>>, vector<1x1x16xf32>,
      %get3A_256 = vector.shape_cast %get3A_255 : vector<1x1x16xf32> to vector<16xf32>
      %get3A_257 = arith.index_cast %scan3A_231 : i32 to index
      %get3A_258 = arith.constant 16 : index
      %get3A_259 = tpu.vector_load %arg11[%get3A_257, %get3A_258] {strides = array<i32>} : memref<200x64xf32, #tpu.memory_space<vmem>>, vector<1x16xf32>,
      %get3A_260 = vector.shape_cast %get3A_259 : vector<1x16xf32> to vector<16xf32>
      %add3A_261 = arith.addf %get3A_256, %get3A_260 : vector<16xf32>
      %add3A_262 = arith.constant 16 : i32
      %add3A_263 = arith.addi %mul3A_233, %add3A_262 : i32
      %swap3A_264 = arith.index_cast %add3A_263 : i32 to index
      %swap3A_265 = tpu.vector_load %arg10[%swap3A_264] {strides = array<i32>} : memref<12800xf32, #tpu.memory_space<vmem>>, vector<16xf32>,
      %swap3A_266 = vector.shape_cast %swap3A_265 : vector<16xf32> to vector<16xf32>
      %swap3A_267 = vector.shape_cast %add3A_261 : vector<16xf32> to vector<16xf32>
      tpu.vector_store %arg10[%swap3A_264], %swap3A_267 {strides = array<i32>} : memref<12800xf32, #tpu.memory_space<vmem>>, vector<16xf32>,
      %get3A_268 = arith.constant 0 : i32
      %get3A_269 = arith.index_cast %get3A_268 : i32 to index
      %get3A_270 = arith.index_cast %scan3A_231 : i32 to index
      %get3A_271 = arith.constant 32 : index
      %get3A_272 = tpu.vector_load %arg8[%get3A_269, %get3A_270, %get3A_271] {strides = array<i32>} : memref<1x200x64xf32, #tpu.memory_space<vmem>>, vector<1x1x16xf32>,
      %get3A_273 = vector.shape_cast %get3A_272 : vector<1x1x16xf32> to vector<16xf32>
      %get3A_274 = arith.index_cast %scan3A_231 : i32 to index
      %get3A_275 = arith.constant 32 : index
      %get3A_276 = tpu.vector_load %arg11[%get3A_274, %get3A_275] {strides = array<i32>} : memref<200x64xf32, #tpu.memory_space<vmem>>, vector<1x16xf32>,
      %get3A_277 = vector.shape_cast %get3A_276 : vector<1x16xf32> to vector<16xf32>
      %add3A_278 = arith.addf %get3A_273, %get3A_277 : vector<16xf32>
      %add3A_279 = arith.constant 32 : i32
      %add3A_280 = arith.addi %mul3A_233, %add3A_279 : i32
      %swap3A_281 = arith.index_cast %add3A_280 : i32 to index
      %swap3A_282 = tpu.vector_load %arg10[%swap3A_281] {strides = array<i32>} : memref<12800xf32, #tpu.memory_space<vmem>>, vector<16xf32>,
      %swap3A_283 = vector.shape_cast %swap3A_282 : vector<16xf32> to vector<16xf32>
      %swap3A_284 = vector.shape_cast %add3A_278 : vector<16xf32> to vector<16xf32>
      tpu.vector_store %arg10[%swap3A_281], %swap3A_284 {strides = array<i32>} : memref<12800xf32, #tpu.memory_space<vmem>>, vector<16xf32>,
      %get3A_285 = arith.constant 0 : i32
      %get3A_286 = arith.index_cast %get3A_285 : i32 to index
      %get3A_287 = arith.index_cast %scan3A_231 : i32 to index
      %get3A_288 = arith.constant 48 : index
      %get3A_289 = tpu.vector_load %arg8[%get3A_286, %get3A_287, %get3A_288] {strides = array<i32>} : memref<1x200x64xf32, #tpu.memory_space<vmem>>, vector<1x1x16xf32>,
      %get3A_290 = vector.shape_cast %get3A_289 : vector<1x1x16xf32> to vector<16xf32>
      %get3A_291 = arith.index_cast %scan3A_231 : i32 to index
      %get3A_292 = arith.constant 48 : index
      %get3A_293 = tpu.vector_load %arg11[%get3A_291, %get3A_292] {strides = array<i32>} : memref<200x64xf32, #tpu.memory_space<vmem>>, vector<1x16xf32>,
      %get3A_294 = vector.shape_cast %get3A_293 : vector<1x16xf32> to vector<16xf32>
      %add3A_295 = arith.addf %get3A_290, %get3A_294 : vector<16xf32>
      %add3A_296 = arith.constant 48 : i32
      %add3A_297 = arith.addi %mul3A_233, %add3A_296 : i32
      %swap3A_298 = arith.index_cast %add3A_297 : i32 to index
      %swap3A_299 = tpu.vector_load %arg10[%swap3A_298] {strides = array<i32>} : memref<12800xf32, #tpu.memory_space<vmem>>, vector<16xf32>,
      %swap3A_300 = vector.shape_cast %swap3A_299 : vector<16xf32> to vector<16xf32>
      %swap3A_301 = vector.shape_cast %add3A_295 : vector<16xf32> to vector<16xf32>
      tpu.vector_store %arg10[%swap3A_298], %swap3A_301 {strides = array<i32>} : memref<12800xf32, #tpu.memory_space<vmem>>, vector<16xf32>,
      %scan3A_302 = arith.constant 2 : i32
      %scan3A_303 = arith.addi %scan3A_161, %scan3A_302 : i32
      %mul3A_304 = arith.constant 64 : i32
      %mul3A_305 = arith.muli %scan3A_303, %mul3A_304 : i32
      %get3A_306 = arith.constant 0 : i32
      %get3A_307 = arith.index_cast %get3A_306 : i32 to index
      %get3A_308 = arith.index_cast %scan3A_303 : i32 to index
      %get3A_309 = arith.constant 0 : index
      %get3A_310 = tpu.vector_load %arg8[%get3A_307, %get3A_308, %get3A_309] {strides = array<i32>} : memref<1x200x64xf32, #tpu.memory_space<vmem>>, vector<1x1x16xf32>,
      %get3A_311 = vector.shape_cast %get3A_310 : vector<1x1x16xf32> to vector<16xf32>
      %get3A_312 = arith.index_cast %scan3A_303 : i32 to index
      %get3A_313 = arith.constant 0 : index
      %get3A_314 = tpu.vector_load %arg11[%get3A_312, %get3A_313] {strides = array<i32>} : memref<200x64xf32, #tpu.memory_space<vmem>>, vector<1x16xf32>,
      %get3A_315 = vector.shape_cast %get3A_314 : vector<1x16xf32> to vector<16xf32>
      %add3A_316 = arith.addf %get3A_311, %get3A_315 : vector<16xf32>
      %add3A_317 = arith.constant 0 : i32
      %add3A_318 = arith.addi %mul3A_305, %add3A_317 : i32
      %swap3A_319 = arith.index_cast %add3A_318 : i32 to index
      %swap3A_320 = tpu.vector_load %arg10[%swap3A_319] {strides = array<i32>} : memref<12800xf32, #tpu.memory_space<vmem>>, vector<16xf32>,
      %swap3A_321 = vector.shape_cast %swap3A_320 : vector<16xf32> to vector<16xf32>
      %swap3A_322 = vector.shape_cast %add3A_316 : vector<16xf32> to vector<16xf32>
      tpu.vector_store %arg10[%swap3A_319], %swap3A_322 {strides = array<i32>} : memref<12800xf32, #tpu.memory_space<vmem>>, vector<16xf32>,
      %get3A_323 = arith.constant 0 : i32
      %get3A_324 = arith.index_cast %get3A_323 : i32 to index
      %get3A_325 = arith.index_cast %scan3A_303 : i32 to index
      %get3A_326 = arith.constant 16 : index
      %get3A_327 = tpu.vector_load %arg8[%get3A_324, %get3A_325, %get3A_326] {strides = array<i32>} : memref<1x200x64xf32, #tpu.memory_space<vmem>>, vector<1x1x16xf32>,
      %get3A_328 = vector.shape_cast %get3A_327 : vector<1x1x16xf32> to vector<16xf32>
      %get3A_329 = arith.index_cast %scan3A_303 : i32 to index
      %get3A_330 = arith.constant 16 : index
      %get3A_331 = tpu.vector_load %arg11[%get3A_329, %get3A_330] {strides = array<i32>} : memref<200x64xf32, #tpu.memory_space<vmem>>, vector<1x16xf32>,
      %get3A_332 = vector.shape_cast %get3A_331 : vector<1x16xf32> to vector<16xf32>
      %add3A_333 = arith.addf %get3A_328, %get3A_332 : vector<16xf32>
      %add3A_334 = arith.constant 16 : i32
      %add3A_335 = arith.addi %mul3A_305, %add3A_334 : i32
      %swap3A_336 = arith.index_cast %add3A_335 : i32 to index
      %swap3A_337 = tpu.vector_load %arg10[%swap3A_336] {strides = array<i32>} : memref<12800xf32, #tpu.memory_space<vmem>>, vector<16xf32>,
      %swap3A_338 = vector.shape_cast %swap3A_337 : vector<16xf32> to vector<16xf32>
      %swap3A_339 = vector.shape_cast %add3A_333 : vector<16xf32> to vector<16xf32>
      tpu.vector_store %arg10[%swap3A_336], %swap3A_339 {strides = array<i32>} : memref<12800xf32, #tpu.memory_space<vmem>>, vector<16xf32>,
      %get3A_340 = arith.constant 0 : i32
      %get3A_341 = arith.index_cast %get3A_340 : i32 to index
      %get3A_342 = arith.index_cast %scan3A_303 : i32 to index
      %get3A_343 = arith.constant 32 : index
      %get3A_344 = tpu.vector_load %arg8[%get3A_341, %get3A_342, %get3A_343] {strides = array<i32>} : memref<1x200x64xf32, #tpu.memory_space<vmem>>, vector<1x1x16xf32>,
      %get3A_345 = vector.shape_cast %get3A_344 : vector<1x1x16xf32> to vector<16xf32>
      %get3A_346 = arith.index_cast %scan3A_303 : i32 to index
      %get3A_347 = arith.constant 32 : index
      %get3A_348 = tpu.vector_load %arg11[%get3A_346, %get3A_347] {strides = array<i32>} : memref<200x64xf32, #tpu.memory_space<vmem>>, vector<1x16xf32>,
      %get3A_349 = vector.shape_cast %get3A_348 : vector<1x16xf32> to vector<16xf32>
      %add3A_350 = arith.addf %get3A_345, %get3A_349 : vector<16xf32>
      %add3A_351 = arith.constant 32 : i32
      %add3A_352 = arith.addi %mul3A_305, %add3A_351 : i32
      %swap3A_353 = arith.index_cast %add3A_352 : i32 to index
      %swap3A_354 = tpu.vector_load %arg10[%swap3A_353] {strides = array<i32>} : memref<12800xf32, #tpu.memory_space<vmem>>, vector<16xf32>,
      %swap3A_355 = vector.shape_cast %swap3A_354 : vector<16xf32> to vector<16xf32>
      %swap3A_356 = vector.shape_cast %add3A_350 : vector<16xf32> to vector<16xf32>
      tpu.vector_store %arg10[%swap3A_353], %swap3A_356 {strides = array<i32>} : memref<12800xf32, #tpu.memory_space<vmem>>, vector<16xf32>,
      %get3A_357 = arith.constant 0 : i32
      %get3A_358 = arith.index_cast %get3A_357 : i32 to index
      %get3A_359 = arith.index_cast %scan3A_303 : i32 to index
      %get3A_360 = arith.constant 48 : index
      %get3A_361 = tpu.vector_load %arg8[%get3A_358, %get3A_359, %get3A_360] {strides = array<i32>} : memref<1x200x64xf32, #tpu.memory_space<vmem>>, vector<1x1x16xf32>,
      %get3A_362 = vector.shape_cast %get3A_361 : vector<1x1x16xf32> to vector<16xf32>
      %get3A_363 = arith.index_cast %scan3A_303 : i32 to index
      %get3A_364 = arith.constant 48 : index
      %get3A_365 = tpu.vector_load %arg11[%get3A_363, %get3A_364] {strides = array<i32>} : memref<200x64xf32, #tpu.memory_space<vmem>>, vector<1x16xf32>,
      %get3A_366 = vector.shape_cast %get3A_365 : vector<1x16xf32> to vector<16xf32>
      %add3A_367 = arith.addf %get3A_362, %get3A_366 : vector<16xf32>
      %add3A_368 = arith.constant 48 : i32
      %add3A_369 = arith.addi %mul3A_305, %add3A_368 : i32
      %swap3A_370 = arith.index_cast %add3A_369 : i32 to index
      %swap3A_371 = tpu.vector_load %arg10[%swap3A_370] {strides = array<i32>} : memref<12800xf32, #tpu.memory_space<vmem>>, vector<16xf32>,
      %swap3A_372 = vector.shape_cast %swap3A_371 : vector<16xf32> to vector<16xf32>
      %swap3A_373 = vector.shape_cast %add3A_367 : vector<16xf32> to vector<16xf32>
      tpu.vector_store %arg10[%swap3A_370], %swap3A_373 {strides = array<i32>} : memref<12800xf32, #tpu.memory_space<vmem>>, vector<16xf32>,
      %scan3A_374 = arith.constant 3 : i32
      %scan3A_375 = arith.addi %scan3A_161, %scan3A_374 : i32
      %mul3A_376 = arith.constant 64 : i32
      %mul3A_377 = arith.muli %scan3A_375, %mul3A_376 : i32
      %get3A_378 = arith.constant 0 : i32
      %get3A_379 = arith.index_cast %get3A_378 : i32 to index
      %get3A_380 = arith.index_cast %scan3A_375 : i32 to index
      %get3A_381 = arith.constant 0 : index
      %get3A_382 = tpu.vector_load %arg8[%get3A_379, %get3A_380, %get3A_381] {strides = array<i32>} : memref<1x200x64xf32, #tpu.memory_space<vmem>>, vector<1x1x16xf32>,
      %get3A_383 = vector.shape_cast %get3A_382 : vector<1x1x16xf32> to vector<16xf32>
      %get3A_384 = arith.index_cast %scan3A_375 : i32 to index
      %get3A_385 = arith.constant 0 : index
      %get3A_386 = tpu.vector_load %arg11[%get3A_384, %get3A_385] {strides = array<i32>} : memref<200x64xf32, #tpu.memory_space<vmem>>, vector<1x16xf32>,
      %get3A_387 = vector.shape_cast %get3A_386 : vector<1x16xf32> to vector<16xf32>
      %add3A_388 = arith.addf %get3A_383, %get3A_387 : vector<16xf32>
      %add3A_389 = arith.constant 0 : i32
      %add3A_390 = arith.addi %mul3A_377, %add3A_389 : i32
      %swap3A_391 = arith.index_cast %add3A_390 : i32 to index
      %swap3A_392 = tpu.vector_load %arg10[%swap3A_391] {strides = array<i32>} : memref<12800xf32, #tpu.memory_space<vmem>>, vector<16xf32>,
      %swap3A_393 = vector.shape_cast %swap3A_392 : vector<16xf32> to vector<16xf32>
      %swap3A_394 = vector.shape_cast %add3A_388 : vector<16xf32> to vector<16xf32>
      tpu.vector_store %arg10[%swap3A_391], %swap3A_394 {strides = array<i32>} : memref<12800xf32, #tpu.memory_space<vmem>>, vector<16xf32>,
      %get3A_395 = arith.constant 0 : i32
      %get3A_396 = arith.index_cast %get3A_395 : i32 to index
      %get3A_397 = arith.index_cast %scan3A_375 : i32 to index
      %get3A_398 = arith.constant 16 : index
      %get3A_399 = tpu.vector_load %arg8[%get3A_396, %get3A_397, %get3A_398] {strides = array<i32>} : memref<1x200x64xf32, #tpu.memory_space<vmem>>, vector<1x1x16xf32>,
      %get3A_400 = vector.shape_cast %get3A_399 : vector<1x1x16xf32> to vector<16xf32>
      %get3A_401 = arith.index_cast %scan3A_375 : i32 to index
      %get3A_402 = arith.constant 16 : index
      %get3A_403 = tpu.vector_load %arg11[%get3A_401, %get3A_402] {strides = array<i32>} : memref<200x64xf32, #tpu.memory_space<vmem>>, vector<1x16xf32>,
      %get3A_404 = vector.shape_cast %get3A_403 : vector<1x16xf32> to vector<16xf32>
      %add3A_405 = arith.addf %get3A_400, %get3A_404 : vector<16xf32>
      %add3A_406 = arith.constant 16 : i32
      %add3A_407 = arith.addi %mul3A_377, %add3A_406 : i32
      %swap3A_408 = arith.index_cast %add3A_407 : i32 to index
      %swap3A_409 = tpu.vector_load %arg10[%swap3A_408] {strides = array<i32>} : memref<12800xf32, #tpu.memory_space<vmem>>, vector<16xf32>,
      %swap3A_410 = vector.shape_cast %swap3A_409 : vector<16xf32> to vector<16xf32>
      %swap3A_411 = vector.shape_cast %add3A_405 : vector<16xf32> to vector<16xf32>
      tpu.vector_store %arg10[%swap3A_408], %swap3A_411 {strides = array<i32>} : memref<12800xf32, #tpu.memory_space<vmem>>, vector<16xf32>,
      %get3A_412 = arith.constant 0 : i32
      %get3A_413 = arith.index_cast %get3A_412 : i32 to index
      %get3A_414 = arith.index_cast %scan3A_375 : i32 to index
      %get3A_415 = arith.constant 32 : index
      %get3A_416 = tpu.vector_load %arg8[%get3A_413, %get3A_414, %get3A_415] {strides = array<i32>} : memref<1x200x64xf32, #tpu.memory_space<vmem>>, vector<1x1x16xf32>,
      %get3A_417 = vector.shape_cast %get3A_416 : vector<1x1x16xf32> to vector<16xf32>
      %get3A_418 = arith.index_cast %scan3A_375 : i32 to index
      %get3A_419 = arith.constant 32 : index
      %get3A_420 = tpu.vector_load %arg11[%get3A_418, %get3A_419] {strides = array<i32>} : memref<200x64xf32, #tpu.memory_space<vmem>>, vector<1x16xf32>,
      %get3A_421 = vector.shape_cast %get3A_420 : vector<1x16xf32> to vector<16xf32>
      %add3A_422 = arith.addf %get3A_417, %get3A_421 : vector<16xf32>
      %add3A_423 = arith.constant 32 : i32
      %add3A_424 = arith.addi %mul3A_377, %add3A_423 : i32
      %swap3A_425 = arith.index_cast %add3A_424 : i32 to index
      %swap3A_426 = tpu.vector_load %arg10[%swap3A_425] {strides = array<i32>} : memref<12800xf32, #tpu.memory_space<vmem>>, vector<16xf32>,
      %swap3A_427 = vector.shape_cast %swap3A_426 : vector<16xf32> to vector<16xf32>
      %swap3A_428 = vector.shape_cast %add3A_422 : vector<16xf32> to vector<16xf32>
      tpu.vector_store %arg10[%swap3A_425], %swap3A_428 {strides = array<i32>} : memref<12800xf32, #tpu.memory_space<vmem>>, vector<16xf32>,
      %get3A_429 = arith.constant 0 : i32
      %get3A_430 = arith.index_cast %get3A_429 : i32 to index
      %get3A_431 = arith.index_cast %scan3A_375 : i32 to index
      %get3A_432 = arith.constant 48 : index
      %get3A_433 = tpu.vector_load %arg8[%get3A_430, %get3A_431, %get3A_432] {strides = array<i32>} : memref<1x200x64xf32, #tpu.memory_space<vmem>>, vector<1x1x16xf32>,
      %get3A_434 = vector.shape_cast %get3A_433 : vector<1x1x16xf32> to vector<16xf32>
      %get3A_435 = arith.index_cast %scan3A_375 : i32 to index
      %get3A_436 = arith.constant 48 : index
      %get3A_437 = tpu.vector_load %arg11[%get3A_435, %get3A_436] {strides = array<i32>} : memref<200x64xf32, #tpu.memory_space<vmem>>, vector<1x16xf32>,
      %get3A_438 = vector.shape_cast %get3A_437 : vector<1x16xf32> to vector<16xf32>
      %add3A_439 = arith.addf %get3A_434, %get3A_438 : vector<16xf32>
      %add3A_440 = arith.constant 48 : i32
      %add3A_441 = arith.addi %mul3A_377, %add3A_440 : i32
      %swap3A_442 = arith.index_cast %add3A_441 : i32 to index
      %swap3A_443 = tpu.vector_load %arg10[%swap3A_442] {strides = array<i32>} : memref<12800xf32, #tpu.memory_space<vmem>>, vector<16xf32>,
      %swap3A_444 = vector.shape_cast %swap3A_443 : vector<16xf32> to vector<16xf32>
      %swap3A_445 = vector.shape_cast %add3A_439 : vector<16xf32> to vector<16xf32>
      tpu.vector_store %arg10[%swap3A_442], %swap3A_445 {strides = array<i32>} : memref<12800xf32, #tpu.memory_space<vmem>>, vector<16xf32>,
      %scan3A_446 = arith.constant 4 : i32
      %scan3A_447 = arith.addi %scan3A_161, %scan3A_446 : i32
      %mul3A_448 = arith.constant 64 : i32
      %mul3A_449 = arith.muli %scan3A_447, %mul3A_448 : i32
      %get3A_450 = arith.constant 0 : i32
      %get3A_451 = arith.index_cast %get3A_450 : i32 to index
      %get3A_452 = arith.index_cast %scan3A_447 : i32 to index
      %get3A_453 = arith.constant 0 : index
      %get3A_454 = tpu.vector_load %arg8[%get3A_451, %get3A_452, %get3A_453] {strides = array<i32>} : memref<1x200x64xf32, #tpu.memory_space<vmem>>, vector<1x1x16xf32>,
      %get3A_455 = vector.shape_cast %get3A_454 : vector<1x1x16xf32> to vector<16xf32>
      %get3A_456 = arith.index_cast %scan3A_447 : i32 to index
      %get3A_457 = arith.constant 0 : index
      %get3A_458 = tpu.vector_load %arg11[%get3A_456, %get3A_457] {strides = array<i32>} : memref<200x64xf32, #tpu.memory_space<vmem>>, vector<1x16xf32>,
      %get3A_459 = vector.shape_cast %get3A_458 : vector<1x16xf32> to vector<16xf32>
      %add3A_460 = arith.addf %get3A_455, %get3A_459 : vector<16xf32>
      %add3A_461 = arith.constant 0 : i32
      %add3A_462 = arith.addi %mul3A_449, %add3A_461 : i32
      %swap3A_463 = arith.index_cast %add3A_462 : i32 to index
      %swap3A_464 = tpu.vector_load %arg10[%swap3A_463] {strides = array<i32>} : memref<12800xf32, #tpu.memory_space<vmem>>, vector<16xf32>,
      %swap3A_465 = vector.shape_cast %swap3A_464 : vector<16xf32> to vector<16xf32>
      %swap3A_466 = vector.shape_cast %add3A_460 : vector<16xf32> to vector<16xf32>
      tpu.vector_store %arg10[%swap3A_463], %swap3A_466 {strides = array<i32>} : memref<12800xf32, #tpu.memory_space<vmem>>, vector<16xf32>,
      %get3A_467 = arith.constant 0 : i32
      %get3A_468 = arith.index_cast %get3A_467 : i32 to index
      %get3A_469 = arith.index_cast %scan3A_447 : i32 to index
      %get3A_470 = arith.constant 16 : index
      %get3A_471 = tpu.vector_load %arg8[%get3A_468, %get3A_469, %get3A_470] {strides = array<i32>} : memref<1x200x64xf32, #tpu.memory_space<vmem>>, vector<1x1x16xf32>,
      %get3A_472 = vector.shape_cast %get3A_471 : vector<1x1x16xf32> to vector<16xf32>
      %get3A_473 = arith.index_cast %scan3A_447 : i32 to index
      %get3A_474 = arith.constant 16 : index
      %get3A_475 = tpu.vector_load %arg11[%get3A_473, %get3A_474] {strides = array<i32>} : memref<200x64xf32, #tpu.memory_space<vmem>>, vector<1x16xf32>,
      %get3A_476 = vector.shape_cast %get3A_475 : vector<1x16xf32> to vector<16xf32>
      %add3A_477 = arith.addf %get3A_472, %get3A_476 : vector<16xf32>
      %add3A_478 = arith.constant 16 : i32
      %add3A_479 = arith.addi %mul3A_449, %add3A_478 : i32
      %swap3A_480 = arith.index_cast %add3A_479 : i32 to index
      %swap3A_481 = tpu.vector_load %arg10[%swap3A_480] {strides = array<i32>} : memref<12800xf32, #tpu.memory_space<vmem>>, vector<16xf32>,
      %swap3A_482 = vector.shape_cast %swap3A_481 : vector<16xf32> to vector<16xf32>
      %swap3A_483 = vector.shape_cast %add3A_477 : vector<16xf32> to vector<16xf32>
      tpu.vector_store %arg10[%swap3A_480], %swap3A_483 {strides = array<i32>} : memref<12800xf32, #tpu.memory_space<vmem>>, vector<16xf32>,
      %get3A_484 = arith.constant 0 : i32
      %get3A_485 = arith.index_cast %get3A_484 : i32 to index
      %get3A_486 = arith.index_cast %scan3A_447 : i32 to index
      %get3A_487 = arith.constant 32 : index
      %get3A_488 = tpu.vector_load %arg8[%get3A_485, %get3A_486, %get3A_487] {strides = array<i32>} : memref<1x200x64xf32, #tpu.memory_space<vmem>>, vector<1x1x16xf32>,
      %get3A_489 = vector.shape_cast %get3A_488 : vector<1x1x16xf32> to vector<16xf32>
      %get3A_490 = arith.index_cast %scan3A_447 : i32 to index
      %get3A_491 = arith.constant 32 : index
      %get3A_492 = tpu.vector_load %arg11[%get3A_490, %get3A_491] {strides = array<i32>} : memref<200x64xf32, #tpu.memory_space<vmem>>, vector<1x16xf32>,
      %get3A_493 = vector.shape_cast %get3A_492 : vector<1x16xf32> to vector<16xf32>
      %add3A_494 = arith.addf %get3A_489, %get3A_493 : vector<16xf32>
      %add3A_495 = arith.constant 32 : i32
      %add3A_496 = arith.addi %mul3A_449, %add3A_495 : i32
      %swap3A_497 = arith.index_cast %add3A_496 : i32 to index
      %swap3A_498 = tpu.vector_load %arg10[%swap3A_497] {strides = array<i32>} : memref<12800xf32, #tpu.memory_space<vmem>>, vector<16xf32>,
      %swap3A_499 = vector.shape_cast %swap3A_498 : vector<16xf32> to vector<16xf32>
      %swap3A_500 = vector.shape_cast %add3A_494 : vector<16xf32> to vector<16xf32>
      tpu.vector_store %arg10[%swap3A_497], %swap3A_500 {strides = array<i32>} : memref<12800xf32, #tpu.memory_space<vmem>>, vector<16xf32>,
      %get3A_501 = arith.constant 0 : i32
      %get3A_502 = arith.index_cast %get3A_501 : i32 to index
      %get3A_503 = arith.index_cast %scan3A_447 : i32 to index
      %get3A_504 = arith.constant 48 : index
      %get3A_505 = tpu.vector_load %arg8[%get3A_502, %get3A_503, %get3A_504] {strides = array<i32>} : memref<1x200x64xf32, #tpu.memory_space<vmem>>, vector<1x1x16xf32>,
      %get3A_506 = vector.shape_cast %get3A_505 : vector<1x1x16xf32> to vector<16xf32>
      %get3A_507 = arith.index_cast %scan3A_447 : i32 to index
      %get3A_508 = arith.constant 48 : index
      %get3A_509 = tpu.vector_load %arg11[%get3A_507, %get3A_508] {strides = array<i32>} : memref<200x64xf32, #tpu.memory_space<vmem>>, vector<1x16xf32>,
      %get3A_510 = vector.shape_cast %get3A_509 : vector<1x16xf32> to vector<16xf32>
      %add3A_511 = arith.addf %get3A_506, %get3A_510 : vector<16xf32>
      %add3A_512 = arith.constant 48 : i32
      %add3A_513 = arith.addi %mul3A_449, %add3A_512 : i32
      %swap3A_514 = arith.index_cast %add3A_513 : i32 to index
      %swap3A_515 = tpu.vector_load %arg10[%swap3A_514] {strides = array<i32>} : memref<12800xf32, #tpu.memory_space<vmem>>, vector<16xf32>,
      %swap3A_516 = vector.shape_cast %swap3A_515 : vector<16xf32> to vector<16xf32>
      %swap3A_517 = vector.shape_cast %add3A_511 : vector<16xf32> to vector<16xf32>
      tpu.vector_store %arg10[%swap3A_514], %swap3A_517 {strides = array<i32>} : memref<12800xf32, #tpu.memory_space<vmem>>, vector<16xf32>,
      %scan3A_518 = arith.constant 5 : i32
      %scan3A_519 = arith.addi %scan3A_161, %scan3A_518 : i32
      %mul3A_520 = arith.constant 64 : i32
      %mul3A_521 = arith.muli %scan3A_519, %mul3A_520 : i32
      %get3A_522 = arith.constant 0 : i32
      %get3A_523 = arith.index_cast %get3A_522 : i32 to index
      %get3A_524 = arith.index_cast %scan3A_519 : i32 to index
      %get3A_525 = arith.constant 0 : index
      %get3A_526 = tpu.vector_load %arg8[%get3A_523, %get3A_524, %get3A_525] {strides = array<i32>} : memref<1x200x64xf32, #tpu.memory_space<vmem>>, vector<1x1x16xf32>,
      %get3A_527 = vector.shape_cast %get3A_526 : vector<1x1x16xf32> to vector<16xf32>
      %get3A_528 = arith.index_cast %scan3A_519 : i32 to index
      %get3A_529 = arith.constant 0 : index
      %get3A_530 = tpu.vector_load %arg11[%get3A_528, %get3A_529] {strides = array<i32>} : memref<200x64xf32, #tpu.memory_space<vmem>>, vector<1x16xf32>,
      %get3A_531 = vector.shape_cast %get3A_530 : vector<1x16xf32> to vector<16xf32>
      %add3A_532 = arith.addf %get3A_527, %get3A_531 : vector<16xf32>
      %add3A_533 = arith.constant 0 : i32
      %add3A_534 = arith.addi %mul3A_521, %add3A_533 : i32
      %swap3A_535 = arith.index_cast %add3A_534 : i32 to index
      %swap3A_536 = tpu.vector_load %arg10[%swap3A_535] {strides = array<i32>} : memref<12800xf32, #tpu.memory_space<vmem>>, vector<16xf32>,
      %swap3A_537 = vector.shape_cast %swap3A_536 : vector<16xf32> to vector<16xf32>
      %swap3A_538 = vector.shape_cast %add3A_532 : vector<16xf32> to vector<16xf32>
      tpu.vector_store %arg10[%swap3A_535], %swap3A_538 {strides = array<i32>} : memref<12800xf32, #tpu.memory_space<vmem>>, vector<16xf32>,
      %get3A_539 = arith.constant 0 : i32
      %get3A_540 = arith.index_cast %get3A_539 : i32 to index
      %get3A_541 = arith.index_cast %scan3A_519 : i32 to index
      %get3A_542 = arith.constant 16 : index
      %get3A_543 = tpu.vector_load %arg8[%get3A_540, %get3A_541, %get3A_542] {strides = array<i32>} : memref<1x200x64xf32, #tpu.memory_space<vmem>>, vector<1x1x16xf32>,
      %get3A_544 = vector.shape_cast %get3A_543 : vector<1x1x16xf32> to vector<16xf32>
      %get3A_545 = arith.index_cast %scan3A_519 : i32 to index
      %get3A_546 = arith.constant 16 : index
      %get3A_547 = tpu.vector_load %arg11[%get3A_545, %get3A_546] {strides = array<i32>} : memref<200x64xf32, #tpu.memory_space<vmem>>, vector<1x16xf32>,
      %get3A_548 = vector.shape_cast %get3A_547 : vector<1x16xf32> to vector<16xf32>
      %add3A_549 = arith.addf %get3A_544, %get3A_548 : vector<16xf32>
      %add3A_550 = arith.constant 16 : i32
      %add3A_551 = arith.addi %mul3A_521, %add3A_550 : i32
      %swap3A_552 = arith.index_cast %add3A_551 : i32 to index
      %swap3A_553 = tpu.vector_load %arg10[%swap3A_552] {strides = array<i32>} : memref<12800xf32, #tpu.memory_space<vmem>>, vector<16xf32>,
      %swap3A_554 = vector.shape_cast %swap3A_553 : vector<16xf32> to vector<16xf32>
      %swap3A_555 = vector.shape_cast %add3A_549 : vector<16xf32> to vector<16xf32>
      tpu.vector_store %arg10[%swap3A_552], %swap3A_555 {strides = array<i32>} : memref<12800xf32, #tpu.memory_space<vmem>>, vector<16xf32>,
      %get3A_556 = arith.constant 0 : i32
      %get3A_557 = arith.index_cast %get3A_556 : i32 to index
      %get3A_558 = arith.index_cast %scan3A_519 : i32 to index
      %get3A_559 = arith.constant 32 : index
      %get3A_560 = tpu.vector_load %arg8[%get3A_557, %get3A_558, %get3A_559] {strides = array<i32>} : memref<1x200x64xf32, #tpu.memory_space<vmem>>, vector<1x1x16xf32>,
      %get3A_561 = vector.shape_cast %get3A_560 : vector<1x1x16xf32> to vector<16xf32>
      %get3A_562 = arith.index_cast %scan3A_519 : i32 to index
      %get3A_563 = arith.constant 32 : index
      %get3A_564 = tpu.vector_load %arg11[%get3A_562, %get3A_563] {strides = array<i32>} : memref<200x64xf32, #tpu.memory_space<vmem>>, vector<1x16xf32>,
      %get3A_565 = vector.shape_cast %get3A_564 : vector<1x16xf32> to vector<16xf32>
      %add3A_566 = arith.addf %get3A_561, %get3A_565 : vector<16xf32>
      %add3A_567 = arith.constant 32 : i32
      %add3A_568 = arith.addi %mul3A_521, %add3A_567 : i32
      %swap3A_569 = arith.index_cast %add3A_568 : i32 to index
      %swap3A_570 = tpu.vector_load %arg10[%swap3A_569] {strides = array<i32>} : memref<12800xf32, #tpu.memory_space<vmem>>, vector<16xf32>,
      %swap3A_571 = vector.shape_cast %swap3A_570 : vector<16xf32> to vector<16xf32>
      %swap3A_572 = vector.shape_cast %add3A_566 : vector<16xf32> to vector<16xf32>
      tpu.vector_store %arg10[%swap3A_569], %swap3A_572 {strides = array<i32>} : memref<12800xf32, #tpu.memory_space<vmem>>, vector<16xf32>,
      %get3A_573 = arith.constant 0 : i32
      %get3A_574 = arith.index_cast %get3A_573 : i32 to index
      %get3A_575 = arith.index_cast %scan3A_519 : i32 to index
      %get3A_576 = arith.constant 48 : index
      %get3A_577 = tpu.vector_load %arg8[%get3A_574, %get3A_575, %get3A_576] {strides = array<i32>} : memref<1x200x64xf32, #tpu.memory_space<vmem>>, vector<1x1x16xf32>,
      %get3A_578 = vector.shape_cast %get3A_577 : vector<1x1x16xf32> to vector<16xf32>
      %get3A_579 = arith.index_cast %scan3A_519 : i32 to index
      %get3A_580 = arith.constant 48 : index
      %get3A_581 = tpu.vector_load %arg11[%get3A_579, %get3A_580] {strides = array<i32>} : memref<200x64xf32, #tpu.memory_space<vmem>>, vector<1x16xf32>,
      %get3A_582 = vector.shape_cast %get3A_581 : vector<1x16xf32> to vector<16xf32>
      %add3A_583 = arith.addf %get3A_578, %get3A_582 : vector<16xf32>
      %add3A_584 = arith.constant 48 : i32
      %add3A_585 = arith.addi %mul3A_521, %add3A_584 : i32
      %swap3A_586 = arith.index_cast %add3A_585 : i32 to index
      %swap3A_587 = tpu.vector_load %arg10[%swap3A_586] {strides = array<i32>} : memref<12800xf32, #tpu.memory_space<vmem>>, vector<16xf32>,
      %swap3A_588 = vector.shape_cast %swap3A_587 : vector<16xf32> to vector<16xf32>
      %swap3A_589 = vector.shape_cast %add3A_583 : vector<16xf32> to vector<16xf32>
      tpu.vector_store %arg10[%swap3A_586], %swap3A_589 {strides = array<i32>} : memref<12800xf32, #tpu.memory_space<vmem>>, vector<16xf32>,
      %scan3A_590 = arith.constant 6 : i32
      %scan3A_591 = arith.addi %scan3A_161, %scan3A_590 : i32
      %mul3A_592 = arith.constant 64 : i32
      %mul3A_593 = arith.muli %scan3A_591, %mul3A_592 : i32
      %get3A_594 = arith.constant 0 : i32
      %get3A_595 = arith.index_cast %get3A_594 : i32 to index
      %get3A_596 = arith.index_cast %scan3A_591 : i32 to index
      %get3A_597 = arith.constant 0 : index
      %get3A_598 = tpu.vector_load %arg8[%get3A_595, %get3A_596, %get3A_597] {strides = array<i32>} : memref<1x200x64xf32, #tpu.memory_space<vmem>>, vector<1x1x16xf32>,
      %get3A_599 = vector.shape_cast %get3A_598 : vector<1x1x16xf32> to vector<16xf32>
      %get3A_600 = arith.index_cast %scan3A_591 : i32 to index
      %get3A_601 = arith.constant 0 : index
      %get3A_602 = tpu.vector_load %arg11[%get3A_600, %get3A_601] {strides = array<i32>} : memref<200x64xf32, #tpu.memory_space<vmem>>, vector<1x16xf32>,
      %get3A_603 = vector.shape_cast %get3A_602 : vector<1x16xf32> to vector<16xf32>
      %add3A_604 = arith.addf %get3A_599, %get3A_603 : vector<16xf32>
      %add3A_605 = arith.constant 0 : i32
      %add3A_606 = arith.addi %mul3A_593, %add3A_605 : i32
      %swap3A_607 = arith.index_cast %add3A_606 : i32 to index
      %swap3A_608 = tpu.vector_load %arg10[%swap3A_607] {strides = array<i32>} : memref<12800xf32, #tpu.memory_space<vmem>>, vector<16xf32>,
      %swap3A_609 = vector.shape_cast %swap3A_608 : vector<16xf32> to vector<16xf32>
      %swap3A_610 = vector.shape_cast %add3A_604 : vector<16xf32> to vector<16xf32>
      tpu.vector_store %arg10[%swap3A_607], %swap3A_610 {strides = array<i32>} : memref<12800xf32, #tpu.memory_space<vmem>>, vector<16xf32>,
      %get3A_611 = arith.constant 0 : i32
      %get3A_612 = arith.index_cast %get3A_611 : i32 to index
      %get3A_613 = arith.index_cast %scan3A_591 : i32 to index
      %get3A_614 = arith.constant 16 : index
      %get3A_615 = tpu.vector_load %arg8[%get3A_612, %get3A_613, %get3A_614] {strides = array<i32>} : memref<1x200x64xf32, #tpu.memory_space<vmem>>, vector<1x1x16xf32>,
      %get3A_616 = vector.shape_cast %get3A_615 : vector<1x1x16xf32> to vector<16xf32>
      %get3A_617 = arith.index_cast %scan3A_591 : i32 to index
      %get3A_618 = arith.constant 16 : index
      %get3A_619 = tpu.vector_load %arg11[%get3A_617, %get3A_618] {strides = array<i32>} : memref<200x64xf32, #tpu.memory_space<vmem>>, vector<1x16xf32>,
      %get3A_620 = vector.shape_cast %get3A_619 : vector<1x16xf32> to vector<16xf32>
      %add3A_621 = arith.addf %get3A_616, %get3A_620 : vector<16xf32>
      %add3A_622 = arith.constant 16 : i32
      %add3A_623 = arith.addi %mul3A_593, %add3A_622 : i32
      %swap3A_624 = arith.index_cast %add3A_623 : i32 to index
      %swap3A_625 = tpu.vector_load %arg10[%swap3A_624] {strides = array<i32>} : memref<12800xf32, #tpu.memory_space<vmem>>, vector<16xf32>,
      %swap3A_626 = vector.shape_cast %swap3A_625 : vector<16xf32> to vector<16xf32>
      %swap3A_627 = vector.shape_cast %add3A_621 : vector<16xf32> to vector<16xf32>
      tpu.vector_store %arg10[%swap3A_624], %swap3A_627 {strides = array<i32>} : memref<12800xf32, #tpu.memory_space<vmem>>, vector<16xf32>,
      %get3A_628 = arith.constant 0 : i32
      %get3A_629 = arith.index_cast %get3A_628 : i32 to index
      %get3A_630 = arith.index_cast %scan3A_591 : i32 to index
      %get3A_631 = arith.constant 32 : index
      %get3A_632 = tpu.vector_load %arg8[%get3A_629, %get3A_630, %get3A_631] {strides = array<i32>} : memref<1x200x64xf32, #tpu.memory_space<vmem>>, vector<1x1x16xf32>,
      %get3A_633 = vector.shape_cast %get3A_632 : vector<1x1x16xf32> to vector<16xf32>
      %get3A_634 = arith.index_cast %scan3A_591 : i32 to index
      %get3A_635 = arith.constant 32 : index
      %get3A_636 = tpu.vector_load %arg11[%get3A_634, %get3A_635] {strides = array<i32>} : memref<200x64xf32, #tpu.memory_space<vmem>>, vector<1x16xf32>,
      %get3A_637 = vector.shape_cast %get3A_636 : vector<1x16xf32> to vector<16xf32>
      %add3A_638 = arith.addf %get3A_633, %get3A_637 : vector<16xf32>
      %add3A_639 = arith.constant 32 : i32
      %add3A_640 = arith.addi %mul3A_593, %add3A_639 : i32
      %swap3A_641 = arith.index_cast %add3A_640 : i32 to index
      %swap3A_642 = tpu.vector_load %arg10[%swap3A_641] {strides = array<i32>} : memref<12800xf32, #tpu.memory_space<vmem>>, vector<16xf32>,
      %swap3A_643 = vector.shape_cast %swap3A_642 : vector<16xf32> to vector<16xf32>
      %swap3A_644 = vector.shape_cast %add3A_638 : vector<16xf32> to vector<16xf32>
      tpu.vector_store %arg10[%swap3A_641], %swap3A_644 {strides = array<i32>} : memref<12800xf32, #tpu.memory_space<vmem>>, vector<16xf32>,
      %get3A_645 = arith.constant 0 : i32
      %get3A_646 = arith.index_cast %get3A_645 : i32 to index
      %get3A_647 = arith.index_cast %scan3A_591 : i32 to index
      %get3A_648 = arith.constant 48 : index
      %get3A_649 = tpu.vector_load %arg8[%get3A_646, %get3A_647, %get3A_648] {strides = array<i32>} : memref<1x200x64xf32, #tpu.memory_space<vmem>>, vector<1x1x16xf32>,
      %get3A_650 = vector.shape_cast %get3A_649 : vector<1x1x16xf32> to vector<16xf32>
      %get3A_651 = arith.index_cast %scan3A_591 : i32 to index
      %get3A_652 = arith.constant 48 : index
      %get3A_653 = tpu.vector_load %arg11[%get3A_651, %get3A_652] {strides = array<i32>} : memref<200x64xf32, #tpu.memory_space<vmem>>, vector<1x16xf32>,
      %get3A_654 = vector.shape_cast %get3A_653 : vector<1x16xf32> to vector<16xf32>
      %add3A_655 = arith.addf %get3A_650, %get3A_654 : vector<16xf32>
      %add3A_656 = arith.constant 48 : i32
      %add3A_657 = arith.addi %mul3A_593, %add3A_656 : i32
      %swap3A_658 = arith.index_cast %add3A_657 : i32 to index
      %swap3A_659 = tpu.vector_load %arg10[%swap3A_658] {strides = array<i32>} : memref<12800xf32, #tpu.memory_space<vmem>>, vector<16xf32>,
      %swap3A_660 = vector.shape_cast %swap3A_659 : vector<16xf32> to vector<16xf32>
      %swap3A_661 = vector.shape_cast %add3A_655 : vector<16xf32> to vector<16xf32>
      tpu.vector_store %arg10[%swap3A_658], %swap3A_661 {strides = array<i32>} : memref<12800xf32, #tpu.memory_space<vmem>>, vector<16xf32>,
      %scan3A_662 = arith.constant 7 : i32
      %scan3A_663 = arith.addi %scan3A_161, %scan3A_662 : i32
      %mul3A_664 = arith.constant 64 : i32
      %mul3A_665 = arith.muli %scan3A_663, %mul3A_664 : i32
      %get3A_666 = arith.constant 0 : i32
      %get3A_667 = arith.index_cast %get3A_666 : i32 to index
      %get3A_668 = arith.index_cast %scan3A_663 : i32 to index
      %get3A_669 = arith.constant 0 : index
      %get3A_670 = tpu.vector_load %arg8[%get3A_667, %get3A_668, %get3A_669] {strides = array<i32>} : memref<1x200x64xf32, #tpu.memory_space<vmem>>, vector<1x1x16xf32>,
      %get3A_671 = vector.shape_cast %get3A_670 : vector<1x1x16xf32> to vector<16xf32>
      %get3A_672 = arith.index_cast %scan3A_663 : i32 to index
      %get3A_673 = arith.constant 0 : index
      %get3A_674 = tpu.vector_load %arg11[%get3A_672, %get3A_673] {strides = array<i32>} : memref<200x64xf32, #tpu.memory_space<vmem>>, vector<1x16xf32>,
      %get3A_675 = vector.shape_cast %get3A_674 : vector<1x16xf32> to vector<16xf32>
      %add3A_676 = arith.addf %get3A_671, %get3A_675 : vector<16xf32>
      %add3A_677 = arith.constant 0 : i32
      %add3A_678 = arith.addi %mul3A_665, %add3A_677 : i32
      %swap3A_679 = arith.index_cast %add3A_678 : i32 to index
      %swap3A_680 = tpu.vector_load %arg10[%swap3A_679] {strides = array<i32>} : memref<12800xf32, #tpu.memory_space<vmem>>, vector<16xf32>,
      %swap3A_681 = vector.shape_cast %swap3A_680 : vector<16xf32> to vector<16xf32>
      %swap3A_682 = vector.shape_cast %add3A_676 : vector<16xf32> to vector<16xf32>
      tpu.vector_store %arg10[%swap3A_679], %swap3A_682 {strides = array<i32>} : memref<12800xf32, #tpu.memory_space<vmem>>, vector<16xf32>,
      %get3A_683 = arith.constant 0 : i32
      %get3A_684 = arith.index_cast %get3A_683 : i32 to index
      %get3A_685 = arith.index_cast %scan3A_663 : i32 to index
      %get3A_686 = arith.constant 16 : index
      %get3A_687 = tpu.vector_load %arg8[%get3A_684, %get3A_685, %get3A_686] {strides = array<i32>} : memref<1x200x64xf32, #tpu.memory_space<vmem>>, vector<1x1x16xf32>,
      %get3A_688 = vector.shape_cast %get3A_687 : vector<1x1x16xf32> to vector<16xf32>
      %get3A_689 = arith.index_cast %scan3A_663 : i32 to index
      %get3A_690 = arith.constant 16 : index
      %get3A_691 = tpu.vector_load %arg11[%get3A_689, %get3A_690] {strides = array<i32>} : memref<200x64xf32, #tpu.memory_space<vmem>>, vector<1x16xf32>,
      %get3A_692 = vector.shape_cast %get3A_691 : vector<1x16xf32> to vector<16xf32>
      %add3A_693 = arith.addf %get3A_688, %get3A_692 : vector<16xf32>
      %add3A_694 = arith.constant 16 : i32
      %add3A_695 = arith.addi %mul3A_665, %add3A_694 : i32
      %swap3A_696 = arith.index_cast %add3A_695 : i32 to index
      %swap3A_697 = tpu.vector_load %arg10[%swap3A_696] {strides = array<i32>} : memref<12800xf32, #tpu.memory_space<vmem>>, vector<16xf32>,
      %swap3A_698 = vector.shape_cast %swap3A_697 : vector<16xf32> to vector<16xf32>
      %swap3A_699 = vector.shape_cast %add3A_693 : vector<16xf32> to vector<16xf32>
      tpu.vector_store %arg10[%swap3A_696], %swap3A_699 {strides = array<i32>} : memref<12800xf32, #tpu.memory_space<vmem>>, vector<16xf32>,
      %get3A_700 = arith.constant 0 : i32
      %get3A_701 = arith.index_cast %get3A_700 : i32 to index
      %get3A_702 = arith.index_cast %scan3A_663 : i32 to index
      %get3A_703 = arith.constant 32 : index
      %get3A_704 = tpu.vector_load %arg8[%get3A_701, %get3A_702, %get3A_703] {strides = array<i32>} : memref<1x200x64xf32, #tpu.memory_space<vmem>>, vector<1x1x16xf32>,
      %get3A_705 = vector.shape_cast %get3A_704 : vector<1x1x16xf32> to vector<16xf32>
      %get3A_706 = arith.index_cast %scan3A_663 : i32 to index
      %get3A_707 = arith.constant 32 : index
      %get3A_708 = tpu.vector_load %arg11[%get3A_706, %get3A_707] {strides = array<i32>} : memref<200x64xf32, #tpu.memory_space<vmem>>, vector<1x16xf32>,
      %get3A_709 = vector.shape_cast %get3A_708 : vector<1x16xf32> to vector<16xf32>
      %add3A_710 = arith.addf %get3A_705, %get3A_709 : vector<16xf32>
      %add3A_711 = arith.constant 32 : i32
      %add3A_712 = arith.addi %mul3A_665, %add3A_711 : i32
      %swap3A_713 = arith.index_cast %add3A_712 : i32 to index
      %swap3A_714 = tpu.vector_load %arg10[%swap3A_713] {strides = array<i32>} : memref<12800xf32, #tpu.memory_space<vmem>>, vector<16xf32>,
      %swap3A_715 = vector.shape_cast %swap3A_714 : vector<16xf32> to vector<16xf32>
      %swap3A_716 = vector.shape_cast %add3A_710 : vector<16xf32> to vector<16xf32>
      tpu.vector_store %arg10[%swap3A_713], %swap3A_716 {strides = array<i32>} : memref<12800xf32, #tpu.memory_space<vmem>>, vector<16xf32>,
      %get3A_717 = arith.constant 0 : i32
      %get3A_718 = arith.index_cast %get3A_717 : i32 to index
      %get3A_719 = arith.index_cast %scan3A_663 : i32 to index
      %get3A_720 = arith.constant 48 : index
      %get3A_721 = tpu.vector_load %arg8[%get3A_718, %get3A_719, %get3A_720] {strides = array<i32>} : memref<1x200x64xf32, #tpu.memory_space<vmem>>, vector<1x1x16xf32>,
      %get3A_722 = vector.shape_cast %get3A_721 : vector<1x1x16xf32> to vector<16xf32>
      %get3A_723 = arith.index_cast %scan3A_663 : i32 to index
      %get3A_724 = arith.constant 48 : index
      %get3A_725 = tpu.vector_load %arg11[%get3A_723, %get3A_724] {strides = array<i32>} : memref<200x64xf32, #tpu.memory_space<vmem>>, vector<1x16xf32>,
      %get3A_726 = vector.shape_cast %get3A_725 : vector<1x16xf32> to vector<16xf32>
      %add3A_727 = arith.addf %get3A_722, %get3A_726 : vector<16xf32>
      %add3A_728 = arith.constant 48 : i32
      %add3A_729 = arith.addi %mul3A_665, %add3A_728 : i32
      %swap3A_730 = arith.index_cast %add3A_729 : i32 to index
      %swap3A_731 = tpu.vector_load %arg10[%swap3A_730] {strides = array<i32>} : memref<12800xf32, #tpu.memory_space<vmem>>, vector<16xf32>,
      %swap3A_732 = vector.shape_cast %swap3A_731 : vector<16xf32> to vector<16xf32>
      %swap3A_733 = vector.shape_cast %add3A_727 : vector<16xf32> to vector<16xf32>
      tpu.vector_store %arg10[%swap3A_730], %swap3A_733 {strides = array<i32>} : memref<12800xf32, #tpu.memory_space<vmem>>, vector<16xf32>,
    }
    %scan3A_136 = arith.constant 200 : i32
    %add3A_137 = arith.constant 127 : i32
    %add3A_138 = arith.addi %mul3A_2, %add3A_137 : i32
    %dma_start3A_139 = arith.constant 0 : i32
    %dma_start3A_140 = tpu.memref_slice %arg5[%add3A_138, %dma_start3A_139] : memref<4096x12800xf32, #tpu.memory_space<hbm>> -> memref<1x12800xf32, #tpu.memory_space<hbm>>
    %dma_start3A_141 = tpu.memref_squeeze %dma_start3A_140 : memref<1x12800xf32, #tpu.memory_space<hbm>> -> memref<12800xf32, #tpu.memory_space<hbm>>
    %dma_start3A_142 = arith.constant 0 : i32
    %dma_start3A_143 = tpu.memref_slice %arg5[%add3A_138, %dma_start3A_142] : memref<4096x12800xf32, #tpu.memory_space<hbm>> -> memref<1x12800xf32, #tpu.memory_space<hbm>>
    %dma_start3A_144 = tpu.memref_squeeze %dma_start3A_143 : memref<1x12800xf32, #tpu.memory_space<hbm>> -> memref<12800xf32, #tpu.memory_space<hbm>>
    tpu.enqueue_dma source(%arg10 : memref<12800xf32, #tpu.memory_space<vmem>>) target(%dma_start3A_144 : memref<12800xf32, #tpu.memory_space<hbm>>) target_semaphore(%arg13 : memref<!tpu.dma_semaphore, #tpu.memory_space<semaphore_mem>>)
    %add3A_145 = arith.constant 126 : i32
    %add3A_146 = arith.addi %mul3A_2, %add3A_145 : i32
    %dma_wait3A_147 = arith.constant 0 : i32
    %dma_wait3A_148 = tpu.memref_slice %arg5[%add3A_146, %dma_wait3A_147] : memref<4096x12800xf32, #tpu.memory_space<hbm>> -> memref<1x12800xf32, #tpu.memory_space<hbm>>
    %dma_wait3A_149 = tpu.memref_squeeze %dma_wait3A_148 : memref<1x12800xf32, #tpu.memory_space<hbm>> -> memref<12800xf32, #tpu.memory_space<hbm>>
    %dma_wait3A_150 = arith.constant 0 : i32
    %dma_wait3A_151 = tpu.memref_slice %arg5[%add3A_146, %dma_wait3A_150] : memref<4096x12800xf32, #tpu.memory_space<hbm>> -> memref<1x12800xf32, #tpu.memory_space<hbm>>
    %dma_wait3A_152 = tpu.memref_squeeze %dma_wait3A_151 : memref<1x12800xf32, #tpu.memory_space<hbm>> -> memref<12800xf32, #tpu.memory_space<hbm>>
    tpu.wait_dma2 semaphore(%arg13 : memref<!tpu.dma_semaphore, #tpu.memory_space<semaphore_mem>>) src(%arg9 : memref<12800xf32, #tpu.memory_space<vmem>>) dst(%dma_wait3A_152 : memref<12800xf32, #tpu.memory_space<hbm>>)
    %add3A_153 = arith.constant 127 : i32
    %add3A_154 = arith.addi %mul3A_2, %add3A_153 : i32
    %dma_wait3A_155 = arith.constant 0 : i32
    %dma_wait3A_156 = tpu.memref_slice %arg5[%add3A_154, %dma_wait3A_155] : memref<4096x12800xf32, #tpu.memory_space<hbm>> -> memref<1x12800xf32, #tpu.memory_space<hbm>>
    %dma_wait3A_157 = tpu.memref_squeeze %dma_wait3A_156 : memref<1x12800xf32, #tpu.memory_space<hbm>> -> memref<12800xf32, #tpu.memory_space<hbm>>
    %dma_wait3A_158 = arith.constant 0 : i32
    %dma_wait3A_159 = tpu.memref_slice %arg5[%add3A_154, %dma_wait3A_158] : memref<4096x12800xf32, #tpu.memory_space<hbm>> -> memref<1x12800xf32, #tpu.memory_space<hbm>>
    %dma_wait3A_160 = tpu.memref_squeeze %dma_wait3A_159 : memref<1x12800xf32, #tpu.memory_space<hbm>> -> memref<12800xf32, #tpu.memory_space<hbm>>
    tpu.wait_dma2 semaphore(%arg13 : memref<!tpu.dma_semaphore, #tpu.memory_space<semaphore_mem>>) src(%arg10 : memref<12800xf32, #tpu.memory_space<vmem>>) dst(%dma_wait3A_160 : memref<12800xf32, #tpu.memory_space<hbm>>)
    return
  }
}

</mosaic_0001>

<sc_bundles>
// kernel: _sc_embed.3.cloned.1.call-start
scs
__scs_entry_jumppad:
0x0: {  	(pc) =	sbr.rel $0x88, $3  }
0x1: {  	(tag) =	ssettag $0x0;
	lr =	simm.s32 $0x1  }
0x2: {  	[smem:$0x3F9E] =	sst lr;
	_ =	strace $0xD0000000  }
0x3: {  	_ = 	snop  }
0x4: {  	_ = 	snop  }
0x5: {  	_ = 	snop  }
0x6: {  	_ = 	snop  }
0x7: {  	_ = 	snop  }
__scs_overlays_trampoline_lowered:
0x8: {  	[smem:$0x3FAD] =	sst s0  }
0x9: {  	[smem:$0x3FAE] =	sst s1  }
0xa: {  	[smem:$0x3FAF] =	sst s2  }
0xb: {  	[smem:$0x3FB0] =	sst s3  }
0xc: {  	[smem:$0x3FB1] =	sst s4  }
0xd: {  	[smem:$0x3FB2] =	sst s5  }
0xe: {  	[smem:$0x3FB3] =	sst s6  }
0xf: {  	[smem:$0x3FB4] =	sst s7  }
0x10: {  	[smem:$0x3FB5] =	sst s8  }
0x11: {  	[smem:$0x3FB6] =	sst s9;
	s0 =	simm.s32 @!p0 $0x0  }
0x12: {  	s1 =	sld [smem:$0x3F9C];
	s0 =	simm.s32 @p0 $0x1  }
0x13: {  	[smem:$0x3FB7] =	sst s0;
	s0 =	simm.s32 @!p1 $0x0  }
0x14: {  	s2 =	sld [smem:$0x3F9B];
	s0 =	simm.s32 @p1 $0x1  }
0x15: {  	[smem:$0x3FB8] =	sst s0;
	s0 =	simm.s32 @!p2 $0x0  }
0x16: {  	s3 =	sld [smem:$0x3FDB];
	s0 =	simm.s32 @p2 $0x1  }
0x17: {  	s4 =	simm.s32 $0x1BF5;
	[smem:$0x3FBA] =	sst s0  }
0x18: {  	s0 =	sld [smem:$0x3F9D];
	_ =	swait.ge [sflag:s4], $0x0  }
0x19: {  	s7 =	sld [smem:$0x3F9E]  }
0x1a: {  	s8 =	sadd.s32 $0xFFFFE003, lr  }
0x1b: {  	s9 =	sadd.s32 $0xFFFFFEF7, lr;
	s5 =	simm.s32 $0xFFFFFFFF;
	p2 =	slt.u32 s8, $0xFFFFF086  }
0x1c: {  	p1 =	slt.u32 s9, $0xF7A;
	s5 =	simm.s32 @!p2 $0x0  }
0x1d: {  	s5 =	simm.s32 @p1 $0x1;
	p0 =	seq.s32 s7, s2  }
0x1e: {  	s7 =	smul.u32 @!p0 $0xF7A, s2;
	p2 =	seq.s32 @!p0 s5, $0x0  }
0x1f: {  	s9 =	smul.u32 $0xF7A, s1;
	s8 =	simm.s32 @!p0 $0x1BF5;
	p2 =	por !p2, p0  }
0x20: {  	[sflag:s8] =	ssyncset.s32 @!p0 $0xFFFFF086;
	s6 =	sadd.s32 @!p0 s3, s7;
	s7 =	simm.s32 @!p0 $0x108  }
0x21: {  	s3 =	sadd.s32 s3, s9;
	s6 =	sadd.s32 @!p0 $0x88, s6;
	s7 =	simm.s32 @p2 $0x1082  }
0x22: {  	[simem:s7], [sflag:s8] =	dma.local @!p0 [hbm:s6], $0xF7A  }
0x23: {  	s9 =	sor.u32 $0xD0000000, s2;
	s6 =	simm.s32 $0x108;
	_ =	swait.ge @!p0 [sflag:s8], $0x0  }
0x24: {  	s3 =	sadd.s32 $0x88, s3;
	s6 =	simm.s32 @!p1 $0x1082;
	[sflag:s4] =	ssyncset.s32 $0xFFFFF086  }
0x25: {  	[simem:s6], [sflag:s4] =	dma.local [hbm:s3], $0xF7A  }
0x26: {  	[smem:$0x3F9E] =	sst s1;
	(tag) =	ssettag s2;
	_ =	strace s9  }
0x27: {  	s1 =	sld [smem:$0x3FAE]  }
0x28: {  	s2 =	sld [smem:$0x3FAF]  }
0x29: {  	s4 =	sld [smem:$0x3FB1]  }
0x2a: {  	p0 =	seq.s32 s5, $0x0;
	s5 =	sld [smem:$0x3FB2]  }
0x2b: {  	s6 =	sld [smem:$0x3FB3]  }
0x2c: {  	s7 =	sld [smem:$0x3FB4]  }
0x2d: {  	s3 =	simm.s32 $0x108;
	s8 =	sld [smem:$0x3FB5]  }
0x2e: {  	s3 =	simm.s32 @!p0 $0x1082;
	s9 =	sld [smem:$0x3FB6]  }
0x2f: {  	lr =	sadd.s32 s0, s3;
	s0 =	sld [smem:$0x3FAD]  }
0x30: {  	s3 =	sld [smem:$0x3FB0]  }
0x31: {  	[smem:$0x3FB9] =	sst s10  }
0x32: {  	s10 =	sld [smem:$0x3FB7];
	_ =	sdelay $0x3  }
0x33: {  	p0 =	seq.s32 s10, $0x1;
	s10 =	sld [smem:$0x3FB9];
	_ =	sdelay $0x3  }
0x34: {  	[smem:$0x3FB9] =	sst s10  }
0x35: {  	s10 =	sld [smem:$0x3FB8];
	_ =	sdelay $0x3  }
0x36: {  	p1 =	seq.s32 s10, $0x1;
	s10 =	sld [smem:$0x3FB9];
	_ =	sdelay $0x3  }
0x37: {  	[smem:$0x3FB9] =	sst s10  }
0x38: {  	s10 =	sld [smem:$0x3FBA]  }
0x39: {  	_ = 	snop;
	(pc) =	sbr.ind lr, $3  }
0x3a: {  	_ = 	snop  }
0x3b: {  	_ = 	snop  }
0x3c: {  	p2 =	seq.s32 s10, $0x1;
	s10 =	sld [smem:$0x3FB9]  }
0x3d: {  	_ =	shalt  }
0x3e: {  	_ =	shalt  }
0x3f: {  	_ =	shalt  }
0x40: {  	_ =	shalt  }
0x41: {  	_ =	shalt  }
0x42: {  	_ =	shalt  }
0x43: {  	_ =	shalt  }
0x44: {  	_ =	shalt  }
0x45: {  	_ =	shalt  }
0x46: {  	_ =	shalt  }
0x47: {  	_ =	shalt  }
0x48: {  	_ =	shalt  }
0x49: {  	_ =	shalt  }
0x4a: {  	_ =	shalt  }
0x4b: {  	_ =	shalt  }
0x4c: {  	_ =	shalt  }
0x4d: {  	_ =	shalt  }
0x4e: {  	_ =	shalt  }
0x4f: {  	_ =	shalt  }
0x50: {  	_ =	shalt  }
0x51: {  	_ =	shalt  }
0x52: {  	_ =	shalt  }
0x53: {  	_ =	shalt  }
0x54: {  	_ =	shalt  }
0x55: {  	_ =	shalt  }
0x56: {  	_ =	shalt  }
0x57: {  	_ =	shalt  }
0x58: {  	_ =	shalt  }
0x59: {  	_ =	shalt  }
0x5a: {  	_ =	shalt  }
0x5b: {  	_ =	shalt  }
0x5c: {  	_ =	shalt  }
0x5d: {  	_ =	shalt  }
0x5e: {  	_ =	shalt  }
0x5f: {  	_ =	shalt  }
0x60: {  	_ =	shalt  }
0x61: {  	_ =	shalt  }
0x62: {  	_ =	shalt  }
0x63: {  	_ =	shalt  }
0x64: {  	_ =	shalt  }
0x65: {  	_ =	shalt  }
0x66: {  	_ =	shalt  }
0x67: {  	_ =	shalt  }
0x68: {  	_ =	shalt  }
0x69: {  	_ =	shalt  }
0x6a: {  	_ =	shalt  }
0x6b: {  	_ =	shalt  }
0x6c: {  	_ =	shalt  }
0x6d: {  	_ =	shalt  }
0x6e: {  	_ =	shalt  }
0x6f: {  	_ =	shalt  }
0x70: {  	_ =	shalt  }
0x71: {  	_ =	shalt  }
0x72: {  	_ =	shalt  }
0x73: {  	_ =	shalt  }
0x74: {  	_ =	shalt  }
0x75: {  	_ =	shalt  }
0x76: {  	_ =	shalt  }
0x77: {  	_ =	shalt  }
0x78: {  	_ =	shalt  }
0x79: {  	_ =	shalt  }
0x7a: {  	_ =	shalt  }
0x7b: {  	_ =	shalt  }
0x7c: {  	_ =	shalt  }
0x7d: {  	_ =	shalt  }
0x7e: {  	_ =	shalt  }
0x7f: {  	_ =	shalt  }
0x80: {  	_ =	shalt  }
0x81: {  	_ =	shalt  }
0x82: {  	_ =	shalt  }
0x83: {  	_ =	shalt  }
0x84: {  	_ =	shalt  }
0x85: {  	_ =	shalt  }
0x86: {  	_ =	shalt  }
0x87: {  	_ =	shalt  }
.Lfunc_end0:
.L_simem_size_0:
called_computation_lowered:
.L_overlay_start_0:
0x88: {  	s2 =	sld [smem:$0x3FD9]  }
0x89: {  	s3 =	sld [smem:$0x3FFE];
	_ =	sdelay $0x1  }
0x8a: {  	s1 =	srdreg.scid  }
0x8b: {  	s0 =	sand.u32 $0x1, s1  }
0x8c: {  	s17 =	sshll.u32 s0, $0xA;
	s2 =	sadd.s32 s3, s2  }
0x8d: {  	s2 =	sadd.s32 s2, s17  }
0x8e: {  	[smem:$0x3FC5] =	sst s2  }
0x8f: {  	_ = 	snop  }
0x90: {  	s2 =	sld [smem:$0x3FD0];
	(tm) =	ssettm $0x1  }
0x91: {  	s18 =	sld [smem:$0x3FFB];
	_ =	sdelay $0x3  }
0x92: {  	_ =	strace s18  }
0x93: {  	s3 =	sld [smem:$0x3FFC];
	_ =	sdelay $0x3  }
0x94: {  	_ =	strace s3  }
0x95: {  	s3 =	sld [smem:$0x3FFD];
	_ =	sdelay $0x3  }
0x96: {  	_ =	strace s3  }
0x97: {  	_ =	strace $0x8FFFFFFF  }
0x98: {  	s19 =	sld [smem:$0x3FDB];
	_ =	sdelay $0x1  }
0x99: {  	s4 =	simm.s32 $_scs_section_size  }
0x9a: {  	s5 =	simm.s32 $_size__tile_overlayer_lowered;
	s6 =	simm.s32 $_tile_overlayer_lowered  }
0x9b: {  	s22 =	simm.s32 $0x1BFF;
	s21 =	sshll.u32 s6, $0x1;
	s3 =	sadd.s32 s4, s19  }
0x9c: {  	s7 =	simm.s32 $0x0;
	s20 =	sshll.u32 s5, $0x1;
	s5 =	sadd.s32 s21, s3  }
0x9d: {  	[timem:s7], [sflag:s22] =	dma.local [hbm:s5], s20  }
0x9e: {  	_ =	swait.ge [sflag:s22], s20  }
0x9f: {  	s4 =	ssub.s32 $0x0, s20;
	[sflag:s22] =	ssyncset.done $0x0  }
0xa0: {  	[sflag:s22] =	ssyncadd.s32 s4;
	_ =	sdelay $0x1  }
0xa1: {  	s23 =	simm.s32 $0x1B8B  }
0xa2: {  	_ =	swait.ge [sflag:s23], $0x1  }
0xa3: {  	[sflag:s23] =	ssyncset.done $0x0  }
0xa4: {  	s25 =	simm.s32 $0x1B8E;
	s24 =	sld [smem:$0x3FFE];
	[sflag:s23] =	ssyncadd.s32 $0xFFFFFFFF  }
0xa5: {  	s26 =	simm.s32 $execute0_lowered;
	[smem:$0x3FD2] =	sst s25  }
0xa6: {  	s5 =	sshll.u32 s26, $0x1;
	_ =	strace $0x80000046;
	[dreg:$0x1] =	wrdreg $0xFFFFFFFF  }
0xa7: {  	s28 =	simm.s32 $_size_execute0_lowered;
	s3 =	sadd.s32 s3, s5;
	[dreg:$0x0] =	wrdreg $0x0  }
0xa8: {  	s5 =	sshll.u32 s28, $0x1;
	[dreg:$0x2] =	wrdreg s3  }
0xa9: {  	[dreg:$0x3] =	wrdreg s5  }
0xaa: {  	[dreg:$0x4] =	wrdreg $0xC0  }
0xab: {  	_ =	task [dreg:s7], $0x5FFFF  }
0xac: {  	[dreg:$0x1] =	wrdreg $0xFFFFFFFF  }
0xad: {  	[dreg:$0x0] =	wrdreg $0x60  }
0xae: {  	[dreg:$0x2] =	wrdreg s2  }
0xaf: {  	[dreg:$0x3] =	wrdreg s24  }
0xb0: {  	[dreg:$0x4] =	wrdreg $0x9  }
0xb1: {  	_ =	task.clear_ibuf [dreg:s7], $0x5FFFF;
	_ =	strace $0x90000046  }
0xb2: {  	s29 =	simm.s32 $0x9;
	_ =	strace $0x80000048  }
0xb3: {  	_ =	swait.ge [sflag:s29], $0x1  }
0xb4: {  	[sflag:s29] =	ssyncadd.s32 $0xFFFFFFFF  }
0xb5: {  	_ =	strace $0x90000048  }
0xb6: {  	_ =	sfence  }
0xb7: {  	s30 =	sld [smem:$0x0];
	_ =	sdelay $0x2  }
0xb8: {  	s31 =	sshll.u32 s1, $0xD;
	s1 =	sshrl.u32 s1, $0x2  }
0xb9: {  	s3 =	sand.u32 $0x4000, s31;
	s1 =	sadd.s32 s1, s30  }
0xba: {  	s0 =	sor.u32 s3, s0;
	s1 =	sshll.u32 s1, $0x11  }
0xbb: {  	s0 =	sor.u32 s1, s0  }
0xbc: {  	s0 =	sadd.s32 $0x8F2B, s0  }
0xbd: {  	[sflag:s0] =	ssyncadd.remote.s32 $0x1  }
0xbe: {  	_ =	sfence.sel $0xFFFF  }
0xbf: {  	[dreg:$0x0] =	wrdreg $0xFFFFFFFF;
	(pc) =	sbr.abs _section_cstart, $3  }
0xc0: {  	[dreg:$0x1] =	wrdreg $0xFFFFFFFF  }
0xc1: {  	_ =	task.clear_ibuf [dreg:s7], $0x2FFFF;
	_ =	strace $0x9FFFFFFF  }
0xc2: {  	(tm) =	ssettm $0x7FFFFFFF  }
0xc3: {  	_ =	shalt  }
tec
execute0_lowered:
.L_overlay_start_1:
0x0: {  	(tag) =	ssettag $0x1  }
0x1: {  	s0 =	srdreg.scid;
	s1 =	rddreg [dreg:$0x0]  }
0x2: {  	s2 =	stileid.u32;
	s6 =	rddreg [dreg:$0x1];
	s15 =	simm.s32 $0x3  }
0x3: {  	s16 =	simm.s32 $0xC8;
	s17 =	simm.s32 $0x6400;
	s18 =	simm.s32 $0x1  }
0x4: {  	s19 =	simm.s32 $0x9600;
	s20 =	simm.s32 $0xC800;
	s22 =	simm.s32 $0xFA00  }
0x5: {  	s23 =	simm.s32 $0x2;
	s25 =	simm.s32 $0x0;
	s0 =	sand.u32 $0x1, s0  }
0x6: {  	s3 =	sshll.u32 s2, $0x8;
	s2 =	simm.s32 $0x0;
	s4 =	sshll.u32 s0, $0x7  }
0x7: {  	s5 =	sadd.s32 $0x800, s6;
	[smem:$0x7FF] =	sst s2;
	s3 =	sor.u32 s4, s3  }
0x8: {  	s0 =	ssub.s32 $0x2, s0;
	_ =	strace $0x80000047;
	s7 =	smul.u32 $0x19, s3  }
0x9: {  	s4 =	sadd.s32 $0xF42C00, s6;
	s9 =	sshrl.u32 s0, $0x1;
	s10 =	smul.u32 $0x3200, s3  }
0xa: {  	s6 =	sadd.s32 $0x1000, s6;
	s8 =	smul.u32 $0x640, s3;
	s0 =	ssub.s32 s0, s9  }
0xb: {  	s13 =	smax.u32 s0, $0x1;
	s7 =	sadd.s32 s1, s7;
	s31 =	sshrl.u32 s10, $0x3  }
0xc: {  	s8 =	sadd.s32 s6, s8;
	s10 =	sor.u32 $0x2, s3;
	s1 =	sadd.s32 s6, s31  }
0xd: {  	s9 =	sadd.s32 $0x640, s8;
	s11 =	sadd.s32 $0x31380, s1;
	s12 =	sadd.s32 $0x319C0, s1  }
.LBB2_1:
0xe: {  	s0 =	simm.s32 $0x12C00  }
0xf: {  	[tilespmem:s0], [sflag:$0x3] =	stream.linear.gather [hbm4b:s5+s2], $0x3200, $0x38;
	[tilespmem:$0x15E00] =	vst v63  }
0x10: {  	_ =	swait.ge [sflag:s15], $0x3200  }
0x11: {  	[sflag:s15] =	ssyncset.done $0x0  }
0x12: {  	[sflag:s15] =	ssyncadd.s32 $0xFFFFCE00  }
0x13: {  	[tilespmem:s2], [sflag:$0x3] =	stream.linear.gather [hbm4b:s7+s2], $0x6400, $0x38;
	[tilespmem:$0x15E00] =	vst v63  }
0x14: {  	_ =	swait.ge [sflag:s15], $0x6400  }
0x15: {  	[sflag:s15] =	ssyncset.done $0x0  }
0x16: {  	[sflag:s15] =	ssyncadd.s32 $0xFFFF9C00  }
0x17: {  	[tilespmem:s17], [sflag:$0x1] =	stream.indirect.gather [hbm4b:s4+s16], $0x40, s2, s16, $0xb8;
	[tilespmem:$0x15E00] =	vst v63  }
0x18: {  	_ =	swait.ge [sflag:s18], $0x3200  }
0x19: {  	[sflag:s18] =	ssyncset.done $0x0  }
0x1a: {  	s28 =	simm.s32 $0x6500;
	[sflag:s18] =	ssyncadd.s32 $0xFFFFCE00  }
0x1b: {  	[tilespmem:s19], [sflag:$0x1] =	stream.indirect.gather [hbm4b:s4+s16], $0x40, s16, s16, $0xb8;
	[tilespmem:$0x15E00] =	vst v63  }
0x1c: {  	s29 =	simm.s32 $0x12D00;
	v0 =	vld [tilespmem:s28+$0xFFFFFF00]  }
0x1d: {  	v1 =	vld [tilespmem:s29+$0xFFFFFF00];
	_ =	sdelay $0x4  }
0x1e: {  	v0 =	vadd.f32 v1, v0  }
0x1f: {  	s26 =	simm.s32 $0xC900  }
0x20: {  	[tilespmem:s26+$0xFFFFFF00] =	vst v0  }
0x21: {  	v0 =	vld [tilespmem:s29+$0xFFFFFF10]  }
0x22: {  	v1 =	vld [tilespmem:s28+$0xFFFFFF10];
	_ =	sdelay $0x4  }
0x23: {  	v0 =	vadd.f32 v0, v1;
	_ =	sdelay $0x1  }
0x24: {  	[tilespmem:s26+$0xFFFFFF10] =	vst v0  }
0x25: {  	v0 =	vld [tilespmem:s28+$0xFFFFFF20]  }
0x26: {  	v1 =	vld [tilespmem:s29+$0xFFFFFF20];
	_ =	sdelay $0x4  }
0x27: {  	v0 =	vadd.f32 v1, v0;
	_ =	sdelay $0x1  }
0x28: {  	[tilespmem:s26+$0xFFFFFF20] =	vst v0  }
0x29: {  	v0 =	vld [tilespmem:s28+$0xFFFFFF30]  }
0x2a: {  	v1 =	vld [tilespmem:s29+$0xFFFFFF30];
	_ =	sdelay $0x4  }
0x2b: {  	v0 =	vadd.f32 v1, v0;
	_ =	sdelay $0x1  }
0x2c: {  	[tilespmem:s26+$0xFFFFFF30] =	vst v0  }
0x2d: {  	v0 =	vld [tilespmem:s28+$0xFFFFFF40]  }
0x2e: {  	v1 =	vld [tilespmem:s29+$0xFFFFFF40];
	_ =	sdelay $0x4  }
0x2f: {  	v0 =	vadd.f32 v1, v0;
	_ =	sdelay $0x1  }
0x30: {  	[tilespmem:s26+$0xFFFFFF40] =	vst v0  }
0x31: {  	v0 =	vld [tilespmem:s28+$0xFFFFFF50]  }
0x32: {  	v1 =	vld [tilespmem:s29+$0xFFFFFF50];
	_ =	sdelay $0x4  }
0x33: {  	v0 =	vadd.f32 v1, v0;
	_ =	sdelay $0x1  }
0x34: {  	[tilespmem:s26+$0xFFFFFF50] =	vst v0  }
0x35: {  	v0 =	vld [tilespmem:s28+$0xFFFFFF60]  }
0x36: {  	v1 =	vld [tilespmem:s29+$0xFFFFFF60];
	_ =	sdelay $0x4  }
0x37: {  	v0 =	vadd.f32 v1, v0;
	_ =	sdelay $0x1  }
0x38: {  	[tilespmem:s26+$0xFFFFFF60] =	vst v0  }
0x39: {  	v0 =	vld [tilespmem:s28+$0xFFFFFF70]  }
0x3a: {  	v1 =	vld [tilespmem:s29+$0xFFFFFF70];
	_ =	sdelay $0x4  }
0x3b: {  	v0 =	vadd.f32 v1, v0;
	_ =	sdelay $0x1  }
0x3c: {  	[tilespmem:s26+$0xFFFFFF70] =	vst v0  }
0x3d: {  	v0 =	vld [tilespmem:s28+$0xFFFFFF80]  }
0x3e: {  	v1 =	vld [tilespmem:s29+$0xFFFFFF80];
	_ =	sdelay $0x4  }
0x3f: {  	v0 =	vadd.f32 v1, v0;
	_ =	sdelay $0x1  }
0x40: {  	[tilespmem:s26+$0xFFFFFF80] =	vst v0  }
0x41: {  	v0 =	vld [tilespmem:s28+$0xFFFFFF90]  }
0x42: {  	v1 =	vld [tilespmem:s29+$0xFFFFFF90];
	_ =	sdelay $0x4  }
0x43: {  	v0 =	vadd.f32 v1, v0;
	_ =	sdelay $0x1  }
0x44: {  	[tilespmem:s26+$0xFFFFFF90] =	vst v0  }
0x45: {  	v0 =	vld [tilespmem:s28+$0xFFFFFFA0]  }
0x46: {  	v1 =	vld [tilespmem:s29+$0xFFFFFFA0];
	_ =	sdelay $0x4  }
0x47: {  	v0 =	vadd.f32 v1, v0;
	_ =	sdelay $0x1  }
0x48: {  	[tilespmem:s26+$0xFFFFFFA0] =	vst v0  }
0x49: {  	v0 =	vld [tilespmem:s28+$0xFFFFFFB0]  }
0x4a: {  	v1 =	vld [tilespmem:s29+$0xFFFFFFB0];
	_ =	sdelay $0x4  }
0x4b: {  	v0 =	vadd.f32 v1, v0;
	_ =	sdelay $0x1  }
0x4c: {  	[tilespmem:s26+$0xFFFFFFB0] =	vst v0  }
0x4d: {  	v0 =	vld [tilespmem:s28+$0xFFFFFFC0]  }
0x4e: {  	v1 =	vld [tilespmem:s29+$0xFFFFFFC0];
	_ =	sdelay $0x4  }
0x4f: {  	v0 =	vadd.f32 v1, v0;
	_ =	sdelay $0x1  }
0x50: {  	[tilespmem:s26+$0xFFFFFFC0] =	vst v0  }
0x51: {  	v0 =	vld [tilespmem:s28+$0xFFFFFFD0]  }
0x52: {  	v1 =	vld [tilespmem:s29+$0xFFFFFFD0];
	_ =	sdelay $0x4  }
0x53: {  	v0 =	vadd.f32 v1, v0;
	_ =	sdelay $0x1  }
0x54: {  	[tilespmem:s26+$0xFFFFFFD0] =	vst v0  }
0x55: {  	v0 =	vld [tilespmem:s28+$0xFFFFFFE0]  }
0x56: {  	v1 =	vld [tilespmem:s29+$0xFFFFFFE0];
	_ =	sdelay $0x4  }
0x57: {  	v0 =	vadd.f32 v1, v0;
	_ =	sdelay $0x1  }
0x58: {  	[tilespmem:s26+$0xFFFFFFE0] =	vst v0  }
0x59: {  	v0 =	vld [tilespmem:s28+$0xFFFFFFF0]  }
0x5a: {  	v1 =	vld [tilespmem:s29+$0xFFFFFFF0];
	_ =	sdelay $0x4  }
0x5b: {  	v0 =	vadd.f32 v1, v0;
	_ =	sdelay $0x1  }
0x5c: {  	[tilespmem:s26+$0xFFFFFFF0] =	vst v0  }
0x5d: {  	v0 =	vld [tilespmem:s28+$0x0]  }
0x5e: {  	v1 =	vld [tilespmem:s29+$0x0];
	_ =	sdelay $0x4  }
0x5f: {  	v0 =	vadd.f32 v1, v0;
	_ =	sdelay $0x1  }
0x60: {  	[tilespmem:s26+$0x0] =	vst v0  }
0x61: {  	v0 =	vld [tilespmem:s28+$0x10]  }
0x62: {  	v1 =	vld [tilespmem:s29+$0x10];
	_ =	sdelay $0x4  }
0x63: {  	v0 =	vadd.f32 v1, v0;
	_ =	sdelay $0x1  }
0x64: {  	[tilespmem:s26+$0x10] =	vst v0  }
0x65: {  	v0 =	vld [tilespmem:s28+$0x20]  }
0x66: {  	v1 =	vld [tilespmem:s29+$0x20];
	_ =	sdelay $0x4  }
0x67: {  	v0 =	vadd.f32 v1, v0;
	_ =	sdelay $0x1  }
0x68: {  	[tilespmem:s26+$0x20] =	vst v0  }
0x69: {  	v0 =	vld [tilespmem:s28+$0x30]  }
0x6a: {  	v1 =	vld [tilespmem:s29+$0x30];
	_ =	sdelay $0x4  }
0x6b: {  	v0 =	vadd.f32 v1, v0;
	_ =	sdelay $0x1  }
0x6c: {  	[tilespmem:s26+$0x30] =	vst v0  }
0x6d: {  	v0 =	vld [tilespmem:s28+$0x40]  }
0x6e: {  	v1 =	vld [tilespmem:s29+$0x40];
	_ =	sdelay $0x4  }
0x6f: {  	v0 =	vadd.f32 v1, v0;
	_ =	sdelay $0x1  }
0x70: {  	[tilespmem:s26+$0x40] =	vst v0  }
0x71: {  	v0 =	vld [tilespmem:s28+$0x50]  }
0x72: {  	v1 =	vld [tilespmem:s29+$0x50];
	_ =	sdelay $0x4  }
0x73: {  	v0 =	vadd.f32 v1, v0;
	_ =	sdelay $0x1  }
0x74: {  	[tilespmem:s26+$0x50] =	vst v0  }
0x75: {  	v0 =	vld [tilespmem:s28+$0x60]  }
0x76: {  	v1 =	vld [tilespmem:s29+$0x60];
	_ =	sdelay $0x4  }
0x77: {  	v0 =	vadd.f32 v1, v0;
	_ =	sdelay $0x1  }
0x78: {  	[tilespmem:s26+$0x60] =	vst v0  }
0x79: {  	v0 =	vld [tilespmem:s28+$0x70]  }
0x7a: {  	v1 =	vld [tilespmem:s29+$0x70];
	_ =	sdelay $0x4  }
0x7b: {  	v0 =	vadd.f32 v1, v0;
	_ =	sdelay $0x1  }
0x7c: {  	[tilespmem:s26+$0x70] =	vst v0  }
0x7d: {  	v0 =	vld [tilespmem:s28+$0x80]  }
0x7e: {  	v1 =	vld [tilespmem:s29+$0x80];
	_ =	sdelay $0x4  }
0x7f: {  	v0 =	vadd.f32 v1, v0;
	_ =	sdelay $0x1  }
0x80: {  	[tilespmem:s26+$0x80] =	vst v0  }
0x81: {  	v0 =	vld [tilespmem:s28+$0x90]  }
0x82: {  	v1 =	vld [tilespmem:s29+$0x90];
	_ =	sdelay $0x4  }
0x83: {  	v0 =	vadd.f32 v1, v0;
	_ =	sdelay $0x1  }
0x84: {  	[tilespmem:s26+$0x90] =	vst v0  }
0x85: {  	v0 =	vld [tilespmem:s28+$0xA0]  }
0x86: {  	v1 =	vld [tilespmem:s29+$0xA0];
	_ =	sdelay $0x4  }
0x87: {  	v0 =	vadd.f32 v1, v0;
	_ =	sdelay $0x1  }
0x88: {  	[tilespmem:s26+$0xA0] =	vst v0  }
0x89: {  	v0 =	vld [tilespmem:s28+$0xB0]  }
0x8a: {  	v1 =	vld [tilespmem:s29+$0xB0];
	_ =	sdelay $0x4  }
0x8b: {  	v0 =	vadd.f32 v1, v0;
	_ =	sdelay $0x1  }
0x8c: {  	[tilespmem:s26+$0xB0] =	vst v0  }
0x8d: {  	v0 =	vld [tilespmem:s28+$0xC0]  }
0x8e: {  	v1 =	vld [tilespmem:s29+$0xC0]  }
0x8f: {  	s14 =	simm.s32 $0xCB00  }
0x90: {  	s1 =	simm.s32 $0x6500;
	s30 =	simm.s32 $0x12D00;
	s0 =	simm.s32 $0x0  }
.LBB2_2:
0x91: {  	s0 =	sadd.s32 $0x8, s0;
	s28 =	sadd.s32 $0x200, s28;
	s29 =	sadd.s32 $0x200, s29  }
0x92: {  	p0 =	slt.u32 s0, $0xC0  }
0x93: {  	v0 =	vadd.f32 v1, v0;
	_ =	sdelay $0x1  }
0x94: {  	[tilespmem:s26+$0xC0] =	vst v0  }
0x95: {  	v0 =	vld [tilespmem:s1+$0xD0]  }
0x96: {  	v1 =	vld [tilespmem:s30+$0xD0];
	_ =	sdelay $0x4  }
0x97: {  	v0 =	vadd.f32 v1, v0;
	_ =	sdelay $0x1  }
0x98: {  	[tilespmem:s26+$0xD0] =	vst v0  }
0x99: {  	v0 =	vld [tilespmem:s1+$0xE0]  }
0x9a: {  	v1 =	vld [tilespmem:s30+$0xE0];
	_ =	sdelay $0x4  }
0x9b: {  	v0 =	vadd.f32 v1, v0;
	_ =	sdelay $0x1  }
0x9c: {  	[tilespmem:s26+$0xE0] =	vst v0  }
0x9d: {  	v0 =	vld [tilespmem:s1+$0xF0];
	s1 =	smov.u32 s28  }
0x9e: {  	v1 =	vld [tilespmem:s30+$0xF0];
	s30 =	smov.u32 s29;
	_ =	sdelay $0x4  }
0x9f: {  	v0 =	vadd.f32 v1, v0;
	_ =	sdelay $0x1  }
0xa0: {  	[tilespmem:s26+$0xF0] =	vst v0;
	s26 =	smov.u32 s14  }
0xa1: {  	v0 =	vld [tilespmem:s28+$0xFFFFFF00]  }
0xa2: {  	v1 =	vld [tilespmem:s29+$0xFFFFFF00];
	_ =	sdelay $0x4  }
0xa3: {  	v0 =	vadd.f32 v1, v0;
	_ =	sdelay $0x1  }
0xa4: {  	[tilespmem:s14+$0xFFFFFF00] =	vst v0  }
0xa5: {  	v0 =	vld [tilespmem:s29+$0xFFFFFF10]  }
0xa6: {  	v1 =	vld [tilespmem:s28+$0xFFFFFF10];
	_ =	sdelay $0x4  }
0xa7: {  	v0 =	vadd.f32 v0, v1;
	_ =	sdelay $0x1  }
0xa8: {  	[tilespmem:s14+$0xFFFFFF10] =	vst v0  }
0xa9: {  	v0 =	vld [tilespmem:s28+$0xFFFFFF20]  }
0xaa: {  	v1 =	vld [tilespmem:s29+$0xFFFFFF20];
	_ =	sdelay $0x4  }
0xab: {  	v0 =	vadd.f32 v1, v0;
	_ =	sdelay $0x1  }
0xac: {  	[tilespmem:s14+$0xFFFFFF20] =	vst v0  }
0xad: {  	v0 =	vld [tilespmem:s28+$0xFFFFFF30]  }
0xae: {  	v1 =	vld [tilespmem:s29+$0xFFFFFF30];
	_ =	sdelay $0x4  }
0xaf: {  	v0 =	vadd.f32 v1, v0;
	_ =	sdelay $0x1  }
0xb0: {  	[tilespmem:s14+$0xFFFFFF30] =	vst v0  }
0xb1: {  	v0 =	vld [tilespmem:s28+$0xFFFFFF40]  }
0xb2: {  	v1 =	vld [tilespmem:s29+$0xFFFFFF40];
	_ =	sdelay $0x4  }
0xb3: {  	v0 =	vadd.f32 v1, v0;
	_ =	sdelay $0x1  }
0xb4: {  	[tilespmem:s14+$0xFFFFFF40] =	vst v0  }
0xb5: {  	v0 =	vld [tilespmem:s28+$0xFFFFFF50]  }
0xb6: {  	v1 =	vld [tilespmem:s29+$0xFFFFFF50];
	_ =	sdelay $0x4  }
0xb7: {  	v0 =	vadd.f32 v1, v0;
	_ =	sdelay $0x1  }
0xb8: {  	[tilespmem:s14+$0xFFFFFF50] =	vst v0  }
0xb9: {  	v0 =	vld [tilespmem:s28+$0xFFFFFF60]  }
0xba: {  	v1 =	vld [tilespmem:s29+$0xFFFFFF60];
	_ =	sdelay $0x4  }
0xbb: {  	v0 =	vadd.f32 v1, v0;
	_ =	sdelay $0x1  }
0xbc: {  	[tilespmem:s14+$0xFFFFFF60] =	vst v0  }
0xbd: {  	v0 =	vld [tilespmem:s28+$0xFFFFFF70]  }
0xbe: {  	v1 =	vld [tilespmem:s29+$0xFFFFFF70];
	_ =	sdelay $0x4  }
0xbf: {  	v0 =	vadd.f32 v1, v0;
	_ =	sdelay $0x1  }
0xc0: {  	[tilespmem:s14+$0xFFFFFF70] =	vst v0  }
0xc1: {  	v0 =	vld [tilespmem:s28+$0xFFFFFF80]  }
0xc2: {  	v1 =	vld [tilespmem:s29+$0xFFFFFF80];
	_ =	sdelay $0x4  }
0xc3: {  	v0 =	vadd.f32 v1, v0;
	_ =	sdelay $0x1  }
0xc4: {  	[tilespmem:s14+$0xFFFFFF80] =	vst v0  }
0xc5: {  	v0 =	vld [tilespmem:s28+$0xFFFFFF90]  }
0xc6: {  	v1 =	vld [tilespmem:s29+$0xFFFFFF90];
	_ =	sdelay $0x4  }
0xc7: {  	v0 =	vadd.f32 v1, v0;
	_ =	sdelay $0x1  }
0xc8: {  	[tilespmem:s14+$0xFFFFFF90] =	vst v0  }
0xc9: {  	v0 =	vld [tilespmem:s28+$0xFFFFFFA0]  }
0xca: {  	v1 =	vld [tilespmem:s29+$0xFFFFFFA0];
	_ =	sdelay $0x4  }
0xcb: {  	v0 =	vadd.f32 v1, v0;
	_ =	sdelay $0x1  }
0xcc: {  	[tilespmem:s14+$0xFFFFFFA0] =	vst v0  }
0xcd: {  	v0 =	vld [tilespmem:s28+$0xFFFFFFB0]  }
0xce: {  	v1 =	vld [tilespmem:s29+$0xFFFFFFB0];
	_ =	sdelay $0x4  }
0xcf: {  	v0 =	vadd.f32 v1, v0;
	_ =	sdelay $0x1  }
0xd0: {  	[tilespmem:s14+$0xFFFFFFB0] =	vst v0  }
0xd1: {  	v0 =	vld [tilespmem:s28+$0xFFFFFFC0]  }
0xd2: {  	v1 =	vld [tilespmem:s29+$0xFFFFFFC0];
	_ =	sdelay $0x4  }
0xd3: {  	v0 =	vadd.f32 v1, v0;
	_ =	sdelay $0x1  }
0xd4: {  	[tilespmem:s14+$0xFFFFFFC0] =	vst v0  }
0xd5: {  	v0 =	vld [tilespmem:s28+$0xFFFFFFD0]  }
0xd6: {  	v1 =	vld [tilespmem:s29+$0xFFFFFFD0];
	_ =	sdelay $0x4  }
0xd7: {  	v0 =	vadd.f32 v1, v0;
	_ =	sdelay $0x1  }
0xd8: {  	[tilespmem:s14+$0xFFFFFFD0] =	vst v0  }
0xd9: {  	v0 =	vld [tilespmem:s28+$0xFFFFFFE0]  }
0xda: {  	v1 =	vld [tilespmem:s29+$0xFFFFFFE0];
	_ =	sdelay $0x4  }
0xdb: {  	v0 =	vadd.f32 v1, v0;
	_ =	sdelay $0x1  }
0xdc: {  	[tilespmem:s14+$0xFFFFFFE0] =	vst v0  }
0xdd: {  	v0 =	vld [tilespmem:s28+$0xFFFFFFF0]  }
0xde: {  	v1 =	vld [tilespmem:s29+$0xFFFFFFF0];
	_ =	sdelay $0x4  }
0xdf: {  	v0 =	vadd.f32 v1, v0;
	_ =	sdelay $0x1  }
0xe0: {  	[tilespmem:s14+$0xFFFFFFF0] =	vst v0  }
0xe1: {  	v0 =	vld [tilespmem:s28+$0x0]  }
0xe2: {  	v1 =	vld [tilespmem:s29+$0x0];
	_ =	sdelay $0x4  }
0xe3: {  	v0 =	vadd.f32 v1, v0;
	_ =	sdelay $0x1  }
0xe4: {  	[tilespmem:s14+$0x0] =	vst v0  }
0xe5: {  	v0 =	vld [tilespmem:s28+$0x10]  }
0xe6: {  	v1 =	vld [tilespmem:s29+$0x10];
	_ =	sdelay $0x4  }
0xe7: {  	v0 =	vadd.f32 v1, v0;
	_ =	sdelay $0x1  }
0xe8: {  	[tilespmem:s14+$0x10] =	vst v0  }
0xe9: {  	v0 =	vld [tilespmem:s28+$0x20]  }
0xea: {  	v1 =	vld [tilespmem:s29+$0x20];
	_ =	sdelay $0x4  }
0xeb: {  	v0 =	vadd.f32 v1, v0;
	_ =	sdelay $0x1  }
0xec: {  	[tilespmem:s14+$0x20] =	vst v0  }
0xed: {  	v0 =	vld [tilespmem:s28+$0x30]  }
0xee: {  	v1 =	vld [tilespmem:s29+$0x30];
	_ =	sdelay $0x4  }
0xef: {  	v0 =	vadd.f32 v1, v0;
	_ =	sdelay $0x1  }
0xf0: {  	[tilespmem:s14+$0x30] =	vst v0  }
0xf1: {  	v0 =	vld [tilespmem:s28+$0x40]  }
0xf2: {  	v1 =	vld [tilespmem:s29+$0x40];
	_ =	sdelay $0x4  }
0xf3: {  	v0 =	vadd.f32 v1, v0;
	_ =	sdelay $0x1  }
0xf4: {  	[tilespmem:s14+$0x40] =	vst v0  }
0xf5: {  	v0 =	vld [tilespmem:s28+$0x50]  }
0xf6: {  	v1 =	vld [tilespmem:s29+$0x50];
	_ =	sdelay $0x4  }
0xf7: {  	v0 =	vadd.f32 v1, v0;
	_ =	sdelay $0x1  }
0xf8: {  	[tilespmem:s14+$0x50] =	vst v0  }
0xf9: {  	v0 =	vld [tilespmem:s28+$0x60]  }
0xfa: {  	v1 =	vld [tilespmem:s29+$0x60];
	_ =	sdelay $0x4  }
0xfb: {  	v0 =	vadd.f32 v1, v0;
	_ =	sdelay $0x1  }
0xfc: {  	[tilespmem:s14+$0x60] =	vst v0  }
0xfd: {  	v0 =	vld [tilespmem:s28+$0x70]  }
0xfe: {  	v1 =	vld [tilespmem:s29+$0x70];
	_ =	sdelay $0x4  }
0xff: {  	v0 =	vadd.f32 v1, v0;
	_ =	sdelay $0x1  }
0x100: {  	[tilespmem:s14+$0x70] =	vst v0  }
0x101: {  	v0 =	vld [tilespmem:s28+$0x80]  }
0x102: {  	v1 =	vld [tilespmem:s29+$0x80];
	_ =	sdelay $0x4  }
0x103: {  	v0 =	vadd.f32 v1, v0;
	_ =	sdelay $0x1  }
0x104: {  	[tilespmem:s14+$0x80] =	vst v0  }
0x105: {  	v0 =	vld [tilespmem:s28+$0x90]  }
0x106: {  	v1 =	vld [tilespmem:s29+$0x90];
	_ =	sdelay $0x4  }
0x107: {  	v0 =	vadd.f32 v1, v0;
	_ =	sdelay $0x1  }
0x108: {  	[tilespmem:s14+$0x90] =	vst v0  }
0x109: {  	v0 =	vld [tilespmem:s28+$0xA0]  }
0x10a: {  	v1 =	vld [tilespmem:s29+$0xA0];
	_ =	sdelay $0x4  }
0x10b: {  	v0 =	vadd.f32 v1, v0;
	_ =	sdelay $0x1  }
0x10c: {  	[tilespmem:s14+$0xA0] =	vst v0  }
0x10d: {  	v0 =	vld [tilespmem:s28+$0xB0]  }
0x10e: {  	v1 =	vld [tilespmem:s29+$0xB0];
	_ =	sdelay $0x4  }
0x10f: {  	v0 =	vadd.f32 v1, v0;
	_ =	sdelay $0x1  }
.Ltmp0:
0x110: {  	[tilespmem:s14+$0xB0] =	vst v0;
	(pc) =	sbr.rel @p0 .LBB2_2-.Ltmp0, $3  }
0x111: {  	v0 =	vld [tilespmem:s28+$0xC0]  }
0x112: {  	v1 =	vld [tilespmem:s29+$0xC0];
	_ =	sdelay $0x1  }
0x113: {  	s14 =	sadd.s32 $0x200, s14  }
0x114: {  	_ =	sdelay $0x1  }
0x115: {  	v0 =	vadd.f32 v1, v0;
	_ =	sdelay $0x1  }
0x116: {  	[tilespmem:s26+$0xC0] =	vst v0  }
0x117: {  	v0 =	vld [tilespmem:s1+$0xD0]  }
0x118: {  	v1 =	vld [tilespmem:s30+$0xD0];
	_ =	sdelay $0x4  }
0x119: {  	v0 =	vadd.f32 v1, v0;
	_ =	sdelay $0x1  }
0x11a: {  	[tilespmem:s26+$0xD0] =	vst v0  }
0x11b: {  	v0 =	vld [tilespmem:s1+$0xE0]  }
0x11c: {  	v1 =	vld [tilespmem:s30+$0xE0];
	_ =	sdelay $0x4  }
0x11d: {  	v0 =	vadd.f32 v1, v0;
	_ =	sdelay $0x1  }
0x11e: {  	[tilespmem:s26+$0xE0] =	vst v0  }
0x11f: {  	v0 =	vld [tilespmem:s1+$0xF0]  }
0x120: {  	v1 =	vld [tilespmem:s30+$0xF0];
	_ =	sdelay $0x4  }
0x121: {  	v0 =	vadd.f32 v1, v0;
	_ =	sdelay $0x1  }
0x122: {  	[tilespmem:s26+$0xF0] =	vst v0  }
0x123: {  	[hbm4b:s8+s2] =	stream.linear.scatter [tilespmem:s20], [sflag:$0x2], $0x3200, $0x38;
	[tilespmem:$0x15E00] =	vst v63  }
0x124: {  	_ =	swait.ge [sflag:s18], $0x3200  }
0x125: {  	[sflag:s18] =	ssyncset.done $0x0  }
0x126: {  	s0 =	simm.s32 $0x190;
	s28 =	simm.s32 $0x9700;
	[sflag:s18] =	ssyncadd.s32 $0xFFFFCE00  }
0x127: {  	[tilespmem:s17], [sflag:$0x1] =	stream.indirect.gather [hbm4b:s4+s16], $0x40, s0, s16, $0xb8;
	[tilespmem:$0x15E00] =	vst v63  }
0x128: {  	s29 =	simm.s32 $0x12D00;
	v0 =	vld [tilespmem:s28+$0xFFFFFF00]  }
0x129: {  	v1 =	vld [tilespmem:s29+$0xFFFFFF00];
	_ =	sdelay $0x4  }
0x12a: {  	v0 =	vadd.f32 v1, v0  }
0x12b: {  	s26 =	simm.s32 $0xFB00  }
0x12c: {  	[tilespmem:s26+$0xFFFFFF00] =	vst v0  }
0x12d: {  	v0 =	vld [tilespmem:s29+$0xFFFFFF10]  }
0x12e: {  	v1 =	vld [tilespmem:s28+$0xFFFFFF10];
	_ =	sdelay $0x4  }
0x12f: {  	v0 =	vadd.f32 v0, v1;
	_ =	sdelay $0x1  }
0x130: {  	[tilespmem:s26+$0xFFFFFF10] =	vst v0  }
0x131: {  	v0 =	vld [tilespmem:s28+$0xFFFFFF20]  }
0x132: {  	v1 =	vld [tilespmem:s29+$0xFFFFFF20];
	_ =	sdelay $0x4  }
0x133: {  	v0 =	vadd.f32 v1, v0;
	_ =	sdelay $0x1  }
0x134: {  	[tilespmem:s26+$0xFFFFFF20] =	vst v0  }
0x135: {  	v0 =	vld [tilespmem:s28+$0xFFFFFF30]  }
0x136: {  	v1 =	vld [tilespmem:s29+$0xFFFFFF30];
	_ =	sdelay $0x4  }
0x137: {  	v0 =	vadd.f32 v1, v0;
	_ =	sdelay $0x1  }
0x138: {  	[tilespmem:s26+$0xFFFFFF30] =	vst v0  }
0x139: {  	v0 =	vld [tilespmem:s28+$0xFFFFFF40]  }
0x13a: {  	v1 =	vld [tilespmem:s29+$0xFFFFFF40];
	_ =	sdelay $0x4  }
0x13b: {  	v0 =	vadd.f32 v1, v0;
	_ =	sdelay $0x1  }
0x13c: {  	[tilespmem:s26+$0xFFFFFF40] =	vst v0  }
0x13d: {  	v0 =	vld [tilespmem:s28+$0xFFFFFF50]  }
0x13e: {  	v1 =	vld [tilespmem:s29+$0xFFFFFF50];
	_ =	sdelay $0x4  }
0x13f: {  	v0 =	vadd.f32 v1, v0;
	_ =	sdelay $0x1  }
0x140: {  	[tilespmem:s26+$0xFFFFFF50] =	vst v0  }
0x141: {  	v0 =	vld [tilespmem:s28+$0xFFFFFF60]  }
0x142: {  	v1 =	vld [tilespmem:s29+$0xFFFFFF60];
	_ =	sdelay $0x4  }
0x143: {  	v0 =	vadd.f32 v1, v0;
	_ =	sdelay $0x1  }
0x144: {  	[tilespmem:s26+$0xFFFFFF60] =	vst v0  }
0x145: {  	v0 =	vld [tilespmem:s28+$0xFFFFFF70]  }
0x146: {  	v1 =	vld [tilespmem:s29+$0xFFFFFF70];
	_ =	sdelay $0x4  }
0x147: {  	v0 =	vadd.f32 v1, v0;
	_ =	sdelay $0x1  }
0x148: {  	[tilespmem:s26+$0xFFFFFF70] =	vst v0  }
0x149: {  	v0 =	vld [tilespmem:s28+$0xFFFFFF80]  }
0x14a: {  	v1 =	vld [tilespmem:s29+$0xFFFFFF80];
	_ =	sdelay $0x4  }
0x14b: {  	v0 =	vadd.f32 v1, v0;
	_ =	sdelay $0x1  }
0x14c: {  	[tilespmem:s26+$0xFFFFFF80] =	vst v0  }
0x14d: {  	v0 =	vld [tilespmem:s28+$0xFFFFFF90]  }
0x14e: {  	v1 =	vld [tilespmem:s29+$0xFFFFFF90];
	_ =	sdelay $0x4  }
0x14f: {  	v0 =	vadd.f32 v1, v0;
	_ =	sdelay $0x1  }
0x150: {  	[tilespmem:s26+$0xFFFFFF90] =	vst v0  }
0x151: {  	v0 =	vld [tilespmem:s28+$0xFFFFFFA0]  }
0x152: {  	v1 =	vld [tilespmem:s29+$0xFFFFFFA0];
	_ =	sdelay $0x4  }
0x153: {  	v0 =	vadd.f32 v1, v0;
	_ =	sdelay $0x1  }
0x154: {  	[tilespmem:s26+$0xFFFFFFA0] =	vst v0  }
0x155: {  	v0 =	vld [tilespmem:s28+$0xFFFFFFB0]  }
0x156: {  	v1 =	vld [tilespmem:s29+$0xFFFFFFB0];
	_ =	sdelay $0x4  }
0x157: {  	v0 =	vadd.f32 v1, v0;
	_ =	sdelay $0x1  }
0x158: {  	[tilespmem:s26+$0xFFFFFFB0] =	vst v0  }
0x159: {  	v0 =	vld [tilespmem:s28+$0xFFFFFFC0]  }
0x15a: {  	v1 =	vld [tilespmem:s29+$0xFFFFFFC0];
	_ =	sdelay $0x4  }
0x15b: {  	v0 =	vadd.f32 v1, v0;
	_ =	sdelay $0x1  }
0x15c: {  	[tilespmem:s26+$0xFFFFFFC0] =	vst v0  }
0x15d: {  	v0 =	vld [tilespmem:s28+$0xFFFFFFD0]  }
0x15e: {  	v1 =	vld [tilespmem:s29+$0xFFFFFFD0];
	_ =	sdelay $0x4  }
0x15f: {  	v0 =	vadd.f32 v1, v0;
	_ =	sdelay $0x1  }
0x160: {  	[tilespmem:s26+$0xFFFFFFD0] =	vst v0  }
0x161: {  	v0 =	vld [tilespmem:s28+$0xFFFFFFE0]  }
0x162: {  	v1 =	vld [tilespmem:s29+$0xFFFFFFE0];
	_ =	sdelay $0x4  }
0x163: {  	v0 =	vadd.f32 v1, v0;
	_ =	sdelay $0x1  }
0x164: {  	[tilespmem:s26+$0xFFFFFFE0] =	vst v0  }
0x165: {  	v0 =	vld [tilespmem:s28+$0xFFFFFFF0]  }
0x166: {  	v1 =	vld [tilespmem:s29+$0xFFFFFFF0];
	_ =	sdelay $0x4  }
0x167: {  	v0 =	vadd.f32 v1, v0;
	_ =	sdelay $0x1  }
0x168: {  	[tilespmem:s26+$0xFFFFFFF0] =	vst v0  }
0x169: {  	v0 =	vld [tilespmem:s28+$0x0]  }
0x16a: {  	v1 =	vld [tilespmem:s29+$0x0];
	_ =	sdelay $0x4  }
0x16b: {  	v0 =	vadd.f32 v1, v0;
	_ =	sdelay $0x1  }
0x16c: {  	[tilespmem:s26+$0x0] =	vst v0  }
0x16d: {  	v0 =	vld [tilespmem:s28+$0x10]  }
0x16e: {  	v1 =	vld [tilespmem:s29+$0x10];
	_ =	sdelay $0x4  }
0x16f: {  	v0 =	vadd.f32 v1, v0;
	_ =	sdelay $0x1  }
0x170: {  	[tilespmem:s26+$0x10] =	vst v0  }
0x171: {  	v0 =	vld [tilespmem:s28+$0x20]  }
0x172: {  	v1 =	vld [tilespmem:s29+$0x20];
	_ =	sdelay $0x4  }
0x173: {  	v0 =	vadd.f32 v1, v0;
	_ =	sdelay $0x1  }
0x174: {  	[tilespmem:s26+$0x20] =	vst v0  }
0x175: {  	v0 =	vld [tilespmem:s28+$0x30]  }
0x176: {  	v1 =	vld [tilespmem:s29+$0x30];
	_ =	sdelay $0x4  }
0x177: {  	v0 =	vadd.f32 v1, v0;
	_ =	sdelay $0x1  }
0x178: {  	[tilespmem:s26+$0x30] =	vst v0  }
0x179: {  	v0 =	vld [tilespmem:s28+$0x40]  }
0x17a: {  	v1 =	vld [tilespmem:s29+$0x40];
	_ =	sdelay $0x4  }
0x17b: {  	v0 =	vadd.f32 v1, v0;
	_ =	sdelay $0x1  }
0x17c: {  	[tilespmem:s26+$0x40] =	vst v0  }
0x17d: {  	v0 =	vld [tilespmem:s28+$0x50]  }
0x17e: {  	v1 =	vld [tilespmem:s29+$0x50];
	_ =	sdelay $0x4  }
0x17f: {  	v0 =	vadd.f32 v1, v0;
	_ =	sdelay $0x1  }
0x180: {  	[tilespmem:s26+$0x50] =	vst v0  }
0x181: {  	v0 =	vld [tilespmem:s28+$0x60]  }
0x182: {  	v1 =	vld [tilespmem:s29+$0x60];
	_ =	sdelay $0x4  }
0x183: {  	v0 =	vadd.f32 v1, v0;
	_ =	sdelay $0x1  }
0x184: {  	[tilespmem:s26+$0x60] =	vst v0  }
0x185: {  	v0 =	vld [tilespmem:s28+$0x70]  }
0x186: {  	v1 =	vld [tilespmem:s29+$0x70];
	_ =	sdelay $0x4  }
0x187: {  	v0 =	vadd.f32 v1, v0;
	_ =	sdelay $0x1  }
0x188: {  	[tilespmem:s26+$0x70] =	vst v0  }
0x189: {  	v0 =	vld [tilespmem:s28+$0x80]  }
0x18a: {  	v1 =	vld [tilespmem:s29+$0x80];
	_ =	sdelay $0x4  }
0x18b: {  	v0 =	vadd.f32 v1, v0;
	_ =	sdelay $0x1  }
0x18c: {  	[tilespmem:s26+$0x80] =	vst v0  }
0x18d: {  	v0 =	vld [tilespmem:s28+$0x90]  }
0x18e: {  	v1 =	vld [tilespmem:s29+$0x90];
	_ =	sdelay $0x4  }
0x18f: {  	v0 =	vadd.f32 v1, v0;
	_ =	sdelay $0x1  }
0x190: {  	[tilespmem:s26+$0x90] =	vst v0  }
0x191: {  	v0 =	vld [tilespmem:s28+$0xA0]  }
0x192: {  	v1 =	vld [tilespmem:s29+$0xA0];
	_ =	sdelay $0x4  }
0x193: {  	v0 =	vadd.f32 v1, v0;
	_ =	sdelay $0x1  }
0x194: {  	[tilespmem:s26+$0xA0] =	vst v0  }
0x195: {  	v0 =	vld [tilespmem:s28+$0xB0]  }
0x196: {  	v1 =	vld [tilespmem:s29+$0xB0];
	_ =	sdelay $0x4  }
0x197: {  	v0 =	vadd.f32 v1, v0;
	_ =	sdelay $0x1  }
0x198: {  	[tilespmem:s26+$0xB0] =	vst v0  }
0x199: {  	v0 =	vld [tilespmem:s28+$0xC0]  }
0x19a: {  	v1 =	vld [tilespmem:s29+$0xC0]  }
0x19b: {  	s14 =	simm.s32 $0xFD00  }
0x19c: {  	s1 =	simm.s32 $0x9700;
	s30 =	simm.s32 $0x12D00;
	s0 =	simm.s32 $0x0  }
.LBB2_4:
0x19d: {  	s0 =	sadd.s32 $0x8, s0;
	s28 =	sadd.s32 $0x200, s28;
	s29 =	sadd.s32 $0x200, s29  }
0x19e: {  	p0 =	slt.u32 s0, $0xC0  }
0x19f: {  	v0 =	vadd.f32 v1, v0;
	_ =	sdelay $0x1  }
0x1a0: {  	[tilespmem:s26+$0xC0] =	vst v0  }
0x1a1: {  	v0 =	vld [tilespmem:s1+$0xD0]  }
0x1a2: {  	v1 =	vld [tilespmem:s30+$0xD0];
	_ =	sdelay $0x4  }
0x1a3: {  	v0 =	vadd.f32 v1, v0;
	_ =	sdelay $0x1  }
0x1a4: {  	[tilespmem:s26+$0xD0] =	vst v0  }
0x1a5: {  	v0 =	vld [tilespmem:s1+$0xE0]  }
0x1a6: {  	v1 =	vld [tilespmem:s30+$0xE0];
	_ =	sdelay $0x4  }
0x1a7: {  	v0 =	vadd.f32 v1, v0;
	_ =	sdelay $0x1  }
0x1a8: {  	[tilespmem:s26+$0xE0] =	vst v0  }
0x1a9: {  	v0 =	vld [tilespmem:s1+$0xF0];
	s1 =	smov.u32 s28  }
0x1aa: {  	v1 =	vld [tilespmem:s30+$0xF0];
	s30 =	smov.u32 s29;
	_ =	sdelay $0x4  }
0x1ab: {  	v0 =	vadd.f32 v1, v0;
	_ =	sdelay $0x1  }
0x1ac: {  	[tilespmem:s26+$0xF0] =	vst v0;
	s26 =	smov.u32 s14  }
0x1ad: {  	v0 =	vld [tilespmem:s28+$0xFFFFFF00]  }
0x1ae: {  	v1 =	vld [tilespmem:s29+$0xFFFFFF00];
	_ =	sdelay $0x4  }
0x1af: {  	v0 =	vadd.f32 v1, v0;
	_ =	sdelay $0x1  }
0x1b0: {  	[tilespmem:s14+$0xFFFFFF00] =	vst v0  }
0x1b1: {  	v0 =	vld [tilespmem:s29+$0xFFFFFF10]  }
0x1b2: {  	v1 =	vld [tilespmem:s28+$0xFFFFFF10];
	_ =	sdelay $0x4  }
0x1b3: {  	v0 =	vadd.f32 v0, v1;
	_ =	sdelay $0x1  }
0x1b4: {  	[tilespmem:s14+$0xFFFFFF10] =	vst v0  }
0x1b5: {  	v0 =	vld [tilespmem:s28+$0xFFFFFF20]  }
0x1b6: {  	v1 =	vld [tilespmem:s29+$0xFFFFFF20];
	_ =	sdelay $0x4  }
0x1b7: {  	v0 =	vadd.f32 v1, v0;
	_ =	sdelay $0x1  }
0x1b8: {  	[tilespmem:s14+$0xFFFFFF20] =	vst v0  }
0x1b9: {  	v0 =	vld [tilespmem:s28+$0xFFFFFF30]  }
0x1ba: {  	v1 =	vld [tilespmem:s29+$0xFFFFFF30];
	_ =	sdelay $0x4  }
0x1bb: {  	v0 =	vadd.f32 v1, v0;
	_ =	sdelay $0x1  }
0x1bc: {  	[tilespmem:s14+$0xFFFFFF30] =	vst v0  }
0x1bd: {  	v0 =	vld [tilespmem:s28+$0xFFFFFF40]  }
0x1be: {  	v1 =	vld [tilespmem:s29+$0xFFFFFF40];
	_ =	sdelay $0x4  }
0x1bf: {  	v0 =	vadd.f32 v1, v0;
	_ =	sdelay $0x1  }
0x1c0: {  	[tilespmem:s14+$0xFFFFFF40] =	vst v0  }
0x1c1: {  	v0 =	vld [tilespmem:s28+$0xFFFFFF50]  }
0x1c2: {  	v1 =	vld [tilespmem:s29+$0xFFFFFF50];
	_ =	sdelay $0x4  }
0x1c3: {  	v0 =	vadd.f32 v1, v0;
	_ =	sdelay $0x1  }
0x1c4: {  	[tilespmem:s14+$0xFFFFFF50] =	vst v0  }
0x1c5: {  	v0 =	vld [tilespmem:s28+$0xFFFFFF60]  }
0x1c6: {  	v1 =	vld [tilespmem:s29+$0xFFFFFF60];
	_ =	sdelay $0x4  }
0x1c7: {  	v0 =	vadd.f32 v1, v0;
	_ =	sdelay $0x1  }
0x1c8: {  	[tilespmem:s14+$0xFFFFFF60] =	vst v0  }
0x1c9: {  	v0 =	vld [tilespmem:s28+$0xFFFFFF70]  }
0x1ca: {  	v1 =	vld [tilespmem:s29+$0xFFFFFF70];
	_ =	sdelay $0x4  }
0x1cb: {  	v0 =	vadd.f32 v1, v0;
	_ =	sdelay $0x1  }
0x1cc: {  	[tilespmem:s14+$0xFFFFFF70] =	vst v0  }
0x1cd: {  	v0 =	vld [tilespmem:s28+$0xFFFFFF80]  }
0x1ce: {  	v1 =	vld [tilespmem:s29+$0xFFFFFF80];
	_ =	sdelay $0x4  }
0x1cf: {  	v0 =	vadd.f32 v1, v0;
	_ =	sdelay $0x1  }
0x1d0: {  	[tilespmem:s14+$0xFFFFFF80] =	vst v0  }
0x1d1: {  	v0 =	vld [tilespmem:s28+$0xFFFFFF90]  }
0x1d2: {  	v1 =	vld [tilespmem:s29+$0xFFFFFF90];
	_ =	sdelay $0x4  }
0x1d3: {  	v0 =	vadd.f32 v1, v0;
	_ =	sdelay $0x1  }
0x1d4: {  	[tilespmem:s14+$0xFFFFFF90] =	vst v0  }
0x1d5: {  	v0 =	vld [tilespmem:s28+$0xFFFFFFA0]  }
0x1d6: {  	v1 =	vld [tilespmem:s29+$0xFFFFFFA0];
	_ =	sdelay $0x4  }
0x1d7: {  	v0 =	vadd.f32 v1, v0;
	_ =	sdelay $0x1  }
0x1d8: {  	[tilespmem:s14+$0xFFFFFFA0] =	vst v0  }
0x1d9: {  	v0 =	vld [tilespmem:s28+$0xFFFFFFB0]  }
0x1da: {  	v1 =	vld [tilespmem:s29+$0xFFFFFFB0];
	_ =	sdelay $0x4  }
0x1db: {  	v0 =	vadd.f32 v1, v0;
	_ =	sdelay $0x1  }
0x1dc: {  	[tilespmem:s14+$0xFFFFFFB0] =	vst v0  }
0x1dd: {  	v0 =	vld [tilespmem:s28+$0xFFFFFFC0]  }
0x1de: {  	v1 =	vld [tilespmem:s29+$0xFFFFFFC0];
	_ =	sdelay $0x4  }
0x1df: {  	v0 =	vadd.f32 v1, v0;
	_ =	sdelay $0x1  }
0x1e0: {  	[tilespmem:s14+$0xFFFFFFC0] =	vst v0  }
0x1e1: {  	v0 =	vld [tilespmem:s28+$0xFFFFFFD0]  }
0x1e2: {  	v1 =	vld [tilespmem:s29+$0xFFFFFFD0];
	_ =	sdelay $0x4  }
0x1e3: {  	v0 =	vadd.f32 v1, v0;
	_ =	sdelay $0x1  }
0x1e4: {  	[tilespmem:s14+$0xFFFFFFD0] =	vst v0  }
0x1e5: {  	v0 =	vld [tilespmem:s28+$0xFFFFFFE0]  }
0x1e6: {  	v1 =	vld [tilespmem:s29+$0xFFFFFFE0];
	_ =	sdelay $0x4  }
0x1e7: {  	v0 =	vadd.f32 v1, v0;
	_ =	sdelay $0x1  }
0x1e8: {  	[tilespmem:s14+$0xFFFFFFE0] =	vst v0  }
0x1e9: {  	v0 =	vld [tilespmem:s28+$0xFFFFFFF0]  }
0x1ea: {  	v1 =	vld [tilespmem:s29+$0xFFFFFFF0];
	_ =	sdelay $0x4  }
0x1eb: {  	v0 =	vadd.f32 v1, v0;
	_ =	sdelay $0x1  }
0x1ec: {  	[tilespmem:s14+$0xFFFFFFF0] =	vst v0  }
0x1ed: {  	v0 =	vld [tilespmem:s28+$0x0]  }
0x1ee: {  	v1 =	vld [tilespmem:s29+$0x0];
	_ =	sdelay $0x4  }
0x1ef: {  	v0 =	vadd.f32 v1, v0;
	_ =	sdelay $0x1  }
0x1f0: {  	[tilespmem:s14+$0x0] =	vst v0  }
0x1f1: {  	v0 =	vld [tilespmem:s28+$0x10]  }
0x1f2: {  	v1 =	vld [tilespmem:s29+$0x10];
	_ =	sdelay $0x4  }
0x1f3: {  	v0 =	vadd.f32 v1, v0;
	_ =	sdelay $0x1  }
0x1f4: {  	[tilespmem:s14+$0x10] =	vst v0  }
0x1f5: {  	v0 =	vld [tilespmem:s28+$0x20]  }
0x1f6: {  	v1 =	vld [tilespmem:s29+$0x20];
	_ =	sdelay $0x4  }
0x1f7: {  	v0 =	vadd.f32 v1, v0;
	_ =	sdelay $0x1  }
0x1f8: {  	[tilespmem:s14+$0x20] =	vst v0  }
0x1f9: {  	v0 =	vld [tilespmem:s28+$0x30]  }
0x1fa: {  	v1 =	vld [tilespmem:s29+$0x30];
	_ =	sdelay $0x4  }
0x1fb: {  	v0 =	vadd.f32 v1, v0;
	_ =	sdelay $0x1  }
0x1fc: {  	[tilespmem:s14+$0x30] =	vst v0  }
0x1fd: {  	v0 =	vld [tilespmem:s28+$0x40]  }
0x1fe: {  	v1 =	vld [tilespmem:s29+$0x40];
	_ =	sdelay $0x4  }
0x1ff: {  	v0 =	vadd.f32 v1, v0;
	_ =	sdelay $0x1  }
0x200: {  	[tilespmem:s14+$0x40] =	vst v0  }
0x201: {  	v0 =	vld [tilespmem:s28+$0x50]  }
0x202: {  	v1 =	vld [tilespmem:s29+$0x50];
	_ =	sdelay $0x4  }
0x203: {  	v0 =	vadd.f32 v1, v0;
	_ =	sdelay $0x1  }
0x204: {  	[tilespmem:s14+$0x50] =	vst v0  }
0x205: {  	v0 =	vld [tilespmem:s28+$0x60]  }
0x206: {  	v1 =	vld [tilespmem:s29+$0x60];
	_ =	sdelay $0x4  }
0x207: {  	v0 =	vadd.f32 v1, v0;
	_ =	sdelay $0x1  }
0x208: {  	[tilespmem:s14+$0x60] =	vst v0  }
0x209: {  	v0 =	vld [tilespmem:s28+$0x70]  }
0x20a: {  	v1 =	vld [tilespmem:s29+$0x70];
	_ =	sdelay $0x4  }
0x20b: {  	v0 =	vadd.f32 v1, v0;
	_ =	sdelay $0x1  }
0x20c: {  	[tilespmem:s14+$0x70] =	vst v0  }
0x20d: {  	v0 =	vld [tilespmem:s28+$0x80]  }
0x20e: {  	v1 =	vld [tilespmem:s29+$0x80];
	_ =	sdelay $0x4  }
0x20f: {  	v0 =	vadd.f32 v1, v0;
	_ =	sdelay $0x1  }
0x210: {  	[tilespmem:s14+$0x80] =	vst v0  }
0x211: {  	v0 =	vld [tilespmem:s28+$0x90]  }
0x212: {  	v1 =	vld [tilespmem:s29+$0x90];
	_ =	sdelay $0x4  }
0x213: {  	v0 =	vadd.f32 v1, v0;
	_ =	sdelay $0x1  }
0x214: {  	[tilespmem:s14+$0x90] =	vst v0  }
0x215: {  	v0 =	vld [tilespmem:s28+$0xA0]  }
0x216: {  	v1 =	vld [tilespmem:s29+$0xA0];
	_ =	sdelay $0x4  }
0x217: {  	v0 =	vadd.f32 v1, v0;
	_ =	sdelay $0x1  }
0x218: {  	[tilespmem:s14+$0xA0] =	vst v0  }
0x219: {  	v0 =	vld [tilespmem:s28+$0xB0]  }
0x21a: {  	v1 =	vld [tilespmem:s29+$0xB0];
	_ =	sdelay $0x4  }
0x21b: {  	v0 =	vadd.f32 v1, v0;
	_ =	sdelay $0x1  }
.Ltmp1:
0x21c: {  	[tilespmem:s14+$0xB0] =	vst v0;
	(pc) =	sbr.rel @p0 .LBB2_4-.Ltmp1, $3  }
0x21d: {  	v0 =	vld [tilespmem:s28+$0xC0]  }
0x21e: {  	v1 =	vld [tilespmem:s29+$0xC0];
	_ =	sdelay $0x1  }
0x21f: {  	s14 =	sadd.s32 $0x200, s14  }
0x220: {  	_ =	sdelay $0x1  }
0x221: {  	v0 =	vadd.f32 v1, v0;
	_ =	sdelay $0x1  }
0x222: {  	[tilespmem:s26+$0xC0] =	vst v0  }
0x223: {  	v0 =	vld [tilespmem:s1+$0xD0]  }
0x224: {  	v61 =	vld [tilespmem:s30+$0xD0];
	_ =	sdelay $0x4  }
0x225: {  	v0 =	vadd.f32 v61, v0;
	_ =	sdelay $0x1  }
0x226: {  	[tilespmem:s26+$0xD0] =	vst v0  }
0x227: {  	v0 =	vld [tilespmem:s1+$0xE0]  }
0x228: {  	v62 =	vld [tilespmem:s30+$0xE0];
	_ =	sdelay $0x4  }
0x229: {  	v0 =	vadd.f32 v62, v0;
	_ =	sdelay $0x1  }
0x22a: {  	[tilespmem:s26+$0xE0] =	vst v0  }
0x22b: {  	v0 =	vld [tilespmem:s1+$0xF0]  }
0x22c: {  	v63 =	vld [tilespmem:s30+$0xF0];
	_ =	sdelay $0x4  }
0x22d: {  	v0 =	vadd.f32 v63, v0;
	_ =	sdelay $0x1  }
0x22e: {  	[tilespmem:s26+$0xF0] =	vst v0;
	s26 =	simm.s32 $0x0  }
0x22f: {  	[hbm4b:s9+s26] =	stream.linear.scatter [tilespmem:s22], [sflag:$0x2], $0x3200, $0x38;
	[tilespmem:$0x15E00] =	vst v63  }
.LBB2_6:
0x230: {  	s29 =	sshll.u32 s26, $0x1  }
0x231: {  	s28 =	sadd.s32 $0x3, s29  }
0x232: {  	_ =	swait.ge [sflag:s18], $0x3200;
	s0 =	smul.u32 $0x320, s28  }
0x233: {  	[sflag:s18] =	ssyncset.done $0x0  }
0x234: {  	[sflag:s18] =	ssyncadd.s32 $0xFFFFCE00;
	s0 =	sshra.s32 s0, $0x2  }
0x235: {  	[tilespmem:s19], [sflag:$0x1] =	stream.indirect.gather [hbm4b:s4+s16], $0x40, s0, s16, $0xb8;
	[tilespmem:$0x15E00] =	vst v63  }
0x236: {  	_ =	swait.ge [sflag:s23], $0x3200  }
0x237: {  	[sflag:s23] =	ssyncset.done $0x0  }
0x238: {  	s31 =	simm.s32 $0x6500;
	[sflag:s23] =	ssyncadd.s32 $0xFFFFCE00  }
0x239: {  	s1 =	simm.s32 $0x12D00;
	v0 =	vld [tilespmem:s31+$0xFFFFFF00]  }
0x23a: {  	v1 =	vld [tilespmem:s1+$0xFFFFFF00];
	_ =	sdelay $0x4  }
0x23b: {  	v0 =	vadd.f32 v1, v0  }
0x23c: {  	s30 =	simm.s32 $0xC900  }
0x23d: {  	[tilespmem:s30+$0xFFFFFF00] =	vst v0  }
0x23e: {  	v0 =	vld [tilespmem:s1+$0xFFFFFF10]  }
0x23f: {  	v1 =	vld [tilespmem:s31+$0xFFFFFF10];
	_ =	sdelay $0x4  }
0x240: {  	v0 =	vadd.f32 v0, v1;
	_ =	sdelay $0x1  }
0x241: {  	[tilespmem:s30+$0xFFFFFF10] =	vst v0  }
0x242: {  	v0 =	vld [tilespmem:s31+$0xFFFFFF20]  }
0x243: {  	v1 =	vld [tilespmem:s1+$0xFFFFFF20];
	_ =	sdelay $0x4  }
0x244: {  	v0 =	vadd.f32 v1, v0;
	_ =	sdelay $0x1  }
0x245: {  	[tilespmem:s30+$0xFFFFFF20] =	vst v0  }
0x246: {  	v0 =	vld [tilespmem:s31+$0xFFFFFF30]  }
0x247: {  	v1 =	vld [tilespmem:s1+$0xFFFFFF30];
	_ =	sdelay $0x4  }
0x248: {  	v0 =	vadd.f32 v1, v0;
	_ =	sdelay $0x1  }
0x249: {  	[tilespmem:s30+$0xFFFFFF30] =	vst v0  }
0x24a: {  	v0 =	vld [tilespmem:s31+$0xFFFFFF40]  }
0x24b: {  	v1 =	vld [tilespmem:s1+$0xFFFFFF40];
	_ =	sdelay $0x4  }
0x24c: {  	v0 =	vadd.f32 v1, v0;
	_ =	sdelay $0x1  }
0x24d: {  	[tilespmem:s30+$0xFFFFFF40] =	vst v0  }
0x24e: {  	v0 =	vld [tilespmem:s31+$0xFFFFFF50]  }
0x24f: {  	v1 =	vld [tilespmem:s1+$0xFFFFFF50];
	_ =	sdelay $0x4  }
0x250: {  	v0 =	vadd.f32 v1, v0;
	_ =	sdelay $0x1  }
0x251: {  	[tilespmem:s30+$0xFFFFFF50] =	vst v0  }
0x252: {  	v0 =	vld [tilespmem:s31+$0xFFFFFF60]  }
0x253: {  	v1 =	vld [tilespmem:s1+$0xFFFFFF60];
	_ =	sdelay $0x4  }
0x254: {  	v0 =	vadd.f32 v1, v0;
	_ =	sdelay $0x1  }
0x255: {  	[tilespmem:s30+$0xFFFFFF60] =	vst v0  }
0x256: {  	v0 =	vld [tilespmem:s31+$0xFFFFFF70]  }
0x257: {  	v1 =	vld [tilespmem:s1+$0xFFFFFF70];
	_ =	sdelay $0x4  }
0x258: {  	v0 =	vadd.f32 v1, v0;
	_ =	sdelay $0x1  }
0x259: {  	[tilespmem:s30+$0xFFFFFF70] =	vst v0  }
0x25a: {  	v0 =	vld [tilespmem:s31+$0xFFFFFF80]  }
0x25b: {  	v1 =	vld [tilespmem:s1+$0xFFFFFF80];
	_ =	sdelay $0x4  }
0x25c: {  	v0 =	vadd.f32 v1, v0;
	_ =	sdelay $0x1  }
0x25d: {  	[tilespmem:s30+$0xFFFFFF80] =	vst v0  }
0x25e: {  	v0 =	vld [tilespmem:s31+$0xFFFFFF90]  }
0x25f: {  	v1 =	vld [tilespmem:s1+$0xFFFFFF90];
	_ =	sdelay $0x4  }
0x260: {  	v0 =	vadd.f32 v1, v0;
	_ =	sdelay $0x1  }
0x261: {  	[tilespmem:s30+$0xFFFFFF90] =	vst v0  }
0x262: {  	v0 =	vld [tilespmem:s31+$0xFFFFFFA0]  }
0x263: {  	v1 =	vld [tilespmem:s1+$0xFFFFFFA0];
	_ =	sdelay $0x4  }
0x264: {  	v0 =	vadd.f32 v1, v0;
	_ =	sdelay $0x1  }
0x265: {  	[tilespmem:s30+$0xFFFFFFA0] =	vst v0  }
0x266: {  	v0 =	vld [tilespmem:s31+$0xFFFFFFB0]  }
0x267: {  	v1 =	vld [tilespmem:s1+$0xFFFFFFB0];
	_ =	sdelay $0x4  }
0x268: {  	v0 =	vadd.f32 v1, v0;
	_ =	sdelay $0x1  }
0x269: {  	[tilespmem:s30+$0xFFFFFFB0] =	vst v0  }
0x26a: {  	v0 =	vld [tilespmem:s31+$0xFFFFFFC0]  }
0x26b: {  	v1 =	vld [tilespmem:s1+$0xFFFFFFC0];
	_ =	sdelay $0x4  }
0x26c: {  	v0 =	vadd.f32 v1, v0;
	_ =	sdelay $0x1  }
0x26d: {  	[tilespmem:s30+$0xFFFFFFC0] =	vst v0  }
0x26e: {  	v0 =	vld [tilespmem:s31+$0xFFFFFFD0]  }
0x26f: {  	v1 =	vld [tilespmem:s1+$0xFFFFFFD0];
	_ =	sdelay $0x4  }
0x270: {  	v0 =	vadd.f32 v1, v0;
	_ =	sdelay $0x1  }
0x271: {  	[tilespmem:s30+$0xFFFFFFD0] =	vst v0  }
0x272: {  	v0 =	vld [tilespmem:s31+$0xFFFFFFE0]  }
0x273: {  	v1 =	vld [tilespmem:s1+$0xFFFFFFE0];
	_ =	sdelay $0x4  }
0x274: {  	v0 =	vadd.f32 v1, v0;
	_ =	sdelay $0x1  }
0x275: {  	[tilespmem:s30+$0xFFFFFFE0] =	vst v0  }
0x276: {  	v0 =	vld [tilespmem:s31+$0xFFFFFFF0]  }
0x277: {  	v1 =	vld [tilespmem:s1+$0xFFFFFFF0];
	_ =	sdelay $0x4  }
0x278: {  	v0 =	vadd.f32 v1, v0;
	_ =	sdelay $0x1  }
0x279: {  	[tilespmem:s30+$0xFFFFFFF0] =	vst v0  }
0x27a: {  	v0 =	vld [tilespmem:s31+$0x0]  }
0x27b: {  	v1 =	vld [tilespmem:s1+$0x0];
	_ =	sdelay $0x4  }
0x27c: {  	v0 =	vadd.f32 v1, v0;
	_ =	sdelay $0x1  }
0x27d: {  	[tilespmem:s30+$0x0] =	vst v0  }
0x27e: {  	v0 =	vld [tilespmem:s31+$0x10]  }
0x27f: {  	v1 =	vld [tilespmem:s1+$0x10];
	_ =	sdelay $0x4  }
0x280: {  	v0 =	vadd.f32 v1, v0;
	_ =	sdelay $0x1  }
0x281: {  	[tilespmem:s30+$0x10] =	vst v0  }
0x282: {  	v0 =	vld [tilespmem:s31+$0x20]  }
0x283: {  	v1 =	vld [tilespmem:s1+$0x20];
	_ =	sdelay $0x4  }
0x284: {  	v0 =	vadd.f32 v1, v0;
	_ =	sdelay $0x1  }
0x285: {  	[tilespmem:s30+$0x20] =	vst v0  }
0x286: {  	v0 =	vld [tilespmem:s31+$0x30]  }
0x287: {  	v1 =	vld [tilespmem:s1+$0x30];
	_ =	sdelay $0x4  }
0x288: {  	v0 =	vadd.f32 v1, v0;
	_ =	sdelay $0x1  }
0x289: {  	[tilespmem:s30+$0x30] =	vst v0  }
0x28a: {  	v0 =	vld [tilespmem:s31+$0x40]  }
0x28b: {  	v1 =	vld [tilespmem:s1+$0x40];
	_ =	sdelay $0x4  }
0x28c: {  	v0 =	vadd.f32 v1, v0;
	_ =	sdelay $0x1  }
0x28d: {  	[tilespmem:s30+$0x40] =	vst v0  }
0x28e: {  	v0 =	vld [tilespmem:s31+$0x50]  }
0x28f: {  	v1 =	vld [tilespmem:s1+$0x50];
	_ =	sdelay $0x4  }
0x290: {  	v0 =	vadd.f32 v1, v0;
	_ =	sdelay $0x1  }
0x291: {  	[tilespmem:s30+$0x50] =	vst v0  }
0x292: {  	v0 =	vld [tilespmem:s31+$0x60]  }
0x293: {  	v1 =	vld [tilespmem:s1+$0x60];
	_ =	sdelay $0x4  }
0x294: {  	v0 =	vadd.f32 v1, v0;
	_ =	sdelay $0x1  }
0x295: {  	[tilespmem:s30+$0x60] =	vst v0  }
0x296: {  	v0 =	vld [tilespmem:s31+$0x70]  }
0x297: {  	v1 =	vld [tilespmem:s1+$0x70];
	_ =	sdelay $0x4  }
0x298: {  	v0 =	vadd.f32 v1, v0;
	_ =	sdelay $0x1  }
0x299: {  	[tilespmem:s30+$0x70] =	vst v0  }
0x29a: {  	v0 =	vld [tilespmem:s31+$0x80]  }
0x29b: {  	v1 =	vld [tilespmem:s1+$0x80];
	_ =	sdelay $0x4  }
0x29c: {  	v0 =	vadd.f32 v1, v0;
	_ =	sdelay $0x1  }
0x29d: {  	[tilespmem:s30+$0x80] =	vst v0  }
0x29e: {  	v0 =	vld [tilespmem:s31+$0x90]  }
0x29f: {  	v1 =	vld [tilespmem:s1+$0x90];
	_ =	sdelay $0x4  }
0x2a0: {  	v0 =	vadd.f32 v1, v0;
	_ =	sdelay $0x1  }
0x2a1: {  	[tilespmem:s30+$0x90] =	vst v0  }
0x2a2: {  	v0 =	vld [tilespmem:s31+$0xA0]  }
0x2a3: {  	v1 =	vld [tilespmem:s1+$0xA0];
	_ =	sdelay $0x4  }
0x2a4: {  	v0 =	vadd.f32 v1, v0;
	_ =	sdelay $0x1  }
0x2a5: {  	[tilespmem:s30+$0xA0] =	vst v0  }
0x2a6: {  	v0 =	vld [tilespmem:s31+$0xB0]  }
0x2a7: {  	v1 =	vld [tilespmem:s1+$0xB0];
	_ =	sdelay $0x4  }
0x2a8: {  	v0 =	vadd.f32 v1, v0;
	_ =	sdelay $0x1  }
0x2a9: {  	[tilespmem:s30+$0xB0] =	vst v0  }
0x2aa: {  	v0 =	vld [tilespmem:s31+$0xC0]  }
0x2ab: {  	v1 =	vld [tilespmem:s1+$0xC0]  }
0x2ac: {  	s21 =	simm.s32 $0x0  }
0x2ad: {  	s24 =	simm.s32 $0xCB00;
	s14 =	simm.s32 $0x12D00;
	s0 =	simm.s32 $0x6500  }
.LBB2_7:
0x2ae: {  	s21 =	sadd.s32 $0x8, s21;
	s31 =	sadd.s32 $0x200, s31;
	s1 =	sadd.s32 $0x200, s1  }
0x2af: {  	p0 =	slt.u32 s21, $0xC0  }
0x2b0: {  	v0 =	vadd.f32 v1, v0;
	_ =	sdelay $0x1  }
0x2b1: {  	[tilespmem:s30+$0xC0] =	vst v0  }
0x2b2: {  	v0 =	vld [tilespmem:s0+$0xD0]  }
0x2b3: {  	v1 =	vld [tilespmem:s14+$0xD0];
	_ =	sdelay $0x4  }
0x2b4: {  	v0 =	vadd.f32 v1, v0;
	_ =	sdelay $0x1  }
0x2b5: {  	[tilespmem:s30+$0xD0] =	vst v0  }
0x2b6: {  	v0 =	vld [tilespmem:s0+$0xE0]  }
0x2b7: {  	v1 =	vld [tilespmem:s14+$0xE0];
	_ =	sdelay $0x4  }
0x2b8: {  	v0 =	vadd.f32 v1, v0;
	_ =	sdelay $0x1  }
0x2b9: {  	[tilespmem:s30+$0xE0] =	vst v0  }
0x2ba: {  	v0 =	vld [tilespmem:s0+$0xF0];
	s0 =	smov.u32 s31  }
0x2bb: {  	v1 =	vld [tilespmem:s14+$0xF0];
	s14 =	smov.u32 s1;
	_ =	sdelay $0x4  }
0x2bc: {  	v0 =	vadd.f32 v1, v0;
	_ =	sdelay $0x1  }
0x2bd: {  	[tilespmem:s30+$0xF0] =	vst v0;
	s30 =	smov.u32 s24  }
0x2be: {  	v0 =	vld [tilespmem:s31+$0xFFFFFF00]  }
0x2bf: {  	v1 =	vld [tilespmem:s1+$0xFFFFFF00];
	_ =	sdelay $0x4  }
0x2c0: {  	v0 =	vadd.f32 v1, v0;
	_ =	sdelay $0x1  }
0x2c1: {  	[tilespmem:s24+$0xFFFFFF00] =	vst v0  }
0x2c2: {  	v0 =	vld [tilespmem:s1+$0xFFFFFF10]  }
0x2c3: {  	v1 =	vld [tilespmem:s31+$0xFFFFFF10];
	_ =	sdelay $0x4  }
0x2c4: {  	v0 =	vadd.f32 v0, v1;
	_ =	sdelay $0x1  }
0x2c5: {  	[tilespmem:s24+$0xFFFFFF10] =	vst v0  }
0x2c6: {  	v0 =	vld [tilespmem:s31+$0xFFFFFF20]  }
0x2c7: {  	v1 =	vld [tilespmem:s1+$0xFFFFFF20];
	_ =	sdelay $0x4  }
0x2c8: {  	v0 =	vadd.f32 v1, v0;
	_ =	sdelay $0x1  }
0x2c9: {  	[tilespmem:s24+$0xFFFFFF20] =	vst v0  }
0x2ca: {  	v0 =	vld [tilespmem:s31+$0xFFFFFF30]  }
0x2cb: {  	v1 =	vld [tilespmem:s1+$0xFFFFFF30];
	_ =	sdelay $0x4  }
0x2cc: {  	v0 =	vadd.f32 v1, v0;
	_ =	sdelay $0x1  }
0x2cd: {  	[tilespmem:s24+$0xFFFFFF30] =	vst v0  }
0x2ce: {  	v0 =	vld [tilespmem:s31+$0xFFFFFF40]  }
0x2cf: {  	v1 =	vld [tilespmem:s1+$0xFFFFFF40];
	_ =	sdelay $0x4  }
0x2d0: {  	v0 =	vadd.f32 v1, v0;
	_ =	sdelay $0x1  }
0x2d1: {  	[tilespmem:s24+$0xFFFFFF40] =	vst v0  }
0x2d2: {  	v0 =	vld [tilespmem:s31+$0xFFFFFF50]  }
0x2d3: {  	v1 =	vld [tilespmem:s1+$0xFFFFFF50];
	_ =	sdelay $0x4  }
0x2d4: {  	v0 =	vadd.f32 v1, v0;
	_ =	sdelay $0x1  }
0x2d5: {  	[tilespmem:s24+$0xFFFFFF50] =	vst v0  }
0x2d6: {  	v0 =	vld [tilespmem:s31+$0xFFFFFF60]  }
0x2d7: {  	v1 =	vld [tilespmem:s1+$0xFFFFFF60];
	_ =	sdelay $0x4  }
0x2d8: {  	v0 =	vadd.f32 v1, v0;
	_ =	sdelay $0x1  }
0x2d9: {  	[tilespmem:s24+$0xFFFFFF60] =	vst v0  }
0x2da: {  	v0 =	vld [tilespmem:s31+$0xFFFFFF70]  }
0x2db: {  	v1 =	vld [tilespmem:s1+$0xFFFFFF70];
	_ =	sdelay $0x4  }
0x2dc: {  	v0 =	vadd.f32 v1, v0;
	_ =	sdelay $0x1  }
0x2dd: {  	[tilespmem:s24+$0xFFFFFF70] =	vst v0  }
0x2de: {  	v0 =	vld [tilespmem:s31+$0xFFFFFF80]  }
0x2df: {  	v1 =	vld [tilespmem:s1+$0xFFFFFF80];
	_ =	sdelay $0x4  }
0x2e0: {  	v0 =	vadd.f32 v1, v0;
	_ =	sdelay $0x1  }
0x2e1: {  	[tilespmem:s24+$0xFFFFFF80] =	vst v0  }
0x2e2: {  	v0 =	vld [tilespmem:s31+$0xFFFFFF90]  }
0x2e3: {  	v1 =	vld [tilespmem:s1+$0xFFFFFF90];
	_ =	sdelay $0x4  }
0x2e4: {  	v0 =	vadd.f32 v1, v0;
	_ =	sdelay $0x1  }
0x2e5: {  	[tilespmem:s24+$0xFFFFFF90] =	vst v0  }
0x2e6: {  	v0 =	vld [tilespmem:s31+$0xFFFFFFA0]  }
0x2e7: {  	v1 =	vld [tilespmem:s1+$0xFFFFFFA0];
	_ =	sdelay $0x4  }
0x2e8: {  	v0 =	vadd.f32 v1, v0;
	_ =	sdelay $0x1  }
0x2e9: {  	[tilespmem:s24+$0xFFFFFFA0] =	vst v0  }
0x2ea: {  	v0 =	vld [tilespmem:s31+$0xFFFFFFB0]  }
0x2eb: {  	v1 =	vld [tilespmem:s1+$0xFFFFFFB0];
	_ =	sdelay $0x4  }
0x2ec: {  	v0 =	vadd.f32 v1, v0;
	_ =	sdelay $0x1  }
0x2ed: {  	[tilespmem:s24+$0xFFFFFFB0] =	vst v0  }
0x2ee: {  	v0 =	vld [tilespmem:s31+$0xFFFFFFC0]  }
0x2ef: {  	v1 =	vld [tilespmem:s1+$0xFFFFFFC0];
	_ =	sdelay $0x4  }
0x2f0: {  	v0 =	vadd.f32 v1, v0;
	_ =	sdelay $0x1  }
0x2f1: {  	[tilespmem:s24+$0xFFFFFFC0] =	vst v0  }
0x2f2: {  	v0 =	vld [tilespmem:s31+$0xFFFFFFD0]  }
0x2f3: {  	v1 =	vld [tilespmem:s1+$0xFFFFFFD0];
	_ =	sdelay $0x4  }
0x2f4: {  	v0 =	vadd.f32 v1, v0;
	_ =	sdelay $0x1  }
0x2f5: {  	[tilespmem:s24+$0xFFFFFFD0] =	vst v0  }
0x2f6: {  	v0 =	vld [tilespmem:s31+$0xFFFFFFE0]  }
0x2f7: {  	v1 =	vld [tilespmem:s1+$0xFFFFFFE0];
	_ =	sdelay $0x4  }
0x2f8: {  	v0 =	vadd.f32 v1, v0;
	_ =	sdelay $0x1  }
0x2f9: {  	[tilespmem:s24+$0xFFFFFFE0] =	vst v0  }
0x2fa: {  	v0 =	vld [tilespmem:s31+$0xFFFFFFF0]  }
0x2fb: {  	v1 =	vld [tilespmem:s1+$0xFFFFFFF0];
	_ =	sdelay $0x4  }
0x2fc: {  	v0 =	vadd.f32 v1, v0;
	_ =	sdelay $0x1  }
0x2fd: {  	[tilespmem:s24+$0xFFFFFFF0] =	vst v0  }
0x2fe: {  	v0 =	vld [tilespmem:s31+$0x0]  }
0x2ff: {  	v1 =	vld [tilespmem:s1+$0x0];
	_ =	sdelay $0x4  }
0x300: {  	v0 =	vadd.f32 v1, v0;
	_ =	sdelay $0x1  }
0x301: {  	[tilespmem:s24+$0x0] =	vst v0  }
0x302: {  	v0 =	vld [tilespmem:s31+$0x10]  }
0x303: {  	v1 =	vld [tilespmem:s1+$0x10];
	_ =	sdelay $0x4  }
0x304: {  	v0 =	vadd.f32 v1, v0;
	_ =	sdelay $0x1  }
0x305: {  	[tilespmem:s24+$0x10] =	vst v0  }
0x306: {  	v0 =	vld [tilespmem:s31+$0x20]  }
0x307: {  	v1 =	vld [tilespmem:s1+$0x20];
	_ =	sdelay $0x4  }
0x308: {  	v0 =	vadd.f32 v1, v0;
	_ =	sdelay $0x1  }
0x309: {  	[tilespmem:s24+$0x20] =	vst v0  }
0x30a: {  	v0 =	vld [tilespmem:s31+$0x30]  }
0x30b: {  	v1 =	vld [tilespmem:s1+$0x30];
	_ =	sdelay $0x4  }
0x30c: {  	v0 =	vadd.f32 v1, v0;
	_ =	sdelay $0x1  }
0x30d: {  	[tilespmem:s24+$0x30] =	vst v0  }
0x30e: {  	v0 =	vld [tilespmem:s31+$0x40]  }
0x30f: {  	v1 =	vld [tilespmem:s1+$0x40];
	_ =	sdelay $0x4  }
0x310: {  	v0 =	vadd.f32 v1, v0;
	_ =	sdelay $0x1  }
0x311: {  	[tilespmem:s24+$0x40] =	vst v0  }
0x312: {  	v0 =	vld [tilespmem:s31+$0x50]  }
0x313: {  	v1 =	vld [tilespmem:s1+$0x50];
	_ =	sdelay $0x4  }
0x314: {  	v0 =	vadd.f32 v1, v0;
	_ =	sdelay $0x1  }
0x315: {  	[tilespmem:s24+$0x50] =	vst v0  }
0x316: {  	v0 =	vld [tilespmem:s31+$0x60]  }
0x317: {  	v1 =	vld [tilespmem:s1+$0x60];
	_ =	sdelay $0x4  }
0x318: {  	v0 =	vadd.f32 v1, v0;
	_ =	sdelay $0x1  }
0x319: {  	[tilespmem:s24+$0x60] =	vst v0  }
0x31a: {  	v0 =	vld [tilespmem:s31+$0x70]  }
0x31b: {  	v1 =	vld [tilespmem:s1+$0x70];
	_ =	sdelay $0x4  }
0x31c: {  	v0 =	vadd.f32 v1, v0;
	_ =	sdelay $0x1  }
0x31d: {  	[tilespmem:s24+$0x70] =	vst v0  }
0x31e: {  	v0 =	vld [tilespmem:s31+$0x80]  }
0x31f: {  	v1 =	vld [tilespmem:s1+$0x80];
	_ =	sdelay $0x4  }
0x320: {  	v0 =	vadd.f32 v1, v0;
	_ =	sdelay $0x1  }
0x321: {  	[tilespmem:s24+$0x80] =	vst v0  }
0x322: {  	v0 =	vld [tilespmem:s31+$0x90]  }
0x323: {  	v1 =	vld [tilespmem:s1+$0x90];
	_ =	sdelay $0x4  }
0x324: {  	v0 =	vadd.f32 v1, v0;
	_ =	sdelay $0x1  }
0x325: {  	[tilespmem:s24+$0x90] =	vst v0  }
0x326: {  	v0 =	vld [tilespmem:s31+$0xA0]  }
0x327: {  	v1 =	vld [tilespmem:s1+$0xA0];
	_ =	sdelay $0x4  }
0x328: {  	v0 =	vadd.f32 v1, v0;
	_ =	sdelay $0x1  }
0x329: {  	[tilespmem:s24+$0xA0] =	vst v0  }
0x32a: {  	v0 =	vld [tilespmem:s31+$0xB0]  }
0x32b: {  	v1 =	vld [tilespmem:s1+$0xB0];
	_ =	sdelay $0x4  }
0x32c: {  	v0 =	vadd.f32 v1, v0;
	_ =	sdelay $0x1  }
.Ltmp2:
0x32d: {  	[tilespmem:s24+$0xB0] =	vst v0;
	(pc) =	sbr.rel @p0 .LBB2_7-.Ltmp2, $3  }
0x32e: {  	v0 =	vld [tilespmem:s31+$0xC0]  }
0x32f: {  	v1 =	vld [tilespmem:s1+$0xC0];
	_ =	sdelay $0x1  }
0x330: {  	s24 =	sadd.s32 $0x200, s24  }
0x331: {  	_ =	sdelay $0x1  }
0x332: {  	v0 =	vadd.f32 v1, v0;
	_ =	sdelay $0x1  }
0x333: {  	[tilespmem:s30+$0xC0] =	vst v0  }
0x334: {  	v0 =	vld [tilespmem:s0+$0xD0]  }
0x335: {  	v1 =	vld [tilespmem:s14+$0xD0];
	_ =	sdelay $0x4  }
0x336: {  	v0 =	vadd.f32 v1, v0;
	_ =	sdelay $0x1  }
0x337: {  	[tilespmem:s30+$0xD0] =	vst v0  }
0x338: {  	v0 =	vld [tilespmem:s0+$0xE0]  }
0x339: {  	v1 =	vld [tilespmem:s14+$0xE0];
	_ =	sdelay $0x4  }
0x33a: {  	v0 =	vadd.f32 v1, v0;
	_ =	sdelay $0x1  }
0x33b: {  	[tilespmem:s30+$0xE0] =	vst v0  }
0x33c: {  	v0 =	vld [tilespmem:s0+$0xF0]  }
0x33d: {  	v1 =	vld [tilespmem:s14+$0xF0];
	_ =	sdelay $0x3  }
0x33e: {  	s24 =	sadd.s32 s29, s10  }
0x33f: {  	s0 =	smul.u32 $0x640, s24;
	v0 =	vadd.f32 v1, v0;
	_ =	sdelay $0x1  }
0x340: {  	s31 =	smul.u32 $0x640, s26;
	s0 =	sadd.s32 s6, s0;
	[tilespmem:s30+$0xF0] =	vst v0  }
0x341: {  	[hbm4b:s0+s2] =	stream.linear.scatter [tilespmem:s20], [sflag:$0x2], $0x3200, $0x38;
	[tilespmem:$0x15E00] =	vst v63  }
0x342: {  	_ =	swait.ge [sflag:s18], $0x3200  }
0x343: {  	s0 =	sshra.s32 s31, $0x2;
	[sflag:s18] =	ssyncset.done $0x0  }
0x344: {  	s0 =	sadd.s32 $0x320, s0;
	[sflag:s18] =	ssyncadd.s32 $0xFFFFCE00  }
0x345: {  	[tilespmem:s17], [sflag:$0x1] =	stream.indirect.gather [hbm4b:s4+s16], $0x40, s0, s16, $0xb8;
	[tilespmem:$0x15E00] =	vst v63  }
0x346: {  	_ =	swait.ge [sflag:s23], $0x3200  }
0x347: {  	[sflag:s23] =	ssyncset.done $0x0  }
0x348: {  	s30 =	simm.s32 $0x9700;
	[sflag:s23] =	ssyncadd.s32 $0xFFFFCE00  }
0x349: {  	s1 =	simm.s32 $0x12D00;
	v0 =	vld [tilespmem:s30+$0xFFFFFF00]  }
0x34a: {  	v1 =	vld [tilespmem:s1+$0xFFFFFF00];
	_ =	sdelay $0x4  }
0x34b: {  	v0 =	vadd.f32 v1, v0  }
0x34c: {  	s29 =	simm.s32 $0xFB00  }
0x34d: {  	[tilespmem:s29+$0xFFFFFF00] =	vst v0  }
0x34e: {  	v0 =	vld [tilespmem:s1+$0xFFFFFF10]  }
0x34f: {  	v1 =	vld [tilespmem:s30+$0xFFFFFF10];
	_ =	sdelay $0x4  }
0x350: {  	v0 =	vadd.f32 v0, v1;
	_ =	sdelay $0x1  }
0x351: {  	[tilespmem:s29+$0xFFFFFF10] =	vst v0  }
0x352: {  	v0 =	vld [tilespmem:s30+$0xFFFFFF20]  }
0x353: {  	v1 =	vld [tilespmem:s1+$0xFFFFFF20];
	_ =	sdelay $0x4  }
0x354: {  	v0 =	vadd.f32 v1, v0;
	_ =	sdelay $0x1  }
0x355: {  	[tilespmem:s29+$0xFFFFFF20] =	vst v0  }
0x356: {  	v0 =	vld [tilespmem:s30+$0xFFFFFF30]  }
0x357: {  	v1 =	vld [tilespmem:s1+$0xFFFFFF30];
	_ =	sdelay $0x4  }
0x358: {  	v0 =	vadd.f32 v1, v0;
	_ =	sdelay $0x1  }
0x359: {  	[tilespmem:s29+$0xFFFFFF30] =	vst v0  }
0x35a: {  	v0 =	vld [tilespmem:s30+$0xFFFFFF40]  }
0x35b: {  	v1 =	vld [tilespmem:s1+$0xFFFFFF40];
	_ =	sdelay $0x4  }
0x35c: {  	v0 =	vadd.f32 v1, v0;
	_ =	sdelay $0x1  }
0x35d: {  	[tilespmem:s29+$0xFFFFFF40] =	vst v0  }
0x35e: {  	v0 =	vld [tilespmem:s30+$0xFFFFFF50]  }
0x35f: {  	v1 =	vld [tilespmem:s1+$0xFFFFFF50];
	_ =	sdelay $0x4  }
0x360: {  	v0 =	vadd.f32 v1, v0;
	_ =	sdelay $0x1  }
0x361: {  	[tilespmem:s29+$0xFFFFFF50] =	vst v0  }
0x362: {  	v0 =	vld [tilespmem:s30+$0xFFFFFF60]  }
0x363: {  	v1 =	vld [tilespmem:s1+$0xFFFFFF60];
	_ =	sdelay $0x4  }
0x364: {  	v0 =	vadd.f32 v1, v0;
	_ =	sdelay $0x1  }
0x365: {  	[tilespmem:s29+$0xFFFFFF60] =	vst v0  }
0x366: {  	v0 =	vld [tilespmem:s30+$0xFFFFFF70]  }
0x367: {  	v1 =	vld [tilespmem:s1+$0xFFFFFF70];
	_ =	sdelay $0x4  }
0x368: {  	v0 =	vadd.f32 v1, v0;
	_ =	sdelay $0x1  }
0x369: {  	[tilespmem:s29+$0xFFFFFF70] =	vst v0  }
0x36a: {  	v0 =	vld [tilespmem:s30+$0xFFFFFF80]  }
0x36b: {  	v1 =	vld [tilespmem:s1+$0xFFFFFF80];
	_ =	sdelay $0x4  }
0x36c: {  	v0 =	vadd.f32 v1, v0;
	_ =	sdelay $0x1  }
0x36d: {  	[tilespmem:s29+$0xFFFFFF80] =	vst v0  }
0x36e: {  	v0 =	vld [tilespmem:s30+$0xFFFFFF90]  }
0x36f: {  	v1 =	vld [tilespmem:s1+$0xFFFFFF90];
	_ =	sdelay $0x4  }
0x370: {  	v0 =	vadd.f32 v1, v0;
	_ =	sdelay $0x1  }
0x371: {  	[tilespmem:s29+$0xFFFFFF90] =	vst v0  }
0x372: {  	v0 =	vld [tilespmem:s30+$0xFFFFFFA0]  }
0x373: {  	v1 =	vld [tilespmem:s1+$0xFFFFFFA0];
	_ =	sdelay $0x4  }
0x374: {  	v0 =	vadd.f32 v1, v0;
	_ =	sdelay $0x1  }
0x375: {  	[tilespmem:s29+$0xFFFFFFA0] =	vst v0  }
0x376: {  	v0 =	vld [tilespmem:s30+$0xFFFFFFB0]  }
0x377: {  	v1 =	vld [tilespmem:s1+$0xFFFFFFB0];
	_ =	sdelay $0x4  }
0x378: {  	v0 =	vadd.f32 v1, v0;
	_ =	sdelay $0x1  }
0x379: {  	[tilespmem:s29+$0xFFFFFFB0] =	vst v0  }
0x37a: {  	v0 =	vld [tilespmem:s30+$0xFFFFFFC0]  }
0x37b: {  	v1 =	vld [tilespmem:s1+$0xFFFFFFC0];
	_ =	sdelay $0x4  }
0x37c: {  	v0 =	vadd.f32 v1, v0;
	_ =	sdelay $0x1  }
0x37d: {  	[tilespmem:s29+$0xFFFFFFC0] =	vst v0  }
0x37e: {  	v0 =	vld [tilespmem:s30+$0xFFFFFFD0]  }
0x37f: {  	v1 =	vld [tilespmem:s1+$0xFFFFFFD0];
	_ =	sdelay $0x4  }
0x380: {  	v0 =	vadd.f32 v1, v0;
	_ =	sdelay $0x1  }
0x381: {  	[tilespmem:s29+$0xFFFFFFD0] =	vst v0  }
0x382: {  	v0 =	vld [tilespmem:s30+$0xFFFFFFE0]  }
0x383: {  	v1 =	vld [tilespmem:s1+$0xFFFFFFE0];
	_ =	sdelay $0x4  }
0x384: {  	v0 =	vadd.f32 v1, v0;
	_ =	sdelay $0x1  }
0x385: {  	[tilespmem:s29+$0xFFFFFFE0] =	vst v0  }
0x386: {  	v0 =	vld [tilespmem:s30+$0xFFFFFFF0]  }
0x387: {  	v1 =	vld [tilespmem:s1+$0xFFFFFFF0];
	_ =	sdelay $0x4  }
0x388: {  	v0 =	vadd.f32 v1, v0;
	_ =	sdelay $0x1  }
0x389: {  	[tilespmem:s29+$0xFFFFFFF0] =	vst v0  }
0x38a: {  	v0 =	vld [tilespmem:s30+$0x0]  }
0x38b: {  	v1 =	vld [tilespmem:s1+$0x0];
	_ =	sdelay $0x4  }
0x38c: {  	v0 =	vadd.f32 v1, v0;
	_ =	sdelay $0x1  }
0x38d: {  	[tilespmem:s29+$0x0] =	vst v0  }
0x38e: {  	v0 =	vld [tilespmem:s30+$0x10]  }
0x38f: {  	v1 =	vld [tilespmem:s1+$0x10];
	_ =	sdelay $0x4  }
0x390: {  	v0 =	vadd.f32 v1, v0;
	_ =	sdelay $0x1  }
0x391: {  	[tilespmem:s29+$0x10] =	vst v0  }
0x392: {  	v0 =	vld [tilespmem:s30+$0x20]  }
0x393: {  	v1 =	vld [tilespmem:s1+$0x20];
	_ =	sdelay $0x4  }
0x394: {  	v0 =	vadd.f32 v1, v0;
	_ =	sdelay $0x1  }
0x395: {  	[tilespmem:s29+$0x20] =	vst v0  }
0x396: {  	v0 =	vld [tilespmem:s30+$0x30]  }
0x397: {  	v1 =	vld [tilespmem:s1+$0x30];
	_ =	sdelay $0x4  }
0x398: {  	v0 =	vadd.f32 v1, v0;
	_ =	sdelay $0x1  }
0x399: {  	[tilespmem:s29+$0x30] =	vst v0  }
0x39a: {  	v0 =	vld [tilespmem:s30+$0x40]  }
0x39b: {  	v1 =	vld [tilespmem:s1+$0x40];
	_ =	sdelay $0x4  }
0x39c: {  	v0 =	vadd.f32 v1, v0;
	_ =	sdelay $0x1  }
0x39d: {  	[tilespmem:s29+$0x40] =	vst v0  }
0x39e: {  	v0 =	vld [tilespmem:s30+$0x50]  }
0x39f: {  	v1 =	vld [tilespmem:s1+$0x50];
	_ =	sdelay $0x4  }
0x3a0: {  	v0 =	vadd.f32 v1, v0;
	_ =	sdelay $0x1  }
0x3a1: {  	[tilespmem:s29+$0x50] =	vst v0  }
0x3a2: {  	v0 =	vld [tilespmem:s30+$0x60]  }
0x3a3: {  	v1 =	vld [tilespmem:s1+$0x60];
	_ =	sdelay $0x4  }
0x3a4: {  	v0 =	vadd.f32 v1, v0;
	_ =	sdelay $0x1  }
0x3a5: {  	[tilespmem:s29+$0x60] =	vst v0  }
0x3a6: {  	v0 =	vld [tilespmem:s30+$0x70]  }
0x3a7: {  	v1 =	vld [tilespmem:s1+$0x70];
	_ =	sdelay $0x4  }
0x3a8: {  	v0 =	vadd.f32 v1, v0;
	_ =	sdelay $0x1  }
0x3a9: {  	[tilespmem:s29+$0x70] =	vst v0  }
0x3aa: {  	v0 =	vld [tilespmem:s30+$0x80]  }
0x3ab: {  	v1 =	vld [tilespmem:s1+$0x80];
	_ =	sdelay $0x4  }
0x3ac: {  	v0 =	vadd.f32 v1, v0;
	_ =	sdelay $0x1  }
0x3ad: {  	[tilespmem:s29+$0x80] =	vst v0  }
0x3ae: {  	v0 =	vld [tilespmem:s30+$0x90]  }
0x3af: {  	v1 =	vld [tilespmem:s1+$0x90];
	_ =	sdelay $0x4  }
0x3b0: {  	v0 =	vadd.f32 v1, v0;
	_ =	sdelay $0x1  }
0x3b1: {  	[tilespmem:s29+$0x90] =	vst v0  }
0x3b2: {  	v0 =	vld [tilespmem:s30+$0xA0]  }
0x3b3: {  	v1 =	vld [tilespmem:s1+$0xA0];
	_ =	sdelay $0x4  }
0x3b4: {  	v0 =	vadd.f32 v1, v0;
	_ =	sdelay $0x1  }
0x3b5: {  	[tilespmem:s29+$0xA0] =	vst v0  }
0x3b6: {  	v0 =	vld [tilespmem:s30+$0xB0]  }
0x3b7: {  	v1 =	vld [tilespmem:s1+$0xB0];
	_ =	sdelay $0x4  }
0x3b8: {  	v0 =	vadd.f32 v1, v0;
	_ =	sdelay $0x1  }
0x3b9: {  	[tilespmem:s29+$0xB0] =	vst v0  }
0x3ba: {  	v0 =	vld [tilespmem:s30+$0xC0]  }
0x3bb: {  	v1 =	vld [tilespmem:s1+$0xC0]  }
0x3bc: {  	s21 =	simm.s32 $0x0  }
0x3bd: {  	s24 =	simm.s32 $0xFD00;
	s14 =	simm.s32 $0x12D00;
	s0 =	simm.s32 $0x9700  }
.LBB2_9:
0x3be: {  	s21 =	sadd.s32 $0x8, s21;
	s30 =	sadd.s32 $0x200, s30;
	s1 =	sadd.s32 $0x200, s1  }
0x3bf: {  	p0 =	slt.u32 s21, $0xC0  }
0x3c0: {  	v0 =	vadd.f32 v1, v0;
	_ =	sdelay $0x1  }
0x3c1: {  	[tilespmem:s29+$0xC0] =	vst v0  }
0x3c2: {  	v0 =	vld [tilespmem:s0+$0xD0]  }
0x3c3: {  	v1 =	vld [tilespmem:s14+$0xD0];
	_ =	sdelay $0x4  }
0x3c4: {  	v0 =	vadd.f32 v1, v0;
	_ =	sdelay $0x1  }
0x3c5: {  	[tilespmem:s29+$0xD0] =	vst v0  }
0x3c6: {  	v0 =	vld [tilespmem:s0+$0xE0]  }
0x3c7: {  	v1 =	vld [tilespmem:s14+$0xE0];
	_ =	sdelay $0x4  }
0x3c8: {  	v0 =	vadd.f32 v1, v0;
	_ =	sdelay $0x1  }
0x3c9: {  	[tilespmem:s29+$0xE0] =	vst v0  }
0x3ca: {  	v0 =	vld [tilespmem:s0+$0xF0];
	s0 =	smov.u32 s30  }
0x3cb: {  	v1 =	vld [tilespmem:s14+$0xF0];
	s14 =	smov.u32 s1;
	_ =	sdelay $0x4  }
0x3cc: {  	v0 =	vadd.f32 v1, v0;
	_ =	sdelay $0x1  }
0x3cd: {  	[tilespmem:s29+$0xF0] =	vst v0;
	s29 =	smov.u32 s24  }
0x3ce: {  	v0 =	vld [tilespmem:s30+$0xFFFFFF00]  }
0x3cf: {  	v1 =	vld [tilespmem:s1+$0xFFFFFF00];
	_ =	sdelay $0x4  }
0x3d0: {  	v0 =	vadd.f32 v1, v0;
	_ =	sdelay $0x1  }
0x3d1: {  	[tilespmem:s24+$0xFFFFFF00] =	vst v0  }
0x3d2: {  	v0 =	vld [tilespmem:s1+$0xFFFFFF10]  }
0x3d3: {  	v1 =	vld [tilespmem:s30+$0xFFFFFF10];
	_ =	sdelay $0x4  }
0x3d4: {  	v0 =	vadd.f32 v0, v1;
	_ =	sdelay $0x1  }
0x3d5: {  	[tilespmem:s24+$0xFFFFFF10] =	vst v0  }
0x3d6: {  	v0 =	vld [tilespmem:s30+$0xFFFFFF20]  }
0x3d7: {  	v1 =	vld [tilespmem:s1+$0xFFFFFF20];
	_ =	sdelay $0x4  }
0x3d8: {  	v0 =	vadd.f32 v1, v0;
	_ =	sdelay $0x1  }
0x3d9: {  	[tilespmem:s24+$0xFFFFFF20] =	vst v0  }
0x3da: {  	v0 =	vld [tilespmem:s30+$0xFFFFFF30]  }
0x3db: {  	v1 =	vld [tilespmem:s1+$0xFFFFFF30];
	_ =	sdelay $0x4  }
0x3dc: {  	v0 =	vadd.f32 v1, v0;
	_ =	sdelay $0x1  }
0x3dd: {  	[tilespmem:s24+$0xFFFFFF30] =	vst v0  }
0x3de: {  	v0 =	vld [tilespmem:s30+$0xFFFFFF40]  }
0x3df: {  	v1 =	vld [tilespmem:s1+$0xFFFFFF40];
	_ =	sdelay $0x4  }
0x3e0: {  	v0 =	vadd.f32 v1, v0;
	_ =	sdelay $0x1  }
0x3e1: {  	[tilespmem:s24+$0xFFFFFF40] =	vst v0  }
0x3e2: {  	v0 =	vld [tilespmem:s30+$0xFFFFFF50]  }
0x3e3: {  	v1 =	vld [tilespmem:s1+$0xFFFFFF50];
	_ =	sdelay $0x4  }
0x3e4: {  	v0 =	vadd.f32 v1, v0;
	_ =	sdelay $0x1  }
0x3e5: {  	[tilespmem:s24+$0xFFFFFF50] =	vst v0  }
0x3e6: {  	v0 =	vld [tilespmem:s30+$0xFFFFFF60]  }
0x3e7: {  	v1 =	vld [tilespmem:s1+$0xFFFFFF60];
	_ =	sdelay $0x4  }
0x3e8: {  	v0 =	vadd.f32 v1, v0;
	_ =	sdelay $0x1  }
0x3e9: {  	[tilespmem:s24+$0xFFFFFF60] =	vst v0  }
0x3ea: {  	v0 =	vld [tilespmem:s30+$0xFFFFFF70]  }
0x3eb: {  	v1 =	vld [tilespmem:s1+$0xFFFFFF70];
	_ =	sdelay $0x4  }
0x3ec: {  	v0 =	vadd.f32 v1, v0;
	_ =	sdelay $0x1  }
0x3ed: {  	[tilespmem:s24+$0xFFFFFF70] =	vst v0  }
0x3ee: {  	v0 =	vld [tilespmem:s30+$0xFFFFFF80]  }
0x3ef: {  	v1 =	vld [tilespmem:s1+$0xFFFFFF80];
	_ =	sdelay $0x4  }
0x3f0: {  	v0 =	vadd.f32 v1, v0;
	_ =	sdelay $0x1  }
0x3f1: {  	[tilespmem:s24+$0xFFFFFF80] =	vst v0  }
0x3f2: {  	v0 =	vld [tilespmem:s30+$0xFFFFFF90]  }
0x3f3: {  	v1 =	vld [tilespmem:s1+$0xFFFFFF90];
	_ =	sdelay $0x4  }
0x3f4: {  	v0 =	vadd.f32 v1, v0;
	_ =	sdelay $0x1  }
0x3f5: {  	[tilespmem:s24+$0xFFFFFF90] =	vst v0  }
0x3f6: {  	v0 =	vld [tilespmem:s30+$0xFFFFFFA0]  }
0x3f7: {  	v1 =	vld [tilespmem:s1+$0xFFFFFFA0];
	_ =	sdelay $0x4  }
0x3f8: {  	v0 =	vadd.f32 v1, v0;
	_ =	sdelay $0x1  }
0x3f9: {  	[tilespmem:s24+$0xFFFFFFA0] =	vst v0  }
0x3fa: {  	v0 =	vld [tilespmem:s30+$0xFFFFFFB0]  }
0x3fb: {  	v1 =	vld [tilespmem:s1+$0xFFFFFFB0];
	_ =	sdelay $0x4  }
0x3fc: {  	v0 =	vadd.f32 v1, v0;
	_ =	sdelay $0x1  }
0x3fd: {  	[tilespmem:s24+$0xFFFFFFB0] =	vst v0  }
0x3fe: {  	v0 =	vld [tilespmem:s30+$0xFFFFFFC0]  }
0x3ff: {  	v1 =	vld [tilespmem:s1+$0xFFFFFFC0];
	_ =	sdelay $0x4  }
0x400: {  	v0 =	vadd.f32 v1, v0;
	_ =	sdelay $0x1  }
0x401: {  	[tilespmem:s24+$0xFFFFFFC0] =	vst v0  }
0x402: {  	v0 =	vld [tilespmem:s30+$0xFFFFFFD0]  }
0x403: {  	v1 =	vld [tilespmem:s1+$0xFFFFFFD0];
	_ =	sdelay $0x4  }
0x404: {  	v0 =	vadd.f32 v1, v0;
	_ =	sdelay $0x1  }
0x405: {  	[tilespmem:s24+$0xFFFFFFD0] =	vst v0  }
0x406: {  	v0 =	vld [tilespmem:s30+$0xFFFFFFE0]  }
0x407: {  	v1 =	vld [tilespmem:s1+$0xFFFFFFE0];
	_ =	sdelay $0x4  }
0x408: {  	v0 =	vadd.f32 v1, v0;
	_ =	sdelay $0x1  }
0x409: {  	[tilespmem:s24+$0xFFFFFFE0] =	vst v0  }
0x40a: {  	v0 =	vld [tilespmem:s30+$0xFFFFFFF0]  }
0x40b: {  	v1 =	vld [tilespmem:s1+$0xFFFFFFF0];
	_ =	sdelay $0x4  }
0x40c: {  	v0 =	vadd.f32 v1, v0;
	_ =	sdelay $0x1  }
0x40d: {  	[tilespmem:s24+$0xFFFFFFF0] =	vst v0  }
0x40e: {  	v0 =	vld [tilespmem:s30+$0x0]  }
0x40f: {  	v1 =	vld [tilespmem:s1+$0x0];
	_ =	sdelay $0x4  }
0x410: {  	v0 =	vadd.f32 v1, v0;
	_ =	sdelay $0x1  }
0x411: {  	[tilespmem:s24+$0x0] =	vst v0  }
0x412: {  	v0 =	vld [tilespmem:s30+$0x10]  }
0x413: {  	v1 =	vld [tilespmem:s1+$0x10];
	_ =	sdelay $0x4  }
0x414: {  	v0 =	vadd.f32 v1, v0;
	_ =	sdelay $0x1  }
0x415: {  	[tilespmem:s24+$0x10] =	vst v0  }
0x416: {  	v0 =	vld [tilespmem:s30+$0x20]  }
0x417: {  	v1 =	vld [tilespmem:s1+$0x20];
	_ =	sdelay $0x4  }
0x418: {  	v0 =	vadd.f32 v1, v0;
	_ =	sdelay $0x1  }
0x419: {  	[tilespmem:s24+$0x20] =	vst v0  }
0x41a: {  	v0 =	vld [tilespmem:s30+$0x30]  }
0x41b: {  	v1 =	vld [tilespmem:s1+$0x30];
	_ =	sdelay $0x4  }
0x41c: {  	v0 =	vadd.f32 v1, v0;
	_ =	sdelay $0x1  }
0x41d: {  	[tilespmem:s24+$0x30] =	vst v0  }
0x41e: {  	v0 =	vld [tilespmem:s30+$0x40]  }
0x41f: {  	v1 =	vld [tilespmem:s1+$0x40];
	_ =	sdelay $0x4  }
0x420: {  	v0 =	vadd.f32 v1, v0;
	_ =	sdelay $0x1  }
0x421: {  	[tilespmem:s24+$0x40] =	vst v0  }
0x422: {  	v0 =	vld [tilespmem:s30+$0x50]  }
0x423: {  	v1 =	vld [tilespmem:s1+$0x50];
	_ =	sdelay $0x4  }
0x424: {  	v0 =	vadd.f32 v1, v0;
	_ =	sdelay $0x1  }
0x425: {  	[tilespmem:s24+$0x50] =	vst v0  }
0x426: {  	v0 =	vld [tilespmem:s30+$0x60]  }
0x427: {  	v1 =	vld [tilespmem:s1+$0x60];
	_ =	sdelay $0x4  }
0x428: {  	v0 =	vadd.f32 v1, v0;
	_ =	sdelay $0x1  }
0x429: {  	[tilespmem:s24+$0x60] =	vst v0  }
0x42a: {  	v0 =	vld [tilespmem:s30+$0x70]  }
0x42b: {  	v1 =	vld [tilespmem:s1+$0x70];
	_ =	sdelay $0x4  }
0x42c: {  	v0 =	vadd.f32 v1, v0;
	_ =	sdelay $0x1  }
0x42d: {  	[tilespmem:s24+$0x70] =	vst v0  }
0x42e: {  	v0 =	vld [tilespmem:s30+$0x80]  }
0x42f: {  	v1 =	vld [tilespmem:s1+$0x80];
	_ =	sdelay $0x4  }
0x430: {  	v0 =	vadd.f32 v1, v0;
	_ =	sdelay $0x1  }
0x431: {  	[tilespmem:s24+$0x80] =	vst v0  }
0x432: {  	v0 =	vld [tilespmem:s30+$0x90]  }
0x433: {  	v1 =	vld [tilespmem:s1+$0x90];
	_ =	sdelay $0x4  }
0x434: {  	v0 =	vadd.f32 v1, v0;
	_ =	sdelay $0x1  }
0x435: {  	[tilespmem:s24+$0x90] =	vst v0  }
0x436: {  	v0 =	vld [tilespmem:s30+$0xA0]  }
0x437: {  	v1 =	vld [tilespmem:s1+$0xA0];
	_ =	sdelay $0x4  }
0x438: {  	v0 =	vadd.f32 v1, v0;
	_ =	sdelay $0x1  }
0x439: {  	[tilespmem:s24+$0xA0] =	vst v0  }
0x43a: {  	v0 =	vld [tilespmem:s30+$0xB0]  }
0x43b: {  	v1 =	vld [tilespmem:s1+$0xB0];
	_ =	sdelay $0x4  }
0x43c: {  	v0 =	vadd.f32 v1, v0;
	_ =	sdelay $0x1  }
.Ltmp3:
0x43d: {  	[tilespmem:s24+$0xB0] =	vst v0;
	(pc) =	sbr.rel @p0 .LBB2_9-.Ltmp3, $3  }
0x43e: {  	v0 =	vld [tilespmem:s30+$0xC0]  }
0x43f: {  	v1 =	vld [tilespmem:s1+$0xC0];
	_ =	sdelay $0x1  }
0x440: {  	s24 =	sadd.s32 $0x200, s24  }
0x441: {  	_ =	sdelay $0x1  }
0x442: {  	v0 =	vadd.f32 v1, v0;
	_ =	sdelay $0x1  }
0x443: {  	[tilespmem:s29+$0xC0] =	vst v0  }
0x444: {  	v0 =	vld [tilespmem:s0+$0xD0]  }
0x445: {  	v61 =	vld [tilespmem:s14+$0xD0];
	_ =	sdelay $0x4  }
0x446: {  	v0 =	vadd.f32 v61, v0;
	_ =	sdelay $0x1  }
0x447: {  	[tilespmem:s29+$0xD0] =	vst v0  }
0x448: {  	v0 =	vld [tilespmem:s0+$0xE0]  }
0x449: {  	v62 =	vld [tilespmem:s14+$0xE0];
	_ =	sdelay $0x4  }
0x44a: {  	v0 =	vadd.f32 v62, v0;
	_ =	sdelay $0x1  }
0x44b: {  	[tilespmem:s29+$0xE0] =	vst v0  }
0x44c: {  	v0 =	vld [tilespmem:s0+$0xF0]  }
0x44d: {  	v63 =	vld [tilespmem:s14+$0xF0];
	_ =	sdelay $0x1  }
0x44e: {  	s26 =	sadd.s32 $0x1, s26  }
0x44f: {  	p0 =	sne.s32 s26, $0x3E  }
.Ltmp4:
0x450: {  	s31 =	sadd.s32 s3, s28;
	(pc) =	sbr.rel @p0 .LBB2_6-.Ltmp4, $3  }
0x451: {  	s0 =	smul.u32 $0x640, s31;
	v0 =	vadd.f32 v63, v0;
	_ =	sdelay $0x1  }
0x452: {  	s0 =	sadd.s32 s6, s0;
	[tilespmem:s29+$0xF0] =	vst v0  }
0x453: {  	[hbm4b:s0+s2] =	stream.linear.scatter [tilespmem:s22], [sflag:$0x2], $0x3200, $0x38;
	[tilespmem:$0x15E00] =	vst v63  }
0x454: {  	_ =	swait.ge [sflag:s18], $0x3200  }
0x455: {  	[sflag:s18] =	ssyncset.done $0x0  }
0x456: {  	s0 =	simm.s32 $0x6338;
	[sflag:s18] =	ssyncadd.s32 $0xFFFFCE00  }
0x457: {  	[tilespmem:s19], [sflag:$0x1] =	stream.indirect.gather [hbm4b:s4+s16], $0x40, s0, s16, $0xb8;
	[tilespmem:$0x15E00] =	vst v63  }
0x458: {  	_ =	swait.ge [sflag:s23], $0x3200  }
0x459: {  	[sflag:s23] =	ssyncset.done $0x0  }
0x45a: {  	s28 =	simm.s32 $0x6500;
	[sflag:s23] =	ssyncadd.s32 $0xFFFFCE00  }
0x45b: {  	s1 =	simm.s32 $0x12D00;
	v0 =	vld [tilespmem:s28+$0xFFFFFF00]  }
0x45c: {  	v1 =	vld [tilespmem:s1+$0xFFFFFF00];
	_ =	sdelay $0x4  }
0x45d: {  	v0 =	vadd.f32 v1, v0  }
0x45e: {  	s26 =	simm.s32 $0xC900  }
0x45f: {  	[tilespmem:s26+$0xFFFFFF00] =	vst v0  }
0x460: {  	v0 =	vld [tilespmem:s1+$0xFFFFFF10]  }
0x461: {  	v1 =	vld [tilespmem:s28+$0xFFFFFF10];
	_ =	sdelay $0x4  }
0x462: {  	v0 =	vadd.f32 v0, v1;
	_ =	sdelay $0x1  }
0x463: {  	[tilespmem:s26+$0xFFFFFF10] =	vst v0  }
0x464: {  	v0 =	vld [tilespmem:s28+$0xFFFFFF20]  }
0x465: {  	v1 =	vld [tilespmem:s1+$0xFFFFFF20];
	_ =	sdelay $0x4  }
0x466: {  	v0 =	vadd.f32 v1, v0;
	_ =	sdelay $0x1  }
0x467: {  	[tilespmem:s26+$0xFFFFFF20] =	vst v0  }
0x468: {  	v0 =	vld [tilespmem:s28+$0xFFFFFF30]  }
0x469: {  	v1 =	vld [tilespmem:s1+$0xFFFFFF30];
	_ =	sdelay $0x4  }
0x46a: {  	v0 =	vadd.f32 v1, v0;
	_ =	sdelay $0x1  }
0x46b: {  	[tilespmem:s26+$0xFFFFFF30] =	vst v0  }
0x46c: {  	v0 =	vld [tilespmem:s28+$0xFFFFFF40]  }
0x46d: {  	v1 =	vld [tilespmem:s1+$0xFFFFFF40];
	_ =	sdelay $0x4  }
0x46e: {  	v0 =	vadd.f32 v1, v0;
	_ =	sdelay $0x1  }
0x46f: {  	[tilespmem:s26+$0xFFFFFF40] =	vst v0  }
0x470: {  	v0 =	vld [tilespmem:s28+$0xFFFFFF50]  }
0x471: {  	v1 =	vld [tilespmem:s1+$0xFFFFFF50];
	_ =	sdelay $0x4  }
0x472: {  	v0 =	vadd.f32 v1, v0;
	_ =	sdelay $0x1  }
0x473: {  	[tilespmem:s26+$0xFFFFFF50] =	vst v0  }
0x474: {  	v0 =	vld [tilespmem:s28+$0xFFFFFF60]  }
0x475: {  	v1 =	vld [tilespmem:s1+$0xFFFFFF60];
	_ =	sdelay $0x4  }
0x476: {  	v0 =	vadd.f32 v1, v0;
	_ =	sdelay $0x1  }
0x477: {  	[tilespmem:s26+$0xFFFFFF60] =	vst v0  }
0x478: {  	v0 =	vld [tilespmem:s28+$0xFFFFFF70]  }
0x479: {  	v1 =	vld [tilespmem:s1+$0xFFFFFF70];
	_ =	sdelay $0x4  }
0x47a: {  	v0 =	vadd.f32 v1, v0;
	_ =	sdelay $0x1  }
0x47b: {  	[tilespmem:s26+$0xFFFFFF70] =	vst v0  }
0x47c: {  	v0 =	vld [tilespmem:s28+$0xFFFFFF80]  }
0x47d: {  	v1 =	vld [tilespmem:s1+$0xFFFFFF80];
	_ =	sdelay $0x4  }
0x47e: {  	v0 =	vadd.f32 v1, v0;
	_ =	sdelay $0x1  }
0x47f: {  	[tilespmem:s26+$0xFFFFFF80] =	vst v0  }
0x480: {  	v0 =	vld [tilespmem:s28+$0xFFFFFF90]  }
0x481: {  	v1 =	vld [tilespmem:s1+$0xFFFFFF90];
	_ =	sdelay $0x4  }
0x482: {  	v0 =	vadd.f32 v1, v0;
	_ =	sdelay $0x1  }
0x483: {  	[tilespmem:s26+$0xFFFFFF90] =	vst v0  }
0x484: {  	v0 =	vld [tilespmem:s28+$0xFFFFFFA0]  }
0x485: {  	v1 =	vld [tilespmem:s1+$0xFFFFFFA0];
	_ =	sdelay $0x4  }
0x486: {  	v0 =	vadd.f32 v1, v0;
	_ =	sdelay $0x1  }
0x487: {  	[tilespmem:s26+$0xFFFFFFA0] =	vst v0  }
0x488: {  	v0 =	vld [tilespmem:s28+$0xFFFFFFB0]  }
0x489: {  	v1 =	vld [tilespmem:s1+$0xFFFFFFB0];
	_ =	sdelay $0x4  }
0x48a: {  	v0 =	vadd.f32 v1, v0;
	_ =	sdelay $0x1  }
0x48b: {  	[tilespmem:s26+$0xFFFFFFB0] =	vst v0  }
0x48c: {  	v0 =	vld [tilespmem:s28+$0xFFFFFFC0]  }
0x48d: {  	v1 =	vld [tilespmem:s1+$0xFFFFFFC0];
	_ =	sdelay $0x4  }
0x48e: {  	v0 =	vadd.f32 v1, v0;
	_ =	sdelay $0x1  }
0x48f: {  	[tilespmem:s26+$0xFFFFFFC0] =	vst v0  }
0x490: {  	v0 =	vld [tilespmem:s28+$0xFFFFFFD0]  }
0x491: {  	v1 =	vld [tilespmem:s1+$0xFFFFFFD0];
	_ =	sdelay $0x4  }
0x492: {  	v0 =	vadd.f32 v1, v0;
	_ =	sdelay $0x1  }
0x493: {  	[tilespmem:s26+$0xFFFFFFD0] =	vst v0  }
0x494: {  	v0 =	vld [tilespmem:s28+$0xFFFFFFE0]  }
0x495: {  	v1 =	vld [tilespmem:s1+$0xFFFFFFE0];
	_ =	sdelay $0x4  }
0x496: {  	v0 =	vadd.f32 v1, v0;
	_ =	sdelay $0x1  }
0x497: {  	[tilespmem:s26+$0xFFFFFFE0] =	vst v0  }
0x498: {  	v0 =	vld [tilespmem:s28+$0xFFFFFFF0]  }
0x499: {  	v1 =	vld [tilespmem:s1+$0xFFFFFFF0];
	_ =	sdelay $0x4  }
0x49a: {  	v0 =	vadd.f32 v1, v0;
	_ =	sdelay $0x1  }
0x49b: {  	[tilespmem:s26+$0xFFFFFFF0] =	vst v0  }
0x49c: {  	v0 =	vld [tilespmem:s28+$0x0]  }
0x49d: {  	v1 =	vld [tilespmem:s1+$0x0];
	_ =	sdelay $0x4  }
0x49e: {  	v0 =	vadd.f32 v1, v0;
	_ =	sdelay $0x1  }
0x49f: {  	[tilespmem:s26+$0x0] =	vst v0  }
0x4a0: {  	v0 =	vld [tilespmem:s28+$0x10]  }
0x4a1: {  	v1 =	vld [tilespmem:s1+$0x10];
	_ =	sdelay $0x4  }
0x4a2: {  	v0 =	vadd.f32 v1, v0;
	_ =	sdelay $0x1  }
0x4a3: {  	[tilespmem:s26+$0x10] =	vst v0  }
0x4a4: {  	v0 =	vld [tilespmem:s28+$0x20]  }
0x4a5: {  	v1 =	vld [tilespmem:s1+$0x20];
	_ =	sdelay $0x4  }
0x4a6: {  	v0 =	vadd.f32 v1, v0;
	_ =	sdelay $0x1  }
0x4a7: {  	[tilespmem:s26+$0x20] =	vst v0  }
0x4a8: {  	v0 =	vld [tilespmem:s28+$0x30]  }
0x4a9: {  	v1 =	vld [tilespmem:s1+$0x30];
	_ =	sdelay $0x4  }
0x4aa: {  	v0 =	vadd.f32 v1, v0;
	_ =	sdelay $0x1  }
0x4ab: {  	[tilespmem:s26+$0x30] =	vst v0  }
0x4ac: {  	v0 =	vld [tilespmem:s28+$0x40]  }
0x4ad: {  	v1 =	vld [tilespmem:s1+$0x40];
	_ =	sdelay $0x4  }
0x4ae: {  	v0 =	vadd.f32 v1, v0;
	_ =	sdelay $0x1  }
0x4af: {  	[tilespmem:s26+$0x40] =	vst v0  }
0x4b0: {  	v0 =	vld [tilespmem:s28+$0x50]  }
0x4b1: {  	v1 =	vld [tilespmem:s1+$0x50];
	_ =	sdelay $0x4  }
0x4b2: {  	v0 =	vadd.f32 v1, v0;
	_ =	sdelay $0x1  }
0x4b3: {  	[tilespmem:s26+$0x50] =	vst v0  }
0x4b4: {  	v0 =	vld [tilespmem:s28+$0x60]  }
0x4b5: {  	v1 =	vld [tilespmem:s1+$0x60];
	_ =	sdelay $0x4  }
0x4b6: {  	v0 =	vadd.f32 v1, v0;
	_ =	sdelay $0x1  }
0x4b7: {  	[tilespmem:s26+$0x60] =	vst v0  }
0x4b8: {  	v0 =	vld [tilespmem:s28+$0x70]  }
0x4b9: {  	v1 =	vld [tilespmem:s1+$0x70];
	_ =	sdelay $0x4  }
0x4ba: {  	v0 =	vadd.f32 v1, v0;
	_ =	sdelay $0x1  }
0x4bb: {  	[tilespmem:s26+$0x70] =	vst v0  }
0x4bc: {  	v0 =	vld [tilespmem:s28+$0x80]  }
0x4bd: {  	v1 =	vld [tilespmem:s1+$0x80];
	_ =	sdelay $0x4  }
0x4be: {  	v0 =	vadd.f32 v1, v0;
	_ =	sdelay $0x1  }
0x4bf: {  	[tilespmem:s26+$0x80] =	vst v0  }
0x4c0: {  	v0 =	vld [tilespmem:s28+$0x90]  }
0x4c1: {  	v1 =	vld [tilespmem:s1+$0x90];
	_ =	sdelay $0x4  }
0x4c2: {  	v0 =	vadd.f32 v1, v0;
	_ =	sdelay $0x1  }
0x4c3: {  	[tilespmem:s26+$0x90] =	vst v0  }
0x4c4: {  	v0 =	vld [tilespmem:s28+$0xA0]  }
0x4c5: {  	v1 =	vld [tilespmem:s1+$0xA0];
	_ =	sdelay $0x4  }
0x4c6: {  	v0 =	vadd.f32 v1, v0;
	_ =	sdelay $0x1  }
0x4c7: {  	[tilespmem:s26+$0xA0] =	vst v0  }
0x4c8: {  	v0 =	vld [tilespmem:s28+$0xB0]  }
0x4c9: {  	v1 =	vld [tilespmem:s1+$0xB0];
	_ =	sdelay $0x4  }
0x4ca: {  	v0 =	vadd.f32 v1, v0;
	_ =	sdelay $0x1  }
0x4cb: {  	[tilespmem:s26+$0xB0] =	vst v0  }
0x4cc: {  	v0 =	vld [tilespmem:s28+$0xC0]  }
0x4cd: {  	v1 =	vld [tilespmem:s1+$0xC0]  }
0x4ce: {  	s21 =	simm.s32 $0x0  }
0x4cf: {  	s24 =	simm.s32 $0xCB00;
	s14 =	simm.s32 $0x12D00;
	s0 =	simm.s32 $0x6500  }
.LBB2_12:
0x4d0: {  	s21 =	sadd.s32 $0x8, s21;
	s28 =	sadd.s32 $0x200, s28;
	s1 =	sadd.s32 $0x200, s1  }
0x4d1: {  	p0 =	slt.u32 s21, $0xC0  }
0x4d2: {  	v0 =	vadd.f32 v1, v0;
	_ =	sdelay $0x1  }
0x4d3: {  	[tilespmem:s26+$0xC0] =	vst v0  }
0x4d4: {  	v0 =	vld [tilespmem:s0+$0xD0]  }
0x4d5: {  	v1 =	vld [tilespmem:s14+$0xD0];
	_ =	sdelay $0x4  }
0x4d6: {  	v0 =	vadd.f32 v1, v0;
	_ =	sdelay $0x1  }
0x4d7: {  	[tilespmem:s26+$0xD0] =	vst v0  }
0x4d8: {  	v0 =	vld [tilespmem:s0+$0xE0]  }
0x4d9: {  	v1 =	vld [tilespmem:s14+$0xE0];
	_ =	sdelay $0x4  }
0x4da: {  	v0 =	vadd.f32 v1, v0;
	_ =	sdelay $0x1  }
0x4db: {  	[tilespmem:s26+$0xE0] =	vst v0  }
0x4dc: {  	v0 =	vld [tilespmem:s0+$0xF0];
	s0 =	smov.u32 s28  }
0x4dd: {  	v1 =	vld [tilespmem:s14+$0xF0];
	s14 =	smov.u32 s1;
	_ =	sdelay $0x4  }
0x4de: {  	v0 =	vadd.f32 v1, v0;
	_ =	sdelay $0x1  }
0x4df: {  	[tilespmem:s26+$0xF0] =	vst v0;
	s26 =	smov.u32 s24  }
0x4e0: {  	v0 =	vld [tilespmem:s28+$0xFFFFFF00]  }
0x4e1: {  	v1 =	vld [tilespmem:s1+$0xFFFFFF00];
	_ =	sdelay $0x4  }
0x4e2: {  	v0 =	vadd.f32 v1, v0;
	_ =	sdelay $0x1  }
0x4e3: {  	[tilespmem:s24+$0xFFFFFF00] =	vst v0  }
0x4e4: {  	v0 =	vld [tilespmem:s1+$0xFFFFFF10]  }
0x4e5: {  	v1 =	vld [tilespmem:s28+$0xFFFFFF10];
	_ =	sdelay $0x4  }
0x4e6: {  	v0 =	vadd.f32 v0, v1;
	_ =	sdelay $0x1  }
0x4e7: {  	[tilespmem:s24+$0xFFFFFF10] =	vst v0  }
0x4e8: {  	v0 =	vld [tilespmem:s28+$0xFFFFFF20]  }
0x4e9: {  	v1 =	vld [tilespmem:s1+$0xFFFFFF20];
	_ =	sdelay $0x4  }
0x4ea: {  	v0 =	vadd.f32 v1, v0;
	_ =	sdelay $0x1  }
0x4eb: {  	[tilespmem:s24+$0xFFFFFF20] =	vst v0  }
0x4ec: {  	v0 =	vld [tilespmem:s28+$0xFFFFFF30]  }
0x4ed: {  	v1 =	vld [tilespmem:s1+$0xFFFFFF30];
	_ =	sdelay $0x4  }
0x4ee: {  	v0 =	vadd.f32 v1, v0;
	_ =	sdelay $0x1  }
0x4ef: {  	[tilespmem:s24+$0xFFFFFF30] =	vst v0  }
0x4f0: {  	v0 =	vld [tilespmem:s28+$0xFFFFFF40]  }
0x4f1: {  	v1 =	vld [tilespmem:s1+$0xFFFFFF40];
	_ =	sdelay $0x4  }
0x4f2: {  	v0 =	vadd.f32 v1, v0;
	_ =	sdelay $0x1  }
0x4f3: {  	[tilespmem:s24+$0xFFFFFF40] =	vst v0  }
0x4f4: {  	v0 =	vld [tilespmem:s28+$0xFFFFFF50]  }
0x4f5: {  	v1 =	vld [tilespmem:s1+$0xFFFFFF50];
	_ =	sdelay $0x4  }
0x4f6: {  	v0 =	vadd.f32 v1, v0;
	_ =	sdelay $0x1  }
0x4f7: {  	[tilespmem:s24+$0xFFFFFF50] =	vst v0  }
0x4f8: {  	v0 =	vld [tilespmem:s28+$0xFFFFFF60]  }
0x4f9: {  	v1 =	vld [tilespmem:s1+$0xFFFFFF60];
	_ =	sdelay $0x4  }
0x4fa: {  	v0 =	vadd.f32 v1, v0;
	_ =	sdelay $0x1  }
0x4fb: {  	[tilespmem:s24+$0xFFFFFF60] =	vst v0  }
0x4fc: {  	v0 =	vld [tilespmem:s28+$0xFFFFFF70]  }
0x4fd: {  	v1 =	vld [tilespmem:s1+$0xFFFFFF70];
	_ =	sdelay $0x4  }
0x4fe: {  	v0 =	vadd.f32 v1, v0;
	_ =	sdelay $0x1  }
0x4ff: {  	[tilespmem:s24+$0xFFFFFF70] =	vst v0  }
0x500: {  	v0 =	vld [tilespmem:s28+$0xFFFFFF80]  }
0x501: {  	v1 =	vld [tilespmem:s1+$0xFFFFFF80];
	_ =	sdelay $0x4  }
0x502: {  	v0 =	vadd.f32 v1, v0;
	_ =	sdelay $0x1  }
0x503: {  	[tilespmem:s24+$0xFFFFFF80] =	vst v0  }
0x504: {  	v0 =	vld [tilespmem:s28+$0xFFFFFF90]  }
0x505: {  	v1 =	vld [tilespmem:s1+$0xFFFFFF90];
	_ =	sdelay $0x4  }
0x506: {  	v0 =	vadd.f32 v1, v0;
	_ =	sdelay $0x1  }
0x507: {  	[tilespmem:s24+$0xFFFFFF90] =	vst v0  }
0x508: {  	v0 =	vld [tilespmem:s28+$0xFFFFFFA0]  }
0x509: {  	v1 =	vld [tilespmem:s1+$0xFFFFFFA0];
	_ =	sdelay $0x4  }
0x50a: {  	v0 =	vadd.f32 v1, v0;
	_ =	sdelay $0x1  }
0x50b: {  	[tilespmem:s24+$0xFFFFFFA0] =	vst v0  }
0x50c: {  	v0 =	vld [tilespmem:s28+$0xFFFFFFB0]  }
0x50d: {  	v1 =	vld [tilespmem:s1+$0xFFFFFFB0];
	_ =	sdelay $0x4  }
0x50e: {  	v0 =	vadd.f32 v1, v0;
	_ =	sdelay $0x1  }
0x50f: {  	[tilespmem:s24+$0xFFFFFFB0] =	vst v0  }
0x510: {  	v0 =	vld [tilespmem:s28+$0xFFFFFFC0]  }
0x511: {  	v1 =	vld [tilespmem:s1+$0xFFFFFFC0];
	_ =	sdelay $0x4  }
0x512: {  	v0 =	vadd.f32 v1, v0;
	_ =	sdelay $0x1  }
0x513: {  	[tilespmem:s24+$0xFFFFFFC0] =	vst v0  }
0x514: {  	v0 =	vld [tilespmem:s28+$0xFFFFFFD0]  }
0x515: {  	v1 =	vld [tilespmem:s1+$0xFFFFFFD0];
	_ =	sdelay $0x4  }
0x516: {  	v0 =	vadd.f32 v1, v0;
	_ =	sdelay $0x1  }
0x517: {  	[tilespmem:s24+$0xFFFFFFD0] =	vst v0  }
0x518: {  	v0 =	vld [tilespmem:s28+$0xFFFFFFE0]  }
0x519: {  	v1 =	vld [tilespmem:s1+$0xFFFFFFE0];
	_ =	sdelay $0x4  }
0x51a: {  	v0 =	vadd.f32 v1, v0;
	_ =	sdelay $0x1  }
0x51b: {  	[tilespmem:s24+$0xFFFFFFE0] =	vst v0  }
0x51c: {  	v0 =	vld [tilespmem:s28+$0xFFFFFFF0]  }
0x51d: {  	v1 =	vld [tilespmem:s1+$0xFFFFFFF0];
	_ =	sdelay $0x4  }
0x51e: {  	v0 =	vadd.f32 v1, v0;
	_ =	sdelay $0x1  }
0x51f: {  	[tilespmem:s24+$0xFFFFFFF0] =	vst v0  }
0x520: {  	v0 =	vld [tilespmem:s28+$0x0]  }
0x521: {  	v1 =	vld [tilespmem:s1+$0x0];
	_ =	sdelay $0x4  }
0x522: {  	v0 =	vadd.f32 v1, v0;
	_ =	sdelay $0x1  }
0x523: {  	[tilespmem:s24+$0x0] =	vst v0  }
0x524: {  	v0 =	vld [tilespmem:s28+$0x10]  }
0x525: {  	v1 =	vld [tilespmem:s1+$0x10];
	_ =	sdelay $0x4  }
0x526: {  	v0 =	vadd.f32 v1, v0;
	_ =	sdelay $0x1  }
0x527: {  	[tilespmem:s24+$0x10] =	vst v0  }
0x528: {  	v0 =	vld [tilespmem:s28+$0x20]  }
0x529: {  	v1 =	vld [tilespmem:s1+$0x20];
	_ =	sdelay $0x4  }
0x52a: {  	v0 =	vadd.f32 v1, v0;
	_ =	sdelay $0x1  }
0x52b: {  	[tilespmem:s24+$0x20] =	vst v0  }
0x52c: {  	v0 =	vld [tilespmem:s28+$0x30]  }
0x52d: {  	v1 =	vld [tilespmem:s1+$0x30];
	_ =	sdelay $0x4  }
0x52e: {  	v0 =	vadd.f32 v1, v0;
	_ =	sdelay $0x1  }
0x52f: {  	[tilespmem:s24+$0x30] =	vst v0  }
0x530: {  	v0 =	vld [tilespmem:s28+$0x40]  }
0x531: {  	v1 =	vld [tilespmem:s1+$0x40];
	_ =	sdelay $0x4  }
0x532: {  	v0 =	vadd.f32 v1, v0;
	_ =	sdelay $0x1  }
0x533: {  	[tilespmem:s24+$0x40] =	vst v0  }
0x534: {  	v0 =	vld [tilespmem:s28+$0x50]  }
0x535: {  	v1 =	vld [tilespmem:s1+$0x50];
	_ =	sdelay $0x4  }
0x536: {  	v0 =	vadd.f32 v1, v0;
	_ =	sdelay $0x1  }
0x537: {  	[tilespmem:s24+$0x50] =	vst v0  }
0x538: {  	v0 =	vld [tilespmem:s28+$0x60]  }
0x539: {  	v1 =	vld [tilespmem:s1+$0x60];
	_ =	sdelay $0x4  }
0x53a: {  	v0 =	vadd.f32 v1, v0;
	_ =	sdelay $0x1  }
0x53b: {  	[tilespmem:s24+$0x60] =	vst v0  }
0x53c: {  	v0 =	vld [tilespmem:s28+$0x70]  }
0x53d: {  	v1 =	vld [tilespmem:s1+$0x70];
	_ =	sdelay $0x4  }
0x53e: {  	v0 =	vadd.f32 v1, v0;
	_ =	sdelay $0x1  }
0x53f: {  	[tilespmem:s24+$0x70] =	vst v0  }
0x540: {  	v0 =	vld [tilespmem:s28+$0x80]  }
0x541: {  	v1 =	vld [tilespmem:s1+$0x80];
	_ =	sdelay $0x4  }
0x542: {  	v0 =	vadd.f32 v1, v0;
	_ =	sdelay $0x1  }
0x543: {  	[tilespmem:s24+$0x80] =	vst v0  }
0x544: {  	v0 =	vld [tilespmem:s28+$0x90]  }
0x545: {  	v1 =	vld [tilespmem:s1+$0x90];
	_ =	sdelay $0x4  }
0x546: {  	v0 =	vadd.f32 v1, v0;
	_ =	sdelay $0x1  }
0x547: {  	[tilespmem:s24+$0x90] =	vst v0  }
0x548: {  	v0 =	vld [tilespmem:s28+$0xA0]  }
0x549: {  	v1 =	vld [tilespmem:s1+$0xA0];
	_ =	sdelay $0x4  }
0x54a: {  	v0 =	vadd.f32 v1, v0;
	_ =	sdelay $0x1  }
0x54b: {  	[tilespmem:s24+$0xA0] =	vst v0  }
0x54c: {  	v0 =	vld [tilespmem:s28+$0xB0]  }
0x54d: {  	v1 =	vld [tilespmem:s1+$0xB0];
	_ =	sdelay $0x4  }
0x54e: {  	v0 =	vadd.f32 v1, v0;
	_ =	sdelay $0x1  }
.Ltmp5:
0x54f: {  	[tilespmem:s24+$0xB0] =	vst v0;
	(pc) =	sbr.rel @p0 .LBB2_12-.Ltmp5, $3  }
0x550: {  	v0 =	vld [tilespmem:s28+$0xC0]  }
0x551: {  	v1 =	vld [tilespmem:s1+$0xC0];
	_ =	sdelay $0x1  }
0x552: {  	s24 =	sadd.s32 $0x200, s24  }
0x553: {  	_ =	sdelay $0x1  }
0x554: {  	v0 =	vadd.f32 v1, v0;
	_ =	sdelay $0x1  }
0x555: {  	[tilespmem:s26+$0xC0] =	vst v0  }
0x556: {  	v0 =	vld [tilespmem:s0+$0xD0]  }
0x557: {  	v1 =	vld [tilespmem:s14+$0xD0];
	_ =	sdelay $0x4  }
0x558: {  	v0 =	vadd.f32 v1, v0;
	_ =	sdelay $0x1  }
0x559: {  	[tilespmem:s26+$0xD0] =	vst v0  }
0x55a: {  	v0 =	vld [tilespmem:s0+$0xE0]  }
0x55b: {  	v1 =	vld [tilespmem:s14+$0xE0];
	_ =	sdelay $0x4  }
0x55c: {  	v0 =	vadd.f32 v1, v0;
	_ =	sdelay $0x1  }
0x55d: {  	[tilespmem:s26+$0xE0] =	vst v0  }
0x55e: {  	v0 =	vld [tilespmem:s0+$0xF0]  }
0x55f: {  	v1 =	vld [tilespmem:s14+$0xF0];
	_ =	sdelay $0x4  }
0x560: {  	v0 =	vadd.f32 v1, v0;
	_ =	sdelay $0x1  }
0x561: {  	[tilespmem:s26+$0xF0] =	vst v0  }
0x562: {  	[hbm4b:s11+s2] =	stream.linear.scatter [tilespmem:s20], [sflag:$0x2], $0x3200, $0x38;
	[tilespmem:$0x15E00] =	vst v63  }
0x563: {  	_ =	swait.ge [sflag:s18], $0x3200  }
0x564: {  	[sflag:s18] =	ssyncset.done $0x0  }
0x565: {  	[sflag:s18] =	ssyncadd.s32 $0xFFFFCE00  }
0x566: {  	_ =	swait.ge [sflag:s23], $0x3200  }
0x567: {  	[sflag:s23] =	ssyncset.done $0x0  }
0x568: {  	s28 =	simm.s32 $0x9700;
	[sflag:s23] =	ssyncadd.s32 $0xFFFFCE00  }
0x569: {  	s1 =	simm.s32 $0x12D00;
	v0 =	vld [tilespmem:s28+$0xFFFFFF00]  }
0x56a: {  	v1 =	vld [tilespmem:s1+$0xFFFFFF00];
	_ =	sdelay $0x4  }
0x56b: {  	v0 =	vadd.f32 v1, v0  }
0x56c: {  	s26 =	simm.s32 $0xFB00  }
0x56d: {  	[tilespmem:s26+$0xFFFFFF00] =	vst v0  }
0x56e: {  	v0 =	vld [tilespmem:s1+$0xFFFFFF10]  }
0x56f: {  	v1 =	vld [tilespmem:s28+$0xFFFFFF10];
	_ =	sdelay $0x4  }
0x570: {  	v0 =	vadd.f32 v0, v1;
	_ =	sdelay $0x1  }
0x571: {  	[tilespmem:s26+$0xFFFFFF10] =	vst v0  }
0x572: {  	v0 =	vld [tilespmem:s28+$0xFFFFFF20]  }
0x573: {  	v1 =	vld [tilespmem:s1+$0xFFFFFF20];
	_ =	sdelay $0x4  }
0x574: {  	v0 =	vadd.f32 v1, v0;
	_ =	sdelay $0x1  }
0x575: {  	[tilespmem:s26+$0xFFFFFF20] =	vst v0  }
0x576: {  	v0 =	vld [tilespmem:s28+$0xFFFFFF30]  }
0x577: {  	v1 =	vld [tilespmem:s1+$0xFFFFFF30];
	_ =	sdelay $0x4  }
0x578: {  	v0 =	vadd.f32 v1, v0;
	_ =	sdelay $0x1  }
0x579: {  	[tilespmem:s26+$0xFFFFFF30] =	vst v0  }
0x57a: {  	v0 =	vld [tilespmem:s28+$0xFFFFFF40]  }
0x57b: {  	v1 =	vld [tilespmem:s1+$0xFFFFFF40];
	_ =	sdelay $0x4  }
0x57c: {  	v0 =	vadd.f32 v1, v0;
	_ =	sdelay $0x1  }
0x57d: {  	[tilespmem:s26+$0xFFFFFF40] =	vst v0  }
0x57e: {  	v0 =	vld [tilespmem:s28+$0xFFFFFF50]  }
0x57f: {  	v1 =	vld [tilespmem:s1+$0xFFFFFF50];
	_ =	sdelay $0x4  }
0x580: {  	v0 =	vadd.f32 v1, v0;
	_ =	sdelay $0x1  }
0x581: {  	[tilespmem:s26+$0xFFFFFF50] =	vst v0  }
0x582: {  	v0 =	vld [tilespmem:s28+$0xFFFFFF60]  }
0x583: {  	v1 =	vld [tilespmem:s1+$0xFFFFFF60];
	_ =	sdelay $0x4  }
0x584: {  	v0 =	vadd.f32 v1, v0;
	_ =	sdelay $0x1  }
0x585: {  	[tilespmem:s26+$0xFFFFFF60] =	vst v0  }
0x586: {  	v0 =	vld [tilespmem:s28+$0xFFFFFF70]  }
0x587: {  	v1 =	vld [tilespmem:s1+$0xFFFFFF70];
	_ =	sdelay $0x4  }
0x588: {  	v0 =	vadd.f32 v1, v0;
	_ =	sdelay $0x1  }
0x589: {  	[tilespmem:s26+$0xFFFFFF70] =	vst v0  }
0x58a: {  	v0 =	vld [tilespmem:s28+$0xFFFFFF80]  }
0x58b: {  	v1 =	vld [tilespmem:s1+$0xFFFFFF80];
	_ =	sdelay $0x4  }
0x58c: {  	v0 =	vadd.f32 v1, v0;
	_ =	sdelay $0x1  }
0x58d: {  	[tilespmem:s26+$0xFFFFFF80] =	vst v0  }
0x58e: {  	v0 =	vld [tilespmem:s28+$0xFFFFFF90]  }
0x58f: {  	v1 =	vld [tilespmem:s1+$0xFFFFFF90];
	_ =	sdelay $0x4  }
0x590: {  	v0 =	vadd.f32 v1, v0;
	_ =	sdelay $0x1  }
0x591: {  	[tilespmem:s26+$0xFFFFFF90] =	vst v0  }
0x592: {  	v0 =	vld [tilespmem:s28+$0xFFFFFFA0]  }
0x593: {  	v1 =	vld [tilespmem:s1+$0xFFFFFFA0];
	_ =	sdelay $0x4  }
0x594: {  	v0 =	vadd.f32 v1, v0;
	_ =	sdelay $0x1  }
0x595: {  	[tilespmem:s26+$0xFFFFFFA0] =	vst v0  }
0x596: {  	v0 =	vld [tilespmem:s28+$0xFFFFFFB0]  }
0x597: {  	v1 =	vld [tilespmem:s1+$0xFFFFFFB0];
	_ =	sdelay $0x4  }
0x598: {  	v0 =	vadd.f32 v1, v0;
	_ =	sdelay $0x1  }
0x599: {  	[tilespmem:s26+$0xFFFFFFB0] =	vst v0  }
0x59a: {  	v0 =	vld [tilespmem:s28+$0xFFFFFFC0]  }
0x59b: {  	v1 =	vld [tilespmem:s1+$0xFFFFFFC0];
	_ =	sdelay $0x4  }
0x59c: {  	v0 =	vadd.f32 v1, v0;
	_ =	sdelay $0x1  }
0x59d: {  	[tilespmem:s26+$0xFFFFFFC0] =	vst v0  }
0x59e: {  	v0 =	vld [tilespmem:s28+$0xFFFFFFD0]  }
0x59f: {  	v1 =	vld [tilespmem:s1+$0xFFFFFFD0];
	_ =	sdelay $0x4  }
0x5a0: {  	v0 =	vadd.f32 v1, v0;
	_ =	sdelay $0x1  }
0x5a1: {  	[tilespmem:s26+$0xFFFFFFD0] =	vst v0  }
0x5a2: {  	v0 =	vld [tilespmem:s28+$0xFFFFFFE0]  }
0x5a3: {  	v1 =	vld [tilespmem:s1+$0xFFFFFFE0];
	_ =	sdelay $0x4  }
0x5a4: {  	v0 =	vadd.f32 v1, v0;
	_ =	sdelay $0x1  }
0x5a5: {  	[tilespmem:s26+$0xFFFFFFE0] =	vst v0  }
0x5a6: {  	v0 =	vld [tilespmem:s28+$0xFFFFFFF0]  }
0x5a7: {  	v1 =	vld [tilespmem:s1+$0xFFFFFFF0];
	_ =	sdelay $0x4  }
0x5a8: {  	v0 =	vadd.f32 v1, v0;
	_ =	sdelay $0x1  }
0x5a9: {  	[tilespmem:s26+$0xFFFFFFF0] =	vst v0  }
0x5aa: {  	v0 =	vld [tilespmem:s28+$0x0]  }
0x5ab: {  	v1 =	vld [tilespmem:s1+$0x0];
	_ =	sdelay $0x4  }
0x5ac: {  	v0 =	vadd.f32 v1, v0;
	_ =	sdelay $0x1  }
0x5ad: {  	[tilespmem:s26+$0x0] =	vst v0  }
0x5ae: {  	v0 =	vld [tilespmem:s28+$0x10]  }
0x5af: {  	v1 =	vld [tilespmem:s1+$0x10];
	_ =	sdelay $0x4  }
0x5b0: {  	v0 =	vadd.f32 v1, v0;
	_ =	sdelay $0x1  }
0x5b1: {  	[tilespmem:s26+$0x10] =	vst v0  }
0x5b2: {  	v0 =	vld [tilespmem:s28+$0x20]  }
0x5b3: {  	v1 =	vld [tilespmem:s1+$0x20];
	_ =	sdelay $0x4  }
0x5b4: {  	v0 =	vadd.f32 v1, v0;
	_ =	sdelay $0x1  }
0x5b5: {  	[tilespmem:s26+$0x20] =	vst v0  }
0x5b6: {  	v0 =	vld [tilespmem:s28+$0x30]  }
0x5b7: {  	v1 =	vld [tilespmem:s1+$0x30];
	_ =	sdelay $0x4  }
0x5b8: {  	v0 =	vadd.f32 v1, v0;
	_ =	sdelay $0x1  }
0x5b9: {  	[tilespmem:s26+$0x30] =	vst v0  }
0x5ba: {  	v0 =	vld [tilespmem:s28+$0x40]  }
0x5bb: {  	v1 =	vld [tilespmem:s1+$0x40];
	_ =	sdelay $0x4  }
0x5bc: {  	v0 =	vadd.f32 v1, v0;
	_ =	sdelay $0x1  }
0x5bd: {  	[tilespmem:s26+$0x40] =	vst v0  }
0x5be: {  	v0 =	vld [tilespmem:s28+$0x50]  }
0x5bf: {  	v1 =	vld [tilespmem:s1+$0x50];
	_ =	sdelay $0x4  }
0x5c0: {  	v0 =	vadd.f32 v1, v0;
	_ =	sdelay $0x1  }
0x5c1: {  	[tilespmem:s26+$0x50] =	vst v0  }
0x5c2: {  	v0 =	vld [tilespmem:s28+$0x60]  }
0x5c3: {  	v1 =	vld [tilespmem:s1+$0x60];
	_ =	sdelay $0x4  }
0x5c4: {  	v0 =	vadd.f32 v1, v0;
	_ =	sdelay $0x1  }
0x5c5: {  	[tilespmem:s26+$0x60] =	vst v0  }
0x5c6: {  	v0 =	vld [tilespmem:s28+$0x70]  }
0x5c7: {  	v1 =	vld [tilespmem:s1+$0x70];
	_ =	sdelay $0x4  }
0x5c8: {  	v0 =	vadd.f32 v1, v0;
	_ =	sdelay $0x1  }
0x5c9: {  	[tilespmem:s26+$0x70] =	vst v0  }
0x5ca: {  	v0 =	vld [tilespmem:s28+$0x80]  }
0x5cb: {  	v1 =	vld [tilespmem:s1+$0x80];
	_ =	sdelay $0x4  }
0x5cc: {  	v0 =	vadd.f32 v1, v0;
	_ =	sdelay $0x1  }
0x5cd: {  	[tilespmem:s26+$0x80] =	vst v0  }
0x5ce: {  	v0 =	vld [tilespmem:s28+$0x90]  }
0x5cf: {  	v1 =	vld [tilespmem:s1+$0x90];
	_ =	sdelay $0x4  }
0x5d0: {  	v0 =	vadd.f32 v1, v0;
	_ =	sdelay $0x1  }
0x5d1: {  	[tilespmem:s26+$0x90] =	vst v0  }
0x5d2: {  	v0 =	vld [tilespmem:s28+$0xA0]  }
0x5d3: {  	v1 =	vld [tilespmem:s1+$0xA0];
	_ =	sdelay $0x4  }
0x5d4: {  	v0 =	vadd.f32 v1, v0;
	_ =	sdelay $0x1  }
0x5d5: {  	[tilespmem:s26+$0xA0] =	vst v0  }
0x5d6: {  	v0 =	vld [tilespmem:s28+$0xB0]  }
0x5d7: {  	v1 =	vld [tilespmem:s1+$0xB0];
	_ =	sdelay $0x4  }
0x5d8: {  	v0 =	vadd.f32 v1, v0;
	_ =	sdelay $0x1  }
0x5d9: {  	[tilespmem:s26+$0xB0] =	vst v0  }
0x5da: {  	v0 =	vld [tilespmem:s28+$0xC0]  }
0x5db: {  	v1 =	vld [tilespmem:s1+$0xC0]  }
0x5dc: {  	s21 =	simm.s32 $0x0  }
0x5dd: {  	s24 =	simm.s32 $0xFD00;
	s0 =	simm.s32 $0x9700;
	s14 =	simm.s32 $0x12D00  }
.LBB2_14:
0x5de: {  	s21 =	sadd.s32 $0x8, s21;
	s28 =	sadd.s32 $0x200, s28;
	s1 =	sadd.s32 $0x200, s1  }
0x5df: {  	p0 =	slt.u32 s21, $0xC0  }
0x5e0: {  	v0 =	vadd.f32 v1, v0;
	_ =	sdelay $0x1  }
0x5e1: {  	[tilespmem:s26+$0xC0] =	vst v0  }
0x5e2: {  	v0 =	vld [tilespmem:s0+$0xD0]  }
0x5e3: {  	v1 =	vld [tilespmem:s14+$0xD0];
	_ =	sdelay $0x4  }
0x5e4: {  	v0 =	vadd.f32 v1, v0;
	_ =	sdelay $0x1  }
0x5e5: {  	[tilespmem:s26+$0xD0] =	vst v0  }
0x5e6: {  	v0 =	vld [tilespmem:s0+$0xE0]  }
0x5e7: {  	v1 =	vld [tilespmem:s14+$0xE0];
	_ =	sdelay $0x4  }
0x5e8: {  	v0 =	vadd.f32 v1, v0;
	_ =	sdelay $0x1  }
0x5e9: {  	[tilespmem:s26+$0xE0] =	vst v0  }
0x5ea: {  	v0 =	vld [tilespmem:s0+$0xF0];
	s0 =	smov.u32 s28  }
0x5eb: {  	v1 =	vld [tilespmem:s14+$0xF0];
	s14 =	smov.u32 s1;
	_ =	sdelay $0x4  }
0x5ec: {  	v0 =	vadd.f32 v1, v0;
	_ =	sdelay $0x1  }
0x5ed: {  	[tilespmem:s26+$0xF0] =	vst v0;
	s26 =	smov.u32 s24  }
0x5ee: {  	v0 =	vld [tilespmem:s28+$0xFFFFFF00]  }
0x5ef: {  	v1 =	vld [tilespmem:s1+$0xFFFFFF00];
	_ =	sdelay $0x4  }
0x5f0: {  	v0 =	vadd.f32 v1, v0;
	_ =	sdelay $0x1  }
0x5f1: {  	[tilespmem:s24+$0xFFFFFF00] =	vst v0  }
0x5f2: {  	v0 =	vld [tilespmem:s1+$0xFFFFFF10]  }
0x5f3: {  	v1 =	vld [tilespmem:s28+$0xFFFFFF10];
	_ =	sdelay $0x4  }
0x5f4: {  	v0 =	vadd.f32 v0, v1;
	_ =	sdelay $0x1  }
0x5f5: {  	[tilespmem:s24+$0xFFFFFF10] =	vst v0  }
0x5f6: {  	v0 =	vld [tilespmem:s28+$0xFFFFFF20]  }
0x5f7: {  	v1 =	vld [tilespmem:s1+$0xFFFFFF20];
	_ =	sdelay $0x4  }
0x5f8: {  	v0 =	vadd.f32 v1, v0;
	_ =	sdelay $0x1  }
0x5f9: {  	[tilespmem:s24+$0xFFFFFF20] =	vst v0  }
0x5fa: {  	v0 =	vld [tilespmem:s28+$0xFFFFFF30]  }
0x5fb: {  	v1 =	vld [tilespmem:s1+$0xFFFFFF30];
	_ =	sdelay $0x4  }
0x5fc: {  	v0 =	vadd.f32 v1, v0;
	_ =	sdelay $0x1  }
0x5fd: {  	[tilespmem:s24+$0xFFFFFF30] =	vst v0  }
0x5fe: {  	v0 =	vld [tilespmem:s28+$0xFFFFFF40]  }
0x5ff: {  	v1 =	vld [tilespmem:s1+$0xFFFFFF40];
	_ =	sdelay $0x4  }
0x600: {  	v0 =	vadd.f32 v1, v0;
	_ =	sdelay $0x1  }
0x601: {  	[tilespmem:s24+$0xFFFFFF40] =	vst v0  }
0x602: {  	v0 =	vld [tilespmem:s28+$0xFFFFFF50]  }
0x603: {  	v1 =	vld [tilespmem:s1+$0xFFFFFF50];
	_ =	sdelay $0x4  }
0x604: {  	v0 =	vadd.f32 v1, v0;
	_ =	sdelay $0x1  }
0x605: {  	[tilespmem:s24+$0xFFFFFF50] =	vst v0  }
0x606: {  	v0 =	vld [tilespmem:s28+$0xFFFFFF60]  }
0x607: {  	v1 =	vld [tilespmem:s1+$0xFFFFFF60];
	_ =	sdelay $0x4  }
0x608: {  	v0 =	vadd.f32 v1, v0;
	_ =	sdelay $0x1  }
0x609: {  	[tilespmem:s24+$0xFFFFFF60] =	vst v0  }
0x60a: {  	v0 =	vld [tilespmem:s28+$0xFFFFFF70]  }
0x60b: {  	v1 =	vld [tilespmem:s1+$0xFFFFFF70];
	_ =	sdelay $0x4  }
0x60c: {  	v0 =	vadd.f32 v1, v0;
	_ =	sdelay $0x1  }
0x60d: {  	[tilespmem:s24+$0xFFFFFF70] =	vst v0  }
0x60e: {  	v0 =	vld [tilespmem:s28+$0xFFFFFF80]  }
0x60f: {  	v1 =	vld [tilespmem:s1+$0xFFFFFF80];
	_ =	sdelay $0x4  }
0x610: {  	v0 =	vadd.f32 v1, v0;
	_ =	sdelay $0x1  }
0x611: {  	[tilespmem:s24+$0xFFFFFF80] =	vst v0  }
0x612: {  	v0 =	vld [tilespmem:s28+$0xFFFFFF90]  }
0x613: {  	v1 =	vld [tilespmem:s1+$0xFFFFFF90];
	_ =	sdelay $0x4  }
0x614: {  	v0 =	vadd.f32 v1, v0;
	_ =	sdelay $0x1  }
0x615: {  	[tilespmem:s24+$0xFFFFFF90] =	vst v0  }
0x616: {  	v0 =	vld [tilespmem:s28+$0xFFFFFFA0]  }
0x617: {  	v1 =	vld [tilespmem:s1+$0xFFFFFFA0];
	_ =	sdelay $0x4  }
0x618: {  	v0 =	vadd.f32 v1, v0;
	_ =	sdelay $0x1  }
0x619: {  	[tilespmem:s24+$0xFFFFFFA0] =	vst v0  }
0x61a: {  	v0 =	vld [tilespmem:s28+$0xFFFFFFB0]  }
0x61b: {  	v1 =	vld [tilespmem:s1+$0xFFFFFFB0];
	_ =	sdelay $0x4  }
0x61c: {  	v0 =	vadd.f32 v1, v0;
	_ =	sdelay $0x1  }
0x61d: {  	[tilespmem:s24+$0xFFFFFFB0] =	vst v0  }
0x61e: {  	v0 =	vld [tilespmem:s28+$0xFFFFFFC0]  }
0x61f: {  	v1 =	vld [tilespmem:s1+$0xFFFFFFC0];
	_ =	sdelay $0x4  }
0x620: {  	v0 =	vadd.f32 v1, v0;
	_ =	sdelay $0x1  }
0x621: {  	[tilespmem:s24+$0xFFFFFFC0] =	vst v0  }
0x622: {  	v0 =	vld [tilespmem:s28+$0xFFFFFFD0]  }
0x623: {  	v1 =	vld [tilespmem:s1+$0xFFFFFFD0];
	_ =	sdelay $0x4  }
0x624: {  	v0 =	vadd.f32 v1, v0;
	_ =	sdelay $0x1  }
0x625: {  	[tilespmem:s24+$0xFFFFFFD0] =	vst v0  }
0x626: {  	v0 =	vld [tilespmem:s28+$0xFFFFFFE0]  }
0x627: {  	v1 =	vld [tilespmem:s1+$0xFFFFFFE0];
	_ =	sdelay $0x4  }
0x628: {  	v0 =	vadd.f32 v1, v0;
	_ =	sdelay $0x1  }
0x629: {  	[tilespmem:s24+$0xFFFFFFE0] =	vst v0  }
0x62a: {  	v0 =	vld [tilespmem:s28+$0xFFFFFFF0]  }
0x62b: {  	v1 =	vld [tilespmem:s1+$0xFFFFFFF0];
	_ =	sdelay $0x4  }
0x62c: {  	v0 =	vadd.f32 v1, v0;
	_ =	sdelay $0x1  }
0x62d: {  	[tilespmem:s24+$0xFFFFFFF0] =	vst v0  }
0x62e: {  	v0 =	vld [tilespmem:s28+$0x0]  }
0x62f: {  	v1 =	vld [tilespmem:s1+$0x0];
	_ =	sdelay $0x4  }
0x630: {  	v0 =	vadd.f32 v1, v0;
	_ =	sdelay $0x1  }
0x631: {  	[tilespmem:s24+$0x0] =	vst v0  }
0x632: {  	v0 =	vld [tilespmem:s28+$0x10]  }
0x633: {  	v1 =	vld [tilespmem:s1+$0x10];
	_ =	sdelay $0x4  }
0x634: {  	v0 =	vadd.f32 v1, v0;
	_ =	sdelay $0x1  }
0x635: {  	[tilespmem:s24+$0x10] =	vst v0  }
0x636: {  	v0 =	vld [tilespmem:s28+$0x20]  }
0x637: {  	v1 =	vld [tilespmem:s1+$0x20];
	_ =	sdelay $0x4  }
0x638: {  	v0 =	vadd.f32 v1, v0;
	_ =	sdelay $0x1  }
0x639: {  	[tilespmem:s24+$0x20] =	vst v0  }
0x63a: {  	v0 =	vld [tilespmem:s28+$0x30]  }
0x63b: {  	v1 =	vld [tilespmem:s1+$0x30];
	_ =	sdelay $0x4  }
0x63c: {  	v0 =	vadd.f32 v1, v0;
	_ =	sdelay $0x1  }
0x63d: {  	[tilespmem:s24+$0x30] =	vst v0  }
0x63e: {  	v0 =	vld [tilespmem:s28+$0x40]  }
0x63f: {  	v1 =	vld [tilespmem:s1+$0x40];
	_ =	sdelay $0x4  }
0x640: {  	v0 =	vadd.f32 v1, v0;
	_ =	sdelay $0x1  }
0x641: {  	[tilespmem:s24+$0x40] =	vst v0  }
0x642: {  	v0 =	vld [tilespmem:s28+$0x50]  }
0x643: {  	v1 =	vld [tilespmem:s1+$0x50];
	_ =	sdelay $0x4  }
0x644: {  	v0 =	vadd.f32 v1, v0;
	_ =	sdelay $0x1  }
0x645: {  	[tilespmem:s24+$0x50] =	vst v0  }
0x646: {  	v0 =	vld [tilespmem:s28+$0x60]  }
0x647: {  	v1 =	vld [tilespmem:s1+$0x60];
	_ =	sdelay $0x4  }
0x648: {  	v0 =	vadd.f32 v1, v0;
	_ =	sdelay $0x1  }
0x649: {  	[tilespmem:s24+$0x60] =	vst v0  }
0x64a: {  	v0 =	vld [tilespmem:s28+$0x70]  }
0x64b: {  	v1 =	vld [tilespmem:s1+$0x70];
	_ =	sdelay $0x4  }
0x64c: {  	v0 =	vadd.f32 v1, v0;
	_ =	sdelay $0x1  }
0x64d: {  	[tilespmem:s24+$0x70] =	vst v0  }
0x64e: {  	v0 =	vld [tilespmem:s28+$0x80]  }
0x64f: {  	v1 =	vld [tilespmem:s1+$0x80];
	_ =	sdelay $0x4  }
0x650: {  	v0 =	vadd.f32 v1, v0;
	_ =	sdelay $0x1  }
0x651: {  	[tilespmem:s24+$0x80] =	vst v0  }
0x652: {  	v0 =	vld [tilespmem:s28+$0x90]  }
0x653: {  	v1 =	vld [tilespmem:s1+$0x90];
	_ =	sdelay $0x4  }
0x654: {  	v0 =	vadd.f32 v1, v0;
	_ =	sdelay $0x1  }
0x655: {  	[tilespmem:s24+$0x90] =	vst v0  }
0x656: {  	v0 =	vld [tilespmem:s28+$0xA0]  }
0x657: {  	v1 =	vld [tilespmem:s1+$0xA0];
	_ =	sdelay $0x4  }
0x658: {  	v0 =	vadd.f32 v1, v0;
	_ =	sdelay $0x1  }
0x659: {  	[tilespmem:s24+$0xA0] =	vst v0  }
0x65a: {  	v0 =	vld [tilespmem:s28+$0xB0]  }
0x65b: {  	v1 =	vld [tilespmem:s1+$0xB0];
	_ =	sdelay $0x4  }
0x65c: {  	v0 =	vadd.f32 v1, v0;
	_ =	sdelay $0x1  }
.Ltmp6:
0x65d: {  	[tilespmem:s24+$0xB0] =	vst v0;
	(pc) =	sbr.rel @p0 .LBB2_14-.Ltmp6, $3  }
0x65e: {  	v0 =	vld [tilespmem:s28+$0xC0]  }
0x65f: {  	v1 =	vld [tilespmem:s1+$0xC0];
	_ =	sdelay $0x1  }
0x660: {  	s24 =	sadd.s32 $0x200, s24  }
0x661: {  	_ =	sdelay $0x1  }
0x662: {  	v0 =	vadd.f32 v1, v0;
	_ =	sdelay $0x1  }
0x663: {  	[tilespmem:s26+$0xC0] =	vst v0  }
0x664: {  	v0 =	vld [tilespmem:s0+$0xD0]  }
0x665: {  	v61 =	vld [tilespmem:s14+$0xD0];
	_ =	sdelay $0x4  }
0x666: {  	v0 =	vadd.f32 v61, v0;
	_ =	sdelay $0x1  }
0x667: {  	[tilespmem:s26+$0xD0] =	vst v0  }
0x668: {  	v0 =	vld [tilespmem:s0+$0xE0]  }
0x669: {  	v62 =	vld [tilespmem:s14+$0xE0];
	_ =	sdelay $0x4  }
0x66a: {  	v0 =	vadd.f32 v62, v0;
	_ =	sdelay $0x1  }
0x66b: {  	[tilespmem:s26+$0xE0] =	vst v0  }
0x66c: {  	v0 =	vld [tilespmem:s0+$0xF0]  }
0x66d: {  	v63 =	vld [tilespmem:s14+$0xF0];
	_ =	sdelay $0x4  }
0x66e: {  	v0 =	vadd.f32 v63, v0;
	_ =	sdelay $0x1  }
0x66f: {  	s25 =	sadd.s32 $0x1, s25;
	[tilespmem:s26+$0xF0] =	vst v0  }
0x670: {  	[hbm4b:s12+s2] =	stream.linear.scatter [tilespmem:s22], [sflag:$0x2], $0x3200, $0x38;
	[tilespmem:$0x15E00] =	vst v63  }
0x671: {  	p0 =	sne.s32 s25, s13;
	_ =	swait.ge [sflag:s23], $0x3200  }
.Ltmp7:
0x672: {  	[sflag:s23] =	ssyncset.done $0x0;
	(pc) =	sbr.rel @p0 .LBB2_1-.Ltmp7, $4  }
0x673: {  	[sflag:s23] =	ssyncadd.s32 $0xFFFFCE00  }
0x674: {  	_ =	swait.ge [sflag:s23], $0x3200  }
0x675: {  	[sflag:s23] =	ssyncset.done $0x0  }
0x676: {  	[sflag:s23] =	ssyncadd.s32 $0xFFFFCE00  }
0x677: {  	_ =	sfence.sel $0x180000  }
0x678: {  	[bflag:$0x0] =	sbarrier.arrive $0xFFFF  }
0x679: {  	_ =	strace $0x90000047  }
0x67a: {  	s0 =	stileid.u32;
	[bflag:$0x2] =	sbarrier.arrive $0xFFFF  }
0x67b: {  	p0 =	sne.s32 s0, $0x0;
	s0 =	rddreg [dreg:$0x2]  }
0x67c: {  	s0 =	sadd.s32 @!p0 $0x100000, s0  }
0x67d: {  	[sflag:s0] =	ssyncadd.tile.s32 @!p0 $0x1;
	_ =	shalt  }
.Lfunc_end2:
_tile_overlayer_lowered:
.L_overlay_start_2:
0x67e: {  	(tag) =	ssettag $0x2  }
0x67f: {  	s0 =	rddreg [dreg:$0x0];
	s2 =	stileid.u32  }
0x680: {  	s1 =	rddreg [dreg:$0x1];
	p0 =	sne.s32 s2, $0x0  }
0x681: {  	s3 =	rddreg [dreg:$0x2];
	[bflag:$0x3] =	sbarrier.arrive $0xFFFF;
	s2 =	simm.s32 @!p0 $0x1C03  }
0x682: {  	[timem:s3], [sflag:s2] =	dma.local @!p0 [hbm:s0], s1  }
0x683: {  	s0 =	simm.s32 @!p0 $0x3  }
0x684: {  	_ =	swait.ge @!p0 [sflag:s0], s1  }
0x685: {  	s1 =	ssub.s32 @!p0 $0x0, s1;
	[sflag:s0] =	ssyncset.done @!p0 $0x0  }
0x686: {  	[sflag:s0] =	ssyncadd.s32 @!p0 s1  }
0x687: {  	[bflag:$0x3] =	sbarrier.arrive $0xFFFF  }
0x688: {  	_ =	shalt  }

</sc_bundles>
